<compile_context>
chip_gen: v7x
topology: tpu7x:2x2x1
jax: 0.10.2.dev20260603
libtpu: 0.0.44.dev20260713+nightly
codegen_flags: <defaults>
</compile_context>

<pallas_src>
import functools

import jax
import jax.numpy as jnp
from jax import lax
from jax.experimental import pallas as pl
from jax.experimental.pallas import tpu as pltpu
from jax.experimental.pallas import tpu_sc as plsc

V, O, E, D = 8, 1250, 20000, 128
OP = 1256
GPC = 4
NT = 4
ETP = 5120
K = 64
NCH = ETP // K
N_EDGES = float(V * E)
N_NODES = V * O


NBUF = 8
HR = 16


def _counts_body(s_hbm, o_hbm, zeros_hbm, outS_hbm, outD_hbm,
                 idx_sv, idx_ov, accS_loc, accD_loc, accS_sh, accD_sh):
    c = lax.axis_index("c")
    s = lax.axis_index("s")
    gl = s // NT
    q = lax.rem(s, NT)
    v = c * GPC + gl
    pltpu.sync_copy(s_hbm.at[v, q], idx_sv)
    pltpu.sync_copy(o_hbm.at[v, q], idx_ov)
    pltpu.sync_copy(zeros_hbm.at[pl.ds(0, HR)], accS_loc)
    pltpu.sync_copy(zeros_hbm.at[pl.ds(0, HR)], accD_loc)

    @pl.when(q == 0)
    def _():
        pltpu.sync_copy(zeros_hbm.at[pl.ds(0, HR)],
                        accS_sh.at[pl.ds(gl * HR, HR)])
        pltpu.sync_copy(zeros_hbm.at[pl.ds(0, HR)],
                        accD_sh.at[pl.ds(gl * HR, HR)])

    ones16 = jnp.ones((16,), jnp.float32)

    @pl.loop(0, ETP, step=16)
    def _(e):
        ixs = idx_sv[pl.ds(e, 16)]
        plsc.addupdate_scatter(
            accS_loc, [lax.shift_right_logical(ixs, 7), ixs & 127], ones16)
        ixo = idx_ov[pl.ds(e, 16)]
        plsc.addupdate_scatter(
            accD_loc, [lax.shift_right_logical(ixo, 7), ixo & 127], ones16)

    plsc.subcore_barrier()

    rows = gl * HR + lax.iota(jnp.int32, 16)
    pltpu.sync_copy(accS_loc, accS_sh.at[rows], add=True)
    pltpu.sync_copy(accD_loc, accD_sh.at[rows], add=True)

    plsc.subcore_barrier()

    @pl.when(q == 0)
    def _():
        pltpu.sync_copy(accS_sh.at[pl.ds(gl * HR, HR)], outS_hbm.at[v])
        pltpu.sync_copy(accD_sh.at[pl.ds(gl * HR, HR)], outD_hbm.at[v])


@functools.cache
def _get_counts():
    import dataclasses
    cp = pltpu.CompilerParams()
    if "needs_layout_passes" in pltpu.CompilerParams.__dataclass_fields__:
        cp = dataclasses.replace(cp, needs_layout_passes=False)
    return pl.kernel(
        _counts_body,
        out_type=(jax.ShapeDtypeStruct((V, HR, D), jnp.float32),
                  jax.ShapeDtypeStruct((V, HR, D), jnp.float32)),
        mesh=plsc.VectorSubcoreMesh(core_axis_name="c", subcore_axis_name="s"),
        compiler_params=cp,
        scratch_types=[pltpu.VMEM((ETP,), jnp.int32),
                       pltpu.VMEM((ETP,), jnp.int32),
                       pltpu.VMEM((HR, D), jnp.float32),
                       pltpu.VMEM((HR, D), jnp.float32),
                       pltpu.VMEM_SHARED((GPC * HR, D), jnp.float32),
                       pltpu.VMEM_SHARED((GPC * HR, D), jnp.float32)])


def _counts(*args):
    return _get_counts()(*args)



def _spool_body(b_hbm, sS_hbm, oG_hbm, zw_hbm, out_hbm,
                idx_s, idx_o, bufs, acc, gsem, ssem):
    c = lax.axis_index("c")
    s = lax.axis_index("s")
    gl = s // NT
    q = lax.rem(s, NT)
    v = c * GPC + gl
    pltpu.sync_copy(sS_hbm.at[v, q], idx_s)
    pltpu.sync_copy(oG_hbm.at[v, q], idx_o)

    for b in range(NBUF):
        pltpu.async_copy(b_hbm.at[idx_o.at[b]], bufs.at[b], gsem.at[b])

    @pl.when(q == 0)
    def _():
        pltpu.sync_copy(zw_hbm, acc.at[pl.ds(gl * OP, OP)])

    plsc.subcore_barrier()

    @pl.loop(0, NCH, step=NBUF)
    def _(ch0):
        for b in range(NBUF):
            ch = ch0 + b
            pltpu.make_async_copy(b_hbm.at[pl.ds(0, K)], bufs.at[b],
                                  gsem.at[b]).wait()
            pltpu.async_copy(bufs.at[b], acc.at[idx_s.at[ch]], ssem.at[b],
                             add=True)
        for b in range(NBUF):
            ch = ch0 + b
            pltpu.make_async_copy(b_hbm.at[pl.ds(0, K)], bufs.at[b],
                                  ssem.at[b]).wait()

            @pl.when(ch + NBUF < NCH)
            def _():
                pltpu.async_copy(b_hbm.at[idx_o.at[ch + NBUF]], bufs.at[b],
                                 gsem.at[b])

    plsc.subcore_barrier()

    @pl.when(q == 0)
    def _():
        pltpu.sync_copy(acc.at[pl.ds(gl * OP, O)], out_hbm.at[v])


@functools.cache
def _get_spool():
    return pl.kernel(
        _spool_body,
        out_type=jax.ShapeDtypeStruct((V, O, D), jnp.float32),
        mesh=plsc.VectorSubcoreMesh(core_axis_name="c", subcore_axis_name="s"),
        scratch_types=[pltpu.VMEM((NCH, K), jnp.int32),
                       pltpu.VMEM((NCH, K), jnp.int32),
                       pltpu.VMEM((NBUF, K, D), jnp.float32),
                       pltpu.VMEM_SHARED((GPC * OP, D), jnp.float32),
                       pltpu.SemaphoreType.DMA((NBUF,)),
                       pltpu.SemaphoreType.DMA((NBUF,))])


def _spool(*args):
    return _get_spool()(*args)



def _n2e_block(xf, c2, gamma2, beta2, w1t, w2t):
    w = jnp.dot(c2, xf, preferred_element_type=jnp.float32)
    w2 = jnp.dot(c2, xf * xf, preferred_element_type=jnp.float32)
    mean = w * (1.0 / N_EDGES)
    var = w2 * (1.0 / N_EDGES) - mean * mean
    scale = gamma2 * lax.rsqrt(var + 1e-5)
    shift = beta2 - mean * scale
    xs = jnp.maximum(xf * scale[0:1, :] + shift[0:1, :], 0.0)
    xd = jnp.maximum(xf * scale[1:2, :] + shift[1:2, :], 0.0)
    a = jnp.dot(xs, w1t, preferred_element_type=jnp.float32)
    b = jnp.dot(xd, w2t, preferred_element_type=jnp.float32)
    return a, b


def _e2n_block(a, s_sum, cs, b1, gamma, beta, w3t, b3):
    pool = (cs * (a + b1) + s_sum) / jnp.maximum(cs, 1.0)
    m = jnp.sum(pool, axis=0, keepdims=True) * (1.0 / N_NODES)
    var = jnp.sum(pool * pool, axis=0, keepdims=True) * (1.0 / N_NODES) - m * m
    scale = gamma * lax.rsqrt(var + 1e-5)
    shift = beta - m * scale
    xn = jnp.maximum(pool * scale + shift, 0.0)
    return jnp.dot(xn, w3t, preferred_element_type=jnp.float32) + b3


def _tc_a_body(x_ref, c2_ref, gamma_ref, beta_ref, w1t_ref, w2t_ref,
               a_ref, bm_ref):
    a, b = _n2e_block(x_ref[...], c2_ref[...], gamma_ref[...], beta_ref[...],
                      w1t_ref[...], w2t_ref[...])
    a_ref[...] = a
    bm_ref[...] = b


def _tc_b_body(a0_ref, s0_ref, cs_ref, b1_ref, g2_ref, bt2_ref, w3t_ref,
               b3_ref, c2_ref, gamma1_ref, beta1_ref, w1t_ref, w2t_ref,
               a1_ref, bm1_ref):
    x1 = _e2n_block(a0_ref[...], s0_ref[...], cs_ref[...], b1_ref[...],
                    g2_ref[...], bt2_ref[...], w3t_ref[...], b3_ref[...])
    a, b = _n2e_block(x1, c2_ref[...], gamma1_ref[...], beta1_ref[...],
                      w1t_ref[...], w2t_ref[...])
    a1_ref[...] = a
    bm1_ref[...] = b


def _tc_c_body(a1_ref, s1_ref, cs_ref, b1_ref, g2_ref, bt2_ref, w3t_ref,
               b3_ref, xin_ref, out_ref):
    x2 = _e2n_block(a1_ref[...], s1_ref[...], cs_ref[...], b1_ref[...],
                    g2_ref[...], bt2_ref[...], w3t_ref[...], b3_ref[...])
    out_ref[...] = x2 + xin_ref[...]


_f32 = jnp.float32
_tc_a = pl.pallas_call(
    _tc_a_body,
    out_shape=(jax.ShapeDtypeStruct((N_NODES, D), _f32),
               jax.ShapeDtypeStruct((N_NODES, D), _f32)))
_tc_b = pl.pallas_call(
    _tc_b_body,
    out_shape=(jax.ShapeDtypeStruct((N_NODES, D), _f32),
               jax.ShapeDtypeStruct((N_NODES, D), _f32)))
_tc_c = pl.pallas_call(
    _tc_c_body,
    out_shape=jax.ShapeDtypeStruct((N_NODES, D), _f32))


def kernel(input, edges,
           g0_n2e_gamma, g0_n2e_beta, g0_n2e_W, g0_n2e_b,
           g0_e2n_gamma, g0_e2n_beta, g0_e2n_W, g0_e2n_b,
           g1_n2e_gamma, g1_n2e_beta, g1_n2e_W, g1_n2e_b,
           g1_e2n_gamma, g1_e2n_beta, g1_e2n_W, g1_e2n_b):
    x0 = input.reshape(N_NODES, D)
    s_idx = edges[:, :, 0]
    o_idx = edges[:, :, 2]

    pad = NT * ETP - E
    glv = (jnp.arange(V, dtype=jnp.int32) % GPC)[:, None] * OP
    voff = jnp.arange(V, dtype=jnp.int32)[:, None] * O
    s_pad = jnp.concatenate(
        [s_idx, jnp.full((V, pad), O, jnp.int32)], axis=1)
    o_pad0 = jnp.concatenate(
        [o_idx, jnp.zeros((V, pad), jnp.int32)], axis=1)
    o_padO = jnp.concatenate(
        [o_idx, jnp.full((V, pad), O, jnp.int32)], axis=1)
    sS = (s_pad + glv).reshape(V, NT, NCH, K)
    oG = (o_pad0 + voff).reshape(V, NT, NCH, K)
    s_flat = s_pad.reshape(V, NT, ETP)
    o_flat = o_padO.reshape(V, NT, ETP)
    zerosD = jnp.zeros((OP, D), _f32)

    cnt_s3, cnt_d3 = _counts(s_flat, o_flat, zerosD)
    cs = cnt_s3.reshape(V, HR * D)[:, :O].reshape(N_NODES)
    cd = cnt_d3.reshape(V, HR * D)[:, :O].reshape(N_NODES)
    c2 = jnp.stack([cs, cd])
    cs_col = cs.reshape(N_NODES, 1)

    a0, b0m = _tc_a(
        x0, c2,
        g0_n2e_gamma.reshape(2, D), g0_n2e_beta.reshape(2, D),
        g0_n2e_W[:, :D].T, g0_n2e_W[:, D:].T)

    s0 = _spool(b0m, sS, oG, zerosD).reshape(N_NODES, D)

    a1, b1m = _tc_b(
        a0, s0, cs_col, g0_n2e_b.reshape(1, D),
        g0_e2n_gamma.reshape(1, D), g0_e2n_beta.reshape(1, D),
        g0_e2n_W.T, g0_e2n_b.reshape(1, D),
        c2,
        g1_n2e_gamma.reshape(2, D), g1_n2e_beta.reshape(2, D),
        g1_n2e_W[:, :D].T, g1_n2e_W[:, D:].T)

    s1 = _spool(b1m, sS, oG, zerosD).reshape(N_NODES, D)

    out = _tc_c(
        a1, s1, cs_col, g1_n2e_b.reshape(1, D),
        g1_e2n_gamma.reshape(1, D), g1_e2n_beta.reshape(1, D),
        g1_e2n_W.T, g1_e2n_b.reshape(1, D),
        x0)
    return out.reshape(V, O, D)

# --- scband reference (transcript-rebuilt; emitter-appended) ---
"""Pipeline reference for scband-graph-res-block-36120674960048 (READ-ONLY COPY).

The authoritative reference and input builder live on the scoring server;
editing this copy changes nothing except your own understanding.
"""

import jax, jax.numpy as jnp
import numpy as np

V, O, E, D = 8, 1250, 20000, 128


def _pre_act(x, gamma, beta, W, b):
    # BatchNorm1d (training mode) -> ReLU -> Linear
    mean = jnp.mean(x, axis=0)
    var = jnp.var(x, axis=0)
    xn = (x - mean) / jnp.sqrt(var + 1e-5) * gamma + beta
    return jnp.maximum(xn, 0.0) @ W.T + b


def setup_inputs(seed: int = 0) -> dict:
    key = jax.random.key(seed)
    ks = jax.random.split(key, 12)
    inp = {}
    inp['input'] = jax.random.normal(ks[0], (V, O, D), dtype=jnp.float32)
    inp['edges'] = jax.random.randint(ks[1], (V, E, 3), 0, O, dtype=jnp.int32)
    # kaiming_normal_ with a=2: std = sqrt(2/(1+a^2)/fan_in) = sqrt(0.4/fan_in)
    for i in range(2):
        k1 = ks[2 + 2 * i]
        k2 = ks[3 + 2 * i]
        inp[f'g{i}_n2e_gamma'] = jnp.ones((2 * D,), jnp.float32)
        inp[f'g{i}_n2e_beta'] = jnp.zeros((2 * D,), jnp.float32)
        inp[f'g{i}_n2e_W'] = jax.random.normal(k1, (D, 2 * D), jnp.float32) * np.sqrt(0.4 / (2 * D))
        inp[f'g{i}_n2e_b'] = jnp.zeros((D,), jnp.float32)
        inp[f'g{i}_e2n_gamma'] = jnp.ones((D,), jnp.float32)
        inp[f'g{i}_e2n_beta'] = jnp.zeros((D,), jnp.float32)
        inp[f'g{i}_e2n_W'] = jax.random.normal(k2, (D, D), jnp.float32) * np.sqrt(0.4 / D)
        inp[f'g{i}_e2n_b'] = jnp.zeros((D,), jnp.float32)
    return inp


def _gconv(x, edges, n2e, e2n):
    s_idx = edges[:, :, 0]
    o_idx = edges[:, :, 2]
    src = jnp.take_along_axis(x, jnp.broadcast_to(s_idx[:, :, None], (V, E, D)), axis=1)
    dst = jnp.take_along_axis(x, jnp.broadcast_to(o_idx[:, :, None], (V, E, D)), axis=1)
    node_obj = jnp.concatenate([src, dst], axis=-1).reshape(-1, 2 * D)
    edge_obj = _pre_act(node_obj, *n2e).reshape(V, E, D)
    # avg pooling: scatter-add of edge features onto source nodes, divided by counts
    pool = jax.vmap(lambda e, s: jax.ops.segment_sum(e, s, num_segments=O))(edge_obj, s_idx)
    ones = jnp.ones((V, E, D), jnp.float32)
    cnt = jax.vmap(lambda e, s: jax.ops.segment_sum(e, s, num_segments=O))(ones, s_idx)
    cnt = jnp.maximum(cnt, 1.0)
    pool = pool / cnt
    out = _pre_act(pool.reshape(-1, D), *e2n).reshape(V, O, D)
    return out


def reference(input, edges,
              g0_n2e_gamma, g0_n2e_beta, g0_n2e_W, g0_n2e_b,
              g0_e2n_gamma, g0_e2n_beta, g0_e2n_W, g0_e2n_b,
              g1_n2e_gamma, g1_n2e_beta, g1_n2e_W, g1_n2e_b,
              g1_e2n_gamma, g1_e2n_beta, g1_e2n_W, g1_e2n_b):
    x = _gconv(input, edges,
               (g0_n2e_gamma, g0_n2e_beta, g0_n2e_W, g0_n2e_b),
               (g0_e2n_gamma, g0_e2n_beta, g0_e2n_W, g0_e2n_b))
    x = _gconv(x, edges,
               (g1_n2e_gamma, g1_n2e_beta, g1_n2e_W, g1_n2e_b),
               (g1_e2n_gamma, g1_e2n_beta, g1_e2n_W, g1_e2n_b))
    return x + input

if __name__ == "__main__":
    import jax
    _d = setup_inputs()
    print(jax.jit(kernel)(*tuple(_d.values())))

</pallas_src>

<mosaic_0001>
#map = affine_map<(d0, d1) -> (0, 0)>
#map1 = affine_map<(d0, d1) -> (0, 0, 0, 0)>
#map2 = affine_map<(d0, d1) -> (0, 0, 0)>
module attributes {stable_mosaic.version = 14 : i64} {
  func.func @_spool_body(%arg0: i32, %arg1: i32, %arg2: memref<10000x128xf32, #tpu.memory_space<hbm>>, %arg3: memref<8x4x80x64xi32, #tpu.memory_space<hbm>>, %arg4: memref<8x4x80x64xi32, #tpu.memory_space<hbm>>, %arg5: memref<1256x128xf32, #tpu.memory_space<hbm>>, %arg6: memref<8x1250x128xf32, #tpu.memory_space<hbm>>, %arg7: memref<80x64xi32, #tpu.memory_space<vmem>>, %arg8: memref<80x64xi32, #tpu.memory_space<vmem>>, %arg9: memref<8x64x128xf32, #tpu.memory_space<vmem>>, %arg10: memref<5024x128xf32, #tpu.memory_space<vmem_shared>>, %arg11: memref<8x!tpu.dma_semaphore, #tpu.memory_space<semaphore_mem>>, %arg12: memref<8x!tpu.dma_semaphore, #tpu.memory_space<semaphore_mem>>) attributes {dimension_semantics = [#tpu.dimension_semantics<core_parallel>, #tpu.dimension_semantics<subcore_parallel>], iteration_bounds = array<i64: 2, 16>, scalar_prefetch = 0 : i64, scratch_operands = 6 : i64, tpu.core_type = #tpu.core_type<sc_vector_subcore>, window_params = [{transform_indices = #map}, {transform_indices = #map1}, {transform_indices = #map1}, {transform_indices = #map}, {transform_indices = #map2}]} {
    %jit3A = arith.constant 4 : i32
    %div3A = arith.divsi %arg1, %jit3A : i32
    %sign3A = arith.constant 0 : i32
    %sign3A_0 = arith.cmpi sgt, %arg1, %sign3A : i32
    %sign3A_1 = arith.extui %sign3A_0 : i1 to i32
    %sign3A_2 = arith.constant 0 : i32
    %sign3A_3 = arith.cmpi slt, %arg1, %sign3A_2 : i32
    %sign3A_4 = arith.extui %sign3A_3 : i1 to i32
    %sign3A_5 = arith.subi %sign3A_1, %sign3A_4 : i32
    %sign3A_6 = arith.constant 0 : i32
    %sign3A_7 = arith.cmpi sgt, %jit3A, %sign3A_6 : i32
    %sign3A_8 = arith.extui %sign3A_7 : i1 to i32
    %sign3A_9 = arith.constant 0 : i32
    %sign3A_10 = arith.cmpi slt, %jit3A, %sign3A_9 : i32
    %sign3A_11 = arith.extui %sign3A_10 : i1 to i32
    %sign3A_12 = arith.subi %sign3A_8, %sign3A_11 : i32
    %ne3A = arith.cmpi ne, %sign3A_5, %sign3A_12 : i32
    %rem3A = arith.remsi %arg1, %jit3A : i32
    %ne3A_13 = arith.constant 0 : i32
    %ne3A_14 = arith.cmpi ne, %rem3A, %ne3A_13 : i32
    %and3A = arith.andi %ne3A, %ne3A_14 : i1
    %sub3A = arith.constant 1 : i32
    %sub3A_15 = arith.subi %div3A, %sub3A : i32
    %select_n3A = arith.select %and3A, %sub3A_15, %div3A : i32
    %rem3A_16 = arith.constant 4 : i32
    %rem3A_17 = arith.remsi %arg1, %rem3A_16 : i32
    %mul3A = arith.constant 4 : i32
    %mul3A_18 = arith.muli %arg0, %mul3A : i32
    %add3A = arith.addi %mul3A_18, %select_n3A : i32
    "tpu.region"() ({
      %run_scoped3A = tpu.sem_alloc : memref<!tpu.dma_semaphore, #tpu.memory_space<semaphore_mem>>
      %dma_start3A_150 = arith.constant 0 : i32
      %dma_start3A_151 = arith.constant 0 : i32
      %dma_start3A_152 = tpu.memref_slice %arg3[%add3A, %rem3A_17, %dma_start3A_150, %dma_start3A_151] : memref<8x4x80x64xi32, #tpu.memory_space<hbm>> -> memref<1x1x80x64xi32, #tpu.memory_space<hbm>>
      %dma_start3A_153 = tpu.memref_squeeze %dma_start3A_152 : memref<1x1x80x64xi32, #tpu.memory_space<hbm>> -> memref<80x64xi32, #tpu.memory_space<hbm>>
      %dma_start3A_154 = arith.constant 0 : i32
      %dma_start3A_155 = arith.constant 0 : i32
      %dma_start3A_156 = tpu.memref_slice %arg3[%add3A, %rem3A_17, %dma_start3A_154, %dma_start3A_155] : memref<8x4x80x64xi32, #tpu.memory_space<hbm>> -> memref<1x1x80x64xi32, #tpu.memory_space<hbm>>
      %dma_start3A_157 = tpu.memref_squeeze %dma_start3A_156 : memref<1x1x80x64xi32, #tpu.memory_space<hbm>> -> memref<80x64xi32, #tpu.memory_space<hbm>>
      tpu.enqueue_dma source(%dma_start3A_157 : memref<80x64xi32, #tpu.memory_space<hbm>>) target(%arg7 : memref<80x64xi32, #tpu.memory_space<vmem>>) target_semaphore(%run_scoped3A : memref<!tpu.dma_semaphore, #tpu.memory_space<semaphore_mem>>)
      %dma_wait3A = arith.constant 0 : i32
      %dma_wait3A_158 = arith.constant 0 : i32
      %dma_wait3A_159 = tpu.memref_slice %arg3[%add3A, %rem3A_17, %dma_wait3A, %dma_wait3A_158] : memref<8x4x80x64xi32, #tpu.memory_space<hbm>> -> memref<1x1x80x64xi32, #tpu.memory_space<hbm>>
      %dma_wait3A_160 = tpu.memref_squeeze %dma_wait3A_159 : memref<1x1x80x64xi32, #tpu.memory_space<hbm>> -> memref<80x64xi32, #tpu.memory_space<hbm>>
      %dma_wait3A_161 = arith.constant 0 : i32
      %dma_wait3A_162 = arith.constant 0 : i32
      %dma_wait3A_163 = tpu.memref_slice %arg3[%add3A, %rem3A_17, %dma_wait3A_161, %dma_wait3A_162] : memref<8x4x80x64xi32, #tpu.memory_space<hbm>> -> memref<1x1x80x64xi32, #tpu.memory_space<hbm>>
      %dma_wait3A_164 = tpu.memref_squeeze %dma_wait3A_163 : memref<1x1x80x64xi32, #tpu.memory_space<hbm>> -> memref<80x64xi32, #tpu.memory_space<hbm>>
      tpu.wait_dma2 semaphore(%run_scoped3A : memref<!tpu.dma_semaphore, #tpu.memory_space<semaphore_mem>>) src(%dma_wait3A_164 : memref<80x64xi32, #tpu.memory_space<hbm>>) dst(%arg7 : memref<80x64xi32, #tpu.memory_space<vmem>>)
      tpu.yield
    }) : () -> ()
    "tpu.region"() ({
      %run_scoped3A = tpu.sem_alloc : memref<!tpu.dma_semaphore, #tpu.memory_space<semaphore_mem>>
      %dma_start3A_150 = arith.constant 0 : i32
      %dma_start3A_151 = arith.constant 0 : i32
      %dma_start3A_152 = tpu.memref_slice %arg4[%add3A, %rem3A_17, %dma_start3A_150, %dma_start3A_151] : memref<8x4x80x64xi32, #tpu.memory_space<hbm>> -> memref<1x1x80x64xi32, #tpu.memory_space<hbm>>
      %dma_start3A_153 = tpu.memref_squeeze %dma_start3A_152 : memref<1x1x80x64xi32, #tpu.memory_space<hbm>> -> memref<80x64xi32, #tpu.memory_space<hbm>>
      %dma_start3A_154 = arith.constant 0 : i32
      %dma_start3A_155 = arith.constant 0 : i32
      %dma_start3A_156 = tpu.memref_slice %arg4[%add3A, %rem3A_17, %dma_start3A_154, %dma_start3A_155] : memref<8x4x80x64xi32, #tpu.memory_space<hbm>> -> memref<1x1x80x64xi32, #tpu.memory_space<hbm>>
      %dma_start3A_157 = tpu.memref_squeeze %dma_start3A_156 : memref<1x1x80x64xi32, #tpu.memory_space<hbm>> -> memref<80x64xi32, #tpu.memory_space<hbm>>
      tpu.enqueue_dma source(%dma_start3A_157 : memref<80x64xi32, #tpu.memory_space<hbm>>) target(%arg8 : memref<80x64xi32, #tpu.memory_space<vmem>>) target_semaphore(%run_scoped3A : memref<!tpu.dma_semaphore, #tpu.memory_space<semaphore_mem>>)
      %dma_wait3A = arith.constant 0 : i32
      %dma_wait3A_158 = arith.constant 0 : i32
      %dma_wait3A_159 = tpu.memref_slice %arg4[%add3A, %rem3A_17, %dma_wait3A, %dma_wait3A_158] : memref<8x4x80x64xi32, #tpu.memory_space<hbm>> -> memref<1x1x80x64xi32, #tpu.memory_space<hbm>>
      %dma_wait3A_160 = tpu.memref_squeeze %dma_wait3A_159 : memref<1x1x80x64xi32, #tpu.memory_space<hbm>> -> memref<80x64xi32, #tpu.memory_space<hbm>>
      %dma_wait3A_161 = arith.constant 0 : i32
      %dma_wait3A_162 = arith.constant 0 : i32
      %dma_wait3A_163 = tpu.memref_slice %arg4[%add3A, %rem3A_17, %dma_wait3A_161, %dma_wait3A_162] : memref<8x4x80x64xi32, #tpu.memory_space<hbm>> -> memref<1x1x80x64xi32, #tpu.memory_space<hbm>>
      %dma_wait3A_164 = tpu.memref_squeeze %dma_wait3A_163 : memref<1x1x80x64xi32, #tpu.memory_space<hbm>> -> memref<80x64xi32, #tpu.memory_space<hbm>>
      tpu.wait_dma2 semaphore(%run_scoped3A : memref<!tpu.dma_semaphore, #tpu.memory_space<semaphore_mem>>) src(%dma_wait3A_164 : memref<80x64xi32, #tpu.memory_space<hbm>>) dst(%arg8 : memref<80x64xi32, #tpu.memory_space<vmem>>)
      tpu.yield
    }) : () -> ()
    %dma_start3A = arith.constant 0 : i32
    %dma_start3A_19 = arith.constant 0 : i32
    %dma_start3A_20 = arith.constant 0 : i32
    %dma_start3A_21 = arith.constant 0 : i32
    %dma_start3A_22 = arith.constant 0 : i32
    %dma_start3A_23 = tpu.memref_slice %arg9[%dma_start3A_19, %dma_start3A_21, %dma_start3A_22] : memref<8x64x128xf32, #tpu.memory_space<vmem>> -> memref<1x64x128xf32, #tpu.memory_space<vmem>>
    %dma_start3A_24 = tpu.memref_squeeze %dma_start3A_23 : memref<1x64x128xf32, #tpu.memory_space<vmem>> -> memref<64x128xf32, #tpu.memory_space<vmem>>
    %dma_start3A_25 = arith.constant 0 : i32
    %dma_start3A_26 = tpu.memref_slice %arg8[%dma_start3A, %dma_start3A_25] : memref<80x64xi32, #tpu.memory_space<vmem>> -> memref<1x64xi32, #tpu.memory_space<vmem>>
    %dma_start3A_27 = tpu.memref_squeeze %dma_start3A_26 : memref<1x64xi32, #tpu.memory_space<vmem>> -> memref<64xi32, #tpu.memory_space<vmem>>
    %dma_start3A_28 = arith.constant 0 : i32
    %dma_start3A_29 = arith.constant 0 : i32
    %dma_start3A_30 = tpu.memref_slice %arg2[%dma_start3A_28, %dma_start3A_29] : memref<10000x128xf32, #tpu.memory_space<hbm>> -> memref<10000x128xf32, #tpu.memory_space<hbm>>
    %dma_start3A_31 = tpu.memref_slice %arg11[%dma_start3A_20] : memref<8x!tpu.dma_semaphore, #tpu.memory_space<semaphore_mem>> -> memref<1x!tpu.dma_semaphore, #tpu.memory_space<semaphore_mem>>
    %dma_start3A_32 = tpu.memref_squeeze %dma_start3A_31 : memref<1x!tpu.dma_semaphore, #tpu.memory_space<semaphore_mem>> -> memref<!tpu.dma_semaphore, #tpu.memory_space<semaphore_mem>>
    tpu.enqueue_indirect_dma source(%dma_start3A_30 : memref<10000x128xf32, #tpu.memory_space<hbm>>) target(%dma_start3A_24 : memref<64x128xf32, #tpu.memory_space<vmem>>) offsets(%dma_start3A_27 : memref<64xi32, #tpu.memory_space<vmem>>) semaphore(%dma_start3A_32 : memref<!tpu.dma_semaphore, #tpu.memory_space<semaphore_mem>>)
    %dma_start3A_33 = arith.constant 1 : i32
    %dma_start3A_34 = arith.constant 1 : i32
    %dma_start3A_35 = arith.constant 1 : i32
    %dma_start3A_36 = arith.constant 0 : i32
    %dma_start3A_37 = arith.constant 0 : i32
    %dma_start3A_38 = tpu.memref_slice %arg9[%dma_start3A_34, %dma_start3A_36, %dma_start3A_37] : memref<8x64x128xf32, #tpu.memory_space<vmem>> -> memref<1x64x128xf32, #tpu.memory_space<vmem>>
    %dma_start3A_39 = tpu.memref_squeeze %dma_start3A_38 : memref<1x64x128xf32, #tpu.memory_space<vmem>> -> memref<64x128xf32, #tpu.memory_space<vmem>>
    %dma_start3A_40 = arith.constant 0 : i32
    %dma_start3A_41 = tpu.memref_slice %arg8[%dma_start3A_33, %dma_start3A_40] : memref<80x64xi32, #tpu.memory_space<vmem>> -> memref<1x64xi32, #tpu.memory_space<vmem>>
    %dma_start3A_42 = tpu.memref_squeeze %dma_start3A_41 : memref<1x64xi32, #tpu.memory_space<vmem>> -> memref<64xi32, #tpu.memory_space<vmem>>
    %dma_start3A_43 = arith.constant 0 : i32
    %dma_start3A_44 = arith.constant 0 : i32
    %dma_start3A_45 = tpu.memref_slice %arg2[%dma_start3A_43, %dma_start3A_44] : memref<10000x128xf32, #tpu.memory_space<hbm>> -> memref<10000x128xf32, #tpu.memory_space<hbm>>
    %dma_start3A_46 = tpu.memref_slice %arg11[%dma_start3A_35] : memref<8x!tpu.dma_semaphore, #tpu.memory_space<semaphore_mem>> -> memref<1x!tpu.dma_semaphore, #tpu.memory_space<semaphore_mem>>
    %dma_start3A_47 = tpu.memref_squeeze %dma_start3A_46 : memref<1x!tpu.dma_semaphore, #tpu.memory_space<semaphore_mem>> -> memref<!tpu.dma_semaphore, #tpu.memory_space<semaphore_mem>>
    tpu.enqueue_indirect_dma source(%dma_start3A_45 : memref<10000x128xf32, #tpu.memory_space<hbm>>) target(%dma_start3A_39 : memref<64x128xf32, #tpu.memory_space<vmem>>) offsets(%dma_start3A_42 : memref<64xi32, #tpu.memory_space<vmem>>) semaphore(%dma_start3A_47 : memref<!tpu.dma_semaphore, #tpu.memory_space<semaphore_mem>>)
    %dma_start3A_48 = arith.constant 2 : i32
    %dma_start3A_49 = arith.constant 2 : i32
    %dma_start3A_50 = arith.constant 2 : i32
    %dma_start3A_51 = arith.constant 0 : i32
    %dma_start3A_52 = arith.constant 0 : i32
    %dma_start3A_53 = tpu.memref_slice %arg9[%dma_start3A_49, %dma_start3A_51, %dma_start3A_52] : memref<8x64x128xf32, #tpu.memory_space<vmem>> -> memref<1x64x128xf32, #tpu.memory_space<vmem>>
    %dma_start3A_54 = tpu.memref_squeeze %dma_start3A_53 : memref<1x64x128xf32, #tpu.memory_space<vmem>> -> memref<64x128xf32, #tpu.memory_space<vmem>>
    %dma_start3A_55 = arith.constant 0 : i32
    %dma_start3A_56 = tpu.memref_slice %arg8[%dma_start3A_48, %dma_start3A_55] : memref<80x64xi32, #tpu.memory_space<vmem>> -> memref<1x64xi32, #tpu.memory_space<vmem>>
    %dma_start3A_57 = tpu.memref_squeeze %dma_start3A_56 : memref<1x64xi32, #tpu.memory_space<vmem>> -> memref<64xi32, #tpu.memory_space<vmem>>
    %dma_start3A_58 = arith.constant 0 : i32
    %dma_start3A_59 = arith.constant 0 : i32
    %dma_start3A_60 = tpu.memref_slice %arg2[%dma_start3A_58, %dma_start3A_59] : memref<10000x128xf32, #tpu.memory_space<hbm>> -> memref<10000x128xf32, #tpu.memory_space<hbm>>
    %dma_start3A_61 = tpu.memref_slice %arg11[%dma_start3A_50] : memref<8x!tpu.dma_semaphore, #tpu.memory_space<semaphore_mem>> -> memref<1x!tpu.dma_semaphore, #tpu.memory_space<semaphore_mem>>
    %dma_start3A_62 = tpu.memref_squeeze %dma_start3A_61 : memref<1x!tpu.dma_semaphore, #tpu.memory_space<semaphore_mem>> -> memref<!tpu.dma_semaphore, #tpu.memory_space<semaphore_mem>>
    tpu.enqueue_indirect_dma source(%dma_start3A_60 : memref<10000x128xf32, #tpu.memory_space<hbm>>) target(%dma_start3A_54 : memref<64x128xf32, #tpu.memory_space<vmem>>) offsets(%dma_start3A_57 : memref<64xi32, #tpu.memory_space<vmem>>) semaphore(%dma_start3A_62 : memref<!tpu.dma_semaphore, #tpu.memory_space<semaphore_mem>>)
    %dma_start3A_63 = arith.constant 3 : i32
    %dma_start3A_64 = arith.constant 3 : i32
    %dma_start3A_65 = arith.constant 3 : i32
    %dma_start3A_66 = arith.constant 0 : i32
    %dma_start3A_67 = arith.constant 0 : i32
    %dma_start3A_68 = tpu.memref_slice %arg9[%dma_start3A_64, %dma_start3A_66, %dma_start3A_67] : memref<8x64x128xf32, #tpu.memory_space<vmem>> -> memref<1x64x128xf32, #tpu.memory_space<vmem>>
    %dma_start3A_69 = tpu.memref_squeeze %dma_start3A_68 : memref<1x64x128xf32, #tpu.memory_space<vmem>> -> memref<64x128xf32, #tpu.memory_space<vmem>>
    %dma_start3A_70 = arith.constant 0 : i32
    %dma_start3A_71 = tpu.memref_slice %arg8[%dma_start3A_63, %dma_start3A_70] : memref<80x64xi32, #tpu.memory_space<vmem>> -> memref<1x64xi32, #tpu.memory_space<vmem>>
    %dma_start3A_72 = tpu.memref_squeeze %dma_start3A_71 : memref<1x64xi32, #tpu.memory_space<vmem>> -> memref<64xi32, #tpu.memory_space<vmem>>
    %dma_start3A_73 = arith.constant 0 : i32
    %dma_start3A_74 = arith.constant 0 : i32
    %dma_start3A_75 = tpu.memref_slice %arg2[%dma_start3A_73, %dma_start3A_74] : memref<10000x128xf32, #tpu.memory_space<hbm>> -> memref<10000x128xf32, #tpu.memory_space<hbm>>
    %dma_start3A_76 = tpu.memref_slice %arg11[%dma_start3A_65] : memref<8x!tpu.dma_semaphore, #tpu.memory_space<semaphore_mem>> -> memref<1x!tpu.dma_semaphore, #tpu.memory_space<semaphore_mem>>
    %dma_start3A_77 = tpu.memref_squeeze %dma_start3A_76 : memref<1x!tpu.dma_semaphore, #tpu.memory_space<semaphore_mem>> -> memref<!tpu.dma_semaphore, #tpu.memory_space<semaphore_mem>>
    tpu.enqueue_indirect_dma source(%dma_start3A_75 : memref<10000x128xf32, #tpu.memory_space<hbm>>) target(%dma_start3A_69 : memref<64x128xf32, #tpu.memory_space<vmem>>) offsets(%dma_start3A_72 : memref<64xi32, #tpu.memory_space<vmem>>) semaphore(%dma_start3A_77 : memref<!tpu.dma_semaphore, #tpu.memory_space<semaphore_mem>>)
    %dma_start3A_78 = arith.constant 4 : i32
    %dma_start3A_79 = arith.constant 4 : i32
    %dma_start3A_80 = arith.constant 4 : i32
    %dma_start3A_81 = arith.constant 0 : i32
    %dma_start3A_82 = arith.constant 0 : i32
    %dma_start3A_83 = tpu.memref_slice %arg9[%dma_start3A_79, %dma_start3A_81, %dma_start3A_82] : memref<8x64x128xf32, #tpu.memory_space<vmem>> -> memref<1x64x128xf32, #tpu.memory_space<vmem>>
    %dma_start3A_84 = tpu.memref_squeeze %dma_start3A_83 : memref<1x64x128xf32, #tpu.memory_space<vmem>> -> memref<64x128xf32, #tpu.memory_space<vmem>>
    %dma_start3A_85 = arith.constant 0 : i32
    %dma_start3A_86 = tpu.memref_slice %arg8[%dma_start3A_78, %dma_start3A_85] : memref<80x64xi32, #tpu.memory_space<vmem>> -> memref<1x64xi32, #tpu.memory_space<vmem>>
    %dma_start3A_87 = tpu.memref_squeeze %dma_start3A_86 : memref<1x64xi32, #tpu.memory_space<vmem>> -> memref<64xi32, #tpu.memory_space<vmem>>
    %dma_start3A_88 = arith.constant 0 : i32
    %dma_start3A_89 = arith.constant 0 : i32
    %dma_start3A_90 = tpu.memref_slice %arg2[%dma_start3A_88, %dma_start3A_89] : memref<10000x128xf32, #tpu.memory_space<hbm>> -> memref<10000x128xf32, #tpu.memory_space<hbm>>
    %dma_start3A_91 = tpu.memref_slice %arg11[%dma_start3A_80] : memref<8x!tpu.dma_semaphore, #tpu.memory_space<semaphore_mem>> -> memref<1x!tpu.dma_semaphore, #tpu.memory_space<semaphore_mem>>
    %dma_start3A_92 = tpu.memref_squeeze %dma_start3A_91 : memref<1x!tpu.dma_semaphore, #tpu.memory_space<semaphore_mem>> -> memref<!tpu.dma_semaphore, #tpu.memory_space<semaphore_mem>>
    tpu.enqueue_indirect_dma source(%dma_start3A_90 : memref<10000x128xf32, #tpu.memory_space<hbm>>) target(%dma_start3A_84 : memref<64x128xf32, #tpu.memory_space<vmem>>) offsets(%dma_start3A_87 : memref<64xi32, #tpu.memory_space<vmem>>) semaphore(%dma_start3A_92 : memref<!tpu.dma_semaphore, #tpu.memory_space<semaphore_mem>>)
    %dma_start3A_93 = arith.constant 5 : i32
    %dma_start3A_94 = arith.constant 5 : i32
    %dma_start3A_95 = arith.constant 5 : i32
    %dma_start3A_96 = arith.constant 0 : i32
    %dma_start3A_97 = arith.constant 0 : i32
    %dma_start3A_98 = tpu.memref_slice %arg9[%dma_start3A_94, %dma_start3A_96, %dma_start3A_97] : memref<8x64x128xf32, #tpu.memory_space<vmem>> -> memref<1x64x128xf32, #tpu.memory_space<vmem>>
    %dma_start3A_99 = tpu.memref_squeeze %dma_start3A_98 : memref<1x64x128xf32, #tpu.memory_space<vmem>> -> memref<64x128xf32, #tpu.memory_space<vmem>>
    %dma_start3A_100 = arith.constant 0 : i32
    %dma_start3A_101 = tpu.memref_slice %arg8[%dma_start3A_93, %dma_start3A_100] : memref<80x64xi32, #tpu.memory_space<vmem>> -> memref<1x64xi32, #tpu.memory_space<vmem>>
    %dma_start3A_102 = tpu.memref_squeeze %dma_start3A_101 : memref<1x64xi32, #tpu.memory_space<vmem>> -> memref<64xi32, #tpu.memory_space<vmem>>
    %dma_start3A_103 = arith.constant 0 : i32
    %dma_start3A_104 = arith.constant 0 : i32
    %dma_start3A_105 = tpu.memref_slice %arg2[%dma_start3A_103, %dma_start3A_104] : memref<10000x128xf32, #tpu.memory_space<hbm>> -> memref<10000x128xf32, #tpu.memory_space<hbm>>
    %dma_start3A_106 = tpu.memref_slice %arg11[%dma_start3A_95] : memref<8x!tpu.dma_semaphore, #tpu.memory_space<semaphore_mem>> -> memref<1x!tpu.dma_semaphore, #tpu.memory_space<semaphore_mem>>
    %dma_start3A_107 = tpu.memref_squeeze %dma_start3A_106 : memref<1x!tpu.dma_semaphore, #tpu.memory_space<semaphore_mem>> -> memref<!tpu.dma_semaphore, #tpu.memory_space<semaphore_mem>>
    tpu.enqueue_indirect_dma source(%dma_start3A_105 : memref<10000x128xf32, #tpu.memory_space<hbm>>) target(%dma_start3A_99 : memref<64x128xf32, #tpu.memory_space<vmem>>) offsets(%dma_start3A_102 : memref<64xi32, #tpu.memory_space<vmem>>) semaphore(%dma_start3A_107 : memref<!tpu.dma_semaphore, #tpu.memory_space<semaphore_mem>>)
    %dma_start3A_108 = arith.constant 6 : i32
    %dma_start3A_109 = arith.constant 6 : i32
    %dma_start3A_110 = arith.constant 6 : i32
    %dma_start3A_111 = arith.constant 0 : i32
    %dma_start3A_112 = arith.constant 0 : i32
    %dma_start3A_113 = tpu.memref_slice %arg9[%dma_start3A_109, %dma_start3A_111, %dma_start3A_112] : memref<8x64x128xf32, #tpu.memory_space<vmem>> -> memref<1x64x128xf32, #tpu.memory_space<vmem>>
    %dma_start3A_114 = tpu.memref_squeeze %dma_start3A_113 : memref<1x64x128xf32, #tpu.memory_space<vmem>> -> memref<64x128xf32, #tpu.memory_space<vmem>>
    %dma_start3A_115 = arith.constant 0 : i32
    %dma_start3A_116 = tpu.memref_slice %arg8[%dma_start3A_108, %dma_start3A_115] : memref<80x64xi32, #tpu.memory_space<vmem>> -> memref<1x64xi32, #tpu.memory_space<vmem>>
    %dma_start3A_117 = tpu.memref_squeeze %dma_start3A_116 : memref<1x64xi32, #tpu.memory_space<vmem>> -> memref<64xi32, #tpu.memory_space<vmem>>
    %dma_start3A_118 = arith.constant 0 : i32
    %dma_start3A_119 = arith.constant 0 : i32
    %dma_start3A_120 = tpu.memref_slice %arg2[%dma_start3A_118, %dma_start3A_119] : memref<10000x128xf32, #tpu.memory_space<hbm>> -> memref<10000x128xf32, #tpu.memory_space<hbm>>
    %dma_start3A_121 = tpu.memref_slice %arg11[%dma_start3A_110] : memref<8x!tpu.dma_semaphore, #tpu.memory_space<semaphore_mem>> -> memref<1x!tpu.dma_semaphore, #tpu.memory_space<semaphore_mem>>
    %dma_start3A_122 = tpu.memref_squeeze %dma_start3A_121 : memref<1x!tpu.dma_semaphore, #tpu.memory_space<semaphore_mem>> -> memref<!tpu.dma_semaphore, #tpu.memory_space<semaphore_mem>>
    tpu.enqueue_indirect_dma source(%dma_start3A_120 : memref<10000x128xf32, #tpu.memory_space<hbm>>) target(%dma_start3A_114 : memref<64x128xf32, #tpu.memory_space<vmem>>) offsets(%dma_start3A_117 : memref<64xi32, #tpu.memory_space<vmem>>) semaphore(%dma_start3A_122 : memref<!tpu.dma_semaphore, #tpu.memory_space<semaphore_mem>>)
    %dma_start3A_123 = arith.constant 7 : i32
    %dma_start3A_124 = arith.constant 7 : i32
    %dma_start3A_125 = arith.constant 7 : i32
    %dma_start3A_126 = arith.constant 0 : i32
    %dma_start3A_127 = arith.constant 0 : i32
    %dma_start3A_128 = tpu.memref_slice %arg9[%dma_start3A_124, %dma_start3A_126, %dma_start3A_127] : memref<8x64x128xf32, #tpu.memory_space<vmem>> -> memref<1x64x128xf32, #tpu.memory_space<vmem>>
    %dma_start3A_129 = tpu.memref_squeeze %dma_start3A_128 : memref<1x64x128xf32, #tpu.memory_space<vmem>> -> memref<64x128xf32, #tpu.memory_space<vmem>>
    %dma_start3A_130 = arith.constant 0 : i32
    %dma_start3A_131 = tpu.memref_slice %arg8[%dma_start3A_123, %dma_start3A_130] : memref<80x64xi32, #tpu.memory_space<vmem>> -> memref<1x64xi32, #tpu.memory_space<vmem>>
    %dma_start3A_132 = tpu.memref_squeeze %dma_start3A_131 : memref<1x64xi32, #tpu.memory_space<vmem>> -> memref<64xi32, #tpu.memory_space<vmem>>
    %dma_start3A_133 = arith.constant 0 : i32
    %dma_start3A_134 = arith.constant 0 : i32
    %dma_start3A_135 = tpu.memref_slice %arg2[%dma_start3A_133, %dma_start3A_134] : memref<10000x128xf32, #tpu.memory_space<hbm>> -> memref<10000x128xf32, #tpu.memory_space<hbm>>
    %dma_start3A_136 = tpu.memref_slice %arg11[%dma_start3A_125] : memref<8x!tpu.dma_semaphore, #tpu.memory_space<semaphore_mem>> -> memref<1x!tpu.dma_semaphore, #tpu.memory_space<semaphore_mem>>
    %dma_start3A_137 = tpu.memref_squeeze %dma_start3A_136 : memref<1x!tpu.dma_semaphore, #tpu.memory_space<semaphore_mem>> -> memref<!tpu.dma_semaphore, #tpu.memory_space<semaphore_mem>>
    tpu.enqueue_indirect_dma source(%dma_start3A_135 : memref<10000x128xf32, #tpu.memory_space<hbm>>) target(%dma_start3A_129 : memref<64x128xf32, #tpu.memory_space<vmem>>) offsets(%dma_start3A_132 : memref<64xi32, #tpu.memory_space<vmem>>) semaphore(%dma_start3A_137 : memref<!tpu.dma_semaphore, #tpu.memory_space<semaphore_mem>>)
    %eq3A = arith.constant 0 : i32
    %eq3A_138 = arith.cmpi eq, %rem3A_17, %eq3A : i32
    %convert_element_type3A = arith.extui %eq3A_138 : i1 to i32
    %cond3A = arith.constant 0 : i32
    %cond3A_139 = arith.cmpi ne, %convert_element_type3A, %cond3A : i32
    scf.if %cond3A_139 {
      %mul3A_150 = arith.constant 1256 : i32
      %mul3A_151 = arith.muli %select_n3A, %mul3A_150 : i32
      "tpu.region"() ({
        %run_scoped3A = tpu.sem_alloc : memref<!tpu.dma_semaphore, #tpu.memory_space<semaphore_mem>>
        %dma_start3A_152 = arith.constant 0 : i32
        %dma_start3A_153 = tpu.memref_slice %arg10[%mul3A_151, %dma_start3A_152] : memref<5024x128xf32, #tpu.memory_space<vmem_shared>> -> memref<1256x128xf32, #tpu.memory_space<vmem_shared>>
        tpu.enqueue_dma source(%arg5 : memref<1256x128xf32, #tpu.memory_space<hbm>>) target(%dma_start3A_153 : memref<1256x128xf32, #tpu.memory_space<vmem_shared>>) target_semaphore(%run_scoped3A : memref<!tpu.dma_semaphore, #tpu.memory_space<semaphore_mem>>)
        %dma_wait3A = arith.constant 0 : i32
        %dma_wait3A_154 = tpu.memref_slice %arg10[%mul3A_151, %dma_wait3A] : memref<5024x128xf32, #tpu.memory_space<vmem_shared>> -> memref<1256x128xf32, #tpu.memory_space<vmem_shared>>
        tpu.wait_dma2 semaphore(%run_scoped3A : memref<!tpu.dma_semaphore, #tpu.memory_space<semaphore_mem>>) src(%arg5 : memref<1256x128xf32, #tpu.memory_space<hbm>>) dst(%dma_wait3A_154 : memref<1256x128xf32, #tpu.memory_space<vmem_shared>>)
        tpu.yield
      }) : () -> ()
    } else {
    }
    %barrier3A = arith.constant 0 : index
    tpu.barrier barrier_id(%barrier3A)
    %scan3A = arith.constant 0 : i32
    %scan3A_140 = arith.constant 10 : i32
    %scan3A_141 = arith.addi %scan3A, %scan3A_140 : i32
    %scan3A_142 = arith.constant 1 : i32
    scf.for %scan3A_150 = %scan3A to %scan3A_141 step %scan3A_142  : i32 {
      %mul3A_151 = arith.constant 8 : i32
      %mul3A_152 = arith.muli %scan3A_150, %mul3A_151 : i32
      %add3A_153 = arith.constant 0 : i32
      %add3A_154 = arith.addi %add3A_153, %mul3A_152 : i32
      %add3A_155 = arith.constant 0 : i32
      %add3A_156 = arith.addi %add3A_154, %add3A_155 : i32
      %dma_wait3A = arith.constant 0 : i32
      %dma_wait3A_157 = arith.constant 0 : i32
      %dma_wait3A_158 = arith.constant 0 : i32
      %dma_wait3A_159 = arith.constant 0 : i32
      %dma_wait3A_160 = tpu.memref_slice %arg9[%dma_wait3A, %dma_wait3A_158, %dma_wait3A_159] : memref<8x64x128xf32, #tpu.memory_space<vmem>> -> memref<1x64x128xf32, #tpu.memory_space<vmem>>
      %dma_wait3A_161 = tpu.memref_squeeze %dma_wait3A_160 : memref<1x64x128xf32, #tpu.memory_space<vmem>> -> memref<64x128xf32, #tpu.memory_space<vmem>>
      %dma_wait3A_162 = arith.constant 0 : i32
      %dma_wait3A_163 = arith.constant 0 : i32
      %dma_wait3A_164 = tpu.memref_slice %arg2[%dma_wait3A_162, %dma_wait3A_163] : memref<10000x128xf32, #tpu.memory_space<hbm>> -> memref<64x128xf32, #tpu.memory_space<hbm>>
      %dma_wait3A_165 = tpu.memref_slice %arg11[%dma_wait3A_157] : memref<8x!tpu.dma_semaphore, #tpu.memory_space<semaphore_mem>> -> memref<1x!tpu.dma_semaphore, #tpu.memory_space<semaphore_mem>>
      %dma_wait3A_166 = tpu.memref_squeeze %dma_wait3A_165 : memref<1x!tpu.dma_semaphore, #tpu.memory_space<semaphore_mem>> -> memref<!tpu.dma_semaphore, #tpu.memory_space<semaphore_mem>>
      %dma_wait3A_167 = arith.constant 0 : i32
      %dma_wait3A_168 = arith.constant 0 : i32
      %dma_wait3A_169 = tpu.memref_slice %arg9[%dma_wait3A, %dma_wait3A_167, %dma_wait3A_168] : memref<8x64x128xf32, #tpu.memory_space<vmem>> -> memref<1x64x128xf32, #tpu.memory_space<vmem>>
      %dma_wait3A_170 = tpu.memref_squeeze %dma_wait3A_169 : memref<1x64x128xf32, #tpu.memory_space<vmem>> -> memref<64x128xf32, #tpu.memory_space<vmem>>
      %dma_wait3A_171 = arith.constant 0 : i32
      %dma_wait3A_172 = arith.constant 0 : i32
      %dma_wait3A_173 = tpu.memref_slice %arg2[%dma_wait3A_171, %dma_wait3A_172] : memref<10000x128xf32, #tpu.memory_space<hbm>> -> memref<64x128xf32, #tpu.memory_space<hbm>>
      tpu.wait_dma2 semaphore(%dma_wait3A_166 : memref<!tpu.dma_semaphore, #tpu.memory_space<semaphore_mem>>) src(%dma_wait3A_173 : memref<64x128xf32, #tpu.memory_space<hbm>>) dst(%dma_wait3A_170 : memref<64x128xf32, #tpu.memory_space<vmem>>)
      %dma_start3A_174 = arith.constant 0 : i32
      %dma_start3A_175 = arith.constant 0 : i32
      %dma_start3A_176 = arith.constant 0 : i32
      %dma_start3A_177 = arith.constant 0 : i32
      %dma_start3A_178 = tpu.memref_slice %arg9[%dma_start3A_174, %dma_start3A_176, %dma_start3A_177] : memref<8x64x128xf32, #tpu.memory_space<vmem>> -> memref<1x64x128xf32, #tpu.memory_space<vmem>>
      %dma_start3A_179 = tpu.memref_squeeze %dma_start3A_178 : memref<1x64x128xf32, #tpu.memory_space<vmem>> -> memref<64x128xf32, #tpu.memory_space<vmem>>
      %dma_start3A_180 = arith.constant 0 : i32
      %dma_start3A_181 = tpu.memref_slice %arg7[%add3A_156, %dma_start3A_180] : memref<80x64xi32, #tpu.memory_space<vmem>> -> memref<1x64xi32, #tpu.memory_space<vmem>>
      %dma_start3A_182 = tpu.memref_squeeze %dma_start3A_181 : memref<1x64xi32, #tpu.memory_space<vmem>> -> memref<64xi32, #tpu.memory_space<vmem>>
      %dma_start3A_183 = arith.constant 0 : i32
      %dma_start3A_184 = arith.constant 0 : i32
      %dma_start3A_185 = tpu.memref_slice %arg10[%dma_start3A_183, %dma_start3A_184] : memref<5024x128xf32, #tpu.memory_space<vmem_shared>> -> memref<5024x128xf32, #tpu.memory_space<vmem_shared>>
      %dma_start3A_186 = tpu.memref_slice %arg12[%dma_start3A_175] : memref<8x!tpu.dma_semaphore, #tpu.memory_space<semaphore_mem>> -> memref<1x!tpu.dma_semaphore, #tpu.memory_space<semaphore_mem>>
      %dma_start3A_187 = tpu.memref_squeeze %dma_start3A_186 : memref<1x!tpu.dma_semaphore, #tpu.memory_space<semaphore_mem>> -> memref<!tpu.dma_semaphore, #tpu.memory_space<semaphore_mem>>
      tpu.enqueue_indirect_dma source(%dma_start3A_179 : memref<64x128xf32, #tpu.memory_space<vmem>>) target(%dma_start3A_185 : memref<5024x128xf32, #tpu.memory_space<vmem_shared>>) offsets(%dma_start3A_182 : memref<64xi32, #tpu.memory_space<vmem>>) semaphore(%dma_start3A_187 : memref<!tpu.dma_semaphore, #tpu.memory_space<semaphore_mem>>) {add = true}
      %add3A_188 = arith.constant 1 : i32
      %add3A_189 = arith.addi %add3A_154, %add3A_188 : i32
      %dma_wait3A_190 = arith.constant 1 : i32
      %dma_wait3A_191 = arith.constant 1 : i32
      %dma_wait3A_192 = arith.constant 0 : i32
      %dma_wait3A_193 = arith.constant 0 : i32
      %dma_wait3A_194 = tpu.memref_slice %arg9[%dma_wait3A_190, %dma_wait3A_192, %dma_wait3A_193] : memref<8x64x128xf32, #tpu.memory_space<vmem>> -> memref<1x64x128xf32, #tpu.memory_space<vmem>>
      %dma_wait3A_195 = tpu.memref_squeeze %dma_wait3A_194 : memref<1x64x128xf32, #tpu.memory_space<vmem>> -> memref<64x128xf32, #tpu.memory_space<vmem>>
      %dma_wait3A_196 = arith.constant 0 : i32
      %dma_wait3A_197 = arith.constant 0 : i32
      %dma_wait3A_198 = tpu.memref_slice %arg2[%dma_wait3A_196, %dma_wait3A_197] : memref<10000x128xf32, #tpu.memory_space<hbm>> -> memref<64x128xf32, #tpu.memory_space<hbm>>
      %dma_wait3A_199 = tpu.memref_slice %arg11[%dma_wait3A_191] : memref<8x!tpu.dma_semaphore, #tpu.memory_space<semaphore_mem>> -> memref<1x!tpu.dma_semaphore, #tpu.memory_space<semaphore_mem>>
      %dma_wait3A_200 = tpu.memref_squeeze %dma_wait3A_199 : memref<1x!tpu.dma_semaphore, #tpu.memory_space<semaphore_mem>> -> memref<!tpu.dma_semaphore, #tpu.memory_space<semaphore_mem>>
      %dma_wait3A_201 = arith.constant 0 : i32
      %dma_wait3A_202 = arith.constant 0 : i32
      %dma_wait3A_203 = tpu.memref_slice %arg9[%dma_wait3A_190, %dma_wait3A_201, %dma_wait3A_202] : memref<8x64x128xf32, #tpu.memory_space<vmem>> -> memref<1x64x128xf32, #tpu.memory_space<vmem>>
      %dma_wait3A_204 = tpu.memref_squeeze %dma_wait3A_203 : memref<1x64x128xf32, #tpu.memory_space<vmem>> -> memref<64x128xf32, #tpu.memory_space<vmem>>
      %dma_wait3A_205 = arith.constant 0 : i32
      %dma_wait3A_206 = arith.constant 0 : i32
      %dma_wait3A_207 = tpu.memref_slice %arg2[%dma_wait3A_205, %dma_wait3A_206] : memref<10000x128xf32, #tpu.memory_space<hbm>> -> memref<64x128xf32, #tpu.memory_space<hbm>>
      tpu.wait_dma2 semaphore(%dma_wait3A_200 : memref<!tpu.dma_semaphore, #tpu.memory_space<semaphore_mem>>) src(%dma_wait3A_207 : memref<64x128xf32, #tpu.memory_space<hbm>>) dst(%dma_wait3A_204 : memref<64x128xf32, #tpu.memory_space<vmem>>)
      %dma_start3A_208 = arith.constant 1 : i32
      %dma_start3A_209 = arith.constant 1 : i32
      %dma_start3A_210 = arith.constant 0 : i32
      %dma_start3A_211 = arith.constant 0 : i32
      %dma_start3A_212 = tpu.memref_slice %arg9[%dma_start3A_208, %dma_start3A_210, %dma_start3A_211] : memref<8x64x128xf32, #tpu.memory_space<vmem>> -> memref<1x64x128xf32, #tpu.memory_space<vmem>>
      %dma_start3A_213 = tpu.memref_squeeze %dma_start3A_212 : memref<1x64x128xf32, #tpu.memory_space<vmem>> -> memref<64x128xf32, #tpu.memory_space<vmem>>
      %dma_start3A_214 = arith.constant 0 : i32
      %dma_start3A_215 = tpu.memref_slice %arg7[%add3A_189, %dma_start3A_214] : memref<80x64xi32, #tpu.memory_space<vmem>> -> memref<1x64xi32, #tpu.memory_space<vmem>>
      %dma_start3A_216 = tpu.memref_squeeze %dma_start3A_215 : memref<1x64xi32, #tpu.memory_space<vmem>> -> memref<64xi32, #tpu.memory_space<vmem>>
      %dma_start3A_217 = arith.constant 0 : i32
      %dma_start3A_218 = arith.constant 0 : i32
      %dma_start3A_219 = tpu.memref_slice %arg10[%dma_start3A_217, %dma_start3A_218] : memref<5024x128xf32, #tpu.memory_space<vmem_shared>> -> memref<5024x128xf32, #tpu.memory_space<vmem_shared>>
      %dma_start3A_220 = tpu.memref_slice %arg12[%dma_start3A_209] : memref<8x!tpu.dma_semaphore, #tpu.memory_space<semaphore_mem>> -> memref<1x!tpu.dma_semaphore, #tpu.memory_space<semaphore_mem>>
      %dma_start3A_221 = tpu.memref_squeeze %dma_start3A_220 : memref<1x!tpu.dma_semaphore, #tpu.memory_space<semaphore_mem>> -> memref<!tpu.dma_semaphore, #tpu.memory_space<semaphore_mem>>
      tpu.enqueue_indirect_dma source(%dma_start3A_213 : memref<64x128xf32, #tpu.memory_space<vmem>>) target(%dma_start3A_219 : memref<5024x128xf32, #tpu.memory_space<vmem_shared>>) offsets(%dma_start3A_216 : memref<64xi32, #tpu.memory_space<vmem>>) semaphore(%dma_start3A_221 : memref<!tpu.dma_semaphore, #tpu.memory_space<semaphore_mem>>) {add = true}
      %add3A_222 = arith.constant 2 : i32
      %add3A_223 = arith.addi %add3A_154, %add3A_222 : i32
      %dma_wait3A_224 = arith.constant 2 : i32
      %dma_wait3A_225 = arith.constant 2 : i32
      %dma_wait3A_226 = arith.constant 0 : i32
      %dma_wait3A_227 = arith.constant 0 : i32
      %dma_wait3A_228 = tpu.memref_slice %arg9[%dma_wait3A_224, %dma_wait3A_226, %dma_wait3A_227] : memref<8x64x128xf32, #tpu.memory_space<vmem>> -> memref<1x64x128xf32, #tpu.memory_space<vmem>>
      %dma_wait3A_229 = tpu.memref_squeeze %dma_wait3A_228 : memref<1x64x128xf32, #tpu.memory_space<vmem>> -> memref<64x128xf32, #tpu.memory_space<vmem>>
      %dma_wait3A_230 = arith.constant 0 : i32
      %dma_wait3A_231 = arith.constant 0 : i32
      %dma_wait3A_232 = tpu.memref_slice %arg2[%dma_wait3A_230, %dma_wait3A_231] : memref<10000x128xf32, #tpu.memory_space<hbm>> -> memref<64x128xf32, #tpu.memory_space<hbm>>
      %dma_wait3A_233 = tpu.memref_slice %arg11[%dma_wait3A_225] : memref<8x!tpu.dma_semaphore, #tpu.memory_space<semaphore_mem>> -> memref<1x!tpu.dma_semaphore, #tpu.memory_space<semaphore_mem>>
      %dma_wait3A_234 = tpu.memref_squeeze %dma_wait3A_233 : memref<1x!tpu.dma_semaphore, #tpu.memory_space<semaphore_mem>> -> memref<!tpu.dma_semaphore, #tpu.memory_space<semaphore_mem>>
      %dma_wait3A_235 = arith.constant 0 : i32
      %dma_wait3A_236 = arith.constant 0 : i32
      %dma_wait3A_237 = tpu.memref_slice %arg9[%dma_wait3A_224, %dma_wait3A_235, %dma_wait3A_236] : memref<8x64x128xf32, #tpu.memory_space<vmem>> -> memref<1x64x128xf32, #tpu.memory_space<vmem>>
      %dma_wait3A_238 = tpu.memref_squeeze %dma_wait3A_237 : memref<1x64x128xf32, #tpu.memory_space<vmem>> -> memref<64x128xf32, #tpu.memory_space<vmem>>
      %dma_wait3A_239 = arith.constant 0 : i32
      %dma_wait3A_240 = arith.constant 0 : i32
      %dma_wait3A_241 = tpu.memref_slice %arg2[%dma_wait3A_239, %dma_wait3A_240] : memref<10000x128xf32, #tpu.memory_space<hbm>> -> memref<64x128xf32, #tpu.memory_space<hbm>>
      tpu.wait_dma2 semaphore(%dma_wait3A_234 : memref<!tpu.dma_semaphore, #tpu.memory_space<semaphore_mem>>) src(%dma_wait3A_241 : memref<64x128xf32, #tpu.memory_space<hbm>>) dst(%dma_wait3A_238 : memref<64x128xf32, #tpu.memory_space<vmem>>)
      %dma_start3A_242 = arith.constant 2 : i32
      %dma_start3A_243 = arith.constant 2 : i32
      %dma_start3A_244 = arith.constant 0 : i32
      %dma_start3A_245 = arith.constant 0 : i32
      %dma_start3A_246 = tpu.memref_slice %arg9[%dma_start3A_242, %dma_start3A_244, %dma_start3A_245] : memref<8x64x128xf32, #tpu.memory_space<vmem>> -> memref<1x64x128xf32, #tpu.memory_space<vmem>>
      %dma_start3A_247 = tpu.memref_squeeze %dma_start3A_246 : memref<1x64x128xf32, #tpu.memory_space<vmem>> -> memref<64x128xf32, #tpu.memory_space<vmem>>
      %dma_start3A_248 = arith.constant 0 : i32
      %dma_start3A_249 = tpu.memref_slice %arg7[%add3A_223, %dma_start3A_248] : memref<80x64xi32, #tpu.memory_space<vmem>> -> memref<1x64xi32, #tpu.memory_space<vmem>>
      %dma_start3A_250 = tpu.memref_squeeze %dma_start3A_249 : memref<1x64xi32, #tpu.memory_space<vmem>> -> memref<64xi32, #tpu.memory_space<vmem>>
      %dma_start3A_251 = arith.constant 0 : i32
      %dma_start3A_252 = arith.constant 0 : i32
      %dma_start3A_253 = tpu.memref_slice %arg10[%dma_start3A_251, %dma_start3A_252] : memref<5024x128xf32, #tpu.memory_space<vmem_shared>> -> memref<5024x128xf32, #tpu.memory_space<vmem_shared>>
      %dma_start3A_254 = tpu.memref_slice %arg12[%dma_start3A_243] : memref<8x!tpu.dma_semaphore, #tpu.memory_space<semaphore_mem>> -> memref<1x!tpu.dma_semaphore, #tpu.memory_space<semaphore_mem>>
      %dma_start3A_255 = tpu.memref_squeeze %dma_start3A_254 : memref<1x!tpu.dma_semaphore, #tpu.memory_space<semaphore_mem>> -> memref<!tpu.dma_semaphore, #tpu.memory_space<semaphore_mem>>
      tpu.enqueue_indirect_dma source(%dma_start3A_247 : memref<64x128xf32, #tpu.memory_space<vmem>>) target(%dma_start3A_253 : memref<5024x128xf32, #tpu.memory_space<vmem_shared>>) offsets(%dma_start3A_250 : memref<64xi32, #tpu.memory_space<vmem>>) semaphore(%dma_start3A_255 : memref<!tpu.dma_semaphore, #tpu.memory_space<semaphore_mem>>) {add = true}
      %add3A_256 = arith.constant 3 : i32
      %add3A_257 = arith.addi %add3A_154, %add3A_256 : i32
      %dma_wait3A_258 = arith.constant 3 : i32
      %dma_wait3A_259 = arith.constant 3 : i32
      %dma_wait3A_260 = arith.constant 0 : i32
      %dma_wait3A_261 = arith.constant 0 : i32
      %dma_wait3A_262 = tpu.memref_slice %arg9[%dma_wait3A_258, %dma_wait3A_260, %dma_wait3A_261] : memref<8x64x128xf32, #tpu.memory_space<vmem>> -> memref<1x64x128xf32, #tpu.memory_space<vmem>>
      %dma_wait3A_263 = tpu.memref_squeeze %dma_wait3A_262 : memref<1x64x128xf32, #tpu.memory_space<vmem>> -> memref<64x128xf32, #tpu.memory_space<vmem>>
      %dma_wait3A_264 = arith.constant 0 : i32
      %dma_wait3A_265 = arith.constant 0 : i32
      %dma_wait3A_266 = tpu.memref_slice %arg2[%dma_wait3A_264, %dma_wait3A_265] : memref<10000x128xf32, #tpu.memory_space<hbm>> -> memref<64x128xf32, #tpu.memory_space<hbm>>
      %dma_wait3A_267 = tpu.memref_slice %arg11[%dma_wait3A_259] : memref<8x!tpu.dma_semaphore, #tpu.memory_space<semaphore_mem>> -> memref<1x!tpu.dma_semaphore, #tpu.memory_space<semaphore_mem>>
      %dma_wait3A_268 = tpu.memref_squeeze %dma_wait3A_267 : memref<1x!tpu.dma_semaphore, #tpu.memory_space<semaphore_mem>> -> memref<!tpu.dma_semaphore, #tpu.memory_space<semaphore_mem>>
      %dma_wait3A_269 = arith.constant 0 : i32
      %dma_wait3A_270 = arith.constant 0 : i32
      %dma_wait3A_271 = tpu.memref_slice %arg9[%dma_wait3A_258, %dma_wait3A_269, %dma_wait3A_270] : memref<8x64x128xf32, #tpu.memory_space<vmem>> -> memref<1x64x128xf32, #tpu.memory_space<vmem>>
      %dma_wait3A_272 = tpu.memref_squeeze %dma_wait3A_271 : memref<1x64x128xf32, #tpu.memory_space<vmem>> -> memref<64x128xf32, #tpu.memory_space<vmem>>
      %dma_wait3A_273 = arith.constant 0 : i32
      %dma_wait3A_274 = arith.constant 0 : i32
      %dma_wait3A_275 = tpu.memref_slice %arg2[%dma_wait3A_273, %dma_wait3A_274] : memref<10000x128xf32, #tpu.memory_space<hbm>> -> memref<64x128xf32, #tpu.memory_space<hbm>>
      tpu.wait_dma2 semaphore(%dma_wait3A_268 : memref<!tpu.dma_semaphore, #tpu.memory_space<semaphore_mem>>) src(%dma_wait3A_275 : memref<64x128xf32, #tpu.memory_space<hbm>>) dst(%dma_wait3A_272 : memref<64x128xf32, #tpu.memory_space<vmem>>)
      %dma_start3A_276 = arith.constant 3 : i32
      %dma_start3A_277 = arith.constant 3 : i32
      %dma_start3A_278 = arith.constant 0 : i32
      %dma_start3A_279 = arith.constant 0 : i32
      %dma_start3A_280 = tpu.memref_slice %arg9[%dma_start3A_276, %dma_start3A_278, %dma_start3A_279] : memref<8x64x128xf32, #tpu.memory_space<vmem>> -> memref<1x64x128xf32, #tpu.memory_space<vmem>>
      %dma_start3A_281 = tpu.memref_squeeze %dma_start3A_280 : memref<1x64x128xf32, #tpu.memory_space<vmem>> -> memref<64x128xf32, #tpu.memory_space<vmem>>
      %dma_start3A_282 = arith.constant 0 : i32
      %dma_start3A_283 = tpu.memref_slice %arg7[%add3A_257, %dma_start3A_282] : memref<80x64xi32, #tpu.memory_space<vmem>> -> memref<1x64xi32, #tpu.memory_space<vmem>>
      %dma_start3A_284 = tpu.memref_squeeze %dma_start3A_283 : memref<1x64xi32, #tpu.memory_space<vmem>> -> memref<64xi32, #tpu.memory_space<vmem>>
      %dma_start3A_285 = arith.constant 0 : i32
      %dma_start3A_286 = arith.constant 0 : i32
      %dma_start3A_287 = tpu.memref_slice %arg10[%dma_start3A_285, %dma_start3A_286] : memref<5024x128xf32, #tpu.memory_space<vmem_shared>> -> memref<5024x128xf32, #tpu.memory_space<vmem_shared>>
      %dma_start3A_288 = tpu.memref_slice %arg12[%dma_start3A_277] : memref<8x!tpu.dma_semaphore, #tpu.memory_space<semaphore_mem>> -> memref<1x!tpu.dma_semaphore, #tpu.memory_space<semaphore_mem>>
      %dma_start3A_289 = tpu.memref_squeeze %dma_start3A_288 : memref<1x!tpu.dma_semaphore, #tpu.memory_space<semaphore_mem>> -> memref<!tpu.dma_semaphore, #tpu.memory_space<semaphore_mem>>
      tpu.enqueue_indirect_dma source(%dma_start3A_281 : memref<64x128xf32, #tpu.memory_space<vmem>>) target(%dma_start3A_287 : memref<5024x128xf32, #tpu.memory_space<vmem_shared>>) offsets(%dma_start3A_284 : memref<64xi32, #tpu.memory_space<vmem>>) semaphore(%dma_start3A_289 : memref<!tpu.dma_semaphore, #tpu.memory_space<semaphore_mem>>) {add = true}
      %add3A_290 = arith.constant 4 : i32
      %add3A_291 = arith.addi %add3A_154, %add3A_290 : i32
      %dma_wait3A_292 = arith.constant 4 : i32
      %dma_wait3A_293 = arith.constant 4 : i32
      %dma_wait3A_294 = arith.constant 0 : i32
      %dma_wait3A_295 = arith.constant 0 : i32
      %dma_wait3A_296 = tpu.memref_slice %arg9[%dma_wait3A_292, %dma_wait3A_294, %dma_wait3A_295] : memref<8x64x128xf32, #tpu.memory_space<vmem>> -> memref<1x64x128xf32, #tpu.memory_space<vmem>>
      %dma_wait3A_297 = tpu.memref_squeeze %dma_wait3A_296 : memref<1x64x128xf32, #tpu.memory_space<vmem>> -> memref<64x128xf32, #tpu.memory_space<vmem>>
      %dma_wait3A_298 = arith.constant 0 : i32
      %dma_wait3A_299 = arith.constant 0 : i32
      %dma_wait3A_300 = tpu.memref_slice %arg2[%dma_wait3A_298, %dma_wait3A_299] : memref<10000x128xf32, #tpu.memory_space<hbm>> -> memref<64x128xf32, #tpu.memory_space<hbm>>
      %dma_wait3A_301 = tpu.memref_slice %arg11[%dma_wait3A_293] : memref<8x!tpu.dma_semaphore, #tpu.memory_space<semaphore_mem>> -> memref<1x!tpu.dma_semaphore, #tpu.memory_space<semaphore_mem>>
      %dma_wait3A_302 = tpu.memref_squeeze %dma_wait3A_301 : memref<1x!tpu.dma_semaphore, #tpu.memory_space<semaphore_mem>> -> memref<!tpu.dma_semaphore, #tpu.memory_space<semaphore_mem>>
      %dma_wait3A_303 = arith.constant 0 : i32
      %dma_wait3A_304 = arith.constant 0 : i32
      %dma_wait3A_305 = tpu.memref_slice %arg9[%dma_wait3A_292, %dma_wait3A_303, %dma_wait3A_304] : memref<8x64x128xf32, #tpu.memory_space<vmem>> -> memref<1x64x128xf32, #tpu.memory_space<vmem>>
      %dma_wait3A_306 = tpu.memref_squeeze %dma_wait3A_305 : memref<1x64x128xf32, #tpu.memory_space<vmem>> -> memref<64x128xf32, #tpu.memory_space<vmem>>
      %dma_wait3A_307 = arith.constant 0 : i32
      %dma_wait3A_308 = arith.constant 0 : i32
      %dma_wait3A_309 = tpu.memref_slice %arg2[%dma_wait3A_307, %dma_wait3A_308] : memref<10000x128xf32, #tpu.memory_space<hbm>> -> memref<64x128xf32, #tpu.memory_space<hbm>>
      tpu.wait_dma2 semaphore(%dma_wait3A_302 : memref<!tpu.dma_semaphore, #tpu.memory_space<semaphore_mem>>) src(%dma_wait3A_309 : memref<64x128xf32, #tpu.memory_space<hbm>>) dst(%dma_wait3A_306 : memref<64x128xf32, #tpu.memory_space<vmem>>)
      %dma_start3A_310 = arith.constant 4 : i32
      %dma_start3A_311 = arith.constant 4 : i32
      %dma_start3A_312 = arith.constant 0 : i32
      %dma_start3A_313 = arith.constant 0 : i32
      %dma_start3A_314 = tpu.memref_slice %arg9[%dma_start3A_310, %dma_start3A_312, %dma_start3A_313] : memref<8x64x128xf32, #tpu.memory_space<vmem>> -> memref<1x64x128xf32, #tpu.memory_space<vmem>>
      %dma_start3A_315 = tpu.memref_squeeze %dma_start3A_314 : memref<1x64x128xf32, #tpu.memory_space<vmem>> -> memref<64x128xf32, #tpu.memory_space<vmem>>
      %dma_start3A_316 = arith.constant 0 : i32
      %dma_start3A_317 = tpu.memref_slice %arg7[%add3A_291, %dma_start3A_316] : memref<80x64xi32, #tpu.memory_space<vmem>> -> memref<1x64xi32, #tpu.memory_space<vmem>>
      %dma_start3A_318 = tpu.memref_squeeze %dma_start3A_317 : memref<1x64xi32, #tpu.memory_space<vmem>> -> memref<64xi32, #tpu.memory_space<vmem>>
      %dma_start3A_319 = arith.constant 0 : i32
      %dma_start3A_320 = arith.constant 0 : i32
      %dma_start3A_321 = tpu.memref_slice %arg10[%dma_start3A_319, %dma_start3A_320] : memref<5024x128xf32, #tpu.memory_space<vmem_shared>> -> memref<5024x128xf32, #tpu.memory_space<vmem_shared>>
      %dma_start3A_322 = tpu.memref_slice %arg12[%dma_start3A_311] : memref<8x!tpu.dma_semaphore, #tpu.memory_space<semaphore_mem>> -> memref<1x!tpu.dma_semaphore, #tpu.memory_space<semaphore_mem>>
      %dma_start3A_323 = tpu.memref_squeeze %dma_start3A_322 : memref<1x!tpu.dma_semaphore, #tpu.memory_space<semaphore_mem>> -> memref<!tpu.dma_semaphore, #tpu.memory_space<semaphore_mem>>
      tpu.enqueue_indirect_dma source(%dma_start3A_315 : memref<64x128xf32, #tpu.memory_space<vmem>>) target(%dma_start3A_321 : memref<5024x128xf32, #tpu.memory_space<vmem_shared>>) offsets(%dma_start3A_318 : memref<64xi32, #tpu.memory_space<vmem>>) semaphore(%dma_start3A_323 : memref<!tpu.dma_semaphore, #tpu.memory_space<semaphore_mem>>) {add = true}
      %add3A_324 = arith.constant 5 : i32
      %add3A_325 = arith.addi %add3A_154, %add3A_324 : i32
      %dma_wait3A_326 = arith.constant 5 : i32
      %dma_wait3A_327 = arith.constant 5 : i32
      %dma_wait3A_328 = arith.constant 0 : i32
      %dma_wait3A_329 = arith.constant 0 : i32
      %dma_wait3A_330 = tpu.memref_slice %arg9[%dma_wait3A_326, %dma_wait3A_328, %dma_wait3A_329] : memref<8x64x128xf32, #tpu.memory_space<vmem>> -> memref<1x64x128xf32, #tpu.memory_space<vmem>>
      %dma_wait3A_331 = tpu.memref_squeeze %dma_wait3A_330 : memref<1x64x128xf32, #tpu.memory_space<vmem>> -> memref<64x128xf32, #tpu.memory_space<vmem>>
      %dma_wait3A_332 = arith.constant 0 : i32
      %dma_wait3A_333 = arith.constant 0 : i32
      %dma_wait3A_334 = tpu.memref_slice %arg2[%dma_wait3A_332, %dma_wait3A_333] : memref<10000x128xf32, #tpu.memory_space<hbm>> -> memref<64x128xf32, #tpu.memory_space<hbm>>
      %dma_wait3A_335 = tpu.memref_slice %arg11[%dma_wait3A_327] : memref<8x!tpu.dma_semaphore, #tpu.memory_space<semaphore_mem>> -> memref<1x!tpu.dma_semaphore, #tpu.memory_space<semaphore_mem>>
      %dma_wait3A_336 = tpu.memref_squeeze %dma_wait3A_335 : memref<1x!tpu.dma_semaphore, #tpu.memory_space<semaphore_mem>> -> memref<!tpu.dma_semaphore, #tpu.memory_space<semaphore_mem>>
      %dma_wait3A_337 = arith.constant 0 : i32
      %dma_wait3A_338 = arith.constant 0 : i32
      %dma_wait3A_339 = tpu.memref_slice %arg9[%dma_wait3A_326, %dma_wait3A_337, %dma_wait3A_338] : memref<8x64x128xf32, #tpu.memory_space<vmem>> -> memref<1x64x128xf32, #tpu.memory_space<vmem>>
      %dma_wait3A_340 = tpu.memref_squeeze %dma_wait3A_339 : memref<1x64x128xf32, #tpu.memory_space<vmem>> -> memref<64x128xf32, #tpu.memory_space<vmem>>
      %dma_wait3A_341 = arith.constant 0 : i32
      %dma_wait3A_342 = arith.constant 0 : i32
      %dma_wait3A_343 = tpu.memref_slice %arg2[%dma_wait3A_341, %dma_wait3A_342] : memref<10000x128xf32, #tpu.memory_space<hbm>> -> memref<64x128xf32, #tpu.memory_space<hbm>>
      tpu.wait_dma2 semaphore(%dma_wait3A_336 : memref<!tpu.dma_semaphore, #tpu.memory_space<semaphore_mem>>) src(%dma_wait3A_343 : memref<64x128xf32, #tpu.memory_space<hbm>>) dst(%dma_wait3A_340 : memref<64x128xf32, #tpu.memory_space<vmem>>)
      %dma_start3A_344 = arith.constant 5 : i32
      %dma_start3A_345 = arith.constant 5 : i32
      %dma_start3A_346 = arith.constant 0 : i32
      %dma_start3A_347 = arith.constant 0 : i32
      %dma_start3A_348 = tpu.memref_slice %arg9[%dma_start3A_344, %dma_start3A_346, %dma_start3A_347] : memref<8x64x128xf32, #tpu.memory_space<vmem>> -> memref<1x64x128xf32, #tpu.memory_space<vmem>>
      %dma_start3A_349 = tpu.memref_squeeze %dma_start3A_348 : memref<1x64x128xf32, #tpu.memory_space<vmem>> -> memref<64x128xf32, #tpu.memory_space<vmem>>
      %dma_start3A_350 = arith.constant 0 : i32
      %dma_start3A_351 = tpu.memref_slice %arg7[%add3A_325, %dma_start3A_350] : memref<80x64xi32, #tpu.memory_space<vmem>> -> memref<1x64xi32, #tpu.memory_space<vmem>>
      %dma_start3A_352 = tpu.memref_squeeze %dma_start3A_351 : memref<1x64xi32, #tpu.memory_space<vmem>> -> memref<64xi32, #tpu.memory_space<vmem>>
      %dma_start3A_353 = arith.constant 0 : i32
      %dma_start3A_354 = arith.constant 0 : i32
      %dma_start3A_355 = tpu.memref_slice %arg10[%dma_start3A_353, %dma_start3A_354] : memref<5024x128xf32, #tpu.memory_space<vmem_shared>> -> memref<5024x128xf32, #tpu.memory_space<vmem_shared>>
      %dma_start3A_356 = tpu.memref_slice %arg12[%dma_start3A_345] : memref<8x!tpu.dma_semaphore, #tpu.memory_space<semaphore_mem>> -> memref<1x!tpu.dma_semaphore, #tpu.memory_space<semaphore_mem>>
      %dma_start3A_357 = tpu.memref_squeeze %dma_start3A_356 : memref<1x!tpu.dma_semaphore, #tpu.memory_space<semaphore_mem>> -> memref<!tpu.dma_semaphore, #tpu.memory_space<semaphore_mem>>
      tpu.enqueue_indirect_dma source(%dma_start3A_349 : memref<64x128xf32, #tpu.memory_space<vmem>>) target(%dma_start3A_355 : memref<5024x128xf32, #tpu.memory_space<vmem_shared>>) offsets(%dma_start3A_352 : memref<64xi32, #tpu.memory_space<vmem>>) semaphore(%dma_start3A_357 : memref<!tpu.dma_semaphore, #tpu.memory_space<semaphore_mem>>) {add = true}
      %add3A_358 = arith.constant 6 : i32
      %add3A_359 = arith.addi %add3A_154, %add3A_358 : i32
      %dma_wait3A_360 = arith.constant 6 : i32
      %dma_wait3A_361 = arith.constant 6 : i32
      %dma_wait3A_362 = arith.constant 0 : i32
      %dma_wait3A_363 = arith.constant 0 : i32
      %dma_wait3A_364 = tpu.memref_slice %arg9[%dma_wait3A_360, %dma_wait3A_362, %dma_wait3A_363] : memref<8x64x128xf32, #tpu.memory_space<vmem>> -> memref<1x64x128xf32, #tpu.memory_space<vmem>>
      %dma_wait3A_365 = tpu.memref_squeeze %dma_wait3A_364 : memref<1x64x128xf32, #tpu.memory_space<vmem>> -> memref<64x128xf32, #tpu.memory_space<vmem>>
      %dma_wait3A_366 = arith.constant 0 : i32
      %dma_wait3A_367 = arith.constant 0 : i32
      %dma_wait3A_368 = tpu.memref_slice %arg2[%dma_wait3A_366, %dma_wait3A_367] : memref<10000x128xf32, #tpu.memory_space<hbm>> -> memref<64x128xf32, #tpu.memory_space<hbm>>
      %dma_wait3A_369 = tpu.memref_slice %arg11[%dma_wait3A_361] : memref<8x!tpu.dma_semaphore, #tpu.memory_space<semaphore_mem>> -> memref<1x!tpu.dma_semaphore, #tpu.memory_space<semaphore_mem>>
      %dma_wait3A_370 = tpu.memref_squeeze %dma_wait3A_369 : memref<1x!tpu.dma_semaphore, #tpu.memory_space<semaphore_mem>> -> memref<!tpu.dma_semaphore, #tpu.memory_space<semaphore_mem>>
      %dma_wait3A_371 = arith.constant 0 : i32
      %dma_wait3A_372 = arith.constant 0 : i32
      %dma_wait3A_373 = tpu.memref_slice %arg9[%dma_wait3A_360, %dma_wait3A_371, %dma_wait3A_372] : memref<8x64x128xf32, #tpu.memory_space<vmem>> -> memref<1x64x128xf32, #tpu.memory_space<vmem>>
      %dma_wait3A_374 = tpu.memref_squeeze %dma_wait3A_373 : memref<1x64x128xf32, #tpu.memory_space<vmem>> -> memref<64x128xf32, #tpu.memory_space<vmem>>
      %dma_wait3A_375 = arith.constant 0 : i32
      %dma_wait3A_376 = arith.constant 0 : i32
      %dma_wait3A_377 = tpu.memref_slice %arg2[%dma_wait3A_375, %dma_wait3A_376] : memref<10000x128xf32, #tpu.memory_space<hbm>> -> memref<64x128xf32, #tpu.memory_space<hbm>>
      tpu.wait_dma2 semaphore(%dma_wait3A_370 : memref<!tpu.dma_semaphore, #tpu.memory_space<semaphore_mem>>) src(%dma_wait3A_377 : memref<64x128xf32, #tpu.memory_space<hbm>>) dst(%dma_wait3A_374 : memref<64x128xf32, #tpu.memory_space<vmem>>)
      %dma_start3A_378 = arith.constant 6 : i32
      %dma_start3A_379 = arith.constant 6 : i32
      %dma_start3A_380 = arith.constant 0 : i32
      %dma_start3A_381 = arith.constant 0 : i32
      %dma_start3A_382 = tpu.memref_slice %arg9[%dma_start3A_378, %dma_start3A_380, %dma_start3A_381] : memref<8x64x128xf32, #tpu.memory_space<vmem>> -> memref<1x64x128xf32, #tpu.memory_space<vmem>>
      %dma_start3A_383 = tpu.memref_squeeze %dma_start3A_382 : memref<1x64x128xf32, #tpu.memory_space<vmem>> -> memref<64x128xf32, #tpu.memory_space<vmem>>
      %dma_start3A_384 = arith.constant 0 : i32
      %dma_start3A_385 = tpu.memref_slice %arg7[%add3A_359, %dma_start3A_384] : memref<80x64xi32, #tpu.memory_space<vmem>> -> memref<1x64xi32, #tpu.memory_space<vmem>>
      %dma_start3A_386 = tpu.memref_squeeze %dma_start3A_385 : memref<1x64xi32, #tpu.memory_space<vmem>> -> memref<64xi32, #tpu.memory_space<vmem>>
      %dma_start3A_387 = arith.constant 0 : i32
      %dma_start3A_388 = arith.constant 0 : i32
      %dma_start3A_389 = tpu.memref_slice %arg10[%dma_start3A_387, %dma_start3A_388] : memref<5024x128xf32, #tpu.memory_space<vmem_shared>> -> memref<5024x128xf32, #tpu.memory_space<vmem_shared>>
      %dma_start3A_390 = tpu.memref_slice %arg12[%dma_start3A_379] : memref<8x!tpu.dma_semaphore, #tpu.memory_space<semaphore_mem>> -> memref<1x!tpu.dma_semaphore, #tpu.memory_space<semaphore_mem>>
      %dma_start3A_391 = tpu.memref_squeeze %dma_start3A_390 : memref<1x!tpu.dma_semaphore, #tpu.memory_space<semaphore_mem>> -> memref<!tpu.dma_semaphore, #tpu.memory_space<semaphore_mem>>
      tpu.enqueue_indirect_dma source(%dma_start3A_383 : memref<64x128xf32, #tpu.memory_space<vmem>>) target(%dma_start3A_389 : memref<5024x128xf32, #tpu.memory_space<vmem_shared>>) offsets(%dma_start3A_386 : memref<64xi32, #tpu.memory_space<vmem>>) semaphore(%dma_start3A_391 : memref<!tpu.dma_semaphore, #tpu.memory_space<semaphore_mem>>) {add = true}
      %add3A_392 = arith.constant 7 : i32
      %add3A_393 = arith.addi %add3A_154, %add3A_392 : i32
      %dma_wait3A_394 = arith.constant 7 : i32
      %dma_wait3A_395 = arith.constant 7 : i32
      %dma_wait3A_396 = arith.constant 0 : i32
      %dma_wait3A_397 = arith.constant 0 : i32
      %dma_wait3A_398 = tpu.memref_slice %arg9[%dma_wait3A_394, %dma_wait3A_396, %dma_wait3A_397] : memref<8x64x128xf32, #tpu.memory_space<vmem>> -> memref<1x64x128xf32, #tpu.memory_space<vmem>>
      %dma_wait3A_399 = tpu.memref_squeeze %dma_wait3A_398 : memref<1x64x128xf32, #tpu.memory_space<vmem>> -> memref<64x128xf32, #tpu.memory_space<vmem>>
      %dma_wait3A_400 = arith.constant 0 : i32
      %dma_wait3A_401 = arith.constant 0 : i32
      %dma_wait3A_402 = tpu.memref_slice %arg2[%dma_wait3A_400, %dma_wait3A_401] : memref<10000x128xf32, #tpu.memory_space<hbm>> -> memref<64x128xf32, #tpu.memory_space<hbm>>
      %dma_wait3A_403 = tpu.memref_slice %arg11[%dma_wait3A_395] : memref<8x!tpu.dma_semaphore, #tpu.memory_space<semaphore_mem>> -> memref<1x!tpu.dma_semaphore, #tpu.memory_space<semaphore_mem>>
      %dma_wait3A_404 = tpu.memref_squeeze %dma_wait3A_403 : memref<1x!tpu.dma_semaphore, #tpu.memory_space<semaphore_mem>> -> memref<!tpu.dma_semaphore, #tpu.memory_space<semaphore_mem>>
      %dma_wait3A_405 = arith.constant 0 : i32
      %dma_wait3A_406 = arith.constant 0 : i32
      %dma_wait3A_407 = tpu.memref_slice %arg9[%dma_wait3A_394, %dma_wait3A_405, %dma_wait3A_406] : memref<8x64x128xf32, #tpu.memory_space<vmem>> -> memref<1x64x128xf32, #tpu.memory_space<vmem>>
      %dma_wait3A_408 = tpu.memref_squeeze %dma_wait3A_407 : memref<1x64x128xf32, #tpu.memory_space<vmem>> -> memref<64x128xf32, #tpu.memory_space<vmem>>
      %dma_wait3A_409 = arith.constant 0 : i32
      %dma_wait3A_410 = arith.constant 0 : i32
      %dma_wait3A_411 = tpu.memref_slice %arg2[%dma_wait3A_409, %dma_wait3A_410] : memref<10000x128xf32, #tpu.memory_space<hbm>> -> memref<64x128xf32, #tpu.memory_space<hbm>>
      tpu.wait_dma2 semaphore(%dma_wait3A_404 : memref<!tpu.dma_semaphore, #tpu.memory_space<semaphore_mem>>) src(%dma_wait3A_411 : memref<64x128xf32, #tpu.memory_space<hbm>>) dst(%dma_wait3A_408 : memref<64x128xf32, #tpu.memory_space<vmem>>)
      %dma_start3A_412 = arith.constant 7 : i32
      %dma_start3A_413 = arith.constant 7 : i32
      %dma_start3A_414 = arith.constant 0 : i32
      %dma_start3A_415 = arith.constant 0 : i32
      %dma_start3A_416 = tpu.memref_slice %arg9[%dma_start3A_412, %dma_start3A_414, %dma_start3A_415] : memref<8x64x128xf32, #tpu.memory_space<vmem>> -> memref<1x64x128xf32, #tpu.memory_space<vmem>>
      %dma_start3A_417 = tpu.memref_squeeze %dma_start3A_416 : memref<1x64x128xf32, #tpu.memory_space<vmem>> -> memref<64x128xf32, #tpu.memory_space<vmem>>
      %dma_start3A_418 = arith.constant 0 : i32
      %dma_start3A_419 = tpu.memref_slice %arg7[%add3A_393, %dma_start3A_418] : memref<80x64xi32, #tpu.memory_space<vmem>> -> memref<1x64xi32, #tpu.memory_space<vmem>>
      %dma_start3A_420 = tpu.memref_squeeze %dma_start3A_419 : memref<1x64xi32, #tpu.memory_space<vmem>> -> memref<64xi32, #tpu.memory_space<vmem>>
      %dma_start3A_421 = arith.constant 0 : i32
      %dma_start3A_422 = arith.constant 0 : i32
      %dma_start3A_423 = tpu.memref_slice %arg10[%dma_start3A_421, %dma_start3A_422] : memref<5024x128xf32, #tpu.memory_space<vmem_shared>> -> memref<5024x128xf32, #tpu.memory_space<vmem_shared>>
      %dma_start3A_424 = tpu.memref_slice %arg12[%dma_start3A_413] : memref<8x!tpu.dma_semaphore, #tpu.memory_space<semaphore_mem>> -> memref<1x!tpu.dma_semaphore, #tpu.memory_space<semaphore_mem>>
      %dma_start3A_425 = tpu.memref_squeeze %dma_start3A_424 : memref<1x!tpu.dma_semaphore, #tpu.memory_space<semaphore_mem>> -> memref<!tpu.dma_semaphore, #tpu.memory_space<semaphore_mem>>
      tpu.enqueue_indirect_dma source(%dma_start3A_417 : memref<64x128xf32, #tpu.memory_space<vmem>>) target(%dma_start3A_423 : memref<5024x128xf32, #tpu.memory_space<vmem_shared>>) offsets(%dma_start3A_420 : memref<64xi32, #tpu.memory_space<vmem>>) semaphore(%dma_start3A_425 : memref<!tpu.dma_semaphore, #tpu.memory_space<semaphore_mem>>) {add = true}
      %add3A_426 = arith.constant 0 : i32
      %add3A_427 = arith.addi %add3A_154, %add3A_426 : i32
      %dma_wait3A_428 = arith.constant 0 : i32
      %dma_wait3A_429 = arith.constant 0 : i32
      %dma_wait3A_430 = arith.constant 0 : i32
      %dma_wait3A_431 = arith.constant 0 : i32
      %dma_wait3A_432 = tpu.memref_slice %arg9[%dma_wait3A_428, %dma_wait3A_430, %dma_wait3A_431] : memref<8x64x128xf32, #tpu.memory_space<vmem>> -> memref<1x64x128xf32, #tpu.memory_space<vmem>>
      %dma_wait3A_433 = tpu.memref_squeeze %dma_wait3A_432 : memref<1x64x128xf32, #tpu.memory_space<vmem>> -> memref<64x128xf32, #tpu.memory_space<vmem>>
      %dma_wait3A_434 = arith.constant 0 : i32
      %dma_wait3A_435 = arith.constant 0 : i32
      %dma_wait3A_436 = tpu.memref_slice %arg2[%dma_wait3A_434, %dma_wait3A_435] : memref<10000x128xf32, #tpu.memory_space<hbm>> -> memref<64x128xf32, #tpu.memory_space<hbm>>
      %dma_wait3A_437 = tpu.memref_slice %arg12[%dma_wait3A_429] : memref<8x!tpu.dma_semaphore, #tpu.memory_space<semaphore_mem>> -> memref<1x!tpu.dma_semaphore, #tpu.memory_space<semaphore_mem>>
      %dma_wait3A_438 = tpu.memref_squeeze %dma_wait3A_437 : memref<1x!tpu.dma_semaphore, #tpu.memory_space<semaphore_mem>> -> memref<!tpu.dma_semaphore, #tpu.memory_space<semaphore_mem>>
      %dma_wait3A_439 = arith.constant 0 : i32
      %dma_wait3A_440 = arith.constant 0 : i32
      %dma_wait3A_441 = tpu.memref_slice %arg9[%dma_wait3A_428, %dma_wait3A_439, %dma_wait3A_440] : memref<8x64x128xf32, #tpu.memory_space<vmem>> -> memref<1x64x128xf32, #tpu.memory_space<vmem>>
      %dma_wait3A_442 = tpu.memref_squeeze %dma_wait3A_441 : memref<1x64x128xf32, #tpu.memory_space<vmem>> -> memref<64x128xf32, #tpu.memory_space<vmem>>
      %dma_wait3A_443 = arith.constant 0 : i32
      %dma_wait3A_444 = arith.constant 0 : i32
      %dma_wait3A_445 = tpu.memref_slice %arg2[%dma_wait3A_443, %dma_wait3A_444] : memref<10000x128xf32, #tpu.memory_space<hbm>> -> memref<64x128xf32, #tpu.memory_space<hbm>>
      tpu.wait_dma2 semaphore(%dma_wait3A_438 : memref<!tpu.dma_semaphore, #tpu.memory_space<semaphore_mem>>) src(%dma_wait3A_445 : memref<64x128xf32, #tpu.memory_space<hbm>>) dst(%dma_wait3A_442 : memref<64x128xf32, #tpu.memory_space<vmem>>)
      %add3A_446 = arith.constant 8 : i32
      %add3A_447 = arith.addi %add3A_427, %add3A_446 : i32
      %lt3A = arith.constant 80 : i32
      %lt3A_448 = arith.cmpi slt, %add3A_447, %lt3A : i32
      %convert_element_type3A_449 = arith.extui %lt3A_448 : i1 to i32
      %cond3A_450 = arith.constant 0 : i32
      %cond3A_451 = arith.cmpi ne, %convert_element_type3A_449, %cond3A_450 : i32
      scf.if %cond3A_451 {
        %add3A_641 = arith.constant 8 : i32
        %add3A_642 = arith.addi %add3A_427, %add3A_641 : i32
        %dma_start3A_643 = arith.constant 0 : i32
        %dma_start3A_644 = arith.constant 0 : i32
        %dma_start3A_645 = arith.constant 0 : i32
        %dma_start3A_646 = arith.constant 0 : i32
        %dma_start3A_647 = tpu.memref_slice %arg9[%dma_start3A_643, %dma_start3A_645, %dma_start3A_646] : memref<8x64x128xf32, #tpu.memory_space<vmem>> -> memref<1x64x128xf32, #tpu.memory_space<vmem>>
        %dma_start3A_648 = tpu.memref_squeeze %dma_start3A_647 : memref<1x64x128xf32, #tpu.memory_space<vmem>> -> memref<64x128xf32, #tpu.memory_space<vmem>>
        %dma_start3A_649 = arith.constant 0 : i32
        %dma_start3A_650 = tpu.memref_slice %arg8[%add3A_642, %dma_start3A_649] : memref<80x64xi32, #tpu.memory_space<vmem>> -> memref<1x64xi32, #tpu.memory_space<vmem>>
        %dma_start3A_651 = tpu.memref_squeeze %dma_start3A_650 : memref<1x64xi32, #tpu.memory_space<vmem>> -> memref<64xi32, #tpu.memory_space<vmem>>
        %dma_start3A_652 = arith.constant 0 : i32
        %dma_start3A_653 = arith.constant 0 : i32
        %dma_start3A_654 = tpu.memref_slice %arg2[%dma_start3A_652, %dma_start3A_653] : memref<10000x128xf32, #tpu.memory_space<hbm>> -> memref<10000x128xf32, #tpu.memory_space<hbm>>
        %dma_start3A_655 = tpu.memref_slice %arg11[%dma_start3A_644] : memref<8x!tpu.dma_semaphore, #tpu.memory_space<semaphore_mem>> -> memref<1x!tpu.dma_semaphore, #tpu.memory_space<semaphore_mem>>
        %dma_start3A_656 = tpu.memref_squeeze %dma_start3A_655 : memref<1x!tpu.dma_semaphore, #tpu.memory_space<semaphore_mem>> -> memref<!tpu.dma_semaphore, #tpu.memory_space<semaphore_mem>>
        tpu.enqueue_indirect_dma source(%dma_start3A_654 : memref<10000x128xf32, #tpu.memory_space<hbm>>) target(%dma_start3A_648 : memref<64x128xf32, #tpu.memory_space<vmem>>) offsets(%dma_start3A_651 : memref<64xi32, #tpu.memory_space<vmem>>) semaphore(%dma_start3A_656 : memref<!tpu.dma_semaphore, #tpu.memory_space<semaphore_mem>>)
      } else {
      }
      %add3A_452 = arith.constant 1 : i32
      %add3A_453 = arith.addi %add3A_154, %add3A_452 : i32
      %dma_wait3A_454 = arith.constant 1 : i32
      %dma_wait3A_455 = arith.constant 1 : i32
      %dma_wait3A_456 = arith.constant 0 : i32
      %dma_wait3A_457 = arith.constant 0 : i32
      %dma_wait3A_458 = tpu.memref_slice %arg9[%dma_wait3A_454, %dma_wait3A_456, %dma_wait3A_457] : memref<8x64x128xf32, #tpu.memory_space<vmem>> -> memref<1x64x128xf32, #tpu.memory_space<vmem>>
      %dma_wait3A_459 = tpu.memref_squeeze %dma_wait3A_458 : memref<1x64x128xf32, #tpu.memory_space<vmem>> -> memref<64x128xf32, #tpu.memory_space<vmem>>
      %dma_wait3A_460 = arith.constant 0 : i32
      %dma_wait3A_461 = arith.constant 0 : i32
      %dma_wait3A_462 = tpu.memref_slice %arg2[%dma_wait3A_460, %dma_wait3A_461] : memref<10000x128xf32, #tpu.memory_space<hbm>> -> memref<64x128xf32, #tpu.memory_space<hbm>>
      %dma_wait3A_463 = tpu.memref_slice %arg12[%dma_wait3A_455] : memref<8x!tpu.dma_semaphore, #tpu.memory_space<semaphore_mem>> -> memref<1x!tpu.dma_semaphore, #tpu.memory_space<semaphore_mem>>
      %dma_wait3A_464 = tpu.memref_squeeze %dma_wait3A_463 : memref<1x!tpu.dma_semaphore, #tpu.memory_space<semaphore_mem>> -> memref<!tpu.dma_semaphore, #tpu.memory_space<semaphore_mem>>
      %dma_wait3A_465 = arith.constant 0 : i32
      %dma_wait3A_466 = arith.constant 0 : i32
      %dma_wait3A_467 = tpu.memref_slice %arg9[%dma_wait3A_454, %dma_wait3A_465, %dma_wait3A_466] : memref<8x64x128xf32, #tpu.memory_space<vmem>> -> memref<1x64x128xf32, #tpu.memory_space<vmem>>
      %dma_wait3A_468 = tpu.memref_squeeze %dma_wait3A_467 : memref<1x64x128xf32, #tpu.memory_space<vmem>> -> memref<64x128xf32, #tpu.memory_space<vmem>>
      %dma_wait3A_469 = arith.constant 0 : i32
      %dma_wait3A_470 = arith.constant 0 : i32
      %dma_wait3A_471 = tpu.memref_slice %arg2[%dma_wait3A_469, %dma_wait3A_470] : memref<10000x128xf32, #tpu.memory_space<hbm>> -> memref<64x128xf32, #tpu.memory_space<hbm>>
      tpu.wait_dma2 semaphore(%dma_wait3A_464 : memref<!tpu.dma_semaphore, #tpu.memory_space<semaphore_mem>>) src(%dma_wait3A_471 : memref<64x128xf32, #tpu.memory_space<hbm>>) dst(%dma_wait3A_468 : memref<64x128xf32, #tpu.memory_space<vmem>>)
      %add3A_472 = arith.constant 8 : i32
      %add3A_473 = arith.addi %add3A_453, %add3A_472 : i32
      %lt3A_474 = arith.constant 80 : i32
      %lt3A_475 = arith.cmpi slt, %add3A_473, %lt3A_474 : i32
      %convert_element_type3A_476 = arith.extui %lt3A_475 : i1 to i32
      %cond3A_477 = arith.constant 0 : i32
      %cond3A_478 = arith.cmpi ne, %convert_element_type3A_476, %cond3A_477 : i32
      scf.if %cond3A_478 {
        %add3A_641 = arith.constant 8 : i32
        %add3A_642 = arith.addi %add3A_453, %add3A_641 : i32
        %dma_start3A_643 = arith.constant 1 : i32
        %dma_start3A_644 = arith.constant 1 : i32
        %dma_start3A_645 = arith.constant 0 : i32
        %dma_start3A_646 = arith.constant 0 : i32
        %dma_start3A_647 = tpu.memref_slice %arg9[%dma_start3A_643, %dma_start3A_645, %dma_start3A_646] : memref<8x64x128xf32, #tpu.memory_space<vmem>> -> memref<1x64x128xf32, #tpu.memory_space<vmem>>
        %dma_start3A_648 = tpu.memref_squeeze %dma_start3A_647 : memref<1x64x128xf32, #tpu.memory_space<vmem>> -> memref<64x128xf32, #tpu.memory_space<vmem>>
        %dma_start3A_649 = arith.constant 0 : i32
        %dma_start3A_650 = tpu.memref_slice %arg8[%add3A_642, %dma_start3A_649] : memref<80x64xi32, #tpu.memory_space<vmem>> -> memref<1x64xi32, #tpu.memory_space<vmem>>
        %dma_start3A_651 = tpu.memref_squeeze %dma_start3A_650 : memref<1x64xi32, #tpu.memory_space<vmem>> -> memref<64xi32, #tpu.memory_space<vmem>>
        %dma_start3A_652 = arith.constant 0 : i32
        %dma_start3A_653 = arith.constant 0 : i32
        %dma_start3A_654 = tpu.memref_slice %arg2[%dma_start3A_652, %dma_start3A_653] : memref<10000x128xf32, #tpu.memory_space<hbm>> -> memref<10000x128xf32, #tpu.memory_space<hbm>>
        %dma_start3A_655 = tpu.memref_slice %arg11[%dma_start3A_644] : memref<8x!tpu.dma_semaphore, #tpu.memory_space<semaphore_mem>> -> memref<1x!tpu.dma_semaphore, #tpu.memory_space<semaphore_mem>>
        %dma_start3A_656 = tpu.memref_squeeze %dma_start3A_655 : memref<1x!tpu.dma_semaphore, #tpu.memory_space<semaphore_mem>> -> memref<!tpu.dma_semaphore, #tpu.memory_space<semaphore_mem>>
        tpu.enqueue_indirect_dma source(%dma_start3A_654 : memref<10000x128xf32, #tpu.memory_space<hbm>>) target(%dma_start3A_648 : memref<64x128xf32, #tpu.memory_space<vmem>>) offsets(%dma_start3A_651 : memref<64xi32, #tpu.memory_space<vmem>>) semaphore(%dma_start3A_656 : memref<!tpu.dma_semaphore, #tpu.memory_space<semaphore_mem>>)
      } else {
      }
      %add3A_479 = arith.constant 2 : i32
      %add3A_480 = arith.addi %add3A_154, %add3A_479 : i32
      %dma_wait3A_481 = arith.constant 2 : i32
      %dma_wait3A_482 = arith.constant 2 : i32
      %dma_wait3A_483 = arith.constant 0 : i32
      %dma_wait3A_484 = arith.constant 0 : i32
      %dma_wait3A_485 = tpu.memref_slice %arg9[%dma_wait3A_481, %dma_wait3A_483, %dma_wait3A_484] : memref<8x64x128xf32, #tpu.memory_space<vmem>> -> memref<1x64x128xf32, #tpu.memory_space<vmem>>
      %dma_wait3A_486 = tpu.memref_squeeze %dma_wait3A_485 : memref<1x64x128xf32, #tpu.memory_space<vmem>> -> memref<64x128xf32, #tpu.memory_space<vmem>>
      %dma_wait3A_487 = arith.constant 0 : i32
      %dma_wait3A_488 = arith.constant 0 : i32
      %dma_wait3A_489 = tpu.memref_slice %arg2[%dma_wait3A_487, %dma_wait3A_488] : memref<10000x128xf32, #tpu.memory_space<hbm>> -> memref<64x128xf32, #tpu.memory_space<hbm>>
      %dma_wait3A_490 = tpu.memref_slice %arg12[%dma_wait3A_482] : memref<8x!tpu.dma_semaphore, #tpu.memory_space<semaphore_mem>> -> memref<1x!tpu.dma_semaphore, #tpu.memory_space<semaphore_mem>>
      %dma_wait3A_491 = tpu.memref_squeeze %dma_wait3A_490 : memref<1x!tpu.dma_semaphore, #tpu.memory_space<semaphore_mem>> -> memref<!tpu.dma_semaphore, #tpu.memory_space<semaphore_mem>>
      %dma_wait3A_492 = arith.constant 0 : i32
      %dma_wait3A_493 = arith.constant 0 : i32
      %dma_wait3A_494 = tpu.memref_slice %arg9[%dma_wait3A_481, %dma_wait3A_492, %dma_wait3A_493] : memref<8x64x128xf32, #tpu.memory_space<vmem>> -> memref<1x64x128xf32, #tpu.memory_space<vmem>>
      %dma_wait3A_495 = tpu.memref_squeeze %dma_wait3A_494 : memref<1x64x128xf32, #tpu.memory_space<vmem>> -> memref<64x128xf32, #tpu.memory_space<vmem>>
      %dma_wait3A_496 = arith.constant 0 : i32
      %dma_wait3A_497 = arith.constant 0 : i32
      %dma_wait3A_498 = tpu.memref_slice %arg2[%dma_wait3A_496, %dma_wait3A_497] : memref<10000x128xf32, #tpu.memory_space<hbm>> -> memref<64x128xf32, #tpu.memory_space<hbm>>
      tpu.wait_dma2 semaphore(%dma_wait3A_491 : memref<!tpu.dma_semaphore, #tpu.memory_space<semaphore_mem>>) src(%dma_wait3A_498 : memref<64x128xf32, #tpu.memory_space<hbm>>) dst(%dma_wait3A_495 : memref<64x128xf32, #tpu.memory_space<vmem>>)
      %add3A_499 = arith.constant 8 : i32
      %add3A_500 = arith.addi %add3A_480, %add3A_499 : i32
      %lt3A_501 = arith.constant 80 : i32
      %lt3A_502 = arith.cmpi slt, %add3A_500, %lt3A_501 : i32
      %convert_element_type3A_503 = arith.extui %lt3A_502 : i1 to i32
      %cond3A_504 = arith.constant 0 : i32
      %cond3A_505 = arith.cmpi ne, %convert_element_type3A_503, %cond3A_504 : i32
      scf.if %cond3A_505 {
        %add3A_641 = arith.constant 8 : i32
        %add3A_642 = arith.addi %add3A_480, %add3A_641 : i32
        %dma_start3A_643 = arith.constant 2 : i32
        %dma_start3A_644 = arith.constant 2 : i32
        %dma_start3A_645 = arith.constant 0 : i32
        %dma_start3A_646 = arith.constant 0 : i32
        %dma_start3A_647 = tpu.memref_slice %arg9[%dma_start3A_643, %dma_start3A_645, %dma_start3A_646] : memref<8x64x128xf32, #tpu.memory_space<vmem>> -> memref<1x64x128xf32, #tpu.memory_space<vmem>>
        %dma_start3A_648 = tpu.memref_squeeze %dma_start3A_647 : memref<1x64x128xf32, #tpu.memory_space<vmem>> -> memref<64x128xf32, #tpu.memory_space<vmem>>
        %dma_start3A_649 = arith.constant 0 : i32
        %dma_start3A_650 = tpu.memref_slice %arg8[%add3A_642, %dma_start3A_649] : memref<80x64xi32, #tpu.memory_space<vmem>> -> memref<1x64xi32, #tpu.memory_space<vmem>>
        %dma_start3A_651 = tpu.memref_squeeze %dma_start3A_650 : memref<1x64xi32, #tpu.memory_space<vmem>> -> memref<64xi32, #tpu.memory_space<vmem>>
        %dma_start3A_652 = arith.constant 0 : i32
        %dma_start3A_653 = arith.constant 0 : i32
        %dma_start3A_654 = tpu.memref_slice %arg2[%dma_start3A_652, %dma_start3A_653] : memref<10000x128xf32, #tpu.memory_space<hbm>> -> memref<10000x128xf32, #tpu.memory_space<hbm>>
        %dma_start3A_655 = tpu.memref_slice %arg11[%dma_start3A_644] : memref<8x!tpu.dma_semaphore, #tpu.memory_space<semaphore_mem>> -> memref<1x!tpu.dma_semaphore, #tpu.memory_space<semaphore_mem>>
        %dma_start3A_656 = tpu.memref_squeeze %dma_start3A_655 : memref<1x!tpu.dma_semaphore, #tpu.memory_space<semaphore_mem>> -> memref<!tpu.dma_semaphore, #tpu.memory_space<semaphore_mem>>
        tpu.enqueue_indirect_dma source(%dma_start3A_654 : memref<10000x128xf32, #tpu.memory_space<hbm>>) target(%dma_start3A_648 : memref<64x128xf32, #tpu.memory_space<vmem>>) offsets(%dma_start3A_651 : memref<64xi32, #tpu.memory_space<vmem>>) semaphore(%dma_start3A_656 : memref<!tpu.dma_semaphore, #tpu.memory_space<semaphore_mem>>)
      } else {
      }
      %add3A_506 = arith.constant 3 : i32
      %add3A_507 = arith.addi %add3A_154, %add3A_506 : i32
      %dma_wait3A_508 = arith.constant 3 : i32
      %dma_wait3A_509 = arith.constant 3 : i32
      %dma_wait3A_510 = arith.constant 0 : i32
      %dma_wait3A_511 = arith.constant 0 : i32
      %dma_wait3A_512 = tpu.memref_slice %arg9[%dma_wait3A_508, %dma_wait3A_510, %dma_wait3A_511] : memref<8x64x128xf32, #tpu.memory_space<vmem>> -> memref<1x64x128xf32, #tpu.memory_space<vmem>>
      %dma_wait3A_513 = tpu.memref_squeeze %dma_wait3A_512 : memref<1x64x128xf32, #tpu.memory_space<vmem>> -> memref<64x128xf32, #tpu.memory_space<vmem>>
      %dma_wait3A_514 = arith.constant 0 : i32
      %dma_wait3A_515 = arith.constant 0 : i32
      %dma_wait3A_516 = tpu.memref_slice %arg2[%dma_wait3A_514, %dma_wait3A_515] : memref<10000x128xf32, #tpu.memory_space<hbm>> -> memref<64x128xf32, #tpu.memory_space<hbm>>
      %dma_wait3A_517 = tpu.memref_slice %arg12[%dma_wait3A_509] : memref<8x!tpu.dma_semaphore, #tpu.memory_space<semaphore_mem>> -> memref<1x!tpu.dma_semaphore, #tpu.memory_space<semaphore_mem>>
      %dma_wait3A_518 = tpu.memref_squeeze %dma_wait3A_517 : memref<1x!tpu.dma_semaphore, #tpu.memory_space<semaphore_mem>> -> memref<!tpu.dma_semaphore, #tpu.memory_space<semaphore_mem>>
      %dma_wait3A_519 = arith.constant 0 : i32
      %dma_wait3A_520 = arith.constant 0 : i32
      %dma_wait3A_521 = tpu.memref_slice %arg9[%dma_wait3A_508, %dma_wait3A_519, %dma_wait3A_520] : memref<8x64x128xf32, #tpu.memory_space<vmem>> -> memref<1x64x128xf32, #tpu.memory_space<vmem>>
      %dma_wait3A_522 = tpu.memref_squeeze %dma_wait3A_521 : memref<1x64x128xf32, #tpu.memory_space<vmem>> -> memref<64x128xf32, #tpu.memory_space<vmem>>
      %dma_wait3A_523 = arith.constant 0 : i32
      %dma_wait3A_524 = arith.constant 0 : i32
      %dma_wait3A_525 = tpu.memref_slice %arg2[%dma_wait3A_523, %dma_wait3A_524] : memref<10000x128xf32, #tpu.memory_space<hbm>> -> memref<64x128xf32, #tpu.memory_space<hbm>>
      tpu.wait_dma2 semaphore(%dma_wait3A_518 : memref<!tpu.dma_semaphore, #tpu.memory_space<semaphore_mem>>) src(%dma_wait3A_525 : memref<64x128xf32, #tpu.memory_space<hbm>>) dst(%dma_wait3A_522 : memref<64x128xf32, #tpu.memory_space<vmem>>)
      %add3A_526 = arith.constant 8 : i32
      %add3A_527 = arith.addi %add3A_507, %add3A_526 : i32
      %lt3A_528 = arith.constant 80 : i32
      %lt3A_529 = arith.cmpi slt, %add3A_527, %lt3A_528 : i32
      %convert_element_type3A_530 = arith.extui %lt3A_529 : i1 to i32
      %cond3A_531 = arith.constant 0 : i32
      %cond3A_532 = arith.cmpi ne, %convert_element_type3A_530, %cond3A_531 : i32
      scf.if %cond3A_532 {
        %add3A_641 = arith.constant 8 : i32
        %add3A_642 = arith.addi %add3A_507, %add3A_641 : i32
        %dma_start3A_643 = arith.constant 3 : i32
        %dma_start3A_644 = arith.constant 3 : i32
        %dma_start3A_645 = arith.constant 0 : i32
        %dma_start3A_646 = arith.constant 0 : i32
        %dma_start3A_647 = tpu.memref_slice %arg9[%dma_start3A_643, %dma_start3A_645, %dma_start3A_646] : memref<8x64x128xf32, #tpu.memory_space<vmem>> -> memref<1x64x128xf32, #tpu.memory_space<vmem>>
        %dma_start3A_648 = tpu.memref_squeeze %dma_start3A_647 : memref<1x64x128xf32, #tpu.memory_space<vmem>> -> memref<64x128xf32, #tpu.memory_space<vmem>>
        %dma_start3A_649 = arith.constant 0 : i32
        %dma_start3A_650 = tpu.memref_slice %arg8[%add3A_642, %dma_start3A_649] : memref<80x64xi32, #tpu.memory_space<vmem>> -> memref<1x64xi32, #tpu.memory_space<vmem>>
        %dma_start3A_651 = tpu.memref_squeeze %dma_start3A_650 : memref<1x64xi32, #tpu.memory_space<vmem>> -> memref<64xi32, #tpu.memory_space<vmem>>
        %dma_start3A_652 = arith.constant 0 : i32
        %dma_start3A_653 = arith.constant 0 : i32
        %dma_start3A_654 = tpu.memref_slice %arg2[%dma_start3A_652, %dma_start3A_653] : memref<10000x128xf32, #tpu.memory_space<hbm>> -> memref<10000x128xf32, #tpu.memory_space<hbm>>
        %dma_start3A_655 = tpu.memref_slice %arg11[%dma_start3A_644] : memref<8x!tpu.dma_semaphore, #tpu.memory_space<semaphore_mem>> -> memref<1x!tpu.dma_semaphore, #tpu.memory_space<semaphore_mem>>
        %dma_start3A_656 = tpu.memref_squeeze %dma_start3A_655 : memref<1x!tpu.dma_semaphore, #tpu.memory_space<semaphore_mem>> -> memref<!tpu.dma_semaphore, #tpu.memory_space<semaphore_mem>>
        tpu.enqueue_indirect_dma source(%dma_start3A_654 : memref<10000x128xf32, #tpu.memory_space<hbm>>) target(%dma_start3A_648 : memref<64x128xf32, #tpu.memory_space<vmem>>) offsets(%dma_start3A_651 : memref<64xi32, #tpu.memory_space<vmem>>) semaphore(%dma_start3A_656 : memref<!tpu.dma_semaphore, #tpu.memory_space<semaphore_mem>>)
      } else {
      }
      %add3A_533 = arith.constant 4 : i32
      %add3A_534 = arith.addi %add3A_154, %add3A_533 : i32
      %dma_wait3A_535 = arith.constant 4 : i32
      %dma_wait3A_536 = arith.constant 4 : i32
      %dma_wait3A_537 = arith.constant 0 : i32
      %dma_wait3A_538 = arith.constant 0 : i32
      %dma_wait3A_539 = tpu.memref_slice %arg9[%dma_wait3A_535, %dma_wait3A_537, %dma_wait3A_538] : memref<8x64x128xf32, #tpu.memory_space<vmem>> -> memref<1x64x128xf32, #tpu.memory_space<vmem>>
      %dma_wait3A_540 = tpu.memref_squeeze %dma_wait3A_539 : memref<1x64x128xf32, #tpu.memory_space<vmem>> -> memref<64x128xf32, #tpu.memory_space<vmem>>
      %dma_wait3A_541 = arith.constant 0 : i32
      %dma_wait3A_542 = arith.constant 0 : i32
      %dma_wait3A_543 = tpu.memref_slice %arg2[%dma_wait3A_541, %dma_wait3A_542] : memref<10000x128xf32, #tpu.memory_space<hbm>> -> memref<64x128xf32, #tpu.memory_space<hbm>>
      %dma_wait3A_544 = tpu.memref_slice %arg12[%dma_wait3A_536] : memref<8x!tpu.dma_semaphore, #tpu.memory_space<semaphore_mem>> -> memref<1x!tpu.dma_semaphore, #tpu.memory_space<semaphore_mem>>
      %dma_wait3A_545 = tpu.memref_squeeze %dma_wait3A_544 : memref<1x!tpu.dma_semaphore, #tpu.memory_space<semaphore_mem>> -> memref<!tpu.dma_semaphore, #tpu.memory_space<semaphore_mem>>
      %dma_wait3A_546 = arith.constant 0 : i32
      %dma_wait3A_547 = arith.constant 0 : i32
      %dma_wait3A_548 = tpu.memref_slice %arg9[%dma_wait3A_535, %dma_wait3A_546, %dma_wait3A_547] : memref<8x64x128xf32, #tpu.memory_space<vmem>> -> memref<1x64x128xf32, #tpu.memory_space<vmem>>
      %dma_wait3A_549 = tpu.memref_squeeze %dma_wait3A_548 : memref<1x64x128xf32, #tpu.memory_space<vmem>> -> memref<64x128xf32, #tpu.memory_space<vmem>>
      %dma_wait3A_550 = arith.constant 0 : i32
      %dma_wait3A_551 = arith.constant 0 : i32
      %dma_wait3A_552 = tpu.memref_slice %arg2[%dma_wait3A_550, %dma_wait3A_551] : memref<10000x128xf32, #tpu.memory_space<hbm>> -> memref<64x128xf32, #tpu.memory_space<hbm>>
      tpu.wait_dma2 semaphore(%dma_wait3A_545 : memref<!tpu.dma_semaphore, #tpu.memory_space<semaphore_mem>>) src(%dma_wait3A_552 : memref<64x128xf32, #tpu.memory_space<hbm>>) dst(%dma_wait3A_549 : memref<64x128xf32, #tpu.memory_space<vmem>>)
      %add3A_553 = arith.constant 8 : i32
      %add3A_554 = arith.addi %add3A_534, %add3A_553 : i32
      %lt3A_555 = arith.constant 80 : i32
      %lt3A_556 = arith.cmpi slt, %add3A_554, %lt3A_555 : i32
      %convert_element_type3A_557 = arith.extui %lt3A_556 : i1 to i32
      %cond3A_558 = arith.constant 0 : i32
      %cond3A_559 = arith.cmpi ne, %convert_element_type3A_557, %cond3A_558 : i32
      scf.if %cond3A_559 {
        %add3A_641 = arith.constant 8 : i32
        %add3A_642 = arith.addi %add3A_534, %add3A_641 : i32
        %dma_start3A_643 = arith.constant 4 : i32
        %dma_start3A_644 = arith.constant 4 : i32
        %dma_start3A_645 = arith.constant 0 : i32
        %dma_start3A_646 = arith.constant 0 : i32
        %dma_start3A_647 = tpu.memref_slice %arg9[%dma_start3A_643, %dma_start3A_645, %dma_start3A_646] : memref<8x64x128xf32, #tpu.memory_space<vmem>> -> memref<1x64x128xf32, #tpu.memory_space<vmem>>
        %dma_start3A_648 = tpu.memref_squeeze %dma_start3A_647 : memref<1x64x128xf32, #tpu.memory_space<vmem>> -> memref<64x128xf32, #tpu.memory_space<vmem>>
        %dma_start3A_649 = arith.constant 0 : i32
        %dma_start3A_650 = tpu.memref_slice %arg8[%add3A_642, %dma_start3A_649] : memref<80x64xi32, #tpu.memory_space<vmem>> -> memref<1x64xi32, #tpu.memory_space<vmem>>
        %dma_start3A_651 = tpu.memref_squeeze %dma_start3A_650 : memref<1x64xi32, #tpu.memory_space<vmem>> -> memref<64xi32, #tpu.memory_space<vmem>>
        %dma_start3A_652 = arith.constant 0 : i32
        %dma_start3A_653 = arith.constant 0 : i32
        %dma_start3A_654 = tpu.memref_slice %arg2[%dma_start3A_652, %dma_start3A_653] : memref<10000x128xf32, #tpu.memory_space<hbm>> -> memref<10000x128xf32, #tpu.memory_space<hbm>>
        %dma_start3A_655 = tpu.memref_slice %arg11[%dma_start3A_644] : memref<8x!tpu.dma_semaphore, #tpu.memory_space<semaphore_mem>> -> memref<1x!tpu.dma_semaphore, #tpu.memory_space<semaphore_mem>>
        %dma_start3A_656 = tpu.memref_squeeze %dma_start3A_655 : memref<1x!tpu.dma_semaphore, #tpu.memory_space<semaphore_mem>> -> memref<!tpu.dma_semaphore, #tpu.memory_space<semaphore_mem>>
        tpu.enqueue_indirect_dma source(%dma_start3A_654 : memref<10000x128xf32, #tpu.memory_space<hbm>>) target(%dma_start3A_648 : memref<64x128xf32, #tpu.memory_space<vmem>>) offsets(%dma_start3A_651 : memref<64xi32, #tpu.memory_space<vmem>>) semaphore(%dma_start3A_656 : memref<!tpu.dma_semaphore, #tpu.memory_space<semaphore_mem>>)
      } else {
      }
      %add3A_560 = arith.constant 5 : i32
      %add3A_561 = arith.addi %add3A_154, %add3A_560 : i32
      %dma_wait3A_562 = arith.constant 5 : i32
      %dma_wait3A_563 = arith.constant 5 : i32
      %dma_wait3A_564 = arith.constant 0 : i32
      %dma_wait3A_565 = arith.constant 0 : i32
      %dma_wait3A_566 = tpu.memref_slice %arg9[%dma_wait3A_562, %dma_wait3A_564, %dma_wait3A_565] : memref<8x64x128xf32, #tpu.memory_space<vmem>> -> memref<1x64x128xf32, #tpu.memory_space<vmem>>
      %dma_wait3A_567 = tpu.memref_squeeze %dma_wait3A_566 : memref<1x64x128xf32, #tpu.memory_space<vmem>> -> memref<64x128xf32, #tpu.memory_space<vmem>>
      %dma_wait3A_568 = arith.constant 0 : i32
      %dma_wait3A_569 = arith.constant 0 : i32
      %dma_wait3A_570 = tpu.memref_slice %arg2[%dma_wait3A_568, %dma_wait3A_569] : memref<10000x128xf32, #tpu.memory_space<hbm>> -> memref<64x128xf32, #tpu.memory_space<hbm>>
      %dma_wait3A_571 = tpu.memref_slice %arg12[%dma_wait3A_563] : memref<8x!tpu.dma_semaphore, #tpu.memory_space<semaphore_mem>> -> memref<1x!tpu.dma_semaphore, #tpu.memory_space<semaphore_mem>>
      %dma_wait3A_572 = tpu.memref_squeeze %dma_wait3A_571 : memref<1x!tpu.dma_semaphore, #tpu.memory_space<semaphore_mem>> -> memref<!tpu.dma_semaphore, #tpu.memory_space<semaphore_mem>>
      %dma_wait3A_573 = arith.constant 0 : i32
      %dma_wait3A_574 = arith.constant 0 : i32
      %dma_wait3A_575 = tpu.memref_slice %arg9[%dma_wait3A_562, %dma_wait3A_573, %dma_wait3A_574] : memref<8x64x128xf32, #tpu.memory_space<vmem>> -> memref<1x64x128xf32, #tpu.memory_space<vmem>>
      %dma_wait3A_576 = tpu.memref_squeeze %dma_wait3A_575 : memref<1x64x128xf32, #tpu.memory_space<vmem>> -> memref<64x128xf32, #tpu.memory_space<vmem>>
      %dma_wait3A_577 = arith.constant 0 : i32
      %dma_wait3A_578 = arith.constant 0 : i32
      %dma_wait3A_579 = tpu.memref_slice %arg2[%dma_wait3A_577, %dma_wait3A_578] : memref<10000x128xf32, #tpu.memory_space<hbm>> -> memref<64x128xf32, #tpu.memory_space<hbm>>
      tpu.wait_dma2 semaphore(%dma_wait3A_572 : memref<!tpu.dma_semaphore, #tpu.memory_space<semaphore_mem>>) src(%dma_wait3A_579 : memref<64x128xf32, #tpu.memory_space<hbm>>) dst(%dma_wait3A_576 : memref<64x128xf32, #tpu.memory_space<vmem>>)
      %add3A_580 = arith.constant 8 : i32
      %add3A_581 = arith.addi %add3A_561, %add3A_580 : i32
      %lt3A_582 = arith.constant 80 : i32
      %lt3A_583 = arith.cmpi slt, %add3A_581, %lt3A_582 : i32
      %convert_element_type3A_584 = arith.extui %lt3A_583 : i1 to i32
      %cond3A_585 = arith.constant 0 : i32
      %cond3A_586 = arith.cmpi ne, %convert_element_type3A_584, %cond3A_585 : i32
      scf.if %cond3A_586 {
        %add3A_641 = arith.constant 8 : i32
        %add3A_642 = arith.addi %add3A_561, %add3A_641 : i32
        %dma_start3A_643 = arith.constant 5 : i32
        %dma_start3A_644 = arith.constant 5 : i32
        %dma_start3A_645 = arith.constant 0 : i32
        %dma_start3A_646 = arith.constant 0 : i32
        %dma_start3A_647 = tpu.memref_slice %arg9[%dma_start3A_643, %dma_start3A_645, %dma_start3A_646] : memref<8x64x128xf32, #tpu.memory_space<vmem>> -> memref<1x64x128xf32, #tpu.memory_space<vmem>>
        %dma_start3A_648 = tpu.memref_squeeze %dma_start3A_647 : memref<1x64x128xf32, #tpu.memory_space<vmem>> -> memref<64x128xf32, #tpu.memory_space<vmem>>
        %dma_start3A_649 = arith.constant 0 : i32
        %dma_start3A_650 = tpu.memref_slice %arg8[%add3A_642, %dma_start3A_649] : memref<80x64xi32, #tpu.memory_space<vmem>> -> memref<1x64xi32, #tpu.memory_space<vmem>>
        %dma_start3A_651 = tpu.memref_squeeze %dma_start3A_650 : memref<1x64xi32, #tpu.memory_space<vmem>> -> memref<64xi32, #tpu.memory_space<vmem>>
        %dma_start3A_652 = arith.constant 0 : i32
        %dma_start3A_653 = arith.constant 0 : i32
        %dma_start3A_654 = tpu.memref_slice %arg2[%dma_start3A_652, %dma_start3A_653] : memref<10000x128xf32, #tpu.memory_space<hbm>> -> memref<10000x128xf32, #tpu.memory_space<hbm>>
        %dma_start3A_655 = tpu.memref_slice %arg11[%dma_start3A_644] : memref<8x!tpu.dma_semaphore, #tpu.memory_space<semaphore_mem>> -> memref<1x!tpu.dma_semaphore, #tpu.memory_space<semaphore_mem>>
        %dma_start3A_656 = tpu.memref_squeeze %dma_start3A_655 : memref<1x!tpu.dma_semaphore, #tpu.memory_space<semaphore_mem>> -> memref<!tpu.dma_semaphore, #tpu.memory_space<semaphore_mem>>
        tpu.enqueue_indirect_dma source(%dma_start3A_654 : memref<10000x128xf32, #tpu.memory_space<hbm>>) target(%dma_start3A_648 : memref<64x128xf32, #tpu.memory_space<vmem>>) offsets(%dma_start3A_651 : memref<64xi32, #tpu.memory_space<vmem>>) semaphore(%dma_start3A_656 : memref<!tpu.dma_semaphore, #tpu.memory_space<semaphore_mem>>)
      } else {
      }
      %add3A_587 = arith.constant 6 : i32
      %add3A_588 = arith.addi %add3A_154, %add3A_587 : i32
      %dma_wait3A_589 = arith.constant 6 : i32
      %dma_wait3A_590 = arith.constant 6 : i32
      %dma_wait3A_591 = arith.constant 0 : i32
      %dma_wait3A_592 = arith.constant 0 : i32
      %dma_wait3A_593 = tpu.memref_slice %arg9[%dma_wait3A_589, %dma_wait3A_591, %dma_wait3A_592] : memref<8x64x128xf32, #tpu.memory_space<vmem>> -> memref<1x64x128xf32, #tpu.memory_space<vmem>>
      %dma_wait3A_594 = tpu.memref_squeeze %dma_wait3A_593 : memref<1x64x128xf32, #tpu.memory_space<vmem>> -> memref<64x128xf32, #tpu.memory_space<vmem>>
      %dma_wait3A_595 = arith.constant 0 : i32
      %dma_wait3A_596 = arith.constant 0 : i32
      %dma_wait3A_597 = tpu.memref_slice %arg2[%dma_wait3A_595, %dma_wait3A_596] : memref<10000x128xf32, #tpu.memory_space<hbm>> -> memref<64x128xf32, #tpu.memory_space<hbm>>
      %dma_wait3A_598 = tpu.memref_slice %arg12[%dma_wait3A_590] : memref<8x!tpu.dma_semaphore, #tpu.memory_space<semaphore_mem>> -> memref<1x!tpu.dma_semaphore, #tpu.memory_space<semaphore_mem>>
      %dma_wait3A_599 = tpu.memref_squeeze %dma_wait3A_598 : memref<1x!tpu.dma_semaphore, #tpu.memory_space<semaphore_mem>> -> memref<!tpu.dma_semaphore, #tpu.memory_space<semaphore_mem>>
      %dma_wait3A_600 = arith.constant 0 : i32
      %dma_wait3A_601 = arith.constant 0 : i32
      %dma_wait3A_602 = tpu.memref_slice %arg9[%dma_wait3A_589, %dma_wait3A_600, %dma_wait3A_601] : memref<8x64x128xf32, #tpu.memory_space<vmem>> -> memref<1x64x128xf32, #tpu.memory_space<vmem>>
      %dma_wait3A_603 = tpu.memref_squeeze %dma_wait3A_602 : memref<1x64x128xf32, #tpu.memory_space<vmem>> -> memref<64x128xf32, #tpu.memory_space<vmem>>
      %dma_wait3A_604 = arith.constant 0 : i32
      %dma_wait3A_605 = arith.constant 0 : i32
      %dma_wait3A_606 = tpu.memref_slice %arg2[%dma_wait3A_604, %dma_wait3A_605] : memref<10000x128xf32, #tpu.memory_space<hbm>> -> memref<64x128xf32, #tpu.memory_space<hbm>>
      tpu.wait_dma2 semaphore(%dma_wait3A_599 : memref<!tpu.dma_semaphore, #tpu.memory_space<semaphore_mem>>) src(%dma_wait3A_606 : memref<64x128xf32, #tpu.memory_space<hbm>>) dst(%dma_wait3A_603 : memref<64x128xf32, #tpu.memory_space<vmem>>)
      %add3A_607 = arith.constant 8 : i32
      %add3A_608 = arith.addi %add3A_588, %add3A_607 : i32
      %lt3A_609 = arith.constant 80 : i32
      %lt3A_610 = arith.cmpi slt, %add3A_608, %lt3A_609 : i32
      %convert_element_type3A_611 = arith.extui %lt3A_610 : i1 to i32
      %cond3A_612 = arith.constant 0 : i32
      %cond3A_613 = arith.cmpi ne, %convert_element_type3A_611, %cond3A_612 : i32
      scf.if %cond3A_613 {
        %add3A_641 = arith.constant 8 : i32
        %add3A_642 = arith.addi %add3A_588, %add3A_641 : i32
        %dma_start3A_643 = arith.constant 6 : i32
        %dma_start3A_644 = arith.constant 6 : i32
        %dma_start3A_645 = arith.constant 0 : i32
        %dma_start3A_646 = arith.constant 0 : i32
        %dma_start3A_647 = tpu.memref_slice %arg9[%dma_start3A_643, %dma_start3A_645, %dma_start3A_646] : memref<8x64x128xf32, #tpu.memory_space<vmem>> -> memref<1x64x128xf32, #tpu.memory_space<vmem>>
        %dma_start3A_648 = tpu.memref_squeeze %dma_start3A_647 : memref<1x64x128xf32, #tpu.memory_space<vmem>> -> memref<64x128xf32, #tpu.memory_space<vmem>>
        %dma_start3A_649 = arith.constant 0 : i32
        %dma_start3A_650 = tpu.memref_slice %arg8[%add3A_642, %dma_start3A_649] : memref<80x64xi32, #tpu.memory_space<vmem>> -> memref<1x64xi32, #tpu.memory_space<vmem>>
        %dma_start3A_651 = tpu.memref_squeeze %dma_start3A_650 : memref<1x64xi32, #tpu.memory_space<vmem>> -> memref<64xi32, #tpu.memory_space<vmem>>
        %dma_start3A_652 = arith.constant 0 : i32
        %dma_start3A_653 = arith.constant 0 : i32
        %dma_start3A_654 = tpu.memref_slice %arg2[%dma_start3A_652, %dma_start3A_653] : memref<10000x128xf32, #tpu.memory_space<hbm>> -> memref<10000x128xf32, #tpu.memory_space<hbm>>
        %dma_start3A_655 = tpu.memref_slice %arg11[%dma_start3A_644] : memref<8x!tpu.dma_semaphore, #tpu.memory_space<semaphore_mem>> -> memref<1x!tpu.dma_semaphore, #tpu.memory_space<semaphore_mem>>
        %dma_start3A_656 = tpu.memref_squeeze %dma_start3A_655 : memref<1x!tpu.dma_semaphore, #tpu.memory_space<semaphore_mem>> -> memref<!tpu.dma_semaphore, #tpu.memory_space<semaphore_mem>>
        tpu.enqueue_indirect_dma source(%dma_start3A_654 : memref<10000x128xf32, #tpu.memory_space<hbm>>) target(%dma_start3A_648 : memref<64x128xf32, #tpu.memory_space<vmem>>) offsets(%dma_start3A_651 : memref<64xi32, #tpu.memory_space<vmem>>) semaphore(%dma_start3A_656 : memref<!tpu.dma_semaphore, #tpu.memory_space<semaphore_mem>>)
      } else {
      }
      %add3A_614 = arith.constant 7 : i32
      %add3A_615 = arith.addi %add3A_154, %add3A_614 : i32
      %dma_wait3A_616 = arith.constant 7 : i32
      %dma_wait3A_617 = arith.constant 7 : i32
      %dma_wait3A_618 = arith.constant 0 : i32
      %dma_wait3A_619 = arith.constant 0 : i32
      %dma_wait3A_620 = tpu.memref_slice %arg9[%dma_wait3A_616, %dma_wait3A_618, %dma_wait3A_619] : memref<8x64x128xf32, #tpu.memory_space<vmem>> -> memref<1x64x128xf32, #tpu.memory_space<vmem>>
      %dma_wait3A_621 = tpu.memref_squeeze %dma_wait3A_620 : memref<1x64x128xf32, #tpu.memory_space<vmem>> -> memref<64x128xf32, #tpu.memory_space<vmem>>
      %dma_wait3A_622 = arith.constant 0 : i32
      %dma_wait3A_623 = arith.constant 0 : i32
      %dma_wait3A_624 = tpu.memref_slice %arg2[%dma_wait3A_622, %dma_wait3A_623] : memref<10000x128xf32, #tpu.memory_space<hbm>> -> memref<64x128xf32, #tpu.memory_space<hbm>>
      %dma_wait3A_625 = tpu.memref_slice %arg12[%dma_wait3A_617] : memref<8x!tpu.dma_semaphore, #tpu.memory_space<semaphore_mem>> -> memref<1x!tpu.dma_semaphore, #tpu.memory_space<semaphore_mem>>
      %dma_wait3A_626 = tpu.memref_squeeze %dma_wait3A_625 : memref<1x!tpu.dma_semaphore, #tpu.memory_space<semaphore_mem>> -> memref<!tpu.dma_semaphore, #tpu.memory_space<semaphore_mem>>
      %dma_wait3A_627 = arith.constant 0 : i32
      %dma_wait3A_628 = arith.constant 0 : i32
      %dma_wait3A_629 = tpu.memref_slice %arg9[%dma_wait3A_616, %dma_wait3A_627, %dma_wait3A_628] : memref<8x64x128xf32, #tpu.memory_space<vmem>> -> memref<1x64x128xf32, #tpu.memory_space<vmem>>
      %dma_wait3A_630 = tpu.memref_squeeze %dma_wait3A_629 : memref<1x64x128xf32, #tpu.memory_space<vmem>> -> memref<64x128xf32, #tpu.memory_space<vmem>>
      %dma_wait3A_631 = arith.constant 0 : i32
      %dma_wait3A_632 = arith.constant 0 : i32
      %dma_wait3A_633 = tpu.memref_slice %arg2[%dma_wait3A_631, %dma_wait3A_632] : memref<10000x128xf32, #tpu.memory_space<hbm>> -> memref<64x128xf32, #tpu.memory_space<hbm>>
      tpu.wait_dma2 semaphore(%dma_wait3A_626 : memref<!tpu.dma_semaphore, #tpu.memory_space<semaphore_mem>>) src(%dma_wait3A_633 : memref<64x128xf32, #tpu.memory_space<hbm>>) dst(%dma_wait3A_630 : memref<64x128xf32, #tpu.memory_space<vmem>>)
      %add3A_634 = arith.constant 8 : i32
      %add3A_635 = arith.addi %add3A_615, %add3A_634 : i32
      %lt3A_636 = arith.constant 80 : i32
      %lt3A_637 = arith.cmpi slt, %add3A_635, %lt3A_636 : i32
      %convert_element_type3A_638 = arith.extui %lt3A_637 : i1 to i32
      %cond3A_639 = arith.constant 0 : i32
      %cond3A_640 = arith.cmpi ne, %convert_element_type3A_638, %cond3A_639 : i32
      scf.if %cond3A_640 {
        %add3A_641 = arith.constant 8 : i32
        %add3A_642 = arith.addi %add3A_615, %add3A_641 : i32
        %dma_start3A_643 = arith.constant 7 : i32
        %dma_start3A_644 = arith.constant 7 : i32
        %dma_start3A_645 = arith.constant 0 : i32
        %dma_start3A_646 = arith.constant 0 : i32
        %dma_start3A_647 = tpu.memref_slice %arg9[%dma_start3A_643, %dma_start3A_645, %dma_start3A_646] : memref<8x64x128xf32, #tpu.memory_space<vmem>> -> memref<1x64x128xf32, #tpu.memory_space<vmem>>
        %dma_start3A_648 = tpu.memref_squeeze %dma_start3A_647 : memref<1x64x128xf32, #tpu.memory_space<vmem>> -> memref<64x128xf32, #tpu.memory_space<vmem>>
        %dma_start3A_649 = arith.constant 0 : i32
        %dma_start3A_650 = tpu.memref_slice %arg8[%add3A_642, %dma_start3A_649] : memref<80x64xi32, #tpu.memory_space<vmem>> -> memref<1x64xi32, #tpu.memory_space<vmem>>
        %dma_start3A_651 = tpu.memref_squeeze %dma_start3A_650 : memref<1x64xi32, #tpu.memory_space<vmem>> -> memref<64xi32, #tpu.memory_space<vmem>>
        %dma_start3A_652 = arith.constant 0 : i32
        %dma_start3A_653 = arith.constant 0 : i32
        %dma_start3A_654 = tpu.memref_slice %arg2[%dma_start3A_652, %dma_start3A_653] : memref<10000x128xf32, #tpu.memory_space<hbm>> -> memref<10000x128xf32, #tpu.memory_space<hbm>>
        %dma_start3A_655 = tpu.memref_slice %arg11[%dma_start3A_644] : memref<8x!tpu.dma_semaphore, #tpu.memory_space<semaphore_mem>> -> memref<1x!tpu.dma_semaphore, #tpu.memory_space<semaphore_mem>>
        %dma_start3A_656 = tpu.memref_squeeze %dma_start3A_655 : memref<1x!tpu.dma_semaphore, #tpu.memory_space<semaphore_mem>> -> memref<!tpu.dma_semaphore, #tpu.memory_space<semaphore_mem>>
        tpu.enqueue_indirect_dma source(%dma_start3A_654 : memref<10000x128xf32, #tpu.memory_space<hbm>>) target(%dma_start3A_648 : memref<64x128xf32, #tpu.memory_space<vmem>>) offsets(%dma_start3A_651 : memref<64xi32, #tpu.memory_space<vmem>>) semaphore(%dma_start3A_656 : memref<!tpu.dma_semaphore, #tpu.memory_space<semaphore_mem>>)
      } else {
      }
    }
    %scan3A_143 = arith.constant 10 : i32
    %barrier3A_144 = arith.constant 0 : index
    tpu.barrier barrier_id(%barrier3A_144)
    %eq3A_145 = arith.constant 0 : i32
    %eq3A_146 = arith.cmpi eq, %rem3A_17, %eq3A_145 : i32
    %convert_element_type3A_147 = arith.extui %eq3A_146 : i1 to i32
    %cond3A_148 = arith.constant 0 : i32
    %cond3A_149 = arith.cmpi ne, %convert_element_type3A_147, %cond3A_148 : i32
    scf.if %cond3A_149 {
      %mul3A_150 = arith.constant 1256 : i32
      %mul3A_151 = arith.muli %select_n3A, %mul3A_150 : i32
      "tpu.region"() ({
        %run_scoped3A = tpu.sem_alloc : memref<!tpu.dma_semaphore, #tpu.memory_space<semaphore_mem>>
        %dma_start3A_152 = arith.constant 0 : i32
        %dma_start3A_153 = arith.constant 0 : i32
        %dma_start3A_154 = tpu.memref_slice %arg6[%add3A, %dma_start3A_152, %dma_start3A_153] : memref<8x1250x128xf32, #tpu.memory_space<hbm>> -> memref<1x1250x128xf32, #tpu.memory_space<hbm>>
        %dma_start3A_155 = tpu.memref_squeeze %dma_start3A_154 : memref<1x1250x128xf32, #tpu.memory_space<hbm>> -> memref<1250x128xf32, #tpu.memory_space<hbm>>
        %dma_start3A_156 = arith.constant 0 : i32
        %dma_start3A_157 = tpu.memref_slice %arg10[%mul3A_151, %dma_start3A_156] : memref<5024x128xf32, #tpu.memory_space<vmem_shared>> -> memref<1250x128xf32, #tpu.memory_space<vmem_shared>>
        tpu.enqueue_dma source(%dma_start3A_157 : memref<1250x128xf32, #tpu.memory_space<vmem_shared>>) target(%dma_start3A_155 : memref<1250x128xf32, #tpu.memory_space<hbm>>) target_semaphore(%run_scoped3A : memref<!tpu.dma_semaphore, #tpu.memory_space<semaphore_mem>>)
        %dma_wait3A = arith.constant 0 : i32
        %dma_wait3A_158 = arith.constant 0 : i32
        %dma_wait3A_159 = tpu.memref_slice %arg6[%add3A, %dma_wait3A, %dma_wait3A_158] : memref<8x1250x128xf32, #tpu.memory_space<hbm>> -> memref<1x1250x128xf32, #tpu.memory_space<hbm>>
        %dma_wait3A_160 = tpu.memref_squeeze %dma_wait3A_159 : memref<1x1250x128xf32, #tpu.memory_space<hbm>> -> memref<1250x128xf32, #tpu.memory_space<hbm>>
        %dma_wait3A_161 = arith.constant 0 : i32
        %dma_wait3A_162 = tpu.memref_slice %arg10[%mul3A_151, %dma_wait3A_161] : memref<5024x128xf32, #tpu.memory_space<vmem_shared>> -> memref<1250x128xf32, #tpu.memory_space<vmem_shared>>
        tpu.wait_dma2 semaphore(%run_scoped3A : memref<!tpu.dma_semaphore, #tpu.memory_space<semaphore_mem>>) src(%dma_wait3A_162 : memref<1250x128xf32, #tpu.memory_space<vmem_shared>>) dst(%dma_wait3A_160 : memref<1250x128xf32, #tpu.memory_space<hbm>>)
        tpu.yield
      }) : () -> ()
    } else {
    }
    return
  }
}

#map = affine_map<(d0, d1) -> (0, 0)>
#map1 = affine_map<(d0, d1) -> (0, 0, 0, 0)>
#map2 = affine_map<(d0, d1) -> (0, 0, 0)>
module attributes {stable_mosaic.version = 14 : i64} {
  func.func @_spool_body(%arg0: i32, %arg1: i32, %arg2: memref<10000x128xf32, #tpu.memory_space<hbm>>, %arg3: memref<8x4x80x64xi32, #tpu.memory_space<hbm>>, %arg4: memref<8x4x80x64xi32, #tpu.memory_space<hbm>>, %arg5: memref<1256x128xf32, #tpu.memory_space<hbm>>, %arg6: memref<8x1250x128xf32, #tpu.memory_space<hbm>>, %arg7: memref<80x64xi32, #tpu.memory_space<vmem>>, %arg8: memref<80x64xi32, #tpu.memory_space<vmem>>, %arg9: memref<8x64x128xf32, #tpu.memory_space<vmem>>, %arg10: memref<5024x128xf32, #tpu.memory_space<vmem_shared>>, %arg11: memref<8x!tpu.dma_semaphore, #tpu.memory_space<semaphore_mem>>, %arg12: memref<8x!tpu.dma_semaphore, #tpu.memory_space<semaphore_mem>>) attributes {dimension_semantics = [#tpu.dimension_semantics<core_parallel>, #tpu.dimension_semantics<subcore_parallel>], iteration_bounds = array<i64: 2, 16>, scalar_prefetch = 0 : i64, scratch_operands = 6 : i64, tpu.core_type = #tpu.core_type<sc_vector_subcore>, window_params = [{transform_indices = #map}, {transform_indices = #map1}, {transform_indices = #map1}, {transform_indices = #map}, {transform_indices = #map2}]} {
    %jit3A = arith.constant 4 : i32
    %div3A = arith.divsi %arg1, %jit3A : i32
    %sign3A = arith.constant 0 : i32
    %sign3A_0 = arith.cmpi sgt, %arg1, %sign3A : i32
    %sign3A_1 = arith.extui %sign3A_0 : i1 to i32
    %sign3A_2 = arith.constant 0 : i32
    %sign3A_3 = arith.cmpi slt, %arg1, %sign3A_2 : i32
    %sign3A_4 = arith.extui %sign3A_3 : i1 to i32
    %sign3A_5 = arith.subi %sign3A_1, %sign3A_4 : i32
    %sign3A_6 = arith.constant 0 : i32
    %sign3A_7 = arith.cmpi sgt, %jit3A, %sign3A_6 : i32
    %sign3A_8 = arith.extui %sign3A_7 : i1 to i32
    %sign3A_9 = arith.constant 0 : i32
    %sign3A_10 = arith.cmpi slt, %jit3A, %sign3A_9 : i32
    %sign3A_11 = arith.extui %sign3A_10 : i1 to i32
    %sign3A_12 = arith.subi %sign3A_8, %sign3A_11 : i32
    %ne3A = arith.cmpi ne, %sign3A_5, %sign3A_12 : i32
    %rem3A = arith.remsi %arg1, %jit3A : i32
    %ne3A_13 = arith.constant 0 : i32
    %ne3A_14 = arith.cmpi ne, %rem3A, %ne3A_13 : i32
    %and3A = arith.andi %ne3A, %ne3A_14 : i1
    %sub3A = arith.constant 1 : i32
    %sub3A_15 = arith.subi %div3A, %sub3A : i32
    %select_n3A = arith.select %and3A, %sub3A_15, %div3A : i32
    %rem3A_16 = arith.constant 4 : i32
    %rem3A_17 = arith.remsi %arg1, %rem3A_16 : i32
    %mul3A = arith.constant 4 : i32
    %mul3A_18 = arith.muli %arg0, %mul3A : i32
    %add3A = arith.addi %mul3A_18, %select_n3A : i32
    "tpu.region"() ({
      %run_scoped3A = tpu.sem_alloc : memref<!tpu.dma_semaphore, #tpu.memory_space<semaphore_mem>>
      %dma_start3A_150 = arith.constant 0 : i32
      %dma_start3A_151 = arith.constant 0 : i32
      %dma_start3A_152 = tpu.memref_slice %arg3[%add3A, %rem3A_17, %dma_start3A_150, %dma_start3A_151] : memref<8x4x80x64xi32, #tpu.memory_space<hbm>> -> memref<1x1x80x64xi32, #tpu.memory_space<hbm>>
      %dma_start3A_153 = tpu.memref_squeeze %dma_start3A_152 : memref<1x1x80x64xi32, #tpu.memory_space<hbm>> -> memref<80x64xi32, #tpu.memory_space<hbm>>
      %dma_start3A_154 = arith.constant 0 : i32
      %dma_start3A_155 = arith.constant 0 : i32
      %dma_start3A_156 = tpu.memref_slice %arg3[%add3A, %rem3A_17, %dma_start3A_154, %dma_start3A_155] : memref<8x4x80x64xi32, #tpu.memory_space<hbm>> -> memref<1x1x80x64xi32, #tpu.memory_space<hbm>>
      %dma_start3A_157 = tpu.memref_squeeze %dma_start3A_156 : memref<1x1x80x64xi32, #tpu.memory_space<hbm>> -> memref<80x64xi32, #tpu.memory_space<hbm>>
      tpu.enqueue_dma source(%dma_start3A_157 : memref<80x64xi32, #tpu.memory_space<hbm>>) target(%arg7 : memref<80x64xi32, #tpu.memory_space<vmem>>) target_semaphore(%run_scoped3A : memref<!tpu.dma_semaphore, #tpu.memory_space<semaphore_mem>>)
      %dma_wait3A = arith.constant 0 : i32
      %dma_wait3A_158 = arith.constant 0 : i32
      %dma_wait3A_159 = tpu.memref_slice %arg3[%add3A, %rem3A_17, %dma_wait3A, %dma_wait3A_158] : memref<8x4x80x64xi32, #tpu.memory_space<hbm>> -> memref<1x1x80x64xi32, #tpu.memory_space<hbm>>
      %dma_wait3A_160 = tpu.memref_squeeze %dma_wait3A_159 : memref<1x1x80x64xi32, #tpu.memory_space<hbm>> -> memref<80x64xi32, #tpu.memory_space<hbm>>
      %dma_wait3A_161 = arith.constant 0 : i32
      %dma_wait3A_162 = arith.constant 0 : i32
      %dma_wait3A_163 = tpu.memref_slice %arg3[%add3A, %rem3A_17, %dma_wait3A_161, %dma_wait3A_162] : memref<8x4x80x64xi32, #tpu.memory_space<hbm>> -> memref<1x1x80x64xi32, #tpu.memory_space<hbm>>
      %dma_wait3A_164 = tpu.memref_squeeze %dma_wait3A_163 : memref<1x1x80x64xi32, #tpu.memory_space<hbm>> -> memref<80x64xi32, #tpu.memory_space<hbm>>
      tpu.wait_dma2 semaphore(%run_scoped3A : memref<!tpu.dma_semaphore, #tpu.memory_space<semaphore_mem>>) src(%dma_wait3A_164 : memref<80x64xi32, #tpu.memory_space<hbm>>) dst(%arg7 : memref<80x64xi32, #tpu.memory_space<vmem>>)
      tpu.yield
    }) : () -> ()
    "tpu.region"() ({
      %run_scoped3A = tpu.sem_alloc : memref<!tpu.dma_semaphore, #tpu.memory_space<semaphore_mem>>
      %dma_start3A_150 = arith.constant 0 : i32
      %dma_start3A_151 = arith.constant 0 : i32
      %dma_start3A_152 = tpu.memref_slice %arg4[%add3A, %rem3A_17, %dma_start3A_150, %dma_start3A_151] : memref<8x4x80x64xi32, #tpu.memory_space<hbm>> -> memref<1x1x80x64xi32, #tpu.memory_space<hbm>>
      %dma_start3A_153 = tpu.memref_squeeze %dma_start3A_152 : memref<1x1x80x64xi32, #tpu.memory_space<hbm>> -> memref<80x64xi32, #tpu.memory_space<hbm>>
      %dma_start3A_154 = arith.constant 0 : i32
      %dma_start3A_155 = arith.constant 0 : i32
      %dma_start3A_156 = tpu.memref_slice %arg4[%add3A, %rem3A_17, %dma_start3A_154, %dma_start3A_155] : memref<8x4x80x64xi32, #tpu.memory_space<hbm>> -> memref<1x1x80x64xi32, #tpu.memory_space<hbm>>
      %dma_start3A_157 = tpu.memref_squeeze %dma_start3A_156 : memref<1x1x80x64xi32, #tpu.memory_space<hbm>> -> memref<80x64xi32, #tpu.memory_space<hbm>>
      tpu.enqueue_dma source(%dma_start3A_157 : memref<80x64xi32, #tpu.memory_space<hbm>>) target(%arg8 : memref<80x64xi32, #tpu.memory_space<vmem>>) target_semaphore(%run_scoped3A : memref<!tpu.dma_semaphore, #tpu.memory_space<semaphore_mem>>)
      %dma_wait3A = arith.constant 0 : i32
      %dma_wait3A_158 = arith.constant 0 : i32
      %dma_wait3A_159 = tpu.memref_slice %arg4[%add3A, %rem3A_17, %dma_wait3A, %dma_wait3A_158] : memref<8x4x80x64xi32, #tpu.memory_space<hbm>> -> memref<1x1x80x64xi32, #tpu.memory_space<hbm>>
      %dma_wait3A_160 = tpu.memref_squeeze %dma_wait3A_159 : memref<1x1x80x64xi32, #tpu.memory_space<hbm>> -> memref<80x64xi32, #tpu.memory_space<hbm>>
      %dma_wait3A_161 = arith.constant 0 : i32
      %dma_wait3A_162 = arith.constant 0 : i32
      %dma_wait3A_163 = tpu.memref_slice %arg4[%add3A, %rem3A_17, %dma_wait3A_161, %dma_wait3A_162] : memref<8x4x80x64xi32, #tpu.memory_space<hbm>> -> memref<1x1x80x64xi32, #tpu.memory_space<hbm>>
      %dma_wait3A_164 = tpu.memref_squeeze %dma_wait3A_163 : memref<1x1x80x64xi32, #tpu.memory_space<hbm>> -> memref<80x64xi32, #tpu.memory_space<hbm>>
      tpu.wait_dma2 semaphore(%run_scoped3A : memref<!tpu.dma_semaphore, #tpu.memory_space<semaphore_mem>>) src(%dma_wait3A_164 : memref<80x64xi32, #tpu.memory_space<hbm>>) dst(%arg8 : memref<80x64xi32, #tpu.memory_space<vmem>>)
      tpu.yield
    }) : () -> ()
    %dma_start3A = arith.constant 0 : i32
    %dma_start3A_19 = arith.constant 0 : i32
    %dma_start3A_20 = arith.constant 0 : i32
    %dma_start3A_21 = arith.constant 0 : i32
    %dma_start3A_22 = arith.constant 0 : i32
    %dma_start3A_23 = tpu.memref_slice %arg9[%dma_start3A_19, %dma_start3A_21, %dma_start3A_22] : memref<8x64x128xf32, #tpu.memory_space<vmem>> -> memref<1x64x128xf32, #tpu.memory_space<vmem>>
    %dma_start3A_24 = tpu.memref_squeeze %dma_start3A_23 : memref<1x64x128xf32, #tpu.memory_space<vmem>> -> memref<64x128xf32, #tpu.memory_space<vmem>>
    %dma_start3A_25 = arith.constant 0 : i32
    %dma_start3A_26 = tpu.memref_slice %arg8[%dma_start3A, %dma_start3A_25] : memref<80x64xi32, #tpu.memory_space<vmem>> -> memref<1x64xi32, #tpu.memory_space<vmem>>
    %dma_start3A_27 = tpu.memref_squeeze %dma_start3A_26 : memref<1x64xi32, #tpu.memory_space<vmem>> -> memref<64xi32, #tpu.memory_space<vmem>>
    %dma_start3A_28 = arith.constant 0 : i32
    %dma_start3A_29 = arith.constant 0 : i32
    %dma_start3A_30 = tpu.memref_slice %arg2[%dma_start3A_28, %dma_start3A_29] : memref<10000x128xf32, #tpu.memory_space<hbm>> -> memref<10000x128xf32, #tpu.memory_space<hbm>>
    %dma_start3A_31 = tpu.memref_slice %arg11[%dma_start3A_20] : memref<8x!tpu.dma_semaphore, #tpu.memory_space<semaphore_mem>> -> memref<1x!tpu.dma_semaphore, #tpu.memory_space<semaphore_mem>>
    %dma_start3A_32 = tpu.memref_squeeze %dma_start3A_31 : memref<1x!tpu.dma_semaphore, #tpu.memory_space<semaphore_mem>> -> memref<!tpu.dma_semaphore, #tpu.memory_space<semaphore_mem>>
    tpu.enqueue_indirect_dma source(%dma_start3A_30 : memref<10000x128xf32, #tpu.memory_space<hbm>>) target(%dma_start3A_24 : memref<64x128xf32, #tpu.memory_space<vmem>>) offsets(%dma_start3A_27 : memref<64xi32, #tpu.memory_space<vmem>>) semaphore(%dma_start3A_32 : memref<!tpu.dma_semaphore, #tpu.memory_space<semaphore_mem>>)
    %dma_start3A_33 = arith.constant 1 : i32
    %dma_start3A_34 = arith.constant 1 : i32
    %dma_start3A_35 = arith.constant 1 : i32
    %dma_start3A_36 = arith.constant 0 : i32
    %dma_start3A_37 = arith.constant 0 : i32
    %dma_start3A_38 = tpu.memref_slice %arg9[%dma_start3A_34, %dma_start3A_36, %dma_start3A_37] : memref<8x64x128xf32, #tpu.memory_space<vmem>> -> memref<1x64x128xf32, #tpu.memory_space<vmem>>
    %dma_start3A_39 = tpu.memref_squeeze %dma_start3A_38 : memref<1x64x128xf32, #tpu.memory_space<vmem>> -> memref<64x128xf32, #tpu.memory_space<vmem>>
    %dma_start3A_40 = arith.constant 0 : i32
    %dma_start3A_41 = tpu.memref_slice %arg8[%dma_start3A_33, %dma_start3A_40] : memref<80x64xi32, #tpu.memory_space<vmem>> -> memref<1x64xi32, #tpu.memory_space<vmem>>
    %dma_start3A_42 = tpu.memref_squeeze %dma_start3A_41 : memref<1x64xi32, #tpu.memory_space<vmem>> -> memref<64xi32, #tpu.memory_space<vmem>>
    %dma_start3A_43 = arith.constant 0 : i32
    %dma_start3A_44 = arith.constant 0 : i32
    %dma_start3A_45 = tpu.memref_slice %arg2[%dma_start3A_43, %dma_start3A_44] : memref<10000x128xf32, #tpu.memory_space<hbm>> -> memref<10000x128xf32, #tpu.memory_space<hbm>>
    %dma_start3A_46 = tpu.memref_slice %arg11[%dma_start3A_35] : memref<8x!tpu.dma_semaphore, #tpu.memory_space<semaphore_mem>> -> memref<1x!tpu.dma_semaphore, #tpu.memory_space<semaphore_mem>>
    %dma_start3A_47 = tpu.memref_squeeze %dma_start3A_46 : memref<1x!tpu.dma_semaphore, #tpu.memory_space<semaphore_mem>> -> memref<!tpu.dma_semaphore, #tpu.memory_space<semaphore_mem>>
    tpu.enqueue_indirect_dma source(%dma_start3A_45 : memref<10000x128xf32, #tpu.memory_space<hbm>>) target(%dma_start3A_39 : memref<64x128xf32, #tpu.memory_space<vmem>>) offsets(%dma_start3A_42 : memref<64xi32, #tpu.memory_space<vmem>>) semaphore(%dma_start3A_47 : memref<!tpu.dma_semaphore, #tpu.memory_space<semaphore_mem>>)
    %dma_start3A_48 = arith.constant 2 : i32
    %dma_start3A_49 = arith.constant 2 : i32
    %dma_start3A_50 = arith.constant 2 : i32
    %dma_start3A_51 = arith.constant 0 : i32
    %dma_start3A_52 = arith.constant 0 : i32
    %dma_start3A_53 = tpu.memref_slice %arg9[%dma_start3A_49, %dma_start3A_51, %dma_start3A_52] : memref<8x64x128xf32, #tpu.memory_space<vmem>> -> memref<1x64x128xf32, #tpu.memory_space<vmem>>
    %dma_start3A_54 = tpu.memref_squeeze %dma_start3A_53 : memref<1x64x128xf32, #tpu.memory_space<vmem>> -> memref<64x128xf32, #tpu.memory_space<vmem>>
    %dma_start3A_55 = arith.constant 0 : i32
    %dma_start3A_56 = tpu.memref_slice %arg8[%dma_start3A_48, %dma_start3A_55] : memref<80x64xi32, #tpu.memory_space<vmem>> -> memref<1x64xi32, #tpu.memory_space<vmem>>
    %dma_start3A_57 = tpu.memref_squeeze %dma_start3A_56 : memref<1x64xi32, #tpu.memory_space<vmem>> -> memref<64xi32, #tpu.memory_space<vmem>>
    %dma_start3A_58 = arith.constant 0 : i32
    %dma_start3A_59 = arith.constant 0 : i32
    %dma_start3A_60 = tpu.memref_slice %arg2[%dma_start3A_58, %dma_start3A_59] : memref<10000x128xf32, #tpu.memory_space<hbm>> -> memref<10000x128xf32, #tpu.memory_space<hbm>>
    %dma_start3A_61 = tpu.memref_slice %arg11[%dma_start3A_50] : memref<8x!tpu.dma_semaphore, #tpu.memory_space<semaphore_mem>> -> memref<1x!tpu.dma_semaphore, #tpu.memory_space<semaphore_mem>>
    %dma_start3A_62 = tpu.memref_squeeze %dma_start3A_61 : memref<1x!tpu.dma_semaphore, #tpu.memory_space<semaphore_mem>> -> memref<!tpu.dma_semaphore, #tpu.memory_space<semaphore_mem>>
    tpu.enqueue_indirect_dma source(%dma_start3A_60 : memref<10000x128xf32, #tpu.memory_space<hbm>>) target(%dma_start3A_54 : memref<64x128xf32, #tpu.memory_space<vmem>>) offsets(%dma_start3A_57 : memref<64xi32, #tpu.memory_space<vmem>>) semaphore(%dma_start3A_62 : memref<!tpu.dma_semaphore, #tpu.memory_space<semaphore_mem>>)
    %dma_start3A_63 = arith.constant 3 : i32
    %dma_start3A_64 = arith.constant 3 : i32
    %dma_start3A_65 = arith.constant 3 : i32
    %dma_start3A_66 = arith.constant 0 : i32
    %dma_start3A_67 = arith.constant 0 : i32
    %dma_start3A_68 = tpu.memref_slice %arg9[%dma_start3A_64, %dma_start3A_66, %dma_start3A_67] : memref<8x64x128xf32, #tpu.memory_space<vmem>> -> memref<1x64x128xf32, #tpu.memory_space<vmem>>
    %dma_start3A_69 = tpu.memref_squeeze %dma_start3A_68 : memref<1x64x128xf32, #tpu.memory_space<vmem>> -> memref<64x128xf32, #tpu.memory_space<vmem>>
    %dma_start3A_70 = arith.constant 0 : i32
    %dma_start3A_71 = tpu.memref_slice %arg8[%dma_start3A_63, %dma_start3A_70] : memref<80x64xi32, #tpu.memory_space<vmem>> -> memref<1x64xi32, #tpu.memory_space<vmem>>
    %dma_start3A_72 = tpu.memref_squeeze %dma_start3A_71 : memref<1x64xi32, #tpu.memory_space<vmem>> -> memref<64xi32, #tpu.memory_space<vmem>>
    %dma_start3A_73 = arith.constant 0 : i32
    %dma_start3A_74 = arith.constant 0 : i32
    %dma_start3A_75 = tpu.memref_slice %arg2[%dma_start3A_73, %dma_start3A_74] : memref<10000x128xf32, #tpu.memory_space<hbm>> -> memref<10000x128xf32, #tpu.memory_space<hbm>>
    %dma_start3A_76 = tpu.memref_slice %arg11[%dma_start3A_65] : memref<8x!tpu.dma_semaphore, #tpu.memory_space<semaphore_mem>> -> memref<1x!tpu.dma_semaphore, #tpu.memory_space<semaphore_mem>>
    %dma_start3A_77 = tpu.memref_squeeze %dma_start3A_76 : memref<1x!tpu.dma_semaphore, #tpu.memory_space<semaphore_mem>> -> memref<!tpu.dma_semaphore, #tpu.memory_space<semaphore_mem>>
    tpu.enqueue_indirect_dma source(%dma_start3A_75 : memref<10000x128xf32, #tpu.memory_space<hbm>>) target(%dma_start3A_69 : memref<64x128xf32, #tpu.memory_space<vmem>>) offsets(%dma_start3A_72 : memref<64xi32, #tpu.memory_space<vmem>>) semaphore(%dma_start3A_77 : memref<!tpu.dma_semaphore, #tpu.memory_space<semaphore_mem>>)
    %dma_start3A_78 = arith.constant 4 : i32
    %dma_start3A_79 = arith.constant 4 : i32
    %dma_start3A_80 = arith.constant 4 : i32
    %dma_start3A_81 = arith.constant 0 : i32
    %dma_start3A_82 = arith.constant 0 : i32
    %dma_start3A_83 = tpu.memref_slice %arg9[%dma_start3A_79, %dma_start3A_81, %dma_start3A_82] : memref<8x64x128xf32, #tpu.memory_space<vmem>> -> memref<1x64x128xf32, #tpu.memory_space<vmem>>
    %dma_start3A_84 = tpu.memref_squeeze %dma_start3A_83 : memref<1x64x128xf32, #tpu.memory_space<vmem>> -> memref<64x128xf32, #tpu.memory_space<vmem>>
    %dma_start3A_85 = arith.constant 0 : i32
    %dma_start3A_86 = tpu.memref_slice %arg8[%dma_start3A_78, %dma_start3A_85] : memref<80x64xi32, #tpu.memory_space<vmem>> -> memref<1x64xi32, #tpu.memory_space<vmem>>
    %dma_start3A_87 = tpu.memref_squeeze %dma_start3A_86 : memref<1x64xi32, #tpu.memory_space<vmem>> -> memref<64xi32, #tpu.memory_space<vmem>>
    %dma_start3A_88 = arith.constant 0 : i32
    %dma_start3A_89 = arith.constant 0 : i32
    %dma_start3A_90 = tpu.memref_slice %arg2[%dma_start3A_88, %dma_start3A_89] : memref<10000x128xf32, #tpu.memory_space<hbm>> -> memref<10000x128xf32, #tpu.memory_space<hbm>>
    %dma_start3A_91 = tpu.memref_slice %arg11[%dma_start3A_80] : memref<8x!tpu.dma_semaphore, #tpu.memory_space<semaphore_mem>> -> memref<1x!tpu.dma_semaphore, #tpu.memory_space<semaphore_mem>>
    %dma_start3A_92 = tpu.memref_squeeze %dma_start3A_91 : memref<1x!tpu.dma_semaphore, #tpu.memory_space<semaphore_mem>> -> memref<!tpu.dma_semaphore, #tpu.memory_space<semaphore_mem>>
    tpu.enqueue_indirect_dma source(%dma_start3A_90 : memref<10000x128xf32, #tpu.memory_space<hbm>>) target(%dma_start3A_84 : memref<64x128xf32, #tpu.memory_space<vmem>>) offsets(%dma_start3A_87 : memref<64xi32, #tpu.memory_space<vmem>>) semaphore(%dma_start3A_92 : memref<!tpu.dma_semaphore, #tpu.memory_space<semaphore_mem>>)
    %dma_start3A_93 = arith.constant 5 : i32
    %dma_start3A_94 = arith.constant 5 : i32
    %dma_start3A_95 = arith.constant 5 : i32
    %dma_start3A_96 = arith.constant 0 : i32
    %dma_start3A_97 = arith.constant 0 : i32
    %dma_start3A_98 = tpu.memref_slice %arg9[%dma_start3A_94, %dma_start3A_96, %dma_start3A_97] : memref<8x64x128xf32, #tpu.memory_space<vmem>> -> memref<1x64x128xf32, #tpu.memory_space<vmem>>
    %dma_start3A_99 = tpu.memref_squeeze %dma_start3A_98 : memref<1x64x128xf32, #tpu.memory_space<vmem>> -> memref<64x128xf32, #tpu.memory_space<vmem>>
    %dma_start3A_100 = arith.constant 0 : i32
    %dma_start3A_101 = tpu.memref_slice %arg8[%dma_start3A_93, %dma_start3A_100] : memref<80x64xi32, #tpu.memory_space<vmem>> -> memref<1x64xi32, #tpu.memory_space<vmem>>
    %dma_start3A_102 = tpu.memref_squeeze %dma_start3A_101 : memref<1x64xi32, #tpu.memory_space<vmem>> -> memref<64xi32, #tpu.memory_space<vmem>>
    %dma_start3A_103 = arith.constant 0 : i32
    %dma_start3A_104 = arith.constant 0 : i32
    %dma_start3A_105 = tpu.memref_slice %arg2[%dma_start3A_103, %dma_start3A_104] : memref<10000x128xf32, #tpu.memory_space<hbm>> -> memref<10000x128xf32, #tpu.memory_space<hbm>>
    %dma_start3A_106 = tpu.memref_slice %arg11[%dma_start3A_95] : memref<8x!tpu.dma_semaphore, #tpu.memory_space<semaphore_mem>> -> memref<1x!tpu.dma_semaphore, #tpu.memory_space<semaphore_mem>>
    %dma_start3A_107 = tpu.memref_squeeze %dma_start3A_106 : memref<1x!tpu.dma_semaphore, #tpu.memory_space<semaphore_mem>> -> memref<!tpu.dma_semaphore, #tpu.memory_space<semaphore_mem>>
    tpu.enqueue_indirect_dma source(%dma_start3A_105 : memref<10000x128xf32, #tpu.memory_space<hbm>>) target(%dma_start3A_99 : memref<64x128xf32, #tpu.memory_space<vmem>>) offsets(%dma_start3A_102 : memref<64xi32, #tpu.memory_space<vmem>>) semaphore(%dma_start3A_107 : memref<!tpu.dma_semaphore, #tpu.memory_space<semaphore_mem>>)
    %dma_start3A_108 = arith.constant 6 : i32
    %dma_start3A_109 = arith.constant 6 : i32
    %dma_start3A_110 = arith.constant 6 : i32
    %dma_start3A_111 = arith.constant 0 : i32
    %dma_start3A_112 = arith.constant 0 : i32
    %dma_start3A_113 = tpu.memref_slice %arg9[%dma_start3A_109, %dma_start3A_111, %dma_start3A_112] : memref<8x64x128xf32, #tpu.memory_space<vmem>> -> memref<1x64x128xf32, #tpu.memory_space<vmem>>
    %dma_start3A_114 = tpu.memref_squeeze %dma_start3A_113 : memref<1x64x128xf32, #tpu.memory_space<vmem>> -> memref<64x128xf32, #tpu.memory_space<vmem>>
    %dma_start3A_115 = arith.constant 0 : i32
    %dma_start3A_116 = tpu.memref_slice %arg8[%dma_start3A_108, %dma_start3A_115] : memref<80x64xi32, #tpu.memory_space<vmem>> -> memref<1x64xi32, #tpu.memory_space<vmem>>
    %dma_start3A_117 = tpu.memref_squeeze %dma_start3A_116 : memref<1x64xi32, #tpu.memory_space<vmem>> -> memref<64xi32, #tpu.memory_space<vmem>>
    %dma_start3A_118 = arith.constant 0 : i32
    %dma_start3A_119 = arith.constant 0 : i32
    %dma_start3A_120 = tpu.memref_slice %arg2[%dma_start3A_118, %dma_start3A_119] : memref<10000x128xf32, #tpu.memory_space<hbm>> -> memref<10000x128xf32, #tpu.memory_space<hbm>>
    %dma_start3A_121 = tpu.memref_slice %arg11[%dma_start3A_110] : memref<8x!tpu.dma_semaphore, #tpu.memory_space<semaphore_mem>> -> memref<1x!tpu.dma_semaphore, #tpu.memory_space<semaphore_mem>>
    %dma_start3A_122 = tpu.memref_squeeze %dma_start3A_121 : memref<1x!tpu.dma_semaphore, #tpu.memory_space<semaphore_mem>> -> memref<!tpu.dma_semaphore, #tpu.memory_space<semaphore_mem>>
    tpu.enqueue_indirect_dma source(%dma_start3A_120 : memref<10000x128xf32, #tpu.memory_space<hbm>>) target(%dma_start3A_114 : memref<64x128xf32, #tpu.memory_space<vmem>>) offsets(%dma_start3A_117 : memref<64xi32, #tpu.memory_space<vmem>>) semaphore(%dma_start3A_122 : memref<!tpu.dma_semaphore, #tpu.memory_space<semaphore_mem>>)
    %dma_start3A_123 = arith.constant 7 : i32
    %dma_start3A_124 = arith.constant 7 : i32
    %dma_start3A_125 = arith.constant 7 : i32
    %dma_start3A_126 = arith.constant 0 : i32
    %dma_start3A_127 = arith.constant 0 : i32
    %dma_start3A_128 = tpu.memref_slice %arg9[%dma_start3A_124, %dma_start3A_126, %dma_start3A_127] : memref<8x64x128xf32, #tpu.memory_space<vmem>> -> memref<1x64x128xf32, #tpu.memory_space<vmem>>
    %dma_start3A_129 = tpu.memref_squeeze %dma_start3A_128 : memref<1x64x128xf32, #tpu.memory_space<vmem>> -> memref<64x128xf32, #tpu.memory_space<vmem>>
    %dma_start3A_130 = arith.constant 0 : i32
    %dma_start3A_131 = tpu.memref_slice %arg8[%dma_start3A_123, %dma_start3A_130] : memref<80x64xi32, #tpu.memory_space<vmem>> -> memref<1x64xi32, #tpu.memory_space<vmem>>
    %dma_start3A_132 = tpu.memref_squeeze %dma_start3A_131 : memref<1x64xi32, #tpu.memory_space<vmem>> -> memref<64xi32, #tpu.memory_space<vmem>>
    %dma_start3A_133 = arith.constant 0 : i32
    %dma_start3A_134 = arith.constant 0 : i32
    %dma_start3A_135 = tpu.memref_slice %arg2[%dma_start3A_133, %dma_start3A_134] : memref<10000x128xf32, #tpu.memory_space<hbm>> -> memref<10000x128xf32, #tpu.memory_space<hbm>>
    %dma_start3A_136 = tpu.memref_slice %arg11[%dma_start3A_125] : memref<8x!tpu.dma_semaphore, #tpu.memory_space<semaphore_mem>> -> memref<1x!tpu.dma_semaphore, #tpu.memory_space<semaphore_mem>>
    %dma_start3A_137 = tpu.memref_squeeze %dma_start3A_136 : memref<1x!tpu.dma_semaphore, #tpu.memory_space<semaphore_mem>> -> memref<!tpu.dma_semaphore, #tpu.memory_space<semaphore_mem>>
    tpu.enqueue_indirect_dma source(%dma_start3A_135 : memref<10000x128xf32, #tpu.memory_space<hbm>>) target(%dma_start3A_129 : memref<64x128xf32, #tpu.memory_space<vmem>>) offsets(%dma_start3A_132 : memref<64xi32, #tpu.memory_space<vmem>>) semaphore(%dma_start3A_137 : memref<!tpu.dma_semaphore, #tpu.memory_space<semaphore_mem>>)
    %eq3A = arith.constant 0 : i32
    %eq3A_138 = arith.cmpi eq, %rem3A_17, %eq3A : i32
    %convert_element_type3A = arith.extui %eq3A_138 : i1 to i32
    %cond3A = arith.constant 0 : i32
    %cond3A_139 = arith.cmpi ne, %convert_element_type3A, %cond3A : i32
    scf.if %cond3A_139 {
      %mul3A_150 = arith.constant 1256 : i32
      %mul3A_151 = arith.muli %select_n3A, %mul3A_150 : i32
      "tpu.region"() ({
        %run_scoped3A = tpu.sem_alloc : memref<!tpu.dma_semaphore, #tpu.memory_space<semaphore_mem>>
        %dma_start3A_152 = arith.constant 0 : i32
        %dma_start3A_153 = tpu.memref_slice %arg10[%mul3A_151, %dma_start3A_152] : memref<5024x128xf32, #tpu.memory_space<vmem_shared>> -> memref<1256x128xf32, #tpu.memory_space<vmem_shared>>
        tpu.enqueue_dma source(%arg5 : memref<1256x128xf32, #tpu.memory_space<hbm>>) target(%dma_start3A_153 : memref<1256x128xf32, #tpu.memory_space<vmem_shared>>) target_semaphore(%run_scoped3A : memref<!tpu.dma_semaphore, #tpu.memory_space<semaphore_mem>>)
        %dma_wait3A = arith.constant 0 : i32
        %dma_wait3A_154 = tpu.memref_slice %arg10[%mul3A_151, %dma_wait3A] : memref<5024x128xf32, #tpu.memory_space<vmem_shared>> -> memref<1256x128xf32, #tpu.memory_space<vmem_shared>>
        tpu.wait_dma2 semaphore(%run_scoped3A : memref<!tpu.dma_semaphore, #tpu.memory_space<semaphore_mem>>) src(%arg5 : memref<1256x128xf32, #tpu.memory_space<hbm>>) dst(%dma_wait3A_154 : memref<1256x128xf32, #tpu.memory_space<vmem_shared>>)
        tpu.yield
      }) : () -> ()
    } else {
    }
    %barrier3A = arith.constant 0 : index
    tpu.barrier barrier_id(%barrier3A)
    %scan3A = arith.constant 0 : i32
    %scan3A_140 = arith.constant 10 : i32
    %scan3A_141 = arith.addi %scan3A, %scan3A_140 : i32
    %scan3A_142 = arith.constant 1 : i32
    scf.for %scan3A_150 = %scan3A to %scan3A_141 step %scan3A_142  : i32 {
      %mul3A_151 = arith.constant 8 : i32
      %mul3A_152 = arith.muli %scan3A_150, %mul3A_151 : i32
      %add3A_153 = arith.constant 0 : i32
      %add3A_154 = arith.addi %add3A_153, %mul3A_152 : i32
      %add3A_155 = arith.constant 0 : i32
      %add3A_156 = arith.addi %add3A_154, %add3A_155 : i32
      %dma_wait3A = arith.constant 0 : i32
      %dma_wait3A_157 = arith.constant 0 : i32
      %dma_wait3A_158 = arith.constant 0 : i32
      %dma_wait3A_159 = arith.constant 0 : i32
      %dma_wait3A_160 = tpu.memref_slice %arg9[%dma_wait3A, %dma_wait3A_158, %dma_wait3A_159] : memref<8x64x128xf32, #tpu.memory_space<vmem>> -> memref<1x64x128xf32, #tpu.memory_space<vmem>>
      %dma_wait3A_161 = tpu.memref_squeeze %dma_wait3A_160 : memref<1x64x128xf32, #tpu.memory_space<vmem>> -> memref<64x128xf32, #tpu.memory_space<vmem>>
      %dma_wait3A_162 = arith.constant 0 : i32
      %dma_wait3A_163 = arith.constant 0 : i32
      %dma_wait3A_164 = tpu.memref_slice %arg2[%dma_wait3A_162, %dma_wait3A_163] : memref<10000x128xf32, #tpu.memory_space<hbm>> -> memref<64x128xf32, #tpu.memory_space<hbm>>
      %dma_wait3A_165 = tpu.memref_slice %arg11[%dma_wait3A_157] : memref<8x!tpu.dma_semaphore, #tpu.memory_space<semaphore_mem>> -> memref<1x!tpu.dma_semaphore, #tpu.memory_space<semaphore_mem>>
      %dma_wait3A_166 = tpu.memref_squeeze %dma_wait3A_165 : memref<1x!tpu.dma_semaphore, #tpu.memory_space<semaphore_mem>> -> memref<!tpu.dma_semaphore, #tpu.memory_space<semaphore_mem>>
      %dma_wait3A_167 = arith.constant 0 : i32
      %dma_wait3A_168 = arith.constant 0 : i32
      %dma_wait3A_169 = tpu.memref_slice %arg9[%dma_wait3A, %dma_wait3A_167, %dma_wait3A_168] : memref<8x64x128xf32, #tpu.memory_space<vmem>> -> memref<1x64x128xf32, #tpu.memory_space<vmem>>
      %dma_wait3A_170 = tpu.memref_squeeze %dma_wait3A_169 : memref<1x64x128xf32, #tpu.memory_space<vmem>> -> memref<64x128xf32, #tpu.memory_space<vmem>>
      %dma_wait3A_171 = arith.constant 0 : i32
      %dma_wait3A_172 = arith.constant 0 : i32
      %dma_wait3A_173 = tpu.memref_slice %arg2[%dma_wait3A_171, %dma_wait3A_172] : memref<10000x128xf32, #tpu.memory_space<hbm>> -> memref<64x128xf32, #tpu.memory_space<hbm>>
      tpu.wait_dma2 semaphore(%dma_wait3A_166 : memref<!tpu.dma_semaphore, #tpu.memory_space<semaphore_mem>>) src(%dma_wait3A_173 : memref<64x128xf32, #tpu.memory_space<hbm>>) dst(%dma_wait3A_170 : memref<64x128xf32, #tpu.memory_space<vmem>>)
      %dma_start3A_174 = arith.constant 0 : i32
      %dma_start3A_175 = arith.constant 0 : i32
      %dma_start3A_176 = arith.constant 0 : i32
      %dma_start3A_177 = arith.constant 0 : i32
      %dma_start3A_178 = tpu.memref_slice %arg9[%dma_start3A_174, %dma_start3A_176, %dma_start3A_177] : memref<8x64x128xf32, #tpu.memory_space<vmem>> -> memref<1x64x128xf32, #tpu.memory_space<vmem>>
      %dma_start3A_179 = tpu.memref_squeeze %dma_start3A_178 : memref<1x64x128xf32, #tpu.memory_space<vmem>> -> memref<64x128xf32, #tpu.memory_space<vmem>>
      %dma_start3A_180 = arith.constant 0 : i32
      %dma_start3A_181 = tpu.memref_slice %arg7[%add3A_156, %dma_start3A_180] : memref<80x64xi32, #tpu.memory_space<vmem>> -> memref<1x64xi32, #tpu.memory_space<vmem>>
      %dma_start3A_182 = tpu.memref_squeeze %dma_start3A_181 : memref<1x64xi32, #tpu.memory_space<vmem>> -> memref<64xi32, #tpu.memory_space<vmem>>
      %dma_start3A_183 = arith.constant 0 : i32
      %dma_start3A_184 = arith.constant 0 : i32
      %dma_start3A_185 = tpu.memref_slice %arg10[%dma_start3A_183, %dma_start3A_184] : memref<5024x128xf32, #tpu.memory_space<vmem_shared>> -> memref<5024x128xf32, #tpu.memory_space<vmem_shared>>
      %dma_start3A_186 = tpu.memref_slice %arg12[%dma_start3A_175] : memref<8x!tpu.dma_semaphore, #tpu.memory_space<semaphore_mem>> -> memref<1x!tpu.dma_semaphore, #tpu.memory_space<semaphore_mem>>
      %dma_start3A_187 = tpu.memref_squeeze %dma_start3A_186 : memref<1x!tpu.dma_semaphore, #tpu.memory_space<semaphore_mem>> -> memref<!tpu.dma_semaphore, #tpu.memory_space<semaphore_mem>>
      tpu.enqueue_indirect_dma source(%dma_start3A_179 : memref<64x128xf32, #tpu.memory_space<vmem>>) target(%dma_start3A_185 : memref<5024x128xf32, #tpu.memory_space<vmem_shared>>) offsets(%dma_start3A_182 : memref<64xi32, #tpu.memory_space<vmem>>) semaphore(%dma_start3A_187 : memref<!tpu.dma_semaphore, #tpu.memory_space<semaphore_mem>>) {add = true}
      %add3A_188 = arith.constant 1 : i32
      %add3A_189 = arith.addi %add3A_154, %add3A_188 : i32
      %dma_wait3A_190 = arith.constant 1 : i32
      %dma_wait3A_191 = arith.constant 1 : i32
      %dma_wait3A_192 = arith.constant 0 : i32
      %dma_wait3A_193 = arith.constant 0 : i32
      %dma_wait3A_194 = tpu.memref_slice %arg9[%dma_wait3A_190, %dma_wait3A_192, %dma_wait3A_193] : memref<8x64x128xf32, #tpu.memory_space<vmem>> -> memref<1x64x128xf32, #tpu.memory_space<vmem>>
      %dma_wait3A_195 = tpu.memref_squeeze %dma_wait3A_194 : memref<1x64x128xf32, #tpu.memory_space<vmem>> -> memref<64x128xf32, #tpu.memory_space<vmem>>
      %dma_wait3A_196 = arith.constant 0 : i32
      %dma_wait3A_197 = arith.constant 0 : i32
      %dma_wait3A_198 = tpu.memref_slice %arg2[%dma_wait3A_196, %dma_wait3A_197] : memref<10000x128xf32, #tpu.memory_space<hbm>> -> memref<64x128xf32, #tpu.memory_space<hbm>>
      %dma_wait3A_199 = tpu.memref_slice %arg11[%dma_wait3A_191] : memref<8x!tpu.dma_semaphore, #tpu.memory_space<semaphore_mem>> -> memref<1x!tpu.dma_semaphore, #tpu.memory_space<semaphore_mem>>
      %dma_wait3A_200 = tpu.memref_squeeze %dma_wait3A_199 : memref<1x!tpu.dma_semaphore, #tpu.memory_space<semaphore_mem>> -> memref<!tpu.dma_semaphore, #tpu.memory_space<semaphore_mem>>
      %dma_wait3A_201 = arith.constant 0 : i32
      %dma_wait3A_202 = arith.constant 0 : i32
      %dma_wait3A_203 = tpu.memref_slice %arg9[%dma_wait3A_190, %dma_wait3A_201, %dma_wait3A_202] : memref<8x64x128xf32, #tpu.memory_space<vmem>> -> memref<1x64x128xf32, #tpu.memory_space<vmem>>
      %dma_wait3A_204 = tpu.memref_squeeze %dma_wait3A_203 : memref<1x64x128xf32, #tpu.memory_space<vmem>> -> memref<64x128xf32, #tpu.memory_space<vmem>>
      %dma_wait3A_205 = arith.constant 0 : i32
      %dma_wait3A_206 = arith.constant 0 : i32
      %dma_wait3A_207 = tpu.memref_slice %arg2[%dma_wait3A_205, %dma_wait3A_206] : memref<10000x128xf32, #tpu.memory_space<hbm>> -> memref<64x128xf32, #tpu.memory_space<hbm>>
      tpu.wait_dma2 semaphore(%dma_wait3A_200 : memref<!tpu.dma_semaphore, #tpu.memory_space<semaphore_mem>>) src(%dma_wait3A_207 : memref<64x128xf32, #tpu.memory_space<hbm>>) dst(%dma_wait3A_204 : memref<64x128xf32, #tpu.memory_space<vmem>>)
      %dma_start3A_208 = arith.constant 1 : i32
      %dma_start3A_209 = arith.constant 1 : i32
      %dma_start3A_210 = arith.constant 0 : i32
      %dma_start3A_211 = arith.constant 0 : i32
      %dma_start3A_212 = tpu.memref_slice %arg9[%dma_start3A_208, %dma_start3A_210, %dma_start3A_211] : memref<8x64x128xf32, #tpu.memory_space<vmem>> -> memref<1x64x128xf32, #tpu.memory_space<vmem>>
      %dma_start3A_213 = tpu.memref_squeeze %dma_start3A_212 : memref<1x64x128xf32, #tpu.memory_space<vmem>> -> memref<64x128xf32, #tpu.memory_space<vmem>>
      %dma_start3A_214 = arith.constant 0 : i32
      %dma_start3A_215 = tpu.memref_slice %arg7[%add3A_189, %dma_start3A_214] : memref<80x64xi32, #tpu.memory_space<vmem>> -> memref<1x64xi32, #tpu.memory_space<vmem>>
      %dma_start3A_216 = tpu.memref_squeeze %dma_start3A_215 : memref<1x64xi32, #tpu.memory_space<vmem>> -> memref<64xi32, #tpu.memory_space<vmem>>
      %dma_start3A_217 = arith.constant 0 : i32
      %dma_start3A_218 = arith.constant 0 : i32
      %dma_start3A_219 = tpu.memref_slice %arg10[%dma_start3A_217, %dma_start3A_218] : memref<5024x128xf32, #tpu.memory_space<vmem_shared>> -> memref<5024x128xf32, #tpu.memory_space<vmem_shared>>
      %dma_start3A_220 = tpu.memref_slice %arg12[%dma_start3A_209] : memref<8x!tpu.dma_semaphore, #tpu.memory_space<semaphore_mem>> -> memref<1x!tpu.dma_semaphore, #tpu.memory_space<semaphore_mem>>
      %dma_start3A_221 = tpu.memref_squeeze %dma_start3A_220 : memref<1x!tpu.dma_semaphore, #tpu.memory_space<semaphore_mem>> -> memref<!tpu.dma_semaphore, #tpu.memory_space<semaphore_mem>>
      tpu.enqueue_indirect_dma source(%dma_start3A_213 : memref<64x128xf32, #tpu.memory_space<vmem>>) target(%dma_start3A_219 : memref<5024x128xf32, #tpu.memory_space<vmem_shared>>) offsets(%dma_start3A_216 : memref<64xi32, #tpu.memory_space<vmem>>) semaphore(%dma_start3A_221 : memref<!tpu.dma_semaphore, #tpu.memory_space<semaphore_mem>>) {add = true}
      %add3A_222 = arith.constant 2 : i32
      %add3A_223 = arith.addi %add3A_154, %add3A_222 : i32
      %dma_wait3A_224 = arith.constant 2 : i32
      %dma_wait3A_225 = arith.constant 2 : i32
      %dma_wait3A_226 = arith.constant 0 : i32
      %dma_wait3A_227 = arith.constant 0 : i32
      %dma_wait3A_228 = tpu.memref_slice %arg9[%dma_wait3A_224, %dma_wait3A_226, %dma_wait3A_227] : memref<8x64x128xf32, #tpu.memory_space<vmem>> -> memref<1x64x128xf32, #tpu.memory_space<vmem>>
      %dma_wait3A_229 = tpu.memref_squeeze %dma_wait3A_228 : memref<1x64x128xf32, #tpu.memory_space<vmem>> -> memref<64x128xf32, #tpu.memory_space<vmem>>
      %dma_wait3A_230 = arith.constant 0 : i32
      %dma_wait3A_231 = arith.constant 0 : i32
      %dma_wait3A_232 = tpu.memref_slice %arg2[%dma_wait3A_230, %dma_wait3A_231] : memref<10000x128xf32, #tpu.memory_space<hbm>> -> memref<64x128xf32, #tpu.memory_space<hbm>>
      %dma_wait3A_233 = tpu.memref_slice %arg11[%dma_wait3A_225] : memref<8x!tpu.dma_semaphore, #tpu.memory_space<semaphore_mem>> -> memref<1x!tpu.dma_semaphore, #tpu.memory_space<semaphore_mem>>
      %dma_wait3A_234 = tpu.memref_squeeze %dma_wait3A_233 : memref<1x!tpu.dma_semaphore, #tpu.memory_space<semaphore_mem>> -> memref<!tpu.dma_semaphore, #tpu.memory_space<semaphore_mem>>
      %dma_wait3A_235 = arith.constant 0 : i32
      %dma_wait3A_236 = arith.constant 0 : i32
      %dma_wait3A_237 = tpu.memref_slice %arg9[%dma_wait3A_224, %dma_wait3A_235, %dma_wait3A_236] : memref<8x64x128xf32, #tpu.memory_space<vmem>> -> memref<1x64x128xf32, #tpu.memory_space<vmem>>
      %dma_wait3A_238 = tpu.memref_squeeze %dma_wait3A_237 : memref<1x64x128xf32, #tpu.memory_space<vmem>> -> memref<64x128xf32, #tpu.memory_space<vmem>>
      %dma_wait3A_239 = arith.constant 0 : i32
      %dma_wait3A_240 = arith.constant 0 : i32
      %dma_wait3A_241 = tpu.memref_slice %arg2[%dma_wait3A_239, %dma_wait3A_240] : memref<10000x128xf32, #tpu.memory_space<hbm>> -> memref<64x128xf32, #tpu.memory_space<hbm>>
      tpu.wait_dma2 semaphore(%dma_wait3A_234 : memref<!tpu.dma_semaphore, #tpu.memory_space<semaphore_mem>>) src(%dma_wait3A_241 : memref<64x128xf32, #tpu.memory_space<hbm>>) dst(%dma_wait3A_238 : memref<64x128xf32, #tpu.memory_space<vmem>>)
      %dma_start3A_242 = arith.constant 2 : i32
      %dma_start3A_243 = arith.constant 2 : i32
      %dma_start3A_244 = arith.constant 0 : i32
      %dma_start3A_245 = arith.constant 0 : i32
      %dma_start3A_246 = tpu.memref_slice %arg9[%dma_start3A_242, %dma_start3A_244, %dma_start3A_245] : memref<8x64x128xf32, #tpu.memory_space<vmem>> -> memref<1x64x128xf32, #tpu.memory_space<vmem>>
      %dma_start3A_247 = tpu.memref_squeeze %dma_start3A_246 : memref<1x64x128xf32, #tpu.memory_space<vmem>> -> memref<64x128xf32, #tpu.memory_space<vmem>>
      %dma_start3A_248 = arith.constant 0 : i32
      %dma_start3A_249 = tpu.memref_slice %arg7[%add3A_223, %dma_start3A_248] : memref<80x64xi32, #tpu.memory_space<vmem>> -> memref<1x64xi32, #tpu.memory_space<vmem>>
      %dma_start3A_250 = tpu.memref_squeeze %dma_start3A_249 : memref<1x64xi32, #tpu.memory_space<vmem>> -> memref<64xi32, #tpu.memory_space<vmem>>
      %dma_start3A_251 = arith.constant 0 : i32
      %dma_start3A_252 = arith.constant 0 : i32
      %dma_start3A_253 = tpu.memref_slice %arg10[%dma_start3A_251, %dma_start3A_252] : memref<5024x128xf32, #tpu.memory_space<vmem_shared>> -> memref<5024x128xf32, #tpu.memory_space<vmem_shared>>
      %dma_start3A_254 = tpu.memref_slice %arg12[%dma_start3A_243] : memref<8x!tpu.dma_semaphore, #tpu.memory_space<semaphore_mem>> -> memref<1x!tpu.dma_semaphore, #tpu.memory_space<semaphore_mem>>
      %dma_start3A_255 = tpu.memref_squeeze %dma_start3A_254 : memref<1x!tpu.dma_semaphore, #tpu.memory_space<semaphore_mem>> -> memref<!tpu.dma_semaphore, #tpu.memory_space<semaphore_mem>>
      tpu.enqueue_indirect_dma source(%dma_start3A_247 : memref<64x128xf32, #tpu.memory_space<vmem>>) target(%dma_start3A_253 : memref<5024x128xf32, #tpu.memory_space<vmem_shared>>) offsets(%dma_start3A_250 : memref<64xi32, #tpu.memory_space<vmem>>) semaphore(%dma_start3A_255 : memref<!tpu.dma_semaphore, #tpu.memory_space<semaphore_mem>>) {add = true}
      %add3A_256 = arith.constant 3 : i32
      %add3A_257 = arith.addi %add3A_154, %add3A_256 : i32
      %dma_wait3A_258 = arith.constant 3 : i32
      %dma_wait3A_259 = arith.constant 3 : i32
      %dma_wait3A_260 = arith.constant 0 : i32
      %dma_wait3A_261 = arith.constant 0 : i32
      %dma_wait3A_262 = tpu.memref_slice %arg9[%dma_wait3A_258, %dma_wait3A_260, %dma_wait3A_261] : memref<8x64x128xf32, #tpu.memory_space<vmem>> -> memref<1x64x128xf32, #tpu.memory_space<vmem>>
      %dma_wait3A_263 = tpu.memref_squeeze %dma_wait3A_262 : memref<1x64x128xf32, #tpu.memory_space<vmem>> -> memref<64x128xf32, #tpu.memory_space<vmem>>
      %dma_wait3A_264 = arith.constant 0 : i32
      %dma_wait3A_265 = arith.constant 0 : i32
      %dma_wait3A_266 = tpu.memref_slice %arg2[%dma_wait3A_264, %dma_wait3A_265] : memref<10000x128xf32, #tpu.memory_space<hbm>> -> memref<64x128xf32, #tpu.memory_space<hbm>>
      %dma_wait3A_267 = tpu.memref_slice %arg11[%dma_wait3A_259] : memref<8x!tpu.dma_semaphore, #tpu.memory_space<semaphore_mem>> -> memref<1x!tpu.dma_semaphore, #tpu.memory_space<semaphore_mem>>
      %dma_wait3A_268 = tpu.memref_squeeze %dma_wait3A_267 : memref<1x!tpu.dma_semaphore, #tpu.memory_space<semaphore_mem>> -> memref<!tpu.dma_semaphore, #tpu.memory_space<semaphore_mem>>
      %dma_wait3A_269 = arith.constant 0 : i32
      %dma_wait3A_270 = arith.constant 0 : i32
      %dma_wait3A_271 = tpu.memref_slice %arg9[%dma_wait3A_258, %dma_wait3A_269, %dma_wait3A_270] : memref<8x64x128xf32, #tpu.memory_space<vmem>> -> memref<1x64x128xf32, #tpu.memory_space<vmem>>
      %dma_wait3A_272 = tpu.memref_squeeze %dma_wait3A_271 : memref<1x64x128xf32, #tpu.memory_space<vmem>> -> memref<64x128xf32, #tpu.memory_space<vmem>>
      %dma_wait3A_273 = arith.constant 0 : i32
      %dma_wait3A_274 = arith.constant 0 : i32
      %dma_wait3A_275 = tpu.memref_slice %arg2[%dma_wait3A_273, %dma_wait3A_274] : memref<10000x128xf32, #tpu.memory_space<hbm>> -> memref<64x128xf32, #tpu.memory_space<hbm>>
      tpu.wait_dma2 semaphore(%dma_wait3A_268 : memref<!tpu.dma_semaphore, #tpu.memory_space<semaphore_mem>>) src(%dma_wait3A_275 : memref<64x128xf32, #tpu.memory_space<hbm>>) dst(%dma_wait3A_272 : memref<64x128xf32, #tpu.memory_space<vmem>>)
      %dma_start3A_276 = arith.constant 3 : i32
      %dma_start3A_277 = arith.constant 3 : i32
      %dma_start3A_278 = arith.constant 0 : i32
      %dma_start3A_279 = arith.constant 0 : i32
      %dma_start3A_280 = tpu.memref_slice %arg9[%dma_start3A_276, %dma_start3A_278, %dma_start3A_279] : memref<8x64x128xf32, #tpu.memory_space<vmem>> -> memref<1x64x128xf32, #tpu.memory_space<vmem>>
      %dma_start3A_281 = tpu.memref_squeeze %dma_start3A_280 : memref<1x64x128xf32, #tpu.memory_space<vmem>> -> memref<64x128xf32, #tpu.memory_space<vmem>>
      %dma_start3A_282 = arith.constant 0 : i32
      %dma_start3A_283 = tpu.memref_slice %arg7[%add3A_257, %dma_start3A_282] : memref<80x64xi32, #tpu.memory_space<vmem>> -> memref<1x64xi32, #tpu.memory_space<vmem>>
      %dma_start3A_284 = tpu.memref_squeeze %dma_start3A_283 : memref<1x64xi32, #tpu.memory_space<vmem>> -> memref<64xi32, #tpu.memory_space<vmem>>
      %dma_start3A_285 = arith.constant 0 : i32
      %dma_start3A_286 = arith.constant 0 : i32
      %dma_start3A_287 = tpu.memref_slice %arg10[%dma_start3A_285, %dma_start3A_286] : memref<5024x128xf32, #tpu.memory_space<vmem_shared>> -> memref<5024x128xf32, #tpu.memory_space<vmem_shared>>
      %dma_start3A_288 = tpu.memref_slice %arg12[%dma_start3A_277] : memref<8x!tpu.dma_semaphore, #tpu.memory_space<semaphore_mem>> -> memref<1x!tpu.dma_semaphore, #tpu.memory_space<semaphore_mem>>
      %dma_start3A_289 = tpu.memref_squeeze %dma_start3A_288 : memref<1x!tpu.dma_semaphore, #tpu.memory_space<semaphore_mem>> -> memref<!tpu.dma_semaphore, #tpu.memory_space<semaphore_mem>>
      tpu.enqueue_indirect_dma source(%dma_start3A_281 : memref<64x128xf32, #tpu.memory_space<vmem>>) target(%dma_start3A_287 : memref<5024x128xf32, #tpu.memory_space<vmem_shared>>) offsets(%dma_start3A_284 : memref<64xi32, #tpu.memory_space<vmem>>) semaphore(%dma_start3A_289 : memref<!tpu.dma_semaphore, #tpu.memory_space<semaphore_mem>>) {add = true}
      %add3A_290 = arith.constant 4 : i32
      %add3A_291 = arith.addi %add3A_154, %add3A_290 : i32
      %dma_wait3A_292 = arith.constant 4 : i32
      %dma_wait3A_293 = arith.constant 4 : i32
      %dma_wait3A_294 = arith.constant 0 : i32
      %dma_wait3A_295 = arith.constant 0 : i32
      %dma_wait3A_296 = tpu.memref_slice %arg9[%dma_wait3A_292, %dma_wait3A_294, %dma_wait3A_295] : memref<8x64x128xf32, #tpu.memory_space<vmem>> -> memref<1x64x128xf32, #tpu.memory_space<vmem>>
      %dma_wait3A_297 = tpu.memref_squeeze %dma_wait3A_296 : memref<1x64x128xf32, #tpu.memory_space<vmem>> -> memref<64x128xf32, #tpu.memory_space<vmem>>
      %dma_wait3A_298 = arith.constant 0 : i32
      %dma_wait3A_299 = arith.constant 0 : i32
      %dma_wait3A_300 = tpu.memref_slice %arg2[%dma_wait3A_298, %dma_wait3A_299] : memref<10000x128xf32, #tpu.memory_space<hbm>> -> memref<64x128xf32, #tpu.memory_space<hbm>>
      %dma_wait3A_301 = tpu.memref_slice %arg11[%dma_wait3A_293] : memref<8x!tpu.dma_semaphore, #tpu.memory_space<semaphore_mem>> -> memref<1x!tpu.dma_semaphore, #tpu.memory_space<semaphore_mem>>
      %dma_wait3A_302 = tpu.memref_squeeze %dma_wait3A_301 : memref<1x!tpu.dma_semaphore, #tpu.memory_space<semaphore_mem>> -> memref<!tpu.dma_semaphore, #tpu.memory_space<semaphore_mem>>
      %dma_wait3A_303 = arith.constant 0 : i32
      %dma_wait3A_304 = arith.constant 0 : i32
      %dma_wait3A_305 = tpu.memref_slice %arg9[%dma_wait3A_292, %dma_wait3A_303, %dma_wait3A_304] : memref<8x64x128xf32, #tpu.memory_space<vmem>> -> memref<1x64x128xf32, #tpu.memory_space<vmem>>
      %dma_wait3A_306 = tpu.memref_squeeze %dma_wait3A_305 : memref<1x64x128xf32, #tpu.memory_space<vmem>> -> memref<64x128xf32, #tpu.memory_space<vmem>>
      %dma_wait3A_307 = arith.constant 0 : i32
      %dma_wait3A_308 = arith.constant 0 : i32
      %dma_wait3A_309 = tpu.memref_slice %arg2[%dma_wait3A_307, %dma_wait3A_308] : memref<10000x128xf32, #tpu.memory_space<hbm>> -> memref<64x128xf32, #tpu.memory_space<hbm>>
      tpu.wait_dma2 semaphore(%dma_wait3A_302 : memref<!tpu.dma_semaphore, #tpu.memory_space<semaphore_mem>>) src(%dma_wait3A_309 : memref<64x128xf32, #tpu.memory_space<hbm>>) dst(%dma_wait3A_306 : memref<64x128xf32, #tpu.memory_space<vmem>>)
      %dma_start3A_310 = arith.constant 4 : i32
      %dma_start3A_311 = arith.constant 4 : i32
      %dma_start3A_312 = arith.constant 0 : i32
      %dma_start3A_313 = arith.constant 0 : i32
      %dma_start3A_314 = tpu.memref_slice %arg9[%dma_start3A_310, %dma_start3A_312, %dma_start3A_313] : memref<8x64x128xf32, #tpu.memory_space<vmem>> -> memref<1x64x128xf32, #tpu.memory_space<vmem>>
      %dma_start3A_315 = tpu.memref_squeeze %dma_start3A_314 : memref<1x64x128xf32, #tpu.memory_space<vmem>> -> memref<64x128xf32, #tpu.memory_space<vmem>>
      %dma_start3A_316 = arith.constant 0 : i32
      %dma_start3A_317 = tpu.memref_slice %arg7[%add3A_291, %dma_start3A_316] : memref<80x64xi32, #tpu.memory_space<vmem>> -> memref<1x64xi32, #tpu.memory_space<vmem>>
      %dma_start3A_318 = tpu.memref_squeeze %dma_start3A_317 : memref<1x64xi32, #tpu.memory_space<vmem>> -> memref<64xi32, #tpu.memory_space<vmem>>
      %dma_start3A_319 = arith.constant 0 : i32
      %dma_start3A_320 = arith.constant 0 : i32
      %dma_start3A_321 = tpu.memref_slice %arg10[%dma_start3A_319, %dma_start3A_320] : memref<5024x128xf32, #tpu.memory_space<vmem_shared>> -> memref<5024x128xf32, #tpu.memory_space<vmem_shared>>
      %dma_start3A_322 = tpu.memref_slice %arg12[%dma_start3A_311] : memref<8x!tpu.dma_semaphore, #tpu.memory_space<semaphore_mem>> -> memref<1x!tpu.dma_semaphore, #tpu.memory_space<semaphore_mem>>
      %dma_start3A_323 = tpu.memref_squeeze %dma_start3A_322 : memref<1x!tpu.dma_semaphore, #tpu.memory_space<semaphore_mem>> -> memref<!tpu.dma_semaphore, #tpu.memory_space<semaphore_mem>>
      tpu.enqueue_indirect_dma source(%dma_start3A_315 : memref<64x128xf32, #tpu.memory_space<vmem>>) target(%dma_start3A_321 : memref<5024x128xf32, #tpu.memory_space<vmem_shared>>) offsets(%dma_start3A_318 : memref<64xi32, #tpu.memory_space<vmem>>) semaphore(%dma_start3A_323 : memref<!tpu.dma_semaphore, #tpu.memory_space<semaphore_mem>>) {add = true}
      %add3A_324 = arith.constant 5 : i32
      %add3A_325 = arith.addi %add3A_154, %add3A_324 : i32
      %dma_wait3A_326 = arith.constant 5 : i32
      %dma_wait3A_327 = arith.constant 5 : i32
      %dma_wait3A_328 = arith.constant 0 : i32
      %dma_wait3A_329 = arith.constant 0 : i32
      %dma_wait3A_330 = tpu.memref_slice %arg9[%dma_wait3A_326, %dma_wait3A_328, %dma_wait3A_329] : memref<8x64x128xf32, #tpu.memory_space<vmem>> -> memref<1x64x128xf32, #tpu.memory_space<vmem>>
      %dma_wait3A_331 = tpu.memref_squeeze %dma_wait3A_330 : memref<1x64x128xf32, #tpu.memory_space<vmem>> -> memref<64x128xf32, #tpu.memory_space<vmem>>
      %dma_wait3A_332 = arith.constant 0 : i32
      %dma_wait3A_333 = arith.constant 0 : i32
      %dma_wait3A_334 = tpu.memref_slice %arg2[%dma_wait3A_332, %dma_wait3A_333] : memref<10000x128xf32, #tpu.memory_space<hbm>> -> memref<64x128xf32, #tpu.memory_space<hbm>>
      %dma_wait3A_335 = tpu.memref_slice %arg11[%dma_wait3A_327] : memref<8x!tpu.dma_semaphore, #tpu.memory_space<semaphore_mem>> -> memref<1x!tpu.dma_semaphore, #tpu.memory_space<semaphore_mem>>
      %dma_wait3A_336 = tpu.memref_squeeze %dma_wait3A_335 : memref<1x!tpu.dma_semaphore, #tpu.memory_space<semaphore_mem>> -> memref<!tpu.dma_semaphore, #tpu.memory_space<semaphore_mem>>
      %dma_wait3A_337 = arith.constant 0 : i32
      %dma_wait3A_338 = arith.constant 0 : i32
      %dma_wait3A_339 = tpu.memref_slice %arg9[%dma_wait3A_326, %dma_wait3A_337, %dma_wait3A_338] : memref<8x64x128xf32, #tpu.memory_space<vmem>> -> memref<1x64x128xf32, #tpu.memory_space<vmem>>
      %dma_wait3A_340 = tpu.memref_squeeze %dma_wait3A_339 : memref<1x64x128xf32, #tpu.memory_space<vmem>> -> memref<64x128xf32, #tpu.memory_space<vmem>>
      %dma_wait3A_341 = arith.constant 0 : i32
      %dma_wait3A_342 = arith.constant 0 : i32
      %dma_wait3A_343 = tpu.memref_slice %arg2[%dma_wait3A_341, %dma_wait3A_342] : memref<10000x128xf32, #tpu.memory_space<hbm>> -> memref<64x128xf32, #tpu.memory_space<hbm>>
      tpu.wait_dma2 semaphore(%dma_wait3A_336 : memref<!tpu.dma_semaphore, #tpu.memory_space<semaphore_mem>>) src(%dma_wait3A_343 : memref<64x128xf32, #tpu.memory_space<hbm>>) dst(%dma_wait3A_340 : memref<64x128xf32, #tpu.memory_space<vmem>>)
      %dma_start3A_344 = arith.constant 5 : i32
      %dma_start3A_345 = arith.constant 5 : i32
      %dma_start3A_346 = arith.constant 0 : i32
      %dma_start3A_347 = arith.constant 0 : i32
      %dma_start3A_348 = tpu.memref_slice %arg9[%dma_start3A_344, %dma_start3A_346, %dma_start3A_347] : memref<8x64x128xf32, #tpu.memory_space<vmem>> -> memref<1x64x128xf32, #tpu.memory_space<vmem>>
      %dma_start3A_349 = tpu.memref_squeeze %dma_start3A_348 : memref<1x64x128xf32, #tpu.memory_space<vmem>> -> memref<64x128xf32, #tpu.memory_space<vmem>>
      %dma_start3A_350 = arith.constant 0 : i32
      %dma_start3A_351 = tpu.memref_slice %arg7[%add3A_325, %dma_start3A_350] : memref<80x64xi32, #tpu.memory_space<vmem>> -> memref<1x64xi32, #tpu.memory_space<vmem>>
      %dma_start3A_352 = tpu.memref_squeeze %dma_start3A_351 : memref<1x64xi32, #tpu.memory_space<vmem>> -> memref<64xi32, #tpu.memory_space<vmem>>
      %dma_start3A_353 = arith.constant 0 : i32
      %dma_start3A_354 = arith.constant 0 : i32
      %dma_start3A_355 = tpu.memref_slice %arg10[%dma_start3A_353, %dma_start3A_354] : memref<5024x128xf32, #tpu.memory_space<vmem_shared>> -> memref<5024x128xf32, #tpu.memory_space<vmem_shared>>
      %dma_start3A_356 = tpu.memref_slice %arg12[%dma_start3A_345] : memref<8x!tpu.dma_semaphore, #tpu.memory_space<semaphore_mem>> -> memref<1x!tpu.dma_semaphore, #tpu.memory_space<semaphore_mem>>
      %dma_start3A_357 = tpu.memref_squeeze %dma_start3A_356 : memref<1x!tpu.dma_semaphore, #tpu.memory_space<semaphore_mem>> -> memref<!tpu.dma_semaphore, #tpu.memory_space<semaphore_mem>>
      tpu.enqueue_indirect_dma source(%dma_start3A_349 : memref<64x128xf32, #tpu.memory_space<vmem>>) target(%dma_start3A_355 : memref<5024x128xf32, #tpu.memory_space<vmem_shared>>) offsets(%dma_start3A_352 : memref<64xi32, #tpu.memory_space<vmem>>) semaphore(%dma_start3A_357 : memref<!tpu.dma_semaphore, #tpu.memory_space<semaphore_mem>>) {add = true}
      %add3A_358 = arith.constant 6 : i32
      %add3A_359 = arith.addi %add3A_154, %add3A_358 : i32
      %dma_wait3A_360 = arith.constant 6 : i32
      %dma_wait3A_361 = arith.constant 6 : i32
      %dma_wait3A_362 = arith.constant 0 : i32
      %dma_wait3A_363 = arith.constant 0 : i32
      %dma_wait3A_364 = tpu.memref_slice %arg9[%dma_wait3A_360, %dma_wait3A_362, %dma_wait3A_363] : memref<8x64x128xf32, #tpu.memory_space<vmem>> -> memref<1x64x128xf32, #tpu.memory_space<vmem>>
      %dma_wait3A_365 = tpu.memref_squeeze %dma_wait3A_364 : memref<1x64x128xf32, #tpu.memory_space<vmem>> -> memref<64x128xf32, #tpu.memory_space<vmem>>
      %dma_wait3A_366 = arith.constant 0 : i32
      %dma_wait3A_367 = arith.constant 0 : i32
      %dma_wait3A_368 = tpu.memref_slice %arg2[%dma_wait3A_366, %dma_wait3A_367] : memref<10000x128xf32, #tpu.memory_space<hbm>> -> memref<64x128xf32, #tpu.memory_space<hbm>>
      %dma_wait3A_369 = tpu.memref_slice %arg11[%dma_wait3A_361] : memref<8x!tpu.dma_semaphore, #tpu.memory_space<semaphore_mem>> -> memref<1x!tpu.dma_semaphore, #tpu.memory_space<semaphore_mem>>
      %dma_wait3A_370 = tpu.memref_squeeze %dma_wait3A_369 : memref<1x!tpu.dma_semaphore, #tpu.memory_space<semaphore_mem>> -> memref<!tpu.dma_semaphore, #tpu.memory_space<semaphore_mem>>
      %dma_wait3A_371 = arith.constant 0 : i32
      %dma_wait3A_372 = arith.constant 0 : i32
      %dma_wait3A_373 = tpu.memref_slice %arg9[%dma_wait3A_360, %dma_wait3A_371, %dma_wait3A_372] : memref<8x64x128xf32, #tpu.memory_space<vmem>> -> memref<1x64x128xf32, #tpu.memory_space<vmem>>
      %dma_wait3A_374 = tpu.memref_squeeze %dma_wait3A_373 : memref<1x64x128xf32, #tpu.memory_space<vmem>> -> memref<64x128xf32, #tpu.memory_space<vmem>>
      %dma_wait3A_375 = arith.constant 0 : i32
      %dma_wait3A_376 = arith.constant 0 : i32
      %dma_wait3A_377 = tpu.memref_slice %arg2[%dma_wait3A_375, %dma_wait3A_376] : memref<10000x128xf32, #tpu.memory_space<hbm>> -> memref<64x128xf32, #tpu.memory_space<hbm>>
      tpu.wait_dma2 semaphore(%dma_wait3A_370 : memref<!tpu.dma_semaphore, #tpu.memory_space<semaphore_mem>>) src(%dma_wait3A_377 : memref<64x128xf32, #tpu.memory_space<hbm>>) dst(%dma_wait3A_374 : memref<64x128xf32, #tpu.memory_space<vmem>>)
      %dma_start3A_378 = arith.constant 6 : i32
      %dma_start3A_379 = arith.constant 6 : i32
      %dma_start3A_380 = arith.constant 0 : i32
      %dma_start3A_381 = arith.constant 0 : i32
      %dma_start3A_382 = tpu.memref_slice %arg9[%dma_start3A_378, %dma_start3A_380, %dma_start3A_381] : memref<8x64x128xf32, #tpu.memory_space<vmem>> -> memref<1x64x128xf32, #tpu.memory_space<vmem>>
      %dma_start3A_383 = tpu.memref_squeeze %dma_start3A_382 : memref<1x64x128xf32, #tpu.memory_space<vmem>> -> memref<64x128xf32, #tpu.memory_space<vmem>>
      %dma_start3A_384 = arith.constant 0 : i32
      %dma_start3A_385 = tpu.memref_slice %arg7[%add3A_359, %dma_start3A_384] : memref<80x64xi32, #tpu.memory_space<vmem>> -> memref<1x64xi32, #tpu.memory_space<vmem>>
      %dma_start3A_386 = tpu.memref_squeeze %dma_start3A_385 : memref<1x64xi32, #tpu.memory_space<vmem>> -> memref<64xi32, #tpu.memory_space<vmem>>
      %dma_start3A_387 = arith.constant 0 : i32
      %dma_start3A_388 = arith.constant 0 : i32
      %dma_start3A_389 = tpu.memref_slice %arg10[%dma_start3A_387, %dma_start3A_388] : memref<5024x128xf32, #tpu.memory_space<vmem_shared>> -> memref<5024x128xf32, #tpu.memory_space<vmem_shared>>
      %dma_start3A_390 = tpu.memref_slice %arg12[%dma_start3A_379] : memref<8x!tpu.dma_semaphore, #tpu.memory_space<semaphore_mem>> -> memref<1x!tpu.dma_semaphore, #tpu.memory_space<semaphore_mem>>
      %dma_start3A_391 = tpu.memref_squeeze %dma_start3A_390 : memref<1x!tpu.dma_semaphore, #tpu.memory_space<semaphore_mem>> -> memref<!tpu.dma_semaphore, #tpu.memory_space<semaphore_mem>>
      tpu.enqueue_indirect_dma source(%dma_start3A_383 : memref<64x128xf32, #tpu.memory_space<vmem>>) target(%dma_start3A_389 : memref<5024x128xf32, #tpu.memory_space<vmem_shared>>) offsets(%dma_start3A_386 : memref<64xi32, #tpu.memory_space<vmem>>) semaphore(%dma_start3A_391 : memref<!tpu.dma_semaphore, #tpu.memory_space<semaphore_mem>>) {add = true}
      %add3A_392 = arith.constant 7 : i32
      %add3A_393 = arith.addi %add3A_154, %add3A_392 : i32
      %dma_wait3A_394 = arith.constant 7 : i32
      %dma_wait3A_395 = arith.constant 7 : i32
      %dma_wait3A_396 = arith.constant 0 : i32
      %dma_wait3A_397 = arith.constant 0 : i32
      %dma_wait3A_398 = tpu.memref_slice %arg9[%dma_wait3A_394, %dma_wait3A_396, %dma_wait3A_397] : memref<8x64x128xf32, #tpu.memory_space<vmem>> -> memref<1x64x128xf32, #tpu.memory_space<vmem>>
      %dma_wait3A_399 = tpu.memref_squeeze %dma_wait3A_398 : memref<1x64x128xf32, #tpu.memory_space<vmem>> -> memref<64x128xf32, #tpu.memory_space<vmem>>
      %dma_wait3A_400 = arith.constant 0 : i32
      %dma_wait3A_401 = arith.constant 0 : i32
      %dma_wait3A_402 = tpu.memref_slice %arg2[%dma_wait3A_400, %dma_wait3A_401] : memref<10000x128xf32, #tpu.memory_space<hbm>> -> memref<64x128xf32, #tpu.memory_space<hbm>>
      %dma_wait3A_403 = tpu.memref_slice %arg11[%dma_wait3A_395] : memref<8x!tpu.dma_semaphore, #tpu.memory_space<semaphore_mem>> -> memref<1x!tpu.dma_semaphore, #tpu.memory_space<semaphore_mem>>
      %dma_wait3A_404 = tpu.memref_squeeze %dma_wait3A_403 : memref<1x!tpu.dma_semaphore, #tpu.memory_space<semaphore_mem>> -> memref<!tpu.dma_semaphore, #tpu.memory_space<semaphore_mem>>
      %dma_wait3A_405 = arith.constant 0 : i32
      %dma_wait3A_406 = arith.constant 0 : i32
      %dma_wait3A_407 = tpu.memref_slice %arg9[%dma_wait3A_394, %dma_wait3A_405, %dma_wait3A_406] : memref<8x64x128xf32, #tpu.memory_space<vmem>> -> memref<1x64x128xf32, #tpu.memory_space<vmem>>
      %dma_wait3A_408 = tpu.memref_squeeze %dma_wait3A_407 : memref<1x64x128xf32, #tpu.memory_space<vmem>> -> memref<64x128xf32, #tpu.memory_space<vmem>>
      %dma_wait3A_409 = arith.constant 0 : i32
      %dma_wait3A_410 = arith.constant 0 : i32
      %dma_wait3A_411 = tpu.memref_slice %arg2[%dma_wait3A_409, %dma_wait3A_410] : memref<10000x128xf32, #tpu.memory_space<hbm>> -> memref<64x128xf32, #tpu.memory_space<hbm>>
      tpu.wait_dma2 semaphore(%dma_wait3A_404 : memref<!tpu.dma_semaphore, #tpu.memory_space<semaphore_mem>>) src(%dma_wait3A_411 : memref<64x128xf32, #tpu.memory_space<hbm>>) dst(%dma_wait3A_408 : memref<64x128xf32, #tpu.memory_space<vmem>>)
      %dma_start3A_412 = arith.constant 7 : i32
      %dma_start3A_413 = arith.constant 7 : i32
      %dma_start3A_414 = arith.constant 0 : i32
      %dma_start3A_415 = arith.constant 0 : i32
      %dma_start3A_416 = tpu.memref_slice %arg9[%dma_start3A_412, %dma_start3A_414, %dma_start3A_415] : memref<8x64x128xf32, #tpu.memory_space<vmem>> -> memref<1x64x128xf32, #tpu.memory_space<vmem>>
      %dma_start3A_417 = tpu.memref_squeeze %dma_start3A_416 : memref<1x64x128xf32, #tpu.memory_space<vmem>> -> memref<64x128xf32, #tpu.memory_space<vmem>>
      %dma_start3A_418 = arith.constant 0 : i32
      %dma_start3A_419 = tpu.memref_slice %arg7[%add3A_393, %dma_start3A_418] : memref<80x64xi32, #tpu.memory_space<vmem>> -> memref<1x64xi32, #tpu.memory_space<vmem>>
      %dma_start3A_420 = tpu.memref_squeeze %dma_start3A_419 : memref<1x64xi32, #tpu.memory_space<vmem>> -> memref<64xi32, #tpu.memory_space<vmem>>
      %dma_start3A_421 = arith.constant 0 : i32
      %dma_start3A_422 = arith.constant 0 : i32
      %dma_start3A_423 = tpu.memref_slice %arg10[%dma_start3A_421, %dma_start3A_422] : memref<5024x128xf32, #tpu.memory_space<vmem_shared>> -> memref<5024x128xf32, #tpu.memory_space<vmem_shared>>
      %dma_start3A_424 = tpu.memref_slice %arg12[%dma_start3A_413] : memref<8x!tpu.dma_semaphore, #tpu.memory_space<semaphore_mem>> -> memref<1x!tpu.dma_semaphore, #tpu.memory_space<semaphore_mem>>
      %dma_start3A_425 = tpu.memref_squeeze %dma_start3A_424 : memref<1x!tpu.dma_semaphore, #tpu.memory_space<semaphore_mem>> -> memref<!tpu.dma_semaphore, #tpu.memory_space<semaphore_mem>>
      tpu.enqueue_indirect_dma source(%dma_start3A_417 : memref<64x128xf32, #tpu.memory_space<vmem>>) target(%dma_start3A_423 : memref<5024x128xf32, #tpu.memory_space<vmem_shared>>) offsets(%dma_start3A_420 : memref<64xi32, #tpu.memory_space<vmem>>) semaphore(%dma_start3A_425 : memref<!tpu.dma_semaphore, #tpu.memory_space<semaphore_mem>>) {add = true}
      %add3A_426 = arith.constant 0 : i32
      %add3A_427 = arith.addi %add3A_154, %add3A_426 : i32
      %dma_wait3A_428 = arith.constant 0 : i32
      %dma_wait3A_429 = arith.constant 0 : i32
      %dma_wait3A_430 = arith.constant 0 : i32
      %dma_wait3A_431 = arith.constant 0 : i32
      %dma_wait3A_432 = tpu.memref_slice %arg9[%dma_wait3A_428, %dma_wait3A_430, %dma_wait3A_431] : memref<8x64x128xf32, #tpu.memory_space<vmem>> -> memref<1x64x128xf32, #tpu.memory_space<vmem>>
      %dma_wait3A_433 = tpu.memref_squeeze %dma_wait3A_432 : memref<1x64x128xf32, #tpu.memory_space<vmem>> -> memref<64x128xf32, #tpu.memory_space<vmem>>
      %dma_wait3A_434 = arith.constant 0 : i32
      %dma_wait3A_435 = arith.constant 0 : i32
      %dma_wait3A_436 = tpu.memref_slice %arg2[%dma_wait3A_434, %dma_wait3A_435] : memref<10000x128xf32, #tpu.memory_space<hbm>> -> memref<64x128xf32, #tpu.memory_space<hbm>>
      %dma_wait3A_437 = tpu.memref_slice %arg12[%dma_wait3A_429] : memref<8x!tpu.dma_semaphore, #tpu.memory_space<semaphore_mem>> -> memref<1x!tpu.dma_semaphore, #tpu.memory_space<semaphore_mem>>
      %dma_wait3A_438 = tpu.memref_squeeze %dma_wait3A_437 : memref<1x!tpu.dma_semaphore, #tpu.memory_space<semaphore_mem>> -> memref<!tpu.dma_semaphore, #tpu.memory_space<semaphore_mem>>
      %dma_wait3A_439 = arith.constant 0 : i32
      %dma_wait3A_440 = arith.constant 0 : i32
      %dma_wait3A_441 = tpu.memref_slice %arg9[%dma_wait3A_428, %dma_wait3A_439, %dma_wait3A_440] : memref<8x64x128xf32, #tpu.memory_space<vmem>> -> memref<1x64x128xf32, #tpu.memory_space<vmem>>
      %dma_wait3A_442 = tpu.memref_squeeze %dma_wait3A_441 : memref<1x64x128xf32, #tpu.memory_space<vmem>> -> memref<64x128xf32, #tpu.memory_space<vmem>>
      %dma_wait3A_443 = arith.constant 0 : i32
      %dma_wait3A_444 = arith.constant 0 : i32
      %dma_wait3A_445 = tpu.memref_slice %arg2[%dma_wait3A_443, %dma_wait3A_444] : memref<10000x128xf32, #tpu.memory_space<hbm>> -> memref<64x128xf32, #tpu.memory_space<hbm>>
      tpu.wait_dma2 semaphore(%dma_wait3A_438 : memref<!tpu.dma_semaphore, #tpu.memory_space<semaphore_mem>>) src(%dma_wait3A_445 : memref<64x128xf32, #tpu.memory_space<hbm>>) dst(%dma_wait3A_442 : memref<64x128xf32, #tpu.memory_space<vmem>>)
      %add3A_446 = arith.constant 8 : i32
      %add3A_447 = arith.addi %add3A_427, %add3A_446 : i32
      %lt3A = arith.constant 80 : i32
      %lt3A_448 = arith.cmpi slt, %add3A_447, %lt3A : i32
      %convert_element_type3A_449 = arith.extui %lt3A_448 : i1 to i32
      %cond3A_450 = arith.constant 0 : i32
      %cond3A_451 = arith.cmpi ne, %convert_element_type3A_449, %cond3A_450 : i32
      scf.if %cond3A_451 {
        %add3A_641 = arith.constant 8 : i32
        %add3A_642 = arith.addi %add3A_427, %add3A_641 : i32
        %dma_start3A_643 = arith.constant 0 : i32
        %dma_start3A_644 = arith.constant 0 : i32
        %dma_start3A_645 = arith.constant 0 : i32
        %dma_start3A_646 = arith.constant 0 : i32
        %dma_start3A_647 = tpu.memref_slice %arg9[%dma_start3A_643, %dma_start3A_645, %dma_start3A_646] : memref<8x64x128xf32, #tpu.memory_space<vmem>> -> memref<1x64x128xf32, #tpu.memory_space<vmem>>
        %dma_start3A_648 = tpu.memref_squeeze %dma_start3A_647 : memref<1x64x128xf32, #tpu.memory_space<vmem>> -> memref<64x128xf32, #tpu.memory_space<vmem>>
        %dma_start3A_649 = arith.constant 0 : i32
        %dma_start3A_650 = tpu.memref_slice %arg8[%add3A_642, %dma_start3A_649] : memref<80x64xi32, #tpu.memory_space<vmem>> -> memref<1x64xi32, #tpu.memory_space<vmem>>
        %dma_start3A_651 = tpu.memref_squeeze %dma_start3A_650 : memref<1x64xi32, #tpu.memory_space<vmem>> -> memref<64xi32, #tpu.memory_space<vmem>>
        %dma_start3A_652 = arith.constant 0 : i32
        %dma_start3A_653 = arith.constant 0 : i32
        %dma_start3A_654 = tpu.memref_slice %arg2[%dma_start3A_652, %dma_start3A_653] : memref<10000x128xf32, #tpu.memory_space<hbm>> -> memref<10000x128xf32, #tpu.memory_space<hbm>>
        %dma_start3A_655 = tpu.memref_slice %arg11[%dma_start3A_644] : memref<8x!tpu.dma_semaphore, #tpu.memory_space<semaphore_mem>> -> memref<1x!tpu.dma_semaphore, #tpu.memory_space<semaphore_mem>>
        %dma_start3A_656 = tpu.memref_squeeze %dma_start3A_655 : memref<1x!tpu.dma_semaphore, #tpu.memory_space<semaphore_mem>> -> memref<!tpu.dma_semaphore, #tpu.memory_space<semaphore_mem>>
        tpu.enqueue_indirect_dma source(%dma_start3A_654 : memref<10000x128xf32, #tpu.memory_space<hbm>>) target(%dma_start3A_648 : memref<64x128xf32, #tpu.memory_space<vmem>>) offsets(%dma_start3A_651 : memref<64xi32, #tpu.memory_space<vmem>>) semaphore(%dma_start3A_656 : memref<!tpu.dma_semaphore, #tpu.memory_space<semaphore_mem>>)
      } else {
      }
      %add3A_452 = arith.constant 1 : i32
      %add3A_453 = arith.addi %add3A_154, %add3A_452 : i32
      %dma_wait3A_454 = arith.constant 1 : i32
      %dma_wait3A_455 = arith.constant 1 : i32
      %dma_wait3A_456 = arith.constant 0 : i32
      %dma_wait3A_457 = arith.constant 0 : i32
      %dma_wait3A_458 = tpu.memref_slice %arg9[%dma_wait3A_454, %dma_wait3A_456, %dma_wait3A_457] : memref<8x64x128xf32, #tpu.memory_space<vmem>> -> memref<1x64x128xf32, #tpu.memory_space<vmem>>
      %dma_wait3A_459 = tpu.memref_squeeze %dma_wait3A_458 : memref<1x64x128xf32, #tpu.memory_space<vmem>> -> memref<64x128xf32, #tpu.memory_space<vmem>>
      %dma_wait3A_460 = arith.constant 0 : i32
      %dma_wait3A_461 = arith.constant 0 : i32
      %dma_wait3A_462 = tpu.memref_slice %arg2[%dma_wait3A_460, %dma_wait3A_461] : memref<10000x128xf32, #tpu.memory_space<hbm>> -> memref<64x128xf32, #tpu.memory_space<hbm>>
      %dma_wait3A_463 = tpu.memref_slice %arg12[%dma_wait3A_455] : memref<8x!tpu.dma_semaphore, #tpu.memory_space<semaphore_mem>> -> memref<1x!tpu.dma_semaphore, #tpu.memory_space<semaphore_mem>>
      %dma_wait3A_464 = tpu.memref_squeeze %dma_wait3A_463 : memref<1x!tpu.dma_semaphore, #tpu.memory_space<semaphore_mem>> -> memref<!tpu.dma_semaphore, #tpu.memory_space<semaphore_mem>>
      %dma_wait3A_465 = arith.constant 0 : i32
      %dma_wait3A_466 = arith.constant 0 : i32
      %dma_wait3A_467 = tpu.memref_slice %arg9[%dma_wait3A_454, %dma_wait3A_465, %dma_wait3A_466] : memref<8x64x128xf32, #tpu.memory_space<vmem>> -> memref<1x64x128xf32, #tpu.memory_space<vmem>>
      %dma_wait3A_468 = tpu.memref_squeeze %dma_wait3A_467 : memref<1x64x128xf32, #tpu.memory_space<vmem>> -> memref<64x128xf32, #tpu.memory_space<vmem>>
      %dma_wait3A_469 = arith.constant 0 : i32
      %dma_wait3A_470 = arith.constant 0 : i32
      %dma_wait3A_471 = tpu.memref_slice %arg2[%dma_wait3A_469, %dma_wait3A_470] : memref<10000x128xf32, #tpu.memory_space<hbm>> -> memref<64x128xf32, #tpu.memory_space<hbm>>
      tpu.wait_dma2 semaphore(%dma_wait3A_464 : memref<!tpu.dma_semaphore, #tpu.memory_space<semaphore_mem>>) src(%dma_wait3A_471 : memref<64x128xf32, #tpu.memory_space<hbm>>) dst(%dma_wait3A_468 : memref<64x128xf32, #tpu.memory_space<vmem>>)
      %add3A_472 = arith.constant 8 : i32
      %add3A_473 = arith.addi %add3A_453, %add3A_472 : i32
      %lt3A_474 = arith.constant 80 : i32
      %lt3A_475 = arith.cmpi slt, %add3A_473, %lt3A_474 : i32
      %convert_element_type3A_476 = arith.extui %lt3A_475 : i1 to i32
      %cond3A_477 = arith.constant 0 : i32
      %cond3A_478 = arith.cmpi ne, %convert_element_type3A_476, %cond3A_477 : i32
      scf.if %cond3A_478 {
        %add3A_641 = arith.constant 8 : i32
        %add3A_642 = arith.addi %add3A_453, %add3A_641 : i32
        %dma_start3A_643 = arith.constant 1 : i32
        %dma_start3A_644 = arith.constant 1 : i32
        %dma_start3A_645 = arith.constant 0 : i32
        %dma_start3A_646 = arith.constant 0 : i32
        %dma_start3A_647 = tpu.memref_slice %arg9[%dma_start3A_643, %dma_start3A_645, %dma_start3A_646] : memref<8x64x128xf32, #tpu.memory_space<vmem>> -> memref<1x64x128xf32, #tpu.memory_space<vmem>>
        %dma_start3A_648 = tpu.memref_squeeze %dma_start3A_647 : memref<1x64x128xf32, #tpu.memory_space<vmem>> -> memref<64x128xf32, #tpu.memory_space<vmem>>
        %dma_start3A_649 = arith.constant 0 : i32
        %dma_start3A_650 = tpu.memref_slice %arg8[%add3A_642, %dma_start3A_649] : memref<80x64xi32, #tpu.memory_space<vmem>> -> memref<1x64xi32, #tpu.memory_space<vmem>>
        %dma_start3A_651 = tpu.memref_squeeze %dma_start3A_650 : memref<1x64xi32, #tpu.memory_space<vmem>> -> memref<64xi32, #tpu.memory_space<vmem>>
        %dma_start3A_652 = arith.constant 0 : i32
        %dma_start3A_653 = arith.constant 0 : i32
        %dma_start3A_654 = tpu.memref_slice %arg2[%dma_start3A_652, %dma_start3A_653] : memref<10000x128xf32, #tpu.memory_space<hbm>> -> memref<10000x128xf32, #tpu.memory_space<hbm>>
        %dma_start3A_655 = tpu.memref_slice %arg11[%dma_start3A_644] : memref<8x!tpu.dma_semaphore, #tpu.memory_space<semaphore_mem>> -> memref<1x!tpu.dma_semaphore, #tpu.memory_space<semaphore_mem>>
        %dma_start3A_656 = tpu.memref_squeeze %dma_start3A_655 : memref<1x!tpu.dma_semaphore, #tpu.memory_space<semaphore_mem>> -> memref<!tpu.dma_semaphore, #tpu.memory_space<semaphore_mem>>
        tpu.enqueue_indirect_dma source(%dma_start3A_654 : memref<10000x128xf32, #tpu.memory_space<hbm>>) target(%dma_start3A_648 : memref<64x128xf32, #tpu.memory_space<vmem>>) offsets(%dma_start3A_651 : memref<64xi32, #tpu.memory_space<vmem>>) semaphore(%dma_start3A_656 : memref<!tpu.dma_semaphore, #tpu.memory_space<semaphore_mem>>)
      } else {
      }
      %add3A_479 = arith.constant 2 : i32
      %add3A_480 = arith.addi %add3A_154, %add3A_479 : i32
      %dma_wait3A_481 = arith.constant 2 : i32
      %dma_wait3A_482 = arith.constant 2 : i32
      %dma_wait3A_483 = arith.constant 0 : i32
      %dma_wait3A_484 = arith.constant 0 : i32
      %dma_wait3A_485 = tpu.memref_slice %arg9[%dma_wait3A_481, %dma_wait3A_483, %dma_wait3A_484] : memref<8x64x128xf32, #tpu.memory_space<vmem>> -> memref<1x64x128xf32, #tpu.memory_space<vmem>>
      %dma_wait3A_486 = tpu.memref_squeeze %dma_wait3A_485 : memref<1x64x128xf32, #tpu.memory_space<vmem>> -> memref<64x128xf32, #tpu.memory_space<vmem>>
      %dma_wait3A_487 = arith.constant 0 : i32
      %dma_wait3A_488 = arith.constant 0 : i32
      %dma_wait3A_489 = tpu.memref_slice %arg2[%dma_wait3A_487, %dma_wait3A_488] : memref<10000x128xf32, #tpu.memory_space<hbm>> -> memref<64x128xf32, #tpu.memory_space<hbm>>
      %dma_wait3A_490 = tpu.memref_slice %arg12[%dma_wait3A_482] : memref<8x!tpu.dma_semaphore, #tpu.memory_space<semaphore_mem>> -> memref<1x!tpu.dma_semaphore, #tpu.memory_space<semaphore_mem>>
      %dma_wait3A_491 = tpu.memref_squeeze %dma_wait3A_490 : memref<1x!tpu.dma_semaphore, #tpu.memory_space<semaphore_mem>> -> memref<!tpu.dma_semaphore, #tpu.memory_space<semaphore_mem>>
      %dma_wait3A_492 = arith.constant 0 : i32
      %dma_wait3A_493 = arith.constant 0 : i32
      %dma_wait3A_494 = tpu.memref_slice %arg9[%dma_wait3A_481, %dma_wait3A_492, %dma_wait3A_493] : memref<8x64x128xf32, #tpu.memory_space<vmem>> -> memref<1x64x128xf32, #tpu.memory_space<vmem>>
      %dma_wait3A_495 = tpu.memref_squeeze %dma_wait3A_494 : memref<1x64x128xf32, #tpu.memory_space<vmem>> -> memref<64x128xf32, #tpu.memory_space<vmem>>
      %dma_wait3A_496 = arith.constant 0 : i32
      %dma_wait3A_497 = arith.constant 0 : i32
      %dma_wait3A_498 = tpu.memref_slice %arg2[%dma_wait3A_496, %dma_wait3A_497] : memref<10000x128xf32, #tpu.memory_space<hbm>> -> memref<64x128xf32, #tpu.memory_space<hbm>>
      tpu.wait_dma2 semaphore(%dma_wait3A_491 : memref<!tpu.dma_semaphore, #tpu.memory_space<semaphore_mem>>) src(%dma_wait3A_498 : memref<64x128xf32, #tpu.memory_space<hbm>>) dst(%dma_wait3A_495 : memref<64x128xf32, #tpu.memory_space<vmem>>)
      %add3A_499 = arith.constant 8 : i32
      %add3A_500 = arith.addi %add3A_480, %add3A_499 : i32
      %lt3A_501 = arith.constant 80 : i32
      %lt3A_502 = arith.cmpi slt, %add3A_500, %lt3A_501 : i32
      %convert_element_type3A_503 = arith.extui %lt3A_502 : i1 to i32
      %cond3A_504 = arith.constant 0 : i32
      %cond3A_505 = arith.cmpi ne, %convert_element_type3A_503, %cond3A_504 : i32
      scf.if %cond3A_505 {
        %add3A_641 = arith.constant 8 : i32
        %add3A_642 = arith.addi %add3A_480, %add3A_641 : i32
        %dma_start3A_643 = arith.constant 2 : i32
        %dma_start3A_644 = arith.constant 2 : i32
        %dma_start3A_645 = arith.constant 0 : i32
        %dma_start3A_646 = arith.constant 0 : i32
        %dma_start3A_647 = tpu.memref_slice %arg9[%dma_start3A_643, %dma_start3A_645, %dma_start3A_646] : memref<8x64x128xf32, #tpu.memory_space<vmem>> -> memref<1x64x128xf32, #tpu.memory_space<vmem>>
        %dma_start3A_648 = tpu.memref_squeeze %dma_start3A_647 : memref<1x64x128xf32, #tpu.memory_space<vmem>> -> memref<64x128xf32, #tpu.memory_space<vmem>>
        %dma_start3A_649 = arith.constant 0 : i32
        %dma_start3A_650 = tpu.memref_slice %arg8[%add3A_642, %dma_start3A_649] : memref<80x64xi32, #tpu.memory_space<vmem>> -> memref<1x64xi32, #tpu.memory_space<vmem>>
        %dma_start3A_651 = tpu.memref_squeeze %dma_start3A_650 : memref<1x64xi32, #tpu.memory_space<vmem>> -> memref<64xi32, #tpu.memory_space<vmem>>
        %dma_start3A_652 = arith.constant 0 : i32
        %dma_start3A_653 = arith.constant 0 : i32
        %dma_start3A_654 = tpu.memref_slice %arg2[%dma_start3A_652, %dma_start3A_653] : memref<10000x128xf32, #tpu.memory_space<hbm>> -> memref<10000x128xf32, #tpu.memory_space<hbm>>
        %dma_start3A_655 = tpu.memref_slice %arg11[%dma_start3A_644] : memref<8x!tpu.dma_semaphore, #tpu.memory_space<semaphore_mem>> -> memref<1x!tpu.dma_semaphore, #tpu.memory_space<semaphore_mem>>
        %dma_start3A_656 = tpu.memref_squeeze %dma_start3A_655 : memref<1x!tpu.dma_semaphore, #tpu.memory_space<semaphore_mem>> -> memref<!tpu.dma_semaphore, #tpu.memory_space<semaphore_mem>>
        tpu.enqueue_indirect_dma source(%dma_start3A_654 : memref<10000x128xf32, #tpu.memory_space<hbm>>) target(%dma_start3A_648 : memref<64x128xf32, #tpu.memory_space<vmem>>) offsets(%dma_start3A_651 : memref<64xi32, #tpu.memory_space<vmem>>) semaphore(%dma_start3A_656 : memref<!tpu.dma_semaphore, #tpu.memory_space<semaphore_mem>>)
      } else {
      }
      %add3A_506 = arith.constant 3 : i32
      %add3A_507 = arith.addi %add3A_154, %add3A_506 : i32
      %dma_wait3A_508 = arith.constant 3 : i32
      %dma_wait3A_509 = arith.constant 3 : i32
      %dma_wait3A_510 = arith.constant 0 : i32
      %dma_wait3A_511 = arith.constant 0 : i32
      %dma_wait3A_512 = tpu.memref_slice %arg9[%dma_wait3A_508, %dma_wait3A_510, %dma_wait3A_511] : memref<8x64x128xf32, #tpu.memory_space<vmem>> -> memref<1x64x128xf32, #tpu.memory_space<vmem>>
      %dma_wait3A_513 = tpu.memref_squeeze %dma_wait3A_512 : memref<1x64x128xf32, #tpu.memory_space<vmem>> -> memref<64x128xf32, #tpu.memory_space<vmem>>
      %dma_wait3A_514 = arith.constant 0 : i32
      %dma_wait3A_515 = arith.constant 0 : i32
      %dma_wait3A_516 = tpu.memref_slice %arg2[%dma_wait3A_514, %dma_wait3A_515] : memref<10000x128xf32, #tpu.memory_space<hbm>> -> memref<64x128xf32, #tpu.memory_space<hbm>>
      %dma_wait3A_517 = tpu.memref_slice %arg12[%dma_wait3A_509] : memref<8x!tpu.dma_semaphore, #tpu.memory_space<semaphore_mem>> -> memref<1x!tpu.dma_semaphore, #tpu.memory_space<semaphore_mem>>
      %dma_wait3A_518 = tpu.memref_squeeze %dma_wait3A_517 : memref<1x!tpu.dma_semaphore, #tpu.memory_space<semaphore_mem>> -> memref<!tpu.dma_semaphore, #tpu.memory_space<semaphore_mem>>
      %dma_wait3A_519 = arith.constant 0 : i32
      %dma_wait3A_520 = arith.constant 0 : i32
      %dma_wait3A_521 = tpu.memref_slice %arg9[%dma_wait3A_508, %dma_wait3A_519, %dma_wait3A_520] : memref<8x64x128xf32, #tpu.memory_space<vmem>> -> memref<1x64x128xf32, #tpu.memory_space<vmem>>
      %dma_wait3A_522 = tpu.memref_squeeze %dma_wait3A_521 : memref<1x64x128xf32, #tpu.memory_space<vmem>> -> memref<64x128xf32, #tpu.memory_space<vmem>>
      %dma_wait3A_523 = arith.constant 0 : i32
      %dma_wait3A_524 = arith.constant 0 : i32
      %dma_wait3A_525 = tpu.memref_slice %arg2[%dma_wait3A_523, %dma_wait3A_524] : memref<10000x128xf32, #tpu.memory_space<hbm>> -> memref<64x128xf32, #tpu.memory_space<hbm>>
      tpu.wait_dma2 semaphore(%dma_wait3A_518 : memref<!tpu.dma_semaphore, #tpu.memory_space<semaphore_mem>>) src(%dma_wait3A_525 : memref<64x128xf32, #tpu.memory_space<hbm>>) dst(%dma_wait3A_522 : memref<64x128xf32, #tpu.memory_space<vmem>>)
      %add3A_526 = arith.constant 8 : i32
      %add3A_527 = arith.addi %add3A_507, %add3A_526 : i32
      %lt3A_528 = arith.constant 80 : i32
      %lt3A_529 = arith.cmpi slt, %add3A_527, %lt3A_528 : i32
      %convert_element_type3A_530 = arith.extui %lt3A_529 : i1 to i32
      %cond3A_531 = arith.constant 0 : i32
      %cond3A_532 = arith.cmpi ne, %convert_element_type3A_530, %cond3A_531 : i32
      scf.if %cond3A_532 {
        %add3A_641 = arith.constant 8 : i32
        %add3A_642 = arith.addi %add3A_507, %add3A_641 : i32
        %dma_start3A_643 = arith.constant 3 : i32
        %dma_start3A_644 = arith.constant 3 : i32
        %dma_start3A_645 = arith.constant 0 : i32
        %dma_start3A_646 = arith.constant 0 : i32
        %dma_start3A_647 = tpu.memref_slice %arg9[%dma_start3A_643, %dma_start3A_645, %dma_start3A_646] : memref<8x64x128xf32, #tpu.memory_space<vmem>> -> memref<1x64x128xf32, #tpu.memory_space<vmem>>
        %dma_start3A_648 = tpu.memref_squeeze %dma_start3A_647 : memref<1x64x128xf32, #tpu.memory_space<vmem>> -> memref<64x128xf32, #tpu.memory_space<vmem>>
        %dma_start3A_649 = arith.constant 0 : i32
        %dma_start3A_650 = tpu.memref_slice %arg8[%add3A_642, %dma_start3A_649] : memref<80x64xi32, #tpu.memory_space<vmem>> -> memref<1x64xi32, #tpu.memory_space<vmem>>
        %dma_start3A_651 = tpu.memref_squeeze %dma_start3A_650 : memref<1x64xi32, #tpu.memory_space<vmem>> -> memref<64xi32, #tpu.memory_space<vmem>>
        %dma_start3A_652 = arith.constant 0 : i32
        %dma_start3A_653 = arith.constant 0 : i32
        %dma_start3A_654 = tpu.memref_slice %arg2[%dma_start3A_652, %dma_start3A_653] : memref<10000x128xf32, #tpu.memory_space<hbm>> -> memref<10000x128xf32, #tpu.memory_space<hbm>>
        %dma_start3A_655 = tpu.memref_slice %arg11[%dma_start3A_644] : memref<8x!tpu.dma_semaphore, #tpu.memory_space<semaphore_mem>> -> memref<1x!tpu.dma_semaphore, #tpu.memory_space<semaphore_mem>>
        %dma_start3A_656 = tpu.memref_squeeze %dma_start3A_655 : memref<1x!tpu.dma_semaphore, #tpu.memory_space<semaphore_mem>> -> memref<!tpu.dma_semaphore, #tpu.memory_space<semaphore_mem>>
        tpu.enqueue_indirect_dma source(%dma_start3A_654 : memref<10000x128xf32, #tpu.memory_space<hbm>>) target(%dma_start3A_648 : memref<64x128xf32, #tpu.memory_space<vmem>>) offsets(%dma_start3A_651 : memref<64xi32, #tpu.memory_space<vmem>>) semaphore(%dma_start3A_656 : memref<!tpu.dma_semaphore, #tpu.memory_space<semaphore_mem>>)
      } else {
      }
      %add3A_533 = arith.constant 4 : i32
      %add3A_534 = arith.addi %add3A_154, %add3A_533 : i32
      %dma_wait3A_535 = arith.constant 4 : i32
      %dma_wait3A_536 = arith.constant 4 : i32
      %dma_wait3A_537 = arith.constant 0 : i32
      %dma_wait3A_538 = arith.constant 0 : i32
      %dma_wait3A_539 = tpu.memref_slice %arg9[%dma_wait3A_535, %dma_wait3A_537, %dma_wait3A_538] : memref<8x64x128xf32, #tpu.memory_space<vmem>> -> memref<1x64x128xf32, #tpu.memory_space<vmem>>
      %dma_wait3A_540 = tpu.memref_squeeze %dma_wait3A_539 : memref<1x64x128xf32, #tpu.memory_space<vmem>> -> memref<64x128xf32, #tpu.memory_space<vmem>>
      %dma_wait3A_541 = arith.constant 0 : i32
      %dma_wait3A_542 = arith.constant 0 : i32
      %dma_wait3A_543 = tpu.memref_slice %arg2[%dma_wait3A_541, %dma_wait3A_542] : memref<10000x128xf32, #tpu.memory_space<hbm>> -> memref<64x128xf32, #tpu.memory_space<hbm>>
      %dma_wait3A_544 = tpu.memref_slice %arg12[%dma_wait3A_536] : memref<8x!tpu.dma_semaphore, #tpu.memory_space<semaphore_mem>> -> memref<1x!tpu.dma_semaphore, #tpu.memory_space<semaphore_mem>>
      %dma_wait3A_545 = tpu.memref_squeeze %dma_wait3A_544 : memref<1x!tpu.dma_semaphore, #tpu.memory_space<semaphore_mem>> -> memref<!tpu.dma_semaphore, #tpu.memory_space<semaphore_mem>>
      %dma_wait3A_546 = arith.constant 0 : i32
      %dma_wait3A_547 = arith.constant 0 : i32
      %dma_wait3A_548 = tpu.memref_slice %arg9[%dma_wait3A_535, %dma_wait3A_546, %dma_wait3A_547] : memref<8x64x128xf32, #tpu.memory_space<vmem>> -> memref<1x64x128xf32, #tpu.memory_space<vmem>>
      %dma_wait3A_549 = tpu.memref_squeeze %dma_wait3A_548 : memref<1x64x128xf32, #tpu.memory_space<vmem>> -> memref<64x128xf32, #tpu.memory_space<vmem>>
      %dma_wait3A_550 = arith.constant 0 : i32
      %dma_wait3A_551 = arith.constant 0 : i32
      %dma_wait3A_552 = tpu.memref_slice %arg2[%dma_wait3A_550, %dma_wait3A_551] : memref<10000x128xf32, #tpu.memory_space<hbm>> -> memref<64x128xf32, #tpu.memory_space<hbm>>
      tpu.wait_dma2 semaphore(%dma_wait3A_545 : memref<!tpu.dma_semaphore, #tpu.memory_space<semaphore_mem>>) src(%dma_wait3A_552 : memref<64x128xf32, #tpu.memory_space<hbm>>) dst(%dma_wait3A_549 : memref<64x128xf32, #tpu.memory_space<vmem>>)
      %add3A_553 = arith.constant 8 : i32
      %add3A_554 = arith.addi %add3A_534, %add3A_553 : i32
      %lt3A_555 = arith.constant 80 : i32
      %lt3A_556 = arith.cmpi slt, %add3A_554, %lt3A_555 : i32
      %convert_element_type3A_557 = arith.extui %lt3A_556 : i1 to i32
      %cond3A_558 = arith.constant 0 : i32
      %cond3A_559 = arith.cmpi ne, %convert_element_type3A_557, %cond3A_558 : i32
      scf.if %cond3A_559 {
        %add3A_641 = arith.constant 8 : i32
        %add3A_642 = arith.addi %add3A_534, %add3A_641 : i32
        %dma_start3A_643 = arith.constant 4 : i32
        %dma_start3A_644 = arith.constant 4 : i32
        %dma_start3A_645 = arith.constant 0 : i32
        %dma_start3A_646 = arith.constant 0 : i32
        %dma_start3A_647 = tpu.memref_slice %arg9[%dma_start3A_643, %dma_start3A_645, %dma_start3A_646] : memref<8x64x128xf32, #tpu.memory_space<vmem>> -> memref<1x64x128xf32, #tpu.memory_space<vmem>>
        %dma_start3A_648 = tpu.memref_squeeze %dma_start3A_647 : memref<1x64x128xf32, #tpu.memory_space<vmem>> -> memref<64x128xf32, #tpu.memory_space<vmem>>
        %dma_start3A_649 = arith.constant 0 : i32
        %dma_start3A_650 = tpu.memref_slice %arg8[%add3A_642, %dma_start3A_649] : memref<80x64xi32, #tpu.memory_space<vmem>> -> memref<1x64xi32, #tpu.memory_space<vmem>>
        %dma_start3A_651 = tpu.memref_squeeze %dma_start3A_650 : memref<1x64xi32, #tpu.memory_space<vmem>> -> memref<64xi32, #tpu.memory_space<vmem>>
        %dma_start3A_652 = arith.constant 0 : i32
        %dma_start3A_653 = arith.constant 0 : i32
        %dma_start3A_654 = tpu.memref_slice %arg2[%dma_start3A_652, %dma_start3A_653] : memref<10000x128xf32, #tpu.memory_space<hbm>> -> memref<10000x128xf32, #tpu.memory_space<hbm>>
        %dma_start3A_655 = tpu.memref_slice %arg11[%dma_start3A_644] : memref<8x!tpu.dma_semaphore, #tpu.memory_space<semaphore_mem>> -> memref<1x!tpu.dma_semaphore, #tpu.memory_space<semaphore_mem>>
        %dma_start3A_656 = tpu.memref_squeeze %dma_start3A_655 : memref<1x!tpu.dma_semaphore, #tpu.memory_space<semaphore_mem>> -> memref<!tpu.dma_semaphore, #tpu.memory_space<semaphore_mem>>
        tpu.enqueue_indirect_dma source(%dma_start3A_654 : memref<10000x128xf32, #tpu.memory_space<hbm>>) target(%dma_start3A_648 : memref<64x128xf32, #tpu.memory_space<vmem>>) offsets(%dma_start3A_651 : memref<64xi32, #tpu.memory_space<vmem>>) semaphore(%dma_start3A_656 : memref<!tpu.dma_semaphore, #tpu.memory_space<semaphore_mem>>)
      } else {
      }
      %add3A_560 = arith.constant 5 : i32
      %add3A_561 = arith.addi %add3A_154, %add3A_560 : i32
      %dma_wait3A_562 = arith.constant 5 : i32
      %dma_wait3A_563 = arith.constant 5 : i32
      %dma_wait3A_564 = arith.constant 0 : i32
      %dma_wait3A_565 = arith.constant 0 : i32
      %dma_wait3A_566 = tpu.memref_slice %arg9[%dma_wait3A_562, %dma_wait3A_564, %dma_wait3A_565] : memref<8x64x128xf32, #tpu.memory_space<vmem>> -> memref<1x64x128xf32, #tpu.memory_space<vmem>>
      %dma_wait3A_567 = tpu.memref_squeeze %dma_wait3A_566 : memref<1x64x128xf32, #tpu.memory_space<vmem>> -> memref<64x128xf32, #tpu.memory_space<vmem>>
      %dma_wait3A_568 = arith.constant 0 : i32
      %dma_wait3A_569 = arith.constant 0 : i32
      %dma_wait3A_570 = tpu.memref_slice %arg2[%dma_wait3A_568, %dma_wait3A_569] : memref<10000x128xf32, #tpu.memory_space<hbm>> -> memref<64x128xf32, #tpu.memory_space<hbm>>
      %dma_wait3A_571 = tpu.memref_slice %arg12[%dma_wait3A_563] : memref<8x!tpu.dma_semaphore, #tpu.memory_space<semaphore_mem>> -> memref<1x!tpu.dma_semaphore, #tpu.memory_space<semaphore_mem>>
      %dma_wait3A_572 = tpu.memref_squeeze %dma_wait3A_571 : memref<1x!tpu.dma_semaphore, #tpu.memory_space<semaphore_mem>> -> memref<!tpu.dma_semaphore, #tpu.memory_space<semaphore_mem>>
      %dma_wait3A_573 = arith.constant 0 : i32
      %dma_wait3A_574 = arith.constant 0 : i32
      %dma_wait3A_575 = tpu.memref_slice %arg9[%dma_wait3A_562, %dma_wait3A_573, %dma_wait3A_574] : memref<8x64x128xf32, #tpu.memory_space<vmem>> -> memref<1x64x128xf32, #tpu.memory_space<vmem>>
      %dma_wait3A_576 = tpu.memref_squeeze %dma_wait3A_575 : memref<1x64x128xf32, #tpu.memory_space<vmem>> -> memref<64x128xf32, #tpu.memory_space<vmem>>
      %dma_wait3A_577 = arith.constant 0 : i32
      %dma_wait3A_578 = arith.constant 0 : i32
      %dma_wait3A_579 = tpu.memref_slice %arg2[%dma_wait3A_577, %dma_wait3A_578] : memref<10000x128xf32, #tpu.memory_space<hbm>> -> memref<64x128xf32, #tpu.memory_space<hbm>>
      tpu.wait_dma2 semaphore(%dma_wait3A_572 : memref<!tpu.dma_semaphore, #tpu.memory_space<semaphore_mem>>) src(%dma_wait3A_579 : memref<64x128xf32, #tpu.memory_space<hbm>>) dst(%dma_wait3A_576 : memref<64x128xf32, #tpu.memory_space<vmem>>)
      %add3A_580 = arith.constant 8 : i32
      %add3A_581 = arith.addi %add3A_561, %add3A_580 : i32
      %lt3A_582 = arith.constant 80 : i32
      %lt3A_583 = arith.cmpi slt, %add3A_581, %lt3A_582 : i32
      %convert_element_type3A_584 = arith.extui %lt3A_583 : i1 to i32
      %cond3A_585 = arith.constant 0 : i32
      %cond3A_586 = arith.cmpi ne, %convert_element_type3A_584, %cond3A_585 : i32
      scf.if %cond3A_586 {
        %add3A_641 = arith.constant 8 : i32
        %add3A_642 = arith.addi %add3A_561, %add3A_641 : i32
        %dma_start3A_643 = arith.constant 5 : i32
        %dma_start3A_644 = arith.constant 5 : i32
        %dma_start3A_645 = arith.constant 0 : i32
        %dma_start3A_646 = arith.constant 0 : i32
        %dma_start3A_647 = tpu.memref_slice %arg9[%dma_start3A_643, %dma_start3A_645, %dma_start3A_646] : memref<8x64x128xf32, #tpu.memory_space<vmem>> -> memref<1x64x128xf32, #tpu.memory_space<vmem>>
        %dma_start3A_648 = tpu.memref_squeeze %dma_start3A_647 : memref<1x64x128xf32, #tpu.memory_space<vmem>> -> memref<64x128xf32, #tpu.memory_space<vmem>>
        %dma_start3A_649 = arith.constant 0 : i32
        %dma_start3A_650 = tpu.memref_slice %arg8[%add3A_642, %dma_start3A_649] : memref<80x64xi32, #tpu.memory_space<vmem>> -> memref<1x64xi32, #tpu.memory_space<vmem>>
        %dma_start3A_651 = tpu.memref_squeeze %dma_start3A_650 : memref<1x64xi32, #tpu.memory_space<vmem>> -> memref<64xi32, #tpu.memory_space<vmem>>
        %dma_start3A_652 = arith.constant 0 : i32
        %dma_start3A_653 = arith.constant 0 : i32
        %dma_start3A_654 = tpu.memref_slice %arg2[%dma_start3A_652, %dma_start3A_653] : memref<10000x128xf32, #tpu.memory_space<hbm>> -> memref<10000x128xf32, #tpu.memory_space<hbm>>
        %dma_start3A_655 = tpu.memref_slice %arg11[%dma_start3A_644] : memref<8x!tpu.dma_semaphore, #tpu.memory_space<semaphore_mem>> -> memref<1x!tpu.dma_semaphore, #tpu.memory_space<semaphore_mem>>
        %dma_start3A_656 = tpu.memref_squeeze %dma_start3A_655 : memref<1x!tpu.dma_semaphore, #tpu.memory_space<semaphore_mem>> -> memref<!tpu.dma_semaphore, #tpu.memory_space<semaphore_mem>>
        tpu.enqueue_indirect_dma source(%dma_start3A_654 : memref<10000x128xf32, #tpu.memory_space<hbm>>) target(%dma_start3A_648 : memref<64x128xf32, #tpu.memory_space<vmem>>) offsets(%dma_start3A_651 : memref<64xi32, #tpu.memory_space<vmem>>) semaphore(%dma_start3A_656 : memref<!tpu.dma_semaphore, #tpu.memory_space<semaphore_mem>>)
      } else {
      }
      %add3A_587 = arith.constant 6 : i32
      %add3A_588 = arith.addi %add3A_154, %add3A_587 : i32
      %dma_wait3A_589 = arith.constant 6 : i32
      %dma_wait3A_590 = arith.constant 6 : i32
      %dma_wait3A_591 = arith.constant 0 : i32
      %dma_wait3A_592 = arith.constant 0 : i32
      %dma_wait3A_593 = tpu.memref_slice %arg9[%dma_wait3A_589, %dma_wait3A_591, %dma_wait3A_592] : memref<8x64x128xf32, #tpu.memory_space<vmem>> -> memref<1x64x128xf32, #tpu.memory_space<vmem>>
      %dma_wait3A_594 = tpu.memref_squeeze %dma_wait3A_593 : memref<1x64x128xf32, #tpu.memory_space<vmem>> -> memref<64x128xf32, #tpu.memory_space<vmem>>
      %dma_wait3A_595 = arith.constant 0 : i32
      %dma_wait3A_596 = arith.constant 0 : i32
      %dma_wait3A_597 = tpu.memref_slice %arg2[%dma_wait3A_595, %dma_wait3A_596] : memref<10000x128xf32, #tpu.memory_space<hbm>> -> memref<64x128xf32, #tpu.memory_space<hbm>>
      %dma_wait3A_598 = tpu.memref_slice %arg12[%dma_wait3A_590] : memref<8x!tpu.dma_semaphore, #tpu.memory_space<semaphore_mem>> -> memref<1x!tpu.dma_semaphore, #tpu.memory_space<semaphore_mem>>
      %dma_wait3A_599 = tpu.memref_squeeze %dma_wait3A_598 : memref<1x!tpu.dma_semaphore, #tpu.memory_space<semaphore_mem>> -> memref<!tpu.dma_semaphore, #tpu.memory_space<semaphore_mem>>
      %dma_wait3A_600 = arith.constant 0 : i32
      %dma_wait3A_601 = arith.constant 0 : i32
      %dma_wait3A_602 = tpu.memref_slice %arg9[%dma_wait3A_589, %dma_wait3A_600, %dma_wait3A_601] : memref<8x64x128xf32, #tpu.memory_space<vmem>> -> memref<1x64x128xf32, #tpu.memory_space<vmem>>
      %dma_wait3A_603 = tpu.memref_squeeze %dma_wait3A_602 : memref<1x64x128xf32, #tpu.memory_space<vmem>> -> memref<64x128xf32, #tpu.memory_space<vmem>>
      %dma_wait3A_604 = arith.constant 0 : i32
      %dma_wait3A_605 = arith.constant 0 : i32
      %dma_wait3A_606 = tpu.memref_slice %arg2[%dma_wait3A_604, %dma_wait3A_605] : memref<10000x128xf32, #tpu.memory_space<hbm>> -> memref<64x128xf32, #tpu.memory_space<hbm>>
      tpu.wait_dma2 semaphore(%dma_wait3A_599 : memref<!tpu.dma_semaphore, #tpu.memory_space<semaphore_mem>>) src(%dma_wait3A_606 : memref<64x128xf32, #tpu.memory_space<hbm>>) dst(%dma_wait3A_603 : memref<64x128xf32, #tpu.memory_space<vmem>>)
      %add3A_607 = arith.constant 8 : i32
      %add3A_608 = arith.addi %add3A_588, %add3A_607 : i32
      %lt3A_609 = arith.constant 80 : i32
      %lt3A_610 = arith.cmpi slt, %add3A_608, %lt3A_609 : i32
      %convert_element_type3A_611 = arith.extui %lt3A_610 : i1 to i32
      %cond3A_612 = arith.constant 0 : i32
      %cond3A_613 = arith.cmpi ne, %convert_element_type3A_611, %cond3A_612 : i32
      scf.if %cond3A_613 {
        %add3A_641 = arith.constant 8 : i32
        %add3A_642 = arith.addi %add3A_588, %add3A_641 : i32
        %dma_start3A_643 = arith.constant 6 : i32
        %dma_start3A_644 = arith.constant 6 : i32
        %dma_start3A_645 = arith.constant 0 : i32
        %dma_start3A_646 = arith.constant 0 : i32
        %dma_start3A_647 = tpu.memref_slice %arg9[%dma_start3A_643, %dma_start3A_645, %dma_start3A_646] : memref<8x64x128xf32, #tpu.memory_space<vmem>> -> memref<1x64x128xf32, #tpu.memory_space<vmem>>
        %dma_start3A_648 = tpu.memref_squeeze %dma_start3A_647 : memref<1x64x128xf32, #tpu.memory_space<vmem>> -> memref<64x128xf32, #tpu.memory_space<vmem>>
        %dma_start3A_649 = arith.constant 0 : i32
        %dma_start3A_650 = tpu.memref_slice %arg8[%add3A_642, %dma_start3A_649] : memref<80x64xi32, #tpu.memory_space<vmem>> -> memref<1x64xi32, #tpu.memory_space<vmem>>
        %dma_start3A_651 = tpu.memref_squeeze %dma_start3A_650 : memref<1x64xi32, #tpu.memory_space<vmem>> -> memref<64xi32, #tpu.memory_space<vmem>>
        %dma_start3A_652 = arith.constant 0 : i32
        %dma_start3A_653 = arith.constant 0 : i32
        %dma_start3A_654 = tpu.memref_slice %arg2[%dma_start3A_652, %dma_start3A_653] : memref<10000x128xf32, #tpu.memory_space<hbm>> -> memref<10000x128xf32, #tpu.memory_space<hbm>>
        %dma_start3A_655 = tpu.memref_slice %arg11[%dma_start3A_644] : memref<8x!tpu.dma_semaphore, #tpu.memory_space<semaphore_mem>> -> memref<1x!tpu.dma_semaphore, #tpu.memory_space<semaphore_mem>>
        %dma_start3A_656 = tpu.memref_squeeze %dma_start3A_655 : memref<1x!tpu.dma_semaphore, #tpu.memory_space<semaphore_mem>> -> memref<!tpu.dma_semaphore, #tpu.memory_space<semaphore_mem>>
        tpu.enqueue_indirect_dma source(%dma_start3A_654 : memref<10000x128xf32, #tpu.memory_space<hbm>>) target(%dma_start3A_648 : memref<64x128xf32, #tpu.memory_space<vmem>>) offsets(%dma_start3A_651 : memref<64xi32, #tpu.memory_space<vmem>>) semaphore(%dma_start3A_656 : memref<!tpu.dma_semaphore, #tpu.memory_space<semaphore_mem>>)
      } else {
      }
      %add3A_614 = arith.constant 7 : i32
      %add3A_615 = arith.addi %add3A_154, %add3A_614 : i32
      %dma_wait3A_616 = arith.constant 7 : i32
      %dma_wait3A_617 = arith.constant 7 : i32
      %dma_wait3A_618 = arith.constant 0 : i32
      %dma_wait3A_619 = arith.constant 0 : i32
      %dma_wait3A_620 = tpu.memref_slice %arg9[%dma_wait3A_616, %dma_wait3A_618, %dma_wait3A_619] : memref<8x64x128xf32, #tpu.memory_space<vmem>> -> memref<1x64x128xf32, #tpu.memory_space<vmem>>
      %dma_wait3A_621 = tpu.memref_squeeze %dma_wait3A_620 : memref<1x64x128xf32, #tpu.memory_space<vmem>> -> memref<64x128xf32, #tpu.memory_space<vmem>>
      %dma_wait3A_622 = arith.constant 0 : i32
      %dma_wait3A_623 = arith.constant 0 : i32
      %dma_wait3A_624 = tpu.memref_slice %arg2[%dma_wait3A_622, %dma_wait3A_623] : memref<10000x128xf32, #tpu.memory_space<hbm>> -> memref<64x128xf32, #tpu.memory_space<hbm>>
      %dma_wait3A_625 = tpu.memref_slice %arg12[%dma_wait3A_617] : memref<8x!tpu.dma_semaphore, #tpu.memory_space<semaphore_mem>> -> memref<1x!tpu.dma_semaphore, #tpu.memory_space<semaphore_mem>>
      %dma_wait3A_626 = tpu.memref_squeeze %dma_wait3A_625 : memref<1x!tpu.dma_semaphore, #tpu.memory_space<semaphore_mem>> -> memref<!tpu.dma_semaphore, #tpu.memory_space<semaphore_mem>>
      %dma_wait3A_627 = arith.constant 0 : i32
      %dma_wait3A_628 = arith.constant 0 : i32
      %dma_wait3A_629 = tpu.memref_slice %arg9[%dma_wait3A_616, %dma_wait3A_627, %dma_wait3A_628] : memref<8x64x128xf32, #tpu.memory_space<vmem>> -> memref<1x64x128xf32, #tpu.memory_space<vmem>>
      %dma_wait3A_630 = tpu.memref_squeeze %dma_wait3A_629 : memref<1x64x128xf32, #tpu.memory_space<vmem>> -> memref<64x128xf32, #tpu.memory_space<vmem>>
      %dma_wait3A_631 = arith.constant 0 : i32
      %dma_wait3A_632 = arith.constant 0 : i32
      %dma_wait3A_633 = tpu.memref_slice %arg2[%dma_wait3A_631, %dma_wait3A_632] : memref<10000x128xf32, #tpu.memory_space<hbm>> -> memref<64x128xf32, #tpu.memory_space<hbm>>
      tpu.wait_dma2 semaphore(%dma_wait3A_626 : memref<!tpu.dma_semaphore, #tpu.memory_space<semaphore_mem>>) src(%dma_wait3A_633 : memref<64x128xf32, #tpu.memory_space<hbm>>) dst(%dma_wait3A_630 : memref<64x128xf32, #tpu.memory_space<vmem>>)
      %add3A_634 = arith.constant 8 : i32
      %add3A_635 = arith.addi %add3A_615, %add3A_634 : i32
      %lt3A_636 = arith.constant 80 : i32
      %lt3A_637 = arith.cmpi slt, %add3A_635, %lt3A_636 : i32
      %convert_element_type3A_638 = arith.extui %lt3A_637 : i1 to i32
      %cond3A_639 = arith.constant 0 : i32
      %cond3A_640 = arith.cmpi ne, %convert_element_type3A_638, %cond3A_639 : i32
      scf.if %cond3A_640 {
        %add3A_641 = arith.constant 8 : i32
        %add3A_642 = arith.addi %add3A_615, %add3A_641 : i32
        %dma_start3A_643 = arith.constant 7 : i32
        %dma_start3A_644 = arith.constant 7 : i32
        %dma_start3A_645 = arith.constant 0 : i32
        %dma_start3A_646 = arith.constant 0 : i32
        %dma_start3A_647 = tpu.memref_slice %arg9[%dma_start3A_643, %dma_start3A_645, %dma_start3A_646] : memref<8x64x128xf32, #tpu.memory_space<vmem>> -> memref<1x64x128xf32, #tpu.memory_space<vmem>>
        %dma_start3A_648 = tpu.memref_squeeze %dma_start3A_647 : memref<1x64x128xf32, #tpu.memory_space<vmem>> -> memref<64x128xf32, #tpu.memory_space<vmem>>
        %dma_start3A_649 = arith.constant 0 : i32
        %dma_start3A_650 = tpu.memref_slice %arg8[%add3A_642, %dma_start3A_649] : memref<80x64xi32, #tpu.memory_space<vmem>> -> memref<1x64xi32, #tpu.memory_space<vmem>>
        %dma_start3A_651 = tpu.memref_squeeze %dma_start3A_650 : memref<1x64xi32, #tpu.memory_space<vmem>> -> memref<64xi32, #tpu.memory_space<vmem>>
        %dma_start3A_652 = arith.constant 0 : i32
        %dma_start3A_653 = arith.constant 0 : i32
        %dma_start3A_654 = tpu.memref_slice %arg2[%dma_start3A_652, %dma_start3A_653] : memref<10000x128xf32, #tpu.memory_space<hbm>> -> memref<10000x128xf32, #tpu.memory_space<hbm>>
        %dma_start3A_655 = tpu.memref_slice %arg11[%dma_start3A_644] : memref<8x!tpu.dma_semaphore, #tpu.memory_space<semaphore_mem>> -> memref<1x!tpu.dma_semaphore, #tpu.memory_space<semaphore_mem>>
        %dma_start3A_656 = tpu.memref_squeeze %dma_start3A_655 : memref<1x!tpu.dma_semaphore, #tpu.memory_space<semaphore_mem>> -> memref<!tpu.dma_semaphore, #tpu.memory_space<semaphore_mem>>
        tpu.enqueue_indirect_dma source(%dma_start3A_654 : memref<10000x128xf32, #tpu.memory_space<hbm>>) target(%dma_start3A_648 : memref<64x128xf32, #tpu.memory_space<vmem>>) offsets(%dma_start3A_651 : memref<64xi32, #tpu.memory_space<vmem>>) semaphore(%dma_start3A_656 : memref<!tpu.dma_semaphore, #tpu.memory_space<semaphore_mem>>)
      } else {
      }
    }
    %scan3A_143 = arith.constant 10 : i32
    %barrier3A_144 = arith.constant 0 : index
    tpu.barrier barrier_id(%barrier3A_144)
    %eq3A_145 = arith.constant 0 : i32
    %eq3A_146 = arith.cmpi eq, %rem3A_17, %eq3A_145 : i32
    %convert_element_type3A_147 = arith.extui %eq3A_146 : i1 to i32
    %cond3A_148 = arith.constant 0 : i32
    %cond3A_149 = arith.cmpi ne, %convert_element_type3A_147, %cond3A_148 : i32
    scf.if %cond3A_149 {
      %mul3A_150 = arith.constant 1256 : i32
      %mul3A_151 = arith.muli %select_n3A, %mul3A_150 : i32
      "tpu.region"() ({
        %run_scoped3A = tpu.sem_alloc : memref<!tpu.dma_semaphore, #tpu.memory_space<semaphore_mem>>
        %dma_start3A_152 = arith.constant 0 : i32
        %dma_start3A_153 = arith.constant 0 : i32
        %dma_start3A_154 = tpu.memref_slice %arg6[%add3A, %dma_start3A_152, %dma_start3A_153] : memref<8x1250x128xf32, #tpu.memory_space<hbm>> -> memref<1x1250x128xf32, #tpu.memory_space<hbm>>
        %dma_start3A_155 = tpu.memref_squeeze %dma_start3A_154 : memref<1x1250x128xf32, #tpu.memory_space<hbm>> -> memref<1250x128xf32, #tpu.memory_space<hbm>>
        %dma_start3A_156 = arith.constant 0 : i32
        %dma_start3A_157 = tpu.memref_slice %arg10[%mul3A_151, %dma_start3A_156] : memref<5024x128xf32, #tpu.memory_space<vmem_shared>> -> memref<1250x128xf32, #tpu.memory_space<vmem_shared>>
        tpu.enqueue_dma source(%dma_start3A_157 : memref<1250x128xf32, #tpu.memory_space<vmem_shared>>) target(%dma_start3A_155 : memref<1250x128xf32, #tpu.memory_space<hbm>>) target_semaphore(%run_scoped3A : memref<!tpu.dma_semaphore, #tpu.memory_space<semaphore_mem>>)
        %dma_wait3A = arith.constant 0 : i32
        %dma_wait3A_158 = arith.constant 0 : i32
        %dma_wait3A_159 = tpu.memref_slice %arg6[%add3A, %dma_wait3A, %dma_wait3A_158] : memref<8x1250x128xf32, #tpu.memory_space<hbm>> -> memref<1x1250x128xf32, #tpu.memory_space<hbm>>
        %dma_wait3A_160 = tpu.memref_squeeze %dma_wait3A_159 : memref<1x1250x128xf32, #tpu.memory_space<hbm>> -> memref<1250x128xf32, #tpu.memory_space<hbm>>
        %dma_wait3A_161 = arith.constant 0 : i32
        %dma_wait3A_162 = tpu.memref_slice %arg10[%mul3A_151, %dma_wait3A_161] : memref<5024x128xf32, #tpu.memory_space<vmem_shared>> -> memref<1250x128xf32, #tpu.memory_space<vmem_shared>>
        tpu.wait_dma2 semaphore(%run_scoped3A : memref<!tpu.dma_semaphore, #tpu.memory_space<semaphore_mem>>) src(%dma_wait3A_162 : memref<1250x128xf32, #tpu.memory_space<vmem_shared>>) dst(%dma_wait3A_160 : memref<1250x128xf32, #tpu.memory_space<hbm>>)
        tpu.yield
      }) : () -> ()
    } else {
    }
    return
  }
}

#map = affine_map<(d0, d1) -> (0, 0, 0)>
#map1 = affine_map<(d0, d1) -> (0, 0)>
module attributes {stable_mosaic.version = 14 : i64} {
  func.func @_counts_body(%arg0: i32, %arg1: i32, %arg2: memref<8x4x5120xi32, #tpu.memory_space<hbm>>, %arg3: memref<8x4x5120xi32, #tpu.memory_space<hbm>>, %arg4: memref<1256x128xf32, #tpu.memory_space<hbm>>, %arg5: memref<8x16x128xf32, #tpu.memory_space<hbm>>, %arg6: memref<8x16x128xf32, #tpu.memory_space<hbm>>, %arg7: memref<5120xi32, #tpu.memory_space<vmem>>, %arg8: memref<5120xi32, #tpu.memory_space<vmem>>, %arg9: memref<16x128xf32, #tpu.memory_space<vmem>>, %arg10: memref<16x128xf32, #tpu.memory_space<vmem>>, %arg11: memref<64x128xf32, #tpu.memory_space<vmem_shared>>, %arg12: memref<64x128xf32, #tpu.memory_space<vmem_shared>>) attributes {dimension_semantics = [#tpu.dimension_semantics<core_parallel>, #tpu.dimension_semantics<subcore_parallel>], iteration_bounds = array<i64: 2, 16>, scalar_prefetch = 0 : i64, scratch_operands = 6 : i64, tpu.core_type = #tpu.core_type<sc_vector_subcore>, window_params = [{transform_indices = #map}, {transform_indices = #map}, {transform_indices = #map1}, {transform_indices = #map}, {transform_indices = #map}]} {
    %jit3A = arith.constant 4 : i32
    %div3A = arith.divsi %arg1, %jit3A : i32
    %sign3A = arith.constant 0 : i32
    %sign3A_0 = arith.cmpi sgt, %arg1, %sign3A : i32
    %sign3A_1 = arith.extui %sign3A_0 : i1 to i32
    %sign3A_2 = arith.constant 0 : i32
    %sign3A_3 = arith.cmpi slt, %arg1, %sign3A_2 : i32
    %sign3A_4 = arith.extui %sign3A_3 : i1 to i32
    %sign3A_5 = arith.subi %sign3A_1, %sign3A_4 : i32
    %sign3A_6 = arith.constant 0 : i32
    %sign3A_7 = arith.cmpi sgt, %jit3A, %sign3A_6 : i32
    %sign3A_8 = arith.extui %sign3A_7 : i1 to i32
    %sign3A_9 = arith.constant 0 : i32
    %sign3A_10 = arith.cmpi slt, %jit3A, %sign3A_9 : i32
    %sign3A_11 = arith.extui %sign3A_10 : i1 to i32
    %sign3A_12 = arith.subi %sign3A_8, %sign3A_11 : i32
    %ne3A = arith.cmpi ne, %sign3A_5, %sign3A_12 : i32
    %rem3A = arith.remsi %arg1, %jit3A : i32
    %ne3A_13 = arith.constant 0 : i32
    %ne3A_14 = arith.cmpi ne, %rem3A, %ne3A_13 : i32
    %and3A = arith.andi %ne3A, %ne3A_14 : i1
    %sub3A = arith.constant 1 : i32
    %sub3A_15 = arith.subi %div3A, %sub3A : i32
    %select_n3A = arith.select %and3A, %sub3A_15, %div3A : i32
    %rem3A_16 = arith.constant 4 : i32
    %rem3A_17 = arith.remsi %arg1, %rem3A_16 : i32
    %mul3A = arith.constant 4 : i32
    %mul3A_18 = arith.muli %arg0, %mul3A : i32
    %add3A = arith.addi %mul3A_18, %select_n3A : i32
    "tpu.region"() ({
      %run_scoped3A = tpu.sem_alloc : memref<!tpu.dma_semaphore, #tpu.memory_space<semaphore_mem>>
      %dma_start3A = arith.constant 0 : i32
      %dma_start3A_36 = tpu.memref_slice %arg2[%add3A, %rem3A_17, %dma_start3A] : memref<8x4x5120xi32, #tpu.memory_space<hbm>> -> memref<1x1x5120xi32, #tpu.memory_space<hbm>>
      %dma_start3A_37 = tpu.memref_squeeze %dma_start3A_36 : memref<1x1x5120xi32, #tpu.memory_space<hbm>> -> memref<5120xi32, #tpu.memory_space<hbm>>
      %dma_start3A_38 = arith.constant 0 : i32
      %dma_start3A_39 = tpu.memref_slice %arg2[%add3A, %rem3A_17, %dma_start3A_38] : memref<8x4x5120xi32, #tpu.memory_space<hbm>> -> memref<1x1x5120xi32, #tpu.memory_space<hbm>>
      %dma_start3A_40 = tpu.memref_squeeze %dma_start3A_39 : memref<1x1x5120xi32, #tpu.memory_space<hbm>> -> memref<5120xi32, #tpu.memory_space<hbm>>
      tpu.enqueue_dma source(%dma_start3A_40 : memref<5120xi32, #tpu.memory_space<hbm>>) target(%arg7 : memref<5120xi32, #tpu.memory_space<vmem>>) target_semaphore(%run_scoped3A : memref<!tpu.dma_semaphore, #tpu.memory_space<semaphore_mem>>)
      %dma_wait3A = arith.constant 0 : i32
      %dma_wait3A_41 = tpu.memref_slice %arg2[%add3A, %rem3A_17, %dma_wait3A] : memref<8x4x5120xi32, #tpu.memory_space<hbm>> -> memref<1x1x5120xi32, #tpu.memory_space<hbm>>
      %dma_wait3A_42 = tpu.memref_squeeze %dma_wait3A_41 : memref<1x1x5120xi32, #tpu.memory_space<hbm>> -> memref<5120xi32, #tpu.memory_space<hbm>>
      %dma_wait3A_43 = arith.constant 0 : i32
      %dma_wait3A_44 = tpu.memref_slice %arg2[%add3A, %rem3A_17, %dma_wait3A_43] : memref<8x4x5120xi32, #tpu.memory_space<hbm>> -> memref<1x1x5120xi32, #tpu.memory_space<hbm>>
      %dma_wait3A_45 = tpu.memref_squeeze %dma_wait3A_44 : memref<1x1x5120xi32, #tpu.memory_space<hbm>> -> memref<5120xi32, #tpu.memory_space<hbm>>
      tpu.wait_dma2 semaphore(%run_scoped3A : memref<!tpu.dma_semaphore, #tpu.memory_space<semaphore_mem>>) src(%dma_wait3A_45 : memref<5120xi32, #tpu.memory_space<hbm>>) dst(%arg7 : memref<5120xi32, #tpu.memory_space<vmem>>)
      tpu.yield
    }) : () -> ()
    "tpu.region"() ({
      %run_scoped3A = tpu.sem_alloc : memref<!tpu.dma_semaphore, #tpu.memory_space<semaphore_mem>>
      %dma_start3A = arith.constant 0 : i32
      %dma_start3A_36 = tpu.memref_slice %arg3[%add3A, %rem3A_17, %dma_start3A] : memref<8x4x5120xi32, #tpu.memory_space<hbm>> -> memref<1x1x5120xi32, #tpu.memory_space<hbm>>
      %dma_start3A_37 = tpu.memref_squeeze %dma_start3A_36 : memref<1x1x5120xi32, #tpu.memory_space<hbm>> -> memref<5120xi32, #tpu.memory_space<hbm>>
      %dma_start3A_38 = arith.constant 0 : i32
      %dma_start3A_39 = tpu.memref_slice %arg3[%add3A, %rem3A_17, %dma_start3A_38] : memref<8x4x5120xi32, #tpu.memory_space<hbm>> -> memref<1x1x5120xi32, #tpu.memory_space<hbm>>
      %dma_start3A_40 = tpu.memref_squeeze %dma_start3A_39 : memref<1x1x5120xi32, #tpu.memory_space<hbm>> -> memref<5120xi32, #tpu.memory_space<hbm>>
      tpu.enqueue_dma source(%dma_start3A_40 : memref<5120xi32, #tpu.memory_space<hbm>>) target(%arg8 : memref<5120xi32, #tpu.memory_space<vmem>>) target_semaphore(%run_scoped3A : memref<!tpu.dma_semaphore, #tpu.memory_space<semaphore_mem>>)
      %dma_wait3A = arith.constant 0 : i32
      %dma_wait3A_41 = tpu.memref_slice %arg3[%add3A, %rem3A_17, %dma_wait3A] : memref<8x4x5120xi32, #tpu.memory_space<hbm>> -> memref<1x1x5120xi32, #tpu.memory_space<hbm>>
      %dma_wait3A_42 = tpu.memref_squeeze %dma_wait3A_41 : memref<1x1x5120xi32, #tpu.memory_space<hbm>> -> memref<5120xi32, #tpu.memory_space<hbm>>
      %dma_wait3A_43 = arith.constant 0 : i32
      %dma_wait3A_44 = tpu.memref_slice %arg3[%add3A, %rem3A_17, %dma_wait3A_43] : memref<8x4x5120xi32, #tpu.memory_space<hbm>> -> memref<1x1x5120xi32, #tpu.memory_space<hbm>>
      %dma_wait3A_45 = tpu.memref_squeeze %dma_wait3A_44 : memref<1x1x5120xi32, #tpu.memory_space<hbm>> -> memref<5120xi32, #tpu.memory_space<hbm>>
      tpu.wait_dma2 semaphore(%run_scoped3A : memref<!tpu.dma_semaphore, #tpu.memory_space<semaphore_mem>>) src(%dma_wait3A_45 : memref<5120xi32, #tpu.memory_space<hbm>>) dst(%arg8 : memref<5120xi32, #tpu.memory_space<vmem>>)
      tpu.yield
    }) : () -> ()
    "tpu.region"() ({
      %run_scoped3A = tpu.sem_alloc : memref<!tpu.dma_semaphore, #tpu.memory_space<semaphore_mem>>
      %dma_start3A = arith.constant 0 : i32
      %dma_start3A_36 = arith.constant 0 : i32
      %dma_start3A_37 = tpu.memref_slice %arg4[%dma_start3A, %dma_start3A_36] : memref<1256x128xf32, #tpu.memory_space<hbm>> -> memref<16x128xf32, #tpu.memory_space<hbm>>
      %dma_start3A_38 = arith.constant 0 : i32
      %dma_start3A_39 = arith.constant 0 : i32
      %dma_start3A_40 = tpu.memref_slice %arg4[%dma_start3A_38, %dma_start3A_39] : memref<1256x128xf32, #tpu.memory_space<hbm>> -> memref<16x128xf32, #tpu.memory_space<hbm>>
      tpu.enqueue_dma source(%dma_start3A_40 : memref<16x128xf32, #tpu.memory_space<hbm>>) target(%arg9 : memref<16x128xf32, #tpu.memory_space<vmem>>) target_semaphore(%run_scoped3A : memref<!tpu.dma_semaphore, #tpu.memory_space<semaphore_mem>>)
      %dma_wait3A = arith.constant 0 : i32
      %dma_wait3A_41 = arith.constant 0 : i32
      %dma_wait3A_42 = tpu.memref_slice %arg4[%dma_wait3A, %dma_wait3A_41] : memref<1256x128xf32, #tpu.memory_space<hbm>> -> memref<16x128xf32, #tpu.memory_space<hbm>>
      %dma_wait3A_43 = arith.constant 0 : i32
      %dma_wait3A_44 = arith.constant 0 : i32
      %dma_wait3A_45 = tpu.memref_slice %arg4[%dma_wait3A_43, %dma_wait3A_44] : memref<1256x128xf32, #tpu.memory_space<hbm>> -> memref<16x128xf32, #tpu.memory_space<hbm>>
      tpu.wait_dma2 semaphore(%run_scoped3A : memref<!tpu.dma_semaphore, #tpu.memory_space<semaphore_mem>>) src(%dma_wait3A_45 : memref<16x128xf32, #tpu.memory_space<hbm>>) dst(%arg9 : memref<16x128xf32, #tpu.memory_space<vmem>>)
      tpu.yield
    }) : () -> ()
    "tpu.region"() ({
      %run_scoped3A = tpu.sem_alloc : memref<!tpu.dma_semaphore, #tpu.memory_space<semaphore_mem>>
      %dma_start3A = arith.constant 0 : i32
      %dma_start3A_36 = arith.constant 0 : i32
      %dma_start3A_37 = tpu.memref_slice %arg4[%dma_start3A, %dma_start3A_36] : memref<1256x128xf32, #tpu.memory_space<hbm>> -> memref<16x128xf32, #tpu.memory_space<hbm>>
      %dma_start3A_38 = arith.constant 0 : i32
      %dma_start3A_39 = arith.constant 0 : i32
      %dma_start3A_40 = tpu.memref_slice %arg4[%dma_start3A_38, %dma_start3A_39] : memref<1256x128xf32, #tpu.memory_space<hbm>> -> memref<16x128xf32, #tpu.memory_space<hbm>>
      tpu.enqueue_dma source(%dma_start3A_40 : memref<16x128xf32, #tpu.memory_space<hbm>>) target(%arg10 : memref<16x128xf32, #tpu.memory_space<vmem>>) target_semaphore(%run_scoped3A : memref<!tpu.dma_semaphore, #tpu.memory_space<semaphore_mem>>)
      %dma_wait3A = arith.constant 0 : i32
      %dma_wait3A_41 = arith.constant 0 : i32
      %dma_wait3A_42 = tpu.memref_slice %arg4[%dma_wait3A, %dma_wait3A_41] : memref<1256x128xf32, #tpu.memory_space<hbm>> -> memref<16x128xf32, #tpu.memory_space<hbm>>
      %dma_wait3A_43 = arith.constant 0 : i32
      %dma_wait3A_44 = arith.constant 0 : i32
      %dma_wait3A_45 = tpu.memref_slice %arg4[%dma_wait3A_43, %dma_wait3A_44] : memref<1256x128xf32, #tpu.memory_space<hbm>> -> memref<16x128xf32, #tpu.memory_space<hbm>>
      tpu.wait_dma2 semaphore(%run_scoped3A : memref<!tpu.dma_semaphore, #tpu.memory_space<semaphore_mem>>) src(%dma_wait3A_45 : memref<16x128xf32, #tpu.memory_space<hbm>>) dst(%arg10 : memref<16x128xf32, #tpu.memory_space<vmem>>)
      tpu.yield
    }) : () -> ()
    %eq3A = arith.constant 0 : i32
    %eq3A_19 = arith.cmpi eq, %rem3A_17, %eq3A : i32
    %convert_element_type3A = arith.extui %eq3A_19 : i1 to i32
    %cond3A = arith.constant 0 : i32
    %cond3A_20 = arith.cmpi ne, %convert_element_type3A, %cond3A : i32
    scf.if %cond3A_20 {
      %mul3A_36 = arith.constant 16 : i32
      %mul3A_37 = arith.muli %select_n3A, %mul3A_36 : i32
      "tpu.region"() ({
        %run_scoped3A = tpu.sem_alloc : memref<!tpu.dma_semaphore, #tpu.memory_space<semaphore_mem>>
        %dma_start3A = arith.constant 0 : i32
        %dma_start3A_40 = tpu.memref_slice %arg11[%mul3A_37, %dma_start3A] : memref<64x128xf32, #tpu.memory_space<vmem_shared>> -> memref<16x128xf32, #tpu.memory_space<vmem_shared>>
        %dma_start3A_41 = arith.constant 0 : i32
        %dma_start3A_42 = arith.constant 0 : i32
        %dma_start3A_43 = tpu.memref_slice %arg4[%dma_start3A_41, %dma_start3A_42] : memref<1256x128xf32, #tpu.memory_space<hbm>> -> memref<16x128xf32, #tpu.memory_space<hbm>>
        tpu.enqueue_dma source(%dma_start3A_43 : memref<16x128xf32, #tpu.memory_space<hbm>>) target(%dma_start3A_40 : memref<16x128xf32, #tpu.memory_space<vmem_shared>>) target_semaphore(%run_scoped3A : memref<!tpu.dma_semaphore, #tpu.memory_space<semaphore_mem>>)
        %dma_wait3A = arith.constant 0 : i32
        %dma_wait3A_44 = tpu.memref_slice %arg11[%mul3A_37, %dma_wait3A] : memref<64x128xf32, #tpu.memory_space<vmem_shared>> -> memref<16x128xf32, #tpu.memory_space<vmem_shared>>
        %dma_wait3A_45 = arith.constant 0 : i32
        %dma_wait3A_46 = arith.constant 0 : i32
        %dma_wait3A_47 = tpu.memref_slice %arg4[%dma_wait3A_45, %dma_wait3A_46] : memref<1256x128xf32, #tpu.memory_space<hbm>> -> memref<16x128xf32, #tpu.memory_space<hbm>>
        tpu.wait_dma2 semaphore(%run_scoped3A : memref<!tpu.dma_semaphore, #tpu.memory_space<semaphore_mem>>) src(%dma_wait3A_47 : memref<16x128xf32, #tpu.memory_space<hbm>>) dst(%dma_wait3A_44 : memref<16x128xf32, #tpu.memory_space<vmem_shared>>)
        tpu.yield
      }) : () -> ()
      %mul3A_38 = arith.constant 16 : i32
      %mul3A_39 = arith.muli %select_n3A, %mul3A_38 : i32
      "tpu.region"() ({
        %run_scoped3A = tpu.sem_alloc : memref<!tpu.dma_semaphore, #tpu.memory_space<semaphore_mem>>
        %dma_start3A = arith.constant 0 : i32
        %dma_start3A_40 = tpu.memref_slice %arg12[%mul3A_39, %dma_start3A] : memref<64x128xf32, #tpu.memory_space<vmem_shared>> -> memref<16x128xf32, #tpu.memory_space<vmem_shared>>
        %dma_start3A_41 = arith.constant 0 : i32
        %dma_start3A_42 = arith.constant 0 : i32
        %dma_start3A_43 = tpu.memref_slice %arg4[%dma_start3A_41, %dma_start3A_42] : memref<1256x128xf32, #tpu.memory_space<hbm>> -> memref<16x128xf32, #tpu.memory_space<hbm>>
        tpu.enqueue_dma source(%dma_start3A_43 : memref<16x128xf32, #tpu.memory_space<hbm>>) target(%dma_start3A_40 : memref<16x128xf32, #tpu.memory_space<vmem_shared>>) target_semaphore(%run_scoped3A : memref<!tpu.dma_semaphore, #tpu.memory_space<semaphore_mem>>)
        %dma_wait3A = arith.constant 0 : i32
        %dma_wait3A_44 = tpu.memref_slice %arg12[%mul3A_39, %dma_wait3A] : memref<64x128xf32, #tpu.memory_space<vmem_shared>> -> memref<16x128xf32, #tpu.memory_space<vmem_shared>>
        %dma_wait3A_45 = arith.constant 0 : i32
        %dma_wait3A_46 = arith.constant 0 : i32
        %dma_wait3A_47 = tpu.memref_slice %arg4[%dma_wait3A_45, %dma_wait3A_46] : memref<1256x128xf32, #tpu.memory_space<hbm>> -> memref<16x128xf32, #tpu.memory_space<hbm>>
        tpu.wait_dma2 semaphore(%run_scoped3A : memref<!tpu.dma_semaphore, #tpu.memory_space<semaphore_mem>>) src(%dma_wait3A_47 : memref<16x128xf32, #tpu.memory_space<hbm>>) dst(%dma_wait3A_44 : memref<16x128xf32, #tpu.memory_space<vmem_shared>>)
        tpu.yield
      }) : () -> ()
    } else {
    }
    %broadcast_in_dim3A = arith.constant 1.000000e+00 : f32
    %broadcast_in_dim3A_21 = vector.broadcast %broadcast_in_dim3A : f32 to vector<16xf32>
    %scan3A = arith.constant 0 : i32
    %scan3A_22 = arith.constant 320 : i32
    %scan3A_23 = arith.addi %scan3A, %scan3A_22 : i32
    %scan3A_24 = arith.constant 1 : i32
    scf.for %scan3A_36 = %scan3A to %scan3A_23 step %scan3A_24  : i32 {
      %mul3A_37 = arith.constant 16 : i32
      %mul3A_38 = arith.muli %scan3A_36, %mul3A_37 : i32
      %add3A_39 = arith.constant 0 : i32
      %add3A_40 = arith.addi %add3A_39, %mul3A_38 : i32
      %get3A = arith.index_cast %add3A_40 : i32 to index
      %get3A_41 = tpu.vector_load %arg7[%get3A] {strides = array<i32>} : memref<5120xi32, #tpu.memory_space<vmem>>, vector<16xi32>,
      %shift_right_logical3A = arith.constant 7 : i32
      %shift_right_logical3A_42 = vector.broadcast %shift_right_logical3A : i32 to vector<16xi32>
      %shift_right_logical3A_43 = arith.shrui %get3A_41, %shift_right_logical3A_42 : vector<16xi32>
      %and3A_44 = arith.constant 127 : i32
      %and3A_45 = vector.broadcast %and3A_44 : i32 to vector<16xi32>
      %and3A_46 = arith.andi %get3A_41, %and3A_45 : vector<16xi32>
      tpu.vector_store_idx %arg9[%shift_right_logical3A_43, %and3A_46], %broadcast_in_dim3A_21 {add = true} : memref<16x128xf32, #tpu.memory_space<vmem>>[vector<16xi32>, vector<16xi32>], vector<16xf32>,
      %get3A_47 = arith.index_cast %add3A_40 : i32 to index
      %get3A_48 = tpu.vector_load %arg8[%get3A_47] {strides = array<i32>} : memref<5120xi32, #tpu.memory_space<vmem>>, vector<16xi32>,
      %shift_right_logical3A_49 = arith.constant 7 : i32
      %shift_right_logical3A_50 = vector.broadcast %shift_right_logical3A_49 : i32 to vector<16xi32>
      %shift_right_logical3A_51 = arith.shrui %get3A_48, %shift_right_logical3A_50 : vector<16xi32>
      %and3A_52 = arith.constant 127 : i32
      %and3A_53 = vector.broadcast %and3A_52 : i32 to vector<16xi32>
      %and3A_54 = arith.andi %get3A_48, %and3A_53 : vector<16xi32>
      tpu.vector_store_idx %arg10[%shift_right_logical3A_51, %and3A_54], %broadcast_in_dim3A_21 {add = true} : memref<16x128xf32, #tpu.memory_space<vmem>>[vector<16xi32>, vector<16xi32>], vector<16xf32>,
    }
    %scan3A_25 = arith.constant 320 : i32
    %barrier3A = arith.constant 0 : index
    tpu.barrier barrier_id(%barrier3A)
    %mul3A_26 = arith.constant 16 : i32
    %mul3A_27 = arith.muli %select_n3A, %mul3A_26 : i32
    %iota3A = tpu.iota {dimensions = array<i32: 0>} : vector<16xi32>
    %add3A_28 = vector.broadcast %mul3A_27 : i32 to vector<16xi32>
    %add3A_29 = arith.addi %add3A_28, %iota3A : vector<16xi32>
    "tpu.region"() ({
      %run_scoped3A = tpu.sem_alloc : memref<!tpu.dma_semaphore, #tpu.memory_space<semaphore_mem>>
      %dma_start3A = arith.constant 0 : i32
      %dma_start3A_36 = arith.constant 0 : i32
      %dma_start3A_37 = tpu.memref_slice %arg11[%dma_start3A, %dma_start3A_36] : memref<64x128xf32, #tpu.memory_space<vmem_shared>> -> memref<64x128xf32, #tpu.memory_space<vmem_shared>>
      tpu.enqueue_indirect_dma source(%arg9 : memref<16x128xf32, #tpu.memory_space<vmem>>) target(%dma_start3A_37 : memref<64x128xf32, #tpu.memory_space<vmem_shared>>) offsets(%add3A_29 : vector<16xi32>) semaphore(%run_scoped3A : memref<!tpu.dma_semaphore, #tpu.memory_space<semaphore_mem>>) {add = true}
      %dma_wait3A = arith.constant 0 : i32
      %dma_wait3A_38 = arith.constant 0 : i32
      %dma_wait3A_39 = tpu.memref_slice %arg11[%dma_wait3A, %dma_wait3A_38] : memref<64x128xf32, #tpu.memory_space<vmem_shared>> -> memref<64x128xf32, #tpu.memory_space<vmem_shared>>
      tpu.wait_indirect_dma semaphore(%run_scoped3A : memref<!tpu.dma_semaphore, #tpu.memory_space<semaphore_mem>>) src(%arg9 : memref<16x128xf32, #tpu.memory_space<vmem>>) dst(%dma_wait3A_39 : memref<64x128xf32, #tpu.memory_space<vmem_shared>>)
      tpu.yield
    }) : () -> ()
    "tpu.region"() ({
      %run_scoped3A = tpu.sem_alloc : memref<!tpu.dma_semaphore, #tpu.memory_space<semaphore_mem>>
      %dma_start3A = arith.constant 0 : i32
      %dma_start3A_36 = arith.constant 0 : i32
      %dma_start3A_37 = tpu.memref_slice %arg12[%dma_start3A, %dma_start3A_36] : memref<64x128xf32, #tpu.memory_space<vmem_shared>> -> memref<64x128xf32, #tpu.memory_space<vmem_shared>>
      tpu.enqueue_indirect_dma source(%arg10 : memref<16x128xf32, #tpu.memory_space<vmem>>) target(%dma_start3A_37 : memref<64x128xf32, #tpu.memory_space<vmem_shared>>) offsets(%add3A_29 : vector<16xi32>) semaphore(%run_scoped3A : memref<!tpu.dma_semaphore, #tpu.memory_space<semaphore_mem>>) {add = true}
      %dma_wait3A = arith.constant 0 : i32
      %dma_wait3A_38 = arith.constant 0 : i32
      %dma_wait3A_39 = tpu.memref_slice %arg12[%dma_wait3A, %dma_wait3A_38] : memref<64x128xf32, #tpu.memory_space<vmem_shared>> -> memref<64x128xf32, #tpu.memory_space<vmem_shared>>
      tpu.wait_indirect_dma semaphore(%run_scoped3A : memref<!tpu.dma_semaphore, #tpu.memory_space<semaphore_mem>>) src(%arg10 : memref<16x128xf32, #tpu.memory_space<vmem>>) dst(%dma_wait3A_39 : memref<64x128xf32, #tpu.memory_space<vmem_shared>>)
      tpu.yield
    }) : () -> ()
    %barrier3A_30 = arith.constant 0 : index
    tpu.barrier barrier_id(%barrier3A_30)
    %eq3A_31 = arith.constant 0 : i32
    %eq3A_32 = arith.cmpi eq, %rem3A_17, %eq3A_31 : i32
    %convert_element_type3A_33 = arith.extui %eq3A_32 : i1 to i32
    %cond3A_34 = arith.constant 0 : i32
    %cond3A_35 = arith.cmpi ne, %convert_element_type3A_33, %cond3A_34 : i32
    scf.if %cond3A_35 {
      %mul3A_36 = arith.constant 16 : i32
      %mul3A_37 = arith.muli %select_n3A, %mul3A_36 : i32
      "tpu.region"() ({
        %run_scoped3A = tpu.sem_alloc : memref<!tpu.dma_semaphore, #tpu.memory_space<semaphore_mem>>
        %dma_start3A = arith.constant 0 : i32
        %dma_start3A_40 = arith.constant 0 : i32
        %dma_start3A_41 = tpu.memref_slice %arg5[%add3A, %dma_start3A, %dma_start3A_40] : memref<8x16x128xf32, #tpu.memory_space<hbm>> -> memref<1x16x128xf32, #tpu.memory_space<hbm>>
        %dma_start3A_42 = tpu.memref_squeeze %dma_start3A_41 : memref<1x16x128xf32, #tpu.memory_space<hbm>> -> memref<16x128xf32, #tpu.memory_space<hbm>>
        %dma_start3A_43 = arith.constant 0 : i32
        %dma_start3A_44 = tpu.memref_slice %arg11[%mul3A_37, %dma_start3A_43] : memref<64x128xf32, #tpu.memory_space<vmem_shared>> -> memref<16x128xf32, #tpu.memory_space<vmem_shared>>
        tpu.enqueue_dma source(%dma_start3A_44 : memref<16x128xf32, #tpu.memory_space<vmem_shared>>) target(%dma_start3A_42 : memref<16x128xf32, #tpu.memory_space<hbm>>) target_semaphore(%run_scoped3A : memref<!tpu.dma_semaphore, #tpu.memory_space<semaphore_mem>>)
        %dma_wait3A = arith.constant 0 : i32
        %dma_wait3A_45 = arith.constant 0 : i32
        %dma_wait3A_46 = tpu.memref_slice %arg5[%add3A, %dma_wait3A, %dma_wait3A_45] : memref<8x16x128xf32, #tpu.memory_space<hbm>> -> memref<1x16x128xf32, #tpu.memory_space<hbm>>
        %dma_wait3A_47 = tpu.memref_squeeze %dma_wait3A_46 : memref<1x16x128xf32, #tpu.memory_space<hbm>> -> memref<16x128xf32, #tpu.memory_space<hbm>>
        %dma_wait3A_48 = arith.constant 0 : i32
        %dma_wait3A_49 = tpu.memref_slice %arg11[%mul3A_37, %dma_wait3A_48] : memref<64x128xf32, #tpu.memory_space<vmem_shared>> -> memref<16x128xf32, #tpu.memory_space<vmem_shared>>
        tpu.wait_dma2 semaphore(%run_scoped3A : memref<!tpu.dma_semaphore, #tpu.memory_space<semaphore_mem>>) src(%dma_wait3A_49 : memref<16x128xf32, #tpu.memory_space<vmem_shared>>) dst(%dma_wait3A_47 : memref<16x128xf32, #tpu.memory_space<hbm>>)
        tpu.yield
      }) : () -> ()
      %mul3A_38 = arith.constant 16 : i32
      %mul3A_39 = arith.muli %select_n3A, %mul3A_38 : i32
      "tpu.region"() ({
        %run_scoped3A = tpu.sem_alloc : memref<!tpu.dma_semaphore, #tpu.memory_space<semaphore_mem>>
        %dma_start3A = arith.constant 0 : i32
        %dma_start3A_40 = arith.constant 0 : i32
        %dma_start3A_41 = tpu.memref_slice %arg6[%add3A, %dma_start3A, %dma_start3A_40] : memref<8x16x128xf32, #tpu.memory_space<hbm>> -> memref<1x16x128xf32, #tpu.memory_space<hbm>>
        %dma_start3A_42 = tpu.memref_squeeze %dma_start3A_41 : memref<1x16x128xf32, #tpu.memory_space<hbm>> -> memref<16x128xf32, #tpu.memory_space<hbm>>
        %dma_start3A_43 = arith.constant 0 : i32
        %dma_start3A_44 = tpu.memref_slice %arg12[%mul3A_39, %dma_start3A_43] : memref<64x128xf32, #tpu.memory_space<vmem_shared>> -> memref<16x128xf32, #tpu.memory_space<vmem_shared>>
        tpu.enqueue_dma source(%dma_start3A_44 : memref<16x128xf32, #tpu.memory_space<vmem_shared>>) target(%dma_start3A_42 : memref<16x128xf32, #tpu.memory_space<hbm>>) target_semaphore(%run_scoped3A : memref<!tpu.dma_semaphore, #tpu.memory_space<semaphore_mem>>)
        %dma_wait3A = arith.constant 0 : i32
        %dma_wait3A_45 = arith.constant 0 : i32
        %dma_wait3A_46 = tpu.memref_slice %arg6[%add3A, %dma_wait3A, %dma_wait3A_45] : memref<8x16x128xf32, #tpu.memory_space<hbm>> -> memref<1x16x128xf32, #tpu.memory_space<hbm>>
        %dma_wait3A_47 = tpu.memref_squeeze %dma_wait3A_46 : memref<1x16x128xf32, #tpu.memory_space<hbm>> -> memref<16x128xf32, #tpu.memory_space<hbm>>
        %dma_wait3A_48 = arith.constant 0 : i32
        %dma_wait3A_49 = tpu.memref_slice %arg12[%mul3A_39, %dma_wait3A_48] : memref<64x128xf32, #tpu.memory_space<vmem_shared>> -> memref<16x128xf32, #tpu.memory_space<vmem_shared>>
        tpu.wait_dma2 semaphore(%run_scoped3A : memref<!tpu.dma_semaphore, #tpu.memory_space<semaphore_mem>>) src(%dma_wait3A_49 : memref<16x128xf32, #tpu.memory_space<vmem_shared>>) dst(%dma_wait3A_47 : memref<16x128xf32, #tpu.memory_space<hbm>>)
        tpu.yield
      }) : () -> ()
    } else {
    }
    return
  }
}

module attributes {stable_mosaic.version = 14 : i64} {
  func.func @_tc_a_body(%arg0: memref<10000x128xf32, #tpu.memory_space<vmem>>, %arg1: memref<2x10000xf32, #tpu.memory_space<vmem>>, %arg2: memref<2x128xf32, #tpu.memory_space<vmem>>, %arg3: memref<2x128xf32, #tpu.memory_space<vmem>>, %arg4: memref<128x128xf32, #tpu.memory_space<vmem>>, %arg5: memref<128x128xf32, #tpu.memory_space<vmem>>, %arg6: memref<10000x128xf32, #tpu.memory_space<vmem>>, %arg7: memref<10000x128xf32, #tpu.memory_space<vmem>>) attributes {dimension_semantics = [], scalar_prefetch = 0 : i64, scratch_operands = 0 : i64, tpu.core_type = #tpu.core_type<tc>} {
    %get3A = arith.constant 0 : index
    %get3A_0 = arith.constant 0 : index
    %get3A_1 = vector.load %arg0[%get3A, %get3A_0] : memref<10000x128xf32, #tpu.memory_space<vmem>>, vector<10000x128xf32>
    %get3A_2 = arith.constant 0 : index
    %get3A_3 = arith.constant 0 : index
    %get3A_4 = vector.load %arg1[%get3A_2, %get3A_3] : memref<2x10000xf32, #tpu.memory_space<vmem>>, vector<2x10000xf32>
    %get3A_5 = arith.constant 0 : index
    %get3A_6 = arith.constant 0 : index
    %get3A_7 = vector.load %arg2[%get3A_5, %get3A_6] : memref<2x128xf32, #tpu.memory_space<vmem>>, vector<2x128xf32>
    %get3A_8 = arith.constant 0 : index
    %get3A_9 = arith.constant 0 : index
    %get3A_10 = vector.load %arg3[%get3A_8, %get3A_9] : memref<2x128xf32, #tpu.memory_space<vmem>>, vector<2x128xf32>
    %get3A_11 = arith.constant 0 : index
    %get3A_12 = arith.constant 0 : index
    %get3A_13 = vector.load %arg4[%get3A_11, %get3A_12] : memref<128x128xf32, #tpu.memory_space<vmem>>, vector<128x128xf32>
    %get3A_14 = arith.constant 0 : index
    %get3A_15 = arith.constant 0 : index
    %get3A_16 = vector.load %arg5[%get3A_14, %get3A_15] : memref<128x128xf32, #tpu.memory_space<vmem>>, vector<128x128xf32>
    %dot_general3A = arith.constant dense<0.000000e+00> : vector<2x128xf32>
    %dot_general3A_17 = tpu.matmul %get3A_4, %get3A_1, %dot_general3A {dimension_numbers = #tpu.dot_dimension_numbers<[1], [0], [0], [1], [0, 0, 1, 1], [], []>, transpose_lhs_hint = false} : vector<2x10000xf32>, vector<10000x128xf32>, vector<2x128xf32> -> vector<2x128xf32>
    %mul3A = arith.mulf %get3A_1, %get3A_1 : vector<10000x128xf32>
    %dot_general3A_18 = arith.constant dense<0.000000e+00> : vector<2x128xf32>
    %dot_general3A_19 = tpu.matmul %get3A_4, %mul3A, %dot_general3A_18 {dimension_numbers = #tpu.dot_dimension_numbers<[1], [0], [0], [1], [0, 0, 1, 1], [], []>, transpose_lhs_hint = false} : vector<2x10000xf32>, vector<10000x128xf32>, vector<2x128xf32> -> vector<2x128xf32>
    %mul3A_20 = arith.constant 6.250000e-06 : f32
    %mul3A_21 = vector.broadcast %mul3A_20 : f32 to vector<2x128xf32>
    %mul3A_22 = arith.mulf %dot_general3A_17, %mul3A_21 : vector<2x128xf32>
    %mul3A_23 = arith.constant 6.250000e-06 : f32
    %mul3A_24 = vector.broadcast %mul3A_23 : f32 to vector<2x128xf32>
    %mul3A_25 = arith.mulf %dot_general3A_19, %mul3A_24 : vector<2x128xf32>
    %mul3A_26 = arith.mulf %mul3A_22, %mul3A_22 : vector<2x128xf32>
    %sub3A = arith.subf %mul3A_25, %mul3A_26 : vector<2x128xf32>
    %add3A = arith.constant 9.99999974E-6 : f32
    %add3A_27 = vector.broadcast %add3A : f32 to vector<2x128xf32>
    %add3A_28 = arith.addf %sub3A, %add3A_27 : vector<2x128xf32>
    %rsqrt3A = math.rsqrt %add3A_28 : vector<2x128xf32>
    %mul3A_29 = arith.mulf %get3A_7, %rsqrt3A : vector<2x128xf32>
    %mul3A_30 = arith.mulf %mul3A_22, %mul3A_29 : vector<2x128xf32>
    %sub3A_31 = arith.subf %get3A_10, %mul3A_30 : vector<2x128xf32>
    %slice3A = vector.extract_strided_slice %mul3A_29 {offsets = [0, 0], sizes = [1, 128], strides = [1, 1]} : vector<2x128xf32> to vector<1x128xf32>
    %mul3A_32 = vector.broadcast %slice3A : vector<1x128xf32> to vector<10000x128xf32>
    %mul3A_33 = arith.mulf %get3A_1, %mul3A_32 : vector<10000x128xf32>
    %slice3A_34 = vector.extract_strided_slice %sub3A_31 {offsets = [0, 0], sizes = [1, 128], strides = [1, 1]} : vector<2x128xf32> to vector<1x128xf32>
    %add3A_35 = vector.broadcast %slice3A_34 : vector<1x128xf32> to vector<10000x128xf32>
    %add3A_36 = arith.addf %mul3A_33, %add3A_35 : vector<10000x128xf32>
    %max3A = arith.constant 0.000000e+00 : f32
    %max3A_37 = vector.broadcast %max3A : f32 to vector<10000x128xf32>
    %max3A_38 = arith.maximumf %add3A_36, %max3A_37 : vector<10000x128xf32>
    %slice3A_39 = vector.extract_strided_slice %mul3A_29 {offsets = [1, 0], sizes = [1, 128], strides = [1, 1]} : vector<2x128xf32> to vector<1x128xf32>
    %mul3A_40 = vector.broadcast %slice3A_39 : vector<1x128xf32> to vector<10000x128xf32>
    %mul3A_41 = arith.mulf %get3A_1, %mul3A_40 : vector<10000x128xf32>
    %slice3A_42 = vector.extract_strided_slice %sub3A_31 {offsets = [1, 0], sizes = [1, 128], strides = [1, 1]} : vector<2x128xf32> to vector<1x128xf32>
    %add3A_43 = vector.broadcast %slice3A_42 : vector<1x128xf32> to vector<10000x128xf32>
    %add3A_44 = arith.addf %mul3A_41, %add3A_43 : vector<10000x128xf32>
    %max3A_45 = arith.constant 0.000000e+00 : f32
    %max3A_46 = vector.broadcast %max3A_45 : f32 to vector<10000x128xf32>
    %max3A_47 = arith.maximumf %add3A_44, %max3A_46 : vector<10000x128xf32>
    %dot_general3A_48 = arith.constant dense<0.000000e+00> : vector<10000x128xf32>
    %dot_general3A_49 = tpu.matmul %max3A_38, %get3A_13, %dot_general3A_48 {dimension_numbers = #tpu.dot_dimension_numbers<[1], [0], [0], [1], [0, 0, 1, 1], [], []>, transpose_lhs_hint = false} : vector<10000x128xf32>, vector<128x128xf32>, vector<10000x128xf32> -> vector<10000x128xf32>
    %dot_general3A_50 = arith.constant dense<0.000000e+00> : vector<10000x128xf32>
    %dot_general3A_51 = tpu.matmul %max3A_47, %get3A_16, %dot_general3A_50 {dimension_numbers = #tpu.dot_dimension_numbers<[1], [0], [0], [1], [0, 0, 1, 1], [], []>, transpose_lhs_hint = false} : vector<10000x128xf32>, vector<128x128xf32>, vector<10000x128xf32> -> vector<10000x128xf32>
    %swap3A = arith.constant 0 : index
    %swap3A_52 = arith.constant 0 : index
    %swap3A_53 = vector.load %arg6[%swap3A, %swap3A_52] : memref<10000x128xf32, #tpu.memory_space<vmem>>, vector<10000x128xf32>
    tpu.vector_store %arg6[%swap3A, %swap3A_52], %dot_general3A_49 {strides = array<i32>} : memref<10000x128xf32, #tpu.memory_space<vmem>>, vector<10000x128xf32>,
    %swap3A_54 = arith.constant 0 : index
    %swap3A_55 = arith.constant 0 : index
    %swap3A_56 = vector.load %arg7[%swap3A_54, %swap3A_55] : memref<10000x128xf32, #tpu.memory_space<vmem>>, vector<10000x128xf32>
    tpu.vector_store %arg7[%swap3A_54, %swap3A_55], %dot_general3A_51 {strides = array<i32>} : memref<10000x128xf32, #tpu.memory_space<vmem>>, vector<10000x128xf32>,
    return
  }
}

module attributes {stable_mosaic.version = 14 : i64} {
  func.func @_tc_b_body(%arg0: memref<10000x128xf32, #tpu.memory_space<vmem>>, %arg1: memref<10000x128xf32, #tpu.memory_space<vmem>>, %arg2: memref<10000x1xf32, #tpu.memory_space<vmem>>, %arg3: memref<1x128xf32, #tpu.memory_space<vmem>>, %arg4: memref<1x128xf32, #tpu.memory_space<vmem>>, %arg5: memref<1x128xf32, #tpu.memory_space<vmem>>, %arg6: memref<128x128xf32, #tpu.memory_space<vmem>>, %arg7: memref<1x128xf32, #tpu.memory_space<vmem>>, %arg8: memref<2x10000xf32, #tpu.memory_space<vmem>>, %arg9: memref<2x128xf32, #tpu.memory_space<vmem>>, %arg10: memref<2x128xf32, #tpu.memory_space<vmem>>, %arg11: memref<128x128xf32, #tpu.memory_space<vmem>>, %arg12: memref<128x128xf32, #tpu.memory_space<vmem>>, %arg13: memref<10000x128xf32, #tpu.memory_space<vmem>>, %arg14: memref<10000x128xf32, #tpu.memory_space<vmem>>) attributes {dimension_semantics = [], scalar_prefetch = 0 : i64, scratch_operands = 0 : i64, tpu.core_type = #tpu.core_type<tc>} {
    %get3A = arith.constant 0 : index
    %get3A_0 = arith.constant 0 : index
    %get3A_1 = vector.load %arg0[%get3A, %get3A_0] : memref<10000x128xf32, #tpu.memory_space<vmem>>, vector<10000x128xf32>
    %get3A_2 = arith.constant 0 : index
    %get3A_3 = arith.constant 0 : index
    %get3A_4 = vector.load %arg1[%get3A_2, %get3A_3] : memref<10000x128xf32, #tpu.memory_space<vmem>>, vector<10000x128xf32>
    %get3A_5 = arith.constant 0 : index
    %get3A_6 = arith.constant 0 : index
    %get3A_7 = vector.load %arg2[%get3A_5, %get3A_6] : memref<10000x1xf32, #tpu.memory_space<vmem>>, vector<10000x1xf32>
    %get3A_8 = arith.constant 0 : index
    %get3A_9 = arith.constant 0 : index
    %get3A_10 = vector.load %arg3[%get3A_8, %get3A_9] : memref<1x128xf32, #tpu.memory_space<vmem>>, vector<1x128xf32>
    %get3A_11 = arith.constant 0 : index
    %get3A_12 = arith.constant 0 : index
    %get3A_13 = vector.load %arg4[%get3A_11, %get3A_12] : memref<1x128xf32, #tpu.memory_space<vmem>>, vector<1x128xf32>
    %get3A_14 = arith.constant 0 : index
    %get3A_15 = arith.constant 0 : index
    %get3A_16 = vector.load %arg5[%get3A_14, %get3A_15] : memref<1x128xf32, #tpu.memory_space<vmem>>, vector<1x128xf32>
    %get3A_17 = arith.constant 0 : index
    %get3A_18 = arith.constant 0 : index
    %get3A_19 = vector.load %arg6[%get3A_17, %get3A_18] : memref<128x128xf32, #tpu.memory_space<vmem>>, vector<128x128xf32>
    %get3A_20 = arith.constant 0 : index
    %get3A_21 = arith.constant 0 : index
    %get3A_22 = vector.load %arg7[%get3A_20, %get3A_21] : memref<1x128xf32, #tpu.memory_space<vmem>>, vector<1x128xf32>
    %add3A = vector.broadcast %get3A_10 : vector<1x128xf32> to vector<10000x128xf32>
    %add3A_23 = arith.addf %get3A_1, %add3A : vector<10000x128xf32>
    %mul3A = vector.broadcast %get3A_7 : vector<10000x1xf32> to vector<10000x128xf32>
    %mul3A_24 = arith.mulf %mul3A, %add3A_23 : vector<10000x128xf32>
    %add3A_25 = arith.addf %mul3A_24, %get3A_4 : vector<10000x128xf32>
    %max3A = arith.constant 1.000000e+00 : f32
    %max3A_26 = vector.broadcast %max3A : f32 to vector<10000x1xf32>
    %max3A_27 = arith.maximumf %get3A_7, %max3A_26 : vector<10000x1xf32>
    %div3A = vector.broadcast %max3A_27 : vector<10000x1xf32> to vector<10000x128xf32>
    %div3A_28 = arith.divf %add3A_25, %div3A : vector<10000x128xf32>
    %reduce_sum3A = arith.constant dense<0.000000e+00> : vector<128xf32>
    %reduce_sum3A_29 = vector.multi_reduction <add>, %div3A_28, %reduce_sum3A [0] : vector<10000x128xf32> to vector<128xf32>
    %broadcast_in_dim3A = vector.shape_cast %reduce_sum3A_29 : vector<128xf32> to vector<1x128xf32>
    %mul3A_30 = arith.constant 9.99999974E-5 : f32
    %mul3A_31 = vector.broadcast %mul3A_30 : f32 to vector<1x128xf32>
    %mul3A_32 = arith.mulf %broadcast_in_dim3A, %mul3A_31 : vector<1x128xf32>
    %mul3A_33 = arith.mulf %div3A_28, %div3A_28 : vector<10000x128xf32>
    %reduce_sum3A_34 = arith.constant dense<0.000000e+00> : vector<128xf32>
    %reduce_sum3A_35 = vector.multi_reduction <add>, %mul3A_33, %reduce_sum3A_34 [0] : vector<10000x128xf32> to vector<128xf32>
    %broadcast_in_dim3A_36 = vector.shape_cast %reduce_sum3A_35 : vector<128xf32> to vector<1x128xf32>
    %mul3A_37 = arith.constant 9.99999974E-5 : f32
    %mul3A_38 = vector.broadcast %mul3A_37 : f32 to vector<1x128xf32>
    %mul3A_39 = arith.mulf %broadcast_in_dim3A_36, %mul3A_38 : vector<1x128xf32>
    %mul3A_40 = arith.mulf %mul3A_32, %mul3A_32 : vector<1x128xf32>
    %sub3A = arith.subf %mul3A_39, %mul3A_40 : vector<1x128xf32>
    %add3A_41 = arith.constant 9.99999974E-6 : f32
    %add3A_42 = vector.broadcast %add3A_41 : f32 to vector<1x128xf32>
    %add3A_43 = arith.addf %sub3A, %add3A_42 : vector<1x128xf32>
    %rsqrt3A = math.rsqrt %add3A_43 : vector<1x128xf32>
    %mul3A_44 = arith.mulf %get3A_13, %rsqrt3A : vector<1x128xf32>
    %mul3A_45 = arith.mulf %mul3A_32, %mul3A_44 : vector<1x128xf32>
    %sub3A_46 = arith.subf %get3A_16, %mul3A_45 : vector<1x128xf32>
    %mul3A_47 = vector.broadcast %mul3A_44 : vector<1x128xf32> to vector<10000x128xf32>
    %mul3A_48 = arith.mulf %div3A_28, %mul3A_47 : vector<10000x128xf32>
    %add3A_49 = vector.broadcast %sub3A_46 : vector<1x128xf32> to vector<10000x128xf32>
    %add3A_50 = arith.addf %mul3A_48, %add3A_49 : vector<10000x128xf32>
    %max3A_51 = arith.constant 0.000000e+00 : f32
    %max3A_52 = vector.broadcast %max3A_51 : f32 to vector<10000x128xf32>
    %max3A_53 = arith.maximumf %add3A_50, %max3A_52 : vector<10000x128xf32>
    %dot_general3A = arith.constant dense<0.000000e+00> : vector<10000x128xf32>
    %dot_general3A_54 = tpu.matmul %max3A_53, %get3A_19, %dot_general3A {dimension_numbers = #tpu.dot_dimension_numbers<[1], [0], [0], [1], [0, 0, 1, 1], [], []>, transpose_lhs_hint = false} : vector<10000x128xf32>, vector<128x128xf32>, vector<10000x128xf32> -> vector<10000x128xf32>
    %add3A_55 = vector.broadcast %get3A_22 : vector<1x128xf32> to vector<10000x128xf32>
    %add3A_56 = arith.addf %dot_general3A_54, %add3A_55 : vector<10000x128xf32>
    %get3A_57 = arith.constant 0 : index
    %get3A_58 = arith.constant 0 : index
    %get3A_59 = vector.load %arg8[%get3A_57, %get3A_58] : memref<2x10000xf32, #tpu.memory_space<vmem>>, vector<2x10000xf32>
    %get3A_60 = arith.constant 0 : index
    %get3A_61 = arith.constant 0 : index
    %get3A_62 = vector.load %arg9[%get3A_60, %get3A_61] : memref<2x128xf32, #tpu.memory_space<vmem>>, vector<2x128xf32>
    %get3A_63 = arith.constant 0 : index
    %get3A_64 = arith.constant 0 : index
    %get3A_65 = vector.load %arg10[%get3A_63, %get3A_64] : memref<2x128xf32, #tpu.memory_space<vmem>>, vector<2x128xf32>
    %get3A_66 = arith.constant 0 : index
    %get3A_67 = arith.constant 0 : index
    %get3A_68 = vector.load %arg11[%get3A_66, %get3A_67] : memref<128x128xf32, #tpu.memory_space<vmem>>, vector<128x128xf32>
    %get3A_69 = arith.constant 0 : index
    %get3A_70 = arith.constant 0 : index
    %get3A_71 = vector.load %arg12[%get3A_69, %get3A_70] : memref<128x128xf32, #tpu.memory_space<vmem>>, vector<128x128xf32>
    %dot_general3A_72 = arith.constant dense<0.000000e+00> : vector<2x128xf32>
    %dot_general3A_73 = tpu.matmul %get3A_59, %add3A_56, %dot_general3A_72 {dimension_numbers = #tpu.dot_dimension_numbers<[1], [0], [0], [1], [0, 0, 1, 1], [], []>, transpose_lhs_hint = false} : vector<2x10000xf32>, vector<10000x128xf32>, vector<2x128xf32> -> vector<2x128xf32>
    %mul3A_74 = arith.mulf %add3A_56, %add3A_56 : vector<10000x128xf32>
    %dot_general3A_75 = arith.constant dense<0.000000e+00> : vector<2x128xf32>
    %dot_general3A_76 = tpu.matmul %get3A_59, %mul3A_74, %dot_general3A_75 {dimension_numbers = #tpu.dot_dimension_numbers<[1], [0], [0], [1], [0, 0, 1, 1], [], []>, transpose_lhs_hint = false} : vector<2x10000xf32>, vector<10000x128xf32>, vector<2x128xf32> -> vector<2x128xf32>
    %mul3A_77 = arith.constant 6.250000e-06 : f32
    %mul3A_78 = vector.broadcast %mul3A_77 : f32 to vector<2x128xf32>
    %mul3A_79 = arith.mulf %dot_general3A_73, %mul3A_78 : vector<2x128xf32>
    %mul3A_80 = arith.constant 6.250000e-06 : f32
    %mul3A_81 = vector.broadcast %mul3A_80 : f32 to vector<2x128xf32>
    %mul3A_82 = arith.mulf %dot_general3A_76, %mul3A_81 : vector<2x128xf32>
    %mul3A_83 = arith.mulf %mul3A_79, %mul3A_79 : vector<2x128xf32>
    %sub3A_84 = arith.subf %mul3A_82, %mul3A_83 : vector<2x128xf32>
    %add3A_85 = arith.constant 9.99999974E-6 : f32
    %add3A_86 = vector.broadcast %add3A_85 : f32 to vector<2x128xf32>
    %add3A_87 = arith.addf %sub3A_84, %add3A_86 : vector<2x128xf32>
    %rsqrt3A_88 = math.rsqrt %add3A_87 : vector<2x128xf32>
    %mul3A_89 = arith.mulf %get3A_62, %rsqrt3A_88 : vector<2x128xf32>
    %mul3A_90 = arith.mulf %mul3A_79, %mul3A_89 : vector<2x128xf32>
    %sub3A_91 = arith.subf %get3A_65, %mul3A_90 : vector<2x128xf32>
    %slice3A = vector.extract_strided_slice %mul3A_89 {offsets = [0, 0], sizes = [1, 128], strides = [1, 1]} : vector<2x128xf32> to vector<1x128xf32>
    %mul3A_92 = vector.broadcast %slice3A : vector<1x128xf32> to vector<10000x128xf32>
    %mul3A_93 = arith.mulf %add3A_56, %mul3A_92 : vector<10000x128xf32>
    %slice3A_94 = vector.extract_strided_slice %sub3A_91 {offsets = [0, 0], sizes = [1, 128], strides = [1, 1]} : vector<2x128xf32> to vector<1x128xf32>
    %add3A_95 = vector.broadcast %slice3A_94 : vector<1x128xf32> to vector<10000x128xf32>
    %add3A_96 = arith.addf %mul3A_93, %add3A_95 : vector<10000x128xf32>
    %max3A_97 = arith.constant 0.000000e+00 : f32
    %max3A_98 = vector.broadcast %max3A_97 : f32 to vector<10000x128xf32>
    %max3A_99 = arith.maximumf %add3A_96, %max3A_98 : vector<10000x128xf32>
    %slice3A_100 = vector.extract_strided_slice %mul3A_89 {offsets = [1, 0], sizes = [1, 128], strides = [1, 1]} : vector<2x128xf32> to vector<1x128xf32>
    %mul3A_101 = vector.broadcast %slice3A_100 : vector<1x128xf32> to vector<10000x128xf32>
    %mul3A_102 = arith.mulf %add3A_56, %mul3A_101 : vector<10000x128xf32>
    %slice3A_103 = vector.extract_strided_slice %sub3A_91 {offsets = [1, 0], sizes = [1, 128], strides = [1, 1]} : vector<2x128xf32> to vector<1x128xf32>
    %add3A_104 = vector.broadcast %slice3A_103 : vector<1x128xf32> to vector<10000x128xf32>
    %add3A_105 = arith.addf %mul3A_102, %add3A_104 : vector<10000x128xf32>
    %max3A_106 = arith.constant 0.000000e+00 : f32
    %max3A_107 = vector.broadcast %max3A_106 : f32 to vector<10000x128xf32>
    %max3A_108 = arith.maximumf %add3A_105, %max3A_107 : vector<10000x128xf32>
    %dot_general3A_109 = arith.constant dense<0.000000e+00> : vector<10000x128xf32>
    %dot_general3A_110 = tpu.matmul %max3A_99, %get3A_68, %dot_general3A_109 {dimension_numbers = #tpu.dot_dimension_numbers<[1], [0], [0], [1], [0, 0, 1, 1], [], []>, transpose_lhs_hint = false} : vector<10000x128xf32>, vector<128x128xf32>, vector<10000x128xf32> -> vector<10000x128xf32>
    %dot_general3A_111 = arith.constant dense<0.000000e+00> : vector<10000x128xf32>
    %dot_general3A_112 = tpu.matmul %max3A_108, %get3A_71, %dot_general3A_111 {dimension_numbers = #tpu.dot_dimension_numbers<[1], [0], [0], [1], [0, 0, 1, 1], [], []>, transpose_lhs_hint = false} : vector<10000x128xf32>, vector<128x128xf32>, vector<10000x128xf32> -> vector<10000x128xf32>
    %swap3A = arith.constant 0 : index
    %swap3A_113 = arith.constant 0 : index
    %swap3A_114 = vector.load %arg13[%swap3A, %swap3A_113] : memref<10000x128xf32, #tpu.memory_space<vmem>>, vector<10000x128xf32>
    tpu.vector_store %arg13[%swap3A, %swap3A_113], %dot_general3A_110 {strides = array<i32>} : memref<10000x128xf32, #tpu.memory_space<vmem>>, vector<10000x128xf32>,
    %swap3A_115 = arith.constant 0 : index
    %swap3A_116 = arith.constant 0 : index
    %swap3A_117 = vector.load %arg14[%swap3A_115, %swap3A_116] : memref<10000x128xf32, #tpu.memory_space<vmem>>, vector<10000x128xf32>
    tpu.vector_store %arg14[%swap3A_115, %swap3A_116], %dot_general3A_112 {strides = array<i32>} : memref<10000x128xf32, #tpu.memory_space<vmem>>, vector<10000x128xf32>,
    return
  }
}

module attributes {stable_mosaic.version = 14 : i64} {
  func.func @_tc_c_body(%arg0: memref<10000x128xf32, #tpu.memory_space<vmem>>, %arg1: memref<10000x128xf32, #tpu.memory_space<vmem>>, %arg2: memref<10000x1xf32, #tpu.memory_space<vmem>>, %arg3: memref<1x128xf32, #tpu.memory_space<vmem>>, %arg4: memref<1x128xf32, #tpu.memory_space<vmem>>, %arg5: memref<1x128xf32, #tpu.memory_space<vmem>>, %arg6: memref<128x128xf32, #tpu.memory_space<vmem>>, %arg7: memref<1x128xf32, #tpu.memory_space<vmem>>, %arg8: memref<10000x128xf32, #tpu.memory_space<vmem>>, %arg9: memref<10000x128xf32, #tpu.memory_space<vmem>>) attributes {dimension_semantics = [], scalar_prefetch = 0 : i64, scratch_operands = 0 : i64, tpu.core_type = #tpu.core_type<tc>} {
    %get3A = arith.constant 0 : index
    %get3A_0 = arith.constant 0 : index
    %get3A_1 = vector.load %arg0[%get3A, %get3A_0] : memref<10000x128xf32, #tpu.memory_space<vmem>>, vector<10000x128xf32>
    %get3A_2 = arith.constant 0 : index
    %get3A_3 = arith.constant 0 : index
    %get3A_4 = vector.load %arg1[%get3A_2, %get3A_3] : memref<10000x128xf32, #tpu.memory_space<vmem>>, vector<10000x128xf32>
    %get3A_5 = arith.constant 0 : index
    %get3A_6 = arith.constant 0 : index
    %get3A_7 = vector.load %arg2[%get3A_5, %get3A_6] : memref<10000x1xf32, #tpu.memory_space<vmem>>, vector<10000x1xf32>
    %get3A_8 = arith.constant 0 : index
    %get3A_9 = arith.constant 0 : index
    %get3A_10 = vector.load %arg3[%get3A_8, %get3A_9] : memref<1x128xf32, #tpu.memory_space<vmem>>, vector<1x128xf32>
    %get3A_11 = arith.constant 0 : index
    %get3A_12 = arith.constant 0 : index
    %get3A_13 = vector.load %arg4[%get3A_11, %get3A_12] : memref<1x128xf32, #tpu.memory_space<vmem>>, vector<1x128xf32>
    %get3A_14 = arith.constant 0 : index
    %get3A_15 = arith.constant 0 : index
    %get3A_16 = vector.load %arg5[%get3A_14, %get3A_15] : memref<1x128xf32, #tpu.memory_space<vmem>>, vector<1x128xf32>
    %get3A_17 = arith.constant 0 : index
    %get3A_18 = arith.constant 0 : index
    %get3A_19 = vector.load %arg6[%get3A_17, %get3A_18] : memref<128x128xf32, #tpu.memory_space<vmem>>, vector<128x128xf32>
    %get3A_20 = arith.constant 0 : index
    %get3A_21 = arith.constant 0 : index
    %get3A_22 = vector.load %arg7[%get3A_20, %get3A_21] : memref<1x128xf32, #tpu.memory_space<vmem>>, vector<1x128xf32>
    %add3A = vector.broadcast %get3A_10 : vector<1x128xf32> to vector<10000x128xf32>
    %add3A_23 = arith.addf %get3A_1, %add3A : vector<10000x128xf32>
    %mul3A = vector.broadcast %get3A_7 : vector<10000x1xf32> to vector<10000x128xf32>
    %mul3A_24 = arith.mulf %mul3A, %add3A_23 : vector<10000x128xf32>
    %add3A_25 = arith.addf %mul3A_24, %get3A_4 : vector<10000x128xf32>
    %max3A = arith.constant 1.000000e+00 : f32
    %max3A_26 = vector.broadcast %max3A : f32 to vector<10000x1xf32>
    %max3A_27 = arith.maximumf %get3A_7, %max3A_26 : vector<10000x1xf32>
    %div3A = vector.broadcast %max3A_27 : vector<10000x1xf32> to vector<10000x128xf32>
    %div3A_28 = arith.divf %add3A_25, %div3A : vector<10000x128xf32>
    %reduce_sum3A = arith.constant dense<0.000000e+00> : vector<128xf32>
    %reduce_sum3A_29 = vector.multi_reduction <add>, %div3A_28, %reduce_sum3A [0] : vector<10000x128xf32> to vector<128xf32>
    %broadcast_in_dim3A = vector.shape_cast %reduce_sum3A_29 : vector<128xf32> to vector<1x128xf32>
    %mul3A_30 = arith.constant 9.99999974E-5 : f32
    %mul3A_31 = vector.broadcast %mul3A_30 : f32 to vector<1x128xf32>
    %mul3A_32 = arith.mulf %broadcast_in_dim3A, %mul3A_31 : vector<1x128xf32>
    %mul3A_33 = arith.mulf %div3A_28, %div3A_28 : vector<10000x128xf32>
    %reduce_sum3A_34 = arith.constant dense<0.000000e+00> : vector<128xf32>
    %reduce_sum3A_35 = vector.multi_reduction <add>, %mul3A_33, %reduce_sum3A_34 [0] : vector<10000x128xf32> to vector<128xf32>
    %broadcast_in_dim3A_36 = vector.shape_cast %reduce_sum3A_35 : vector<128xf32> to vector<1x128xf32>
    %mul3A_37 = arith.constant 9.99999974E-5 : f32
    %mul3A_38 = vector.broadcast %mul3A_37 : f32 to vector<1x128xf32>
    %mul3A_39 = arith.mulf %broadcast_in_dim3A_36, %mul3A_38 : vector<1x128xf32>
    %mul3A_40 = arith.mulf %mul3A_32, %mul3A_32 : vector<1x128xf32>
    %sub3A = arith.subf %mul3A_39, %mul3A_40 : vector<1x128xf32>
    %add3A_41 = arith.constant 9.99999974E-6 : f32
    %add3A_42 = vector.broadcast %add3A_41 : f32 to vector<1x128xf32>
    %add3A_43 = arith.addf %sub3A, %add3A_42 : vector<1x128xf32>
    %rsqrt3A = math.rsqrt %add3A_43 : vector<1x128xf32>
    %mul3A_44 = arith.mulf %get3A_13, %rsqrt3A : vector<1x128xf32>
    %mul3A_45 = arith.mulf %mul3A_32, %mul3A_44 : vector<1x128xf32>
    %sub3A_46 = arith.subf %get3A_16, %mul3A_45 : vector<1x128xf32>
    %mul3A_47 = vector.broadcast %mul3A_44 : vector<1x128xf32> to vector<10000x128xf32>
    %mul3A_48 = arith.mulf %div3A_28, %mul3A_47 : vector<10000x128xf32>
    %add3A_49 = vector.broadcast %sub3A_46 : vector<1x128xf32> to vector<10000x128xf32>
    %add3A_50 = arith.addf %mul3A_48, %add3A_49 : vector<10000x128xf32>
    %max3A_51 = arith.constant 0.000000e+00 : f32
    %max3A_52 = vector.broadcast %max3A_51 : f32 to vector<10000x128xf32>
    %max3A_53 = arith.maximumf %add3A_50, %max3A_52 : vector<10000x128xf32>
    %dot_general3A = arith.constant dense<0.000000e+00> : vector<10000x128xf32>
    %dot_general3A_54 = tpu.matmul %max3A_53, %get3A_19, %dot_general3A {dimension_numbers = #tpu.dot_dimension_numbers<[1], [0], [0], [1], [0, 0, 1, 1], [], []>, transpose_lhs_hint = false} : vector<10000x128xf32>, vector<128x128xf32>, vector<10000x128xf32> -> vector<10000x128xf32>
    %add3A_55 = vector.broadcast %get3A_22 : vector<1x128xf32> to vector<10000x128xf32>
    %add3A_56 = arith.addf %dot_general3A_54, %add3A_55 : vector<10000x128xf32>
    %get3A_57 = arith.constant 0 : index
    %get3A_58 = arith.constant 0 : index
    %get3A_59 = vector.load %arg8[%get3A_57, %get3A_58] : memref<10000x128xf32, #tpu.memory_space<vmem>>, vector<10000x128xf32>
    %add3A_60 = arith.addf %add3A_56, %get3A_59 : vector<10000x128xf32>
    %swap3A = arith.constant 0 : index
    %swap3A_61 = arith.constant 0 : index
    %swap3A_62 = vector.load %arg9[%swap3A, %swap3A_61] : memref<10000x128xf32, #tpu.memory_space<vmem>>, vector<10000x128xf32>
    tpu.vector_store %arg9[%swap3A, %swap3A_61], %add3A_60 {strides = array<i32>} : memref<10000x128xf32, #tpu.memory_space<vmem>>, vector<10000x128xf32>,
    return
  }
}

</mosaic_0001>

<sc_bundles>
// kernel: kernel.11.cloned.1.call-start
scs
__scs_entry_jumppad:
0x0: {  	(pc) =	sbr.rel $0x88, $3  }
0x1: {  	(tag) =	ssettag $0x0;
	lr =	simm.s32 $0x1  }
0x2: {  	[smem:$0x3F8F] =	sst lr;
	_ =	strace $0xD0000000  }
0x3: {  	_ = 	snop  }
0x4: {  	_ = 	snop  }
0x5: {  	_ = 	snop  }
0x6: {  	_ = 	snop  }
0x7: {  	_ = 	snop  }
__scs_overlays_trampoline_lowered:
0x8: {  	[smem:$0x3F9E] =	sst s0  }
0x9: {  	[smem:$0x3F9F] =	sst s1  }
0xa: {  	[smem:$0x3FA0] =	sst s2  }
0xb: {  	[smem:$0x3FA1] =	sst s3  }
0xc: {  	[smem:$0x3FA2] =	sst s4  }
0xd: {  	[smem:$0x3FA3] =	sst s5  }
0xe: {  	[smem:$0x3FA4] =	sst s6  }
0xf: {  	[smem:$0x3FA5] =	sst s7  }
0x10: {  	[smem:$0x3FA6] =	sst s8  }
0x11: {  	[smem:$0x3FA7] =	sst s9;
	s0 =	simm.s32 @!p0 $0x0  }
0x12: {  	s1 =	sld [smem:$0x3F8D];
	s0 =	simm.s32 @p0 $0x1  }
0x13: {  	[smem:$0x3FA8] =	sst s0;
	s0 =	simm.s32 @!p1 $0x0  }
0x14: {  	s2 =	sld [smem:$0x3F8C];
	s0 =	simm.s32 @p1 $0x1  }
0x15: {  	[smem:$0x3FA9] =	sst s0;
	s0 =	simm.s32 @!p2 $0x0  }
0x16: {  	s3 =	sld [smem:$0x3FDB];
	s0 =	simm.s32 @p2 $0x1  }
0x17: {  	s4 =	simm.s32 $0x1BF5;
	[smem:$0x3FAB] =	sst s0  }
0x18: {  	s0 =	sld [smem:$0x3F8E];
	_ =	swait.ge [sflag:s4], $0x0  }
0x19: {  	s7 =	sld [smem:$0x3F8F]  }
0x1a: {  	s8 =	sadd.s32 $0xFFFFE003, lr  }
0x1b: {  	s9 =	sadd.s32 $0xFFFFFEF7, lr;
	s5 =	simm.s32 $0xFFFFFFFF;
	p2 =	slt.u32 s8, $0xFFFFF086  }
0x1c: {  	p1 =	slt.u32 s9, $0xF7A;
	s5 =	simm.s32 @!p2 $0x0  }
0x1d: {  	s5 =	simm.s32 @p1 $0x1;
	p0 =	seq.s32 s7, s2  }
0x1e: {  	s7 =	smul.u32 @!p0 $0xF7A, s2;
	p2 =	seq.s32 @!p0 s5, $0x0  }
0x1f: {  	s9 =	smul.u32 $0xF7A, s1;
	s8 =	simm.s32 @!p0 $0x1BF5;
	p2 =	por !p2, p0  }
0x20: {  	[sflag:s8] =	ssyncset.s32 @!p0 $0xFFFFF086;
	s6 =	sadd.s32 @!p0 s3, s7;
	s7 =	simm.s32 @!p0 $0x108  }
0x21: {  	s3 =	sadd.s32 s3, s9;
	s6 =	sadd.s32 @!p0 $0x88, s6;
	s7 =	simm.s32 @p2 $0x1082  }
0x22: {  	[simem:s7], [sflag:s8] =	dma.local @!p0 [hbm:s6], $0xF7A  }
0x23: {  	s9 =	sor.u32 $0xD0000000, s2;
	s6 =	simm.s32 $0x108;
	_ =	swait.ge @!p0 [sflag:s8], $0x0  }
0x24: {  	s3 =	sadd.s32 $0x88, s3;
	s6 =	simm.s32 @!p1 $0x1082;
	[sflag:s4] =	ssyncset.s32 $0xFFFFF086  }
0x25: {  	[simem:s6], [sflag:s4] =	dma.local [hbm:s3], $0xF7A  }
0x26: {  	[smem:$0x3F8F] =	sst s1;
	(tag) =	ssettag s2;
	_ =	strace s9  }
0x27: {  	s1 =	sld [smem:$0x3F9F]  }
0x28: {  	s2 =	sld [smem:$0x3FA0]  }
0x29: {  	s4 =	sld [smem:$0x3FA2]  }
0x2a: {  	p0 =	seq.s32 s5, $0x0;
	s5 =	sld [smem:$0x3FA3]  }
0x2b: {  	s6 =	sld [smem:$0x3FA4]  }
0x2c: {  	s7 =	sld [smem:$0x3FA5]  }
0x2d: {  	s3 =	simm.s32 $0x108;
	s8 =	sld [smem:$0x3FA6]  }
0x2e: {  	s3 =	simm.s32 @!p0 $0x1082;
	s9 =	sld [smem:$0x3FA7]  }
0x2f: {  	lr =	sadd.s32 s0, s3;
	s0 =	sld [smem:$0x3F9E]  }
0x30: {  	s3 =	sld [smem:$0x3FA1]  }
0x31: {  	[smem:$0x3FAA] =	sst s10  }
0x32: {  	s10 =	sld [smem:$0x3FA8];
	_ =	sdelay $0x3  }
0x33: {  	p0 =	seq.s32 s10, $0x1;
	s10 =	sld [smem:$0x3FAA];
	_ =	sdelay $0x3  }
0x34: {  	[smem:$0x3FAA] =	sst s10  }
0x35: {  	s10 =	sld [smem:$0x3FA9];
	_ =	sdelay $0x3  }
0x36: {  	p1 =	seq.s32 s10, $0x1;
	s10 =	sld [smem:$0x3FAA];
	_ =	sdelay $0x3  }
0x37: {  	[smem:$0x3FAA] =	sst s10  }
0x38: {  	s10 =	sld [smem:$0x3FAB]  }
0x39: {  	_ = 	snop;
	(pc) =	sbr.ind lr, $3  }
0x3a: {  	_ = 	snop  }
0x3b: {  	_ = 	snop  }
0x3c: {  	p2 =	seq.s32 s10, $0x1;
	s10 =	sld [smem:$0x3FAA]  }
0x3d: {  	_ =	shalt  }
0x3e: {  	_ =	shalt  }
0x3f: {  	_ =	shalt  }
0x40: {  	_ =	shalt  }
0x41: {  	_ =	shalt  }
0x42: {  	_ =	shalt  }
0x43: {  	_ =	shalt  }
0x44: {  	_ =	shalt  }
0x45: {  	_ =	shalt  }
0x46: {  	_ =	shalt  }
0x47: {  	_ =	shalt  }
0x48: {  	_ =	shalt  }
0x49: {  	_ =	shalt  }
0x4a: {  	_ =	shalt  }
0x4b: {  	_ =	shalt  }
0x4c: {  	_ =	shalt  }
0x4d: {  	_ =	shalt  }
0x4e: {  	_ =	shalt  }
0x4f: {  	_ =	shalt  }
0x50: {  	_ =	shalt  }
0x51: {  	_ =	shalt  }
0x52: {  	_ =	shalt  }
0x53: {  	_ =	shalt  }
0x54: {  	_ =	shalt  }
0x55: {  	_ =	shalt  }
0x56: {  	_ =	shalt  }
0x57: {  	_ =	shalt  }
0x58: {  	_ =	shalt  }
0x59: {  	_ =	shalt  }
0x5a: {  	_ =	shalt  }
0x5b: {  	_ =	shalt  }
0x5c: {  	_ =	shalt  }
0x5d: {  	_ =	shalt  }
0x5e: {  	_ =	shalt  }
0x5f: {  	_ =	shalt  }
0x60: {  	_ =	shalt  }
0x61: {  	_ =	shalt  }
0x62: {  	_ =	shalt  }
0x63: {  	_ =	shalt  }
0x64: {  	_ =	shalt  }
0x65: {  	_ =	shalt  }
0x66: {  	_ =	shalt  }
0x67: {  	_ =	shalt  }
0x68: {  	_ =	shalt  }
0x69: {  	_ =	shalt  }
0x6a: {  	_ =	shalt  }
0x6b: {  	_ =	shalt  }
0x6c: {  	_ =	shalt  }
0x6d: {  	_ =	shalt  }
0x6e: {  	_ =	shalt  }
0x6f: {  	_ =	shalt  }
0x70: {  	_ =	shalt  }
0x71: {  	_ =	shalt  }
0x72: {  	_ =	shalt  }
0x73: {  	_ =	shalt  }
0x74: {  	_ =	shalt  }
0x75: {  	_ =	shalt  }
0x76: {  	_ =	shalt  }
0x77: {  	_ =	shalt  }
0x78: {  	_ =	shalt  }
0x79: {  	_ =	shalt  }
0x7a: {  	_ =	shalt  }
0x7b: {  	_ =	shalt  }
0x7c: {  	_ =	shalt  }
0x7d: {  	_ =	shalt  }
0x7e: {  	_ =	shalt  }
0x7f: {  	_ =	shalt  }
0x80: {  	_ =	shalt  }
0x81: {  	_ =	shalt  }
0x82: {  	_ =	shalt  }
0x83: {  	_ =	shalt  }
0x84: {  	_ =	shalt  }
0x85: {  	_ =	shalt  }
0x86: {  	_ =	shalt  }
0x87: {  	_ =	shalt  }
.Lfunc_end0:
.L_simem_size_0:
called_computation.1_lowered:
.L_overlay_start_0:
0x88: {  	s2 =	sld [smem:$0x3FD9]  }
0x89: {  	s3 =	sld [smem:$0x3FFE];
	_ =	sdelay $0x1  }
0x8a: {  	s1 =	srdreg.scid  }
0x8b: {  	s0 =	sand.u32 $0x1, s1  }
0x8c: {  	s17 =	sshll.u32 s0, $0xA;
	s2 =	sadd.s32 s3, s2  }
0x8d: {  	s2 =	sadd.s32 s2, s17  }
0x8e: {  	[smem:$0x3FB6] =	sst s2  }
0x8f: {  	_ = 	snop  }
0x90: {  	s2 =	sld [smem:$0x3FD0];
	(tm) =	ssettm $0x1  }
0x91: {  	s18 =	sld [smem:$0x3FFB];
	_ =	sdelay $0x3  }
0x92: {  	_ =	strace s18  }
0x93: {  	s3 =	sld [smem:$0x3FFC];
	_ =	sdelay $0x3  }
0x94: {  	_ =	strace s3  }
0x95: {  	s3 =	sld [smem:$0x3FFD];
	_ =	sdelay $0x3  }
0x96: {  	_ =	strace s3  }
0x97: {  	_ =	strace $0x8FFFFFFF  }
0x98: {  	s19 =	sld [smem:$0x3FDB];
	_ =	sdelay $0x1  }
0x99: {  	s4 =	simm.s32 $_scs_section_size  }
0x9a: {  	s5 =	simm.s32 $_size__tile_overlayer_lowered;
	s6 =	simm.s32 $_tile_overlayer_lowered  }
0x9b: {  	s22 =	simm.s32 $0x1BFF;
	s21 =	sshll.u32 s6, $0x1;
	s3 =	sadd.s32 s4, s19  }
0x9c: {  	s7 =	simm.s32 $0x0;
	s20 =	sshll.u32 s5, $0x1;
	s5 =	sadd.s32 s21, s3  }
0x9d: {  	[timem:s7], [sflag:s22] =	dma.local [hbm:s5], s20  }
0x9e: {  	_ =	swait.ge [sflag:s22], s20  }
0x9f: {  	s4 =	ssub.s32 $0x0, s20;
	[sflag:s22] =	ssyncset.done $0x0  }
0xa0: {  	[sflag:s22] =	ssyncadd.s32 s4;
	_ =	sdelay $0x1  }
0xa1: {  	s23 =	simm.s32 $0x1B8B  }
0xa2: {  	_ =	swait.ge [sflag:s23], $0x1  }
0xa3: {  	[sflag:s23] =	ssyncset.done $0x0  }
0xa4: {  	s25 =	simm.s32 $0x1B8E;
	s24 =	sld [smem:$0x3FFE];
	[sflag:s23] =	ssyncadd.s32 $0xFFFFFFFF  }
0xa5: {  	s26 =	simm.s32 $execute0_lowered;
	[smem:$0x3FD2] =	sst s25  }
0xa6: {  	s5 =	sshll.u32 s26, $0x1;
	_ =	strace $0x80000049;
	[dreg:$0x1] =	wrdreg $0xFFFFFFFF  }
0xa7: {  	s28 =	simm.s32 $_size_execute0_lowered;
	s3 =	sadd.s32 s3, s5;
	[dreg:$0x0] =	wrdreg $0x0  }
0xa8: {  	s5 =	sshll.u32 s28, $0x1;
	[dreg:$0x2] =	wrdreg s3  }
0xa9: {  	[dreg:$0x3] =	wrdreg s5  }
0xaa: {  	[dreg:$0x4] =	wrdreg $0xC0  }
0xab: {  	_ =	task [dreg:s7], $0x5FFFF  }
0xac: {  	[dreg:$0x1] =	wrdreg $0xFFFFFFFF  }
0xad: {  	[dreg:$0x0] =	wrdreg $0x60  }
0xae: {  	[dreg:$0x2] =	wrdreg s2  }
0xaf: {  	[dreg:$0x3] =	wrdreg s24  }
0xb0: {  	[dreg:$0x4] =	wrdreg $0x150000  }
0xb1: {  	[dreg:$0x5] =	wrdreg $0x9  }
0xb2: {  	_ =	task.clear_ibuf [dreg:s7], $0x6FFFF;
	_ =	strace $0x90000049  }
0xb3: {  	s29 =	simm.s32 $0x9;
	_ =	strace $0x8000004B  }
0xb4: {  	_ =	swait.ge [sflag:s29], $0x1  }
0xb5: {  	[sflag:s29] =	ssyncadd.s32 $0xFFFFFFFF  }
0xb6: {  	_ =	strace $0x9000004B  }
0xb7: {  	_ =	sfence  }
0xb8: {  	s30 =	sld [smem:$0x0];
	_ =	sdelay $0x2  }
0xb9: {  	s31 =	sshll.u32 s1, $0xD;
	s1 =	sshrl.u32 s1, $0x2  }
0xba: {  	s3 =	sand.u32 $0x4000, s31;
	s1 =	sadd.s32 s1, s30  }
0xbb: {  	s0 =	sor.u32 s3, s0;
	s1 =	sshll.u32 s1, $0x11  }
0xbc: {  	s0 =	sor.u32 s1, s0  }
0xbd: {  	s0 =	sadd.s32 $0x8F2B, s0  }
0xbe: {  	[sflag:s0] =	ssyncadd.remote.s32 $0x1  }
0xbf: {  	_ =	sfence.sel $0xFFFF  }
0xc0: {  	[dreg:$0x0] =	wrdreg $0xFFFFFFFF;
	(pc) =	sbr.abs _section_cstart, $3  }
0xc1: {  	[dreg:$0x1] =	wrdreg $0xFFFFFFFF  }
0xc2: {  	_ =	task.clear_ibuf [dreg:s7], $0x2FFFF;
	_ =	strace $0x9FFFFFFF  }
0xc3: {  	(tm) =	ssettm $0x7FFFFFFF  }
tec
execute0_lowered:
.L_overlay_start_1:
0x0: {  	(tag) =	ssettag $0x1  }
0x1: {  	s0 =	srdreg.scid;
	s1 =	rddreg [dreg:$0x0]  }
0x2: {  	s6 =	stileid.u32;
	s4 =	rddreg [dreg:$0x1];
	s9 =	simm.s32 $0x0  }
0x3: {  	s13 =	simm.s32 $0x40;
	s14 =	simm.s32 $0x5000;
	s16 =	simm.s32 $0x7000  }
0x4: {  	s18 =	simm.s32 $0x9000;
	s20 =	simm.s32 $0xB000;
	s29 =	simm.s32 $0x13000  }
0x5: {  	s30 =	simm.s32 $0x1;
	s31 =	simm.s32 $0x2;
	s15 =	simm.s32 $0x5  }
0x6: {  	s17 =	simm.s32 $0x6;
	s19 =	simm.s32 $0x7;
	s21 =	simm.s32 $0x8  }
0x7: {  	s28 =	simm.s32 $0xB;
	s0 =	sand.u32 $0x1, s0;
	s2 =	sshrl.u32 s6, $0x2  }
0x8: {  	s6 =	sand.u32 $0x3, s6;
	[smem:$0x7FF] =	sst s9;
	s23 =	sadd.s32 $0xA200, s4  }
0x9: {  	s9 =	simm.s32 $0x0;
	s3 =	sshll.u32 s0, $0x2;
	s8 =	smul.u32 $0x2800, s6  }
0xa: {  	s0 =	ssub.s32 $0x2, s0;
	p0 =	sne.s32 s6, $0x0;
	s6 =	simm.s32 $0xE  }
0xb: {  	s5 =	sor.u32 s2, s3;
	s3 =	rddreg [dreg:$0x2];
	s2 =	smul.u32 $0x9D000, s2  }
0xc: {  	_ =	strace $0x8000004A;
	s22 =	sshrl.u32 s0, $0x1;
	s7 =	smul.u32 $0xA000, s5  }
0xd: {  	[dreg:$0x4] =	wrdreg s23;
	s23 =	simm.s32 $0x9;
	s5 =	smul.u32 $0x4E80, s5  }
0xe: {  	s0 =	ssub.s32 s0, s22;
	s22 =	simm.s32 $0xD000;
	s2 =	sshrl.u32 s2, $0x2  }
0xf: {  	s0 =	smax.u32 s0, $0x1;
	s7 =	sadd.s32 s8, s7;
	s2 =	sadd.s32 s2, s3  }
0x10: {  	[dreg:$0x9] =	wrdreg s0;
	s0 =	simm.s32 $0x4;
	s7 =	sshrl.u32 s7, $0x3  }
0x11: {  	s8 =	simm.s32 $0x10;
	[dreg:$0x7] =	wrdreg s2;
	s7 =	sadd.s32 s7, s4  }
.Ltmp0:
0x12: {  	s2 =	simm.s32 $0x3;
	s24 =	sadd.s32 $0x37400, s7;
	(pc) =	sbr.rel .LBB2_1-.Ltmp0, $4  }
0x13: {  	s4 =	sadd.s32 s5, s4;
	s25 =	sadd.s32 $0x41400, s7;
	[dreg:$0x5] =	wrdreg s24  }
0x14: {  	s5 =	simm.s32 $0xD;
	s26 =	sadd.s32 $0x4B400, s4;
	[dreg:$0x6] =	wrdreg s25  }
0x15: {  	s4 =	simm.s32 $0xC;
	s7 =	simm.s32 $0xF;
	[dreg:$0x8] =	wrdreg s26  }
0x16: {  	s24 =	simm.s32 $0xF000;
	s26 =	simm.s32 $0x11000;
	s25 =	simm.s32 $0xA  }
.LBB2_4:
0x17: {  	_ =	swait.ge [sflag:s25], $0x2000  }
0x18: {  	[sflag:s25] =	ssyncset.done $0x0  }
0x19: {  	[sflag:s25] =	ssyncadd.s32 $0xFFFFE000  }
0x1a: {  	_ =	swait.ge [sflag:s28], $0x2000  }
0x1b: {  	[sflag:s28] =	ssyncset.done $0x0  }
0x1c: {  	[sflag:s28] =	ssyncadd.s32 $0xFFFFE000  }
0x1d: {  	_ =	swait.ge [sflag:s4], $0x2000  }
0x1e: {  	[sflag:s4] =	ssyncset.done $0x0  }
0x1f: {  	[sflag:s4] =	ssyncadd.s32 $0xFFFFE000  }
0x20: {  	_ =	swait.ge [sflag:s5], $0x2000  }
0x21: {  	[sflag:s5] =	ssyncset.done $0x0  }
0x22: {  	[sflag:s5] =	ssyncadd.s32 $0xFFFFE000  }
0x23: {  	_ =	swait.ge [sflag:s6], $0x2000  }
0x24: {  	[sflag:s6] =	ssyncset.done $0x0  }
0x25: {  	[sflag:s6] =	ssyncadd.s32 $0xFFFFE000  }
0x26: {  	_ =	swait.ge [sflag:s7], $0x2000  }
0x27: {  	[sflag:s7] =	ssyncset.done $0x0  }
0x28: {  	[sflag:s7] =	ssyncadd.s32 $0xFFFFE000  }
0x29: {  	_ =	swait.ge [sflag:s8], $0x2000  }
0x2a: {  	[sflag:s8] =	ssyncset.done $0x0  }
0x2b: {  	[sflag:s8] =	ssyncadd.s32 $0xFFFFE000  }
0x2c: {  	[bflag:$0x0] =	sbarrier.arrive $0xFFFF  }
0x2d: {  	s10 =	rddreg [dreg:$0x8]  }
0x2e: {  	s11 =	rddreg [dreg:$0xa]  }
0x2f: {  	s12 =	rddreg [dreg:$0xb]  }
0x30: {  	[hbm:s10], [sflag:s11] =	dma.local @!p0 [spmem:s12], $0x4E20  }
0x31: {  	s10 =	simm.s32 @!p0 $0x11  }
0x32: {  	_ =	swait.ge @!p0 [sflag:s10], $0x4E20  }
0x33: {  	s9 =	sadd.s32 $0x1, s9;
	s12 =	rddreg [dreg:$0x9]  }
0x34: {  	p1 =	sne.s32 s9, s12  }
.Ltmp1:
0x35: {  	_ = 	snop;
	(pc) =	sbr.rel @!p1 .LBB2_5-.Ltmp1, $3  }
0x36: {  	_ =	sdelay $0x1  }
0x37: {  	[sflag:s10] =	ssyncset.done @!p0 $0x0  }
0x38: {  	[sflag:s10] =	ssyncadd.s32 @!p0 $0xFFFFB1E0  }
.LBB2_1:
0x39: {  	[dreg:$0xc] =	wrdreg s9  }
0x3a: {  	s10 =	simm.s32 $0x0;
	s11 =	rddreg [dreg:$0x5];
	s12 =	simm.s32 $0x11  }
0x3b: {  	[tilespmem:s10], [sflag:$0x11] =	stream.linear.gather [hbm4b:s11+s10], $0x2800, $0x38;
	[tilespmem:$0x1ED00] =	vst v63  }
0x3c: {  	_ =	swait.ge [sflag:s12], $0x2800  }
0x3d: {  	s9 =	simm.s32 $0x0;
	[sflag:s12] =	ssyncset.done $0x0  }
0x3e: {  	s10 =	simm.s32 $0x2800;
	s11 =	rddreg [dreg:$0x6];
	[sflag:s12] =	ssyncadd.s32 $0xFFFFD800  }
0x3f: {  	[tilespmem:s10], [sflag:$0x11] =	stream.linear.gather [hbm4b:s11+s9], $0x2800, $0x38;
	[tilespmem:$0x1ED00] =	vst v63  }
0x40: {  	_ =	swait.ge [sflag:s12], $0x2800  }
0x41: {  	[sflag:s12] =	ssyncset.done $0x0  }
0x42: {  	s11 =	simm.s32 $0x2800;
	[sflag:s12] =	ssyncadd.s32 $0xFFFFD800  }
0x43: {  	[tilespmem:s14], [sflag:$0x1] =	stream.indirect.gather [hbm4b:s1+s13], $0x80, s11, s13, $0xb8;
	[tilespmem:$0x1ED00] =	vst v63  }
0x44: {  	s12 =	simm.s32 $0x2880  }
0x45: {  	[tilespmem:s16], [sflag:$0x2] =	stream.indirect.gather [hbm4b:s1+s13], $0x80, s12, s13, $0xb8;
	[tilespmem:$0x1ED00] =	vst v63  }
0x46: {  	s10 =	simm.s32 $0x2900  }
0x47: {  	[tilespmem:s18], [sflag:$0x3] =	stream.indirect.gather [hbm4b:s1+s13], $0x80, s10, s13, $0xb8;
	[tilespmem:$0x1ED00] =	vst v63  }
0x48: {  	s11 =	simm.s32 $0x2980  }
0x49: {  	[tilespmem:s20], [sflag:$0x4] =	stream.indirect.gather [hbm4b:s1+s13], $0x80, s11, s13, $0xb8;
	[tilespmem:$0x1ED00] =	vst v63  }
0x4a: {  	s12 =	simm.s32 $0x2A00  }
0x4b: {  	[tilespmem:s22], [sflag:$0x5] =	stream.indirect.gather [hbm4b:s1+s13], $0x80, s12, s13, $0xb8;
	[tilespmem:$0x1ED00] =	vst v63  }
0x4c: {  	s10 =	simm.s32 $0x2A80  }
0x4d: {  	[tilespmem:s24], [sflag:$0x6] =	stream.indirect.gather [hbm4b:s1+s13], $0x80, s10, s13, $0xb8;
	[tilespmem:$0x1ED00] =	vst v63  }
0x4e: {  	s10 =	stileid.u32  }
0x4f: {  	s9 =	rddreg [dreg:$0xc];
	s11 =	simm.s32 $0x2B00;
	s10 =	sshll.u32 @!p0 s10, $0x6  }
0x50: {  	[tilespmem:s26], [sflag:$0x7] =	stream.indirect.gather [hbm4b:s1+s13], $0x80, s11, s13, $0xb8;
	[tilespmem:$0x1ED00] =	vst v63  }
0x51: {  	s11 =	sor.u32 @!p0 $0x1C11, s10;
	s10 =	rddreg [dreg:$0x7]  }
0x52: {  	s12 =	simm.s32 $0x2B80;
	[dreg:$0xa] =	wrdreg s11  }
0x53: {  	[tilespmem:s29], [sflag:$0x8] =	stream.indirect.gather [hbm4b:s1+s13], $0x80, s12, s13, $0xb8;
	[tilespmem:$0x1ED00] =	vst v63  }
0x54: {  	s12 =	sshrl.u32 @!p0 s10, $0x3;
	s10 =	rddreg [dreg:$0x4]  }
0x55: {  	[dreg:$0xb] =	wrdreg s12  }
0x56: {  	[spmem:s12], [sflag:s11] =	dma.local @!p0 [hbm:s10], $0x4E80  }
0x57: {  	s11 =	simm.s32 @!p0 $0x11  }
0x58: {  	_ =	swait.ge @!p0 [sflag:s11], $0x4E80  }
0x59: {  	[sflag:s11] =	ssyncset.done @!p0 $0x0  }
0x5a: {  	[sflag:s11] =	ssyncadd.s32 @!p0 $0xFFFFB180  }
0x5b: {  	s11 =	simm.s32 $0x0;
	[bflag:$0x0] =	sbarrier.arrive $0xFFFF  }
.LBB2_2:
0x5c: {  	_ =	swait.ge [sflag:s30], $0x2000  }
0x5d: {  	[sflag:s30] =	ssyncset.done $0x0  }
0x5e: {  	s12 =	sshra.s32 s11, $0x2;
	[sflag:s30] =	ssyncadd.s32 $0xFFFFE000  }
0x5f: {  	[spmem:s3] =	stream.indirect.scatter.add.f32 [tilespmem:s14], [sflag:$0x9], $0x80, s12, s13, $0xb8;
	[tilespmem:$0x1ED00] =	vst v63  }
0x60: {  	_ =	swait.ge [sflag:s31], $0x2000  }
0x61: {  	[sflag:s31] =	ssyncset.done $0x0  }
0x62: {  	s10 =	sadd.s32 $0x80, s12;
	[sflag:s31] =	ssyncadd.s32 $0xFFFFE000  }
0x63: {  	[spmem:s3] =	stream.indirect.scatter.add.f32 [tilespmem:s16], [sflag:$0xA], $0x80, s10, s13, $0xb8;
	[tilespmem:$0x1ED00] =	vst v63  }
0x64: {  	_ =	swait.ge [sflag:s2], $0x2000  }
0x65: {  	[sflag:s2] =	ssyncset.done $0x0  }
0x66: {  	s10 =	sadd.s32 $0x100, s12;
	[sflag:s2] =	ssyncadd.s32 $0xFFFFE000  }
0x67: {  	[spmem:s3] =	stream.indirect.scatter.add.f32 [tilespmem:s18], [sflag:$0xB], $0x80, s10, s13, $0xb8;
	[tilespmem:$0x1ED00] =	vst v63  }
0x68: {  	_ =	swait.ge [sflag:s0], $0x2000  }
0x69: {  	[sflag:s0] =	ssyncset.done $0x0  }
0x6a: {  	s10 =	sadd.s32 $0x180, s12;
	[sflag:s0] =	ssyncadd.s32 $0xFFFFE000  }
0x6b: {  	[spmem:s3] =	stream.indirect.scatter.add.f32 [tilespmem:s20], [sflag:$0xC], $0x80, s10, s13, $0xb8;
	[tilespmem:$0x1ED00] =	vst v63  }
0x6c: {  	_ =	swait.ge [sflag:s15], $0x2000  }
0x6d: {  	[sflag:s15] =	ssyncset.done $0x0  }
0x6e: {  	s10 =	sadd.s32 $0x200, s12;
	[sflag:s15] =	ssyncadd.s32 $0xFFFFE000  }
0x6f: {  	[spmem:s3] =	stream.indirect.scatter.add.f32 [tilespmem:s22], [sflag:$0xD], $0x80, s10, s13, $0xb8;
	[tilespmem:$0x1ED00] =	vst v63  }
0x70: {  	_ =	swait.ge [sflag:s17], $0x2000  }
0x71: {  	[sflag:s17] =	ssyncset.done $0x0  }
0x72: {  	s10 =	sadd.s32 $0x280, s12;
	[sflag:s17] =	ssyncadd.s32 $0xFFFFE000  }
0x73: {  	[spmem:s3] =	stream.indirect.scatter.add.f32 [tilespmem:s24], [sflag:$0xE], $0x80, s10, s13, $0xb8;
	[tilespmem:$0x1ED00] =	vst v63  }
0x74: {  	_ =	swait.ge [sflag:s19], $0x2000  }
0x75: {  	[sflag:s19] =	ssyncset.done $0x0  }
0x76: {  	s10 =	sadd.s32 $0x300, s12;
	[sflag:s19] =	ssyncadd.s32 $0xFFFFE000  }
0x77: {  	[spmem:s3] =	stream.indirect.scatter.add.f32 [tilespmem:s26], [sflag:$0xF], $0x80, s10, s13, $0xb8;
	[tilespmem:$0x1ED00] =	vst v63  }
0x78: {  	_ =	swait.ge [sflag:s21], $0x2000  }
0x79: {  	p1 =	seq.s32 s11, $0x9000;
	[sflag:s21] =	ssyncset.done $0x0  }
.Ltmp2:
0x7a: {  	s10 =	sadd.s32 $0x380, s12;
	[sflag:s21] =	ssyncadd.s32 $0xFFFFE000;
	(pc) =	sbr.rel @p1 .LBB2_4-.Ltmp2, $4  }
0x7b: {  	[spmem:s3] =	stream.indirect.scatter.add.f32 [tilespmem:s29], [sflag:$0x10], $0x80, s10, s13, $0xb8;
	[tilespmem:$0x1ED00] =	vst v63  }
0x7c: {  	_ =	swait.ge [sflag:s23], $0x2000  }
0x7d: {  	[sflag:s23] =	ssyncset.done $0x0  }
0x7e: {  	[sflag:s23] =	ssyncadd.s32 $0xFFFFE000  }
0x7f: {  	s10 =	sadd.s32 $0x2C00, s12  }
0x80: {  	[tilespmem:s14], [sflag:$0x1] =	stream.indirect.gather [hbm4b:s1+s13], $0x80, s10, s13, $0xb8;
	[tilespmem:$0x1ED00] =	vst v63  }
0x81: {  	_ =	swait.ge [sflag:s25], $0x2000  }
0x82: {  	[sflag:s25] =	ssyncset.done $0x0  }
0x83: {  	s10 =	sadd.s32 $0x2C80, s12;
	[sflag:s25] =	ssyncadd.s32 $0xFFFFE000  }
0x84: {  	[tilespmem:s16], [sflag:$0x2] =	stream.indirect.gather [hbm4b:s1+s13], $0x80, s10, s13, $0xb8;
	[tilespmem:$0x1ED00] =	vst v63  }
0x85: {  	_ =	swait.ge [sflag:s28], $0x2000  }
0x86: {  	[sflag:s28] =	ssyncset.done $0x0  }
0x87: {  	s10 =	sadd.s32 $0x2D00, s12;
	[sflag:s28] =	ssyncadd.s32 $0xFFFFE000  }
0x88: {  	[tilespmem:s18], [sflag:$0x3] =	stream.indirect.gather [hbm4b:s1+s13], $0x80, s10, s13, $0xb8;
	[tilespmem:$0x1ED00] =	vst v63  }
0x89: {  	_ =	swait.ge [sflag:s4], $0x2000  }
0x8a: {  	[sflag:s4] =	ssyncset.done $0x0  }
0x8b: {  	s10 =	sadd.s32 $0x2D80, s12;
	[sflag:s4] =	ssyncadd.s32 $0xFFFFE000  }
0x8c: {  	[tilespmem:s20], [sflag:$0x4] =	stream.indirect.gather [hbm4b:s1+s13], $0x80, s10, s13, $0xb8;
	[tilespmem:$0x1ED00] =	vst v63  }
0x8d: {  	_ =	swait.ge [sflag:s5], $0x2000  }
0x8e: {  	[sflag:s5] =	ssyncset.done $0x0  }
0x8f: {  	s10 =	sadd.s32 $0x2E00, s12;
	[sflag:s5] =	ssyncadd.s32 $0xFFFFE000  }
0x90: {  	[tilespmem:s22], [sflag:$0x5] =	stream.indirect.gather [hbm4b:s1+s13], $0x80, s10, s13, $0xb8;
	[tilespmem:$0x1ED00] =	vst v63  }
0x91: {  	_ =	swait.ge [sflag:s6], $0x2000  }
0x92: {  	[sflag:s6] =	ssyncset.done $0x0  }
0x93: {  	s10 =	sadd.s32 $0x2E80, s12;
	[sflag:s6] =	ssyncadd.s32 $0xFFFFE000  }
0x94: {  	[tilespmem:s24], [sflag:$0x6] =	stream.indirect.gather [hbm4b:s1+s13], $0x80, s10, s13, $0xb8;
	[tilespmem:$0x1ED00] =	vst v63  }
0x95: {  	_ =	swait.ge [sflag:s7], $0x2000  }
0x96: {  	[sflag:s7] =	ssyncset.done $0x0  }
0x97: {  	s10 =	sadd.s32 $0x2F00, s12;
	[sflag:s7] =	ssyncadd.s32 $0xFFFFE000  }
0x98: {  	[tilespmem:s26], [sflag:$0x7] =	stream.indirect.gather [hbm4b:s1+s13], $0x80, s10, s13, $0xb8;
	[tilespmem:$0x1ED00] =	vst v63  }
.Ltmp3:
0x99: {  	_ = 	snop;
	(pc) =	sbr.rel .LBB2_2-.Ltmp3, $4  }
0x9a: {  	_ =	swait.ge [sflag:s8], $0x2000  }
0x9b: {  	[sflag:s8] =	ssyncset.done $0x0  }
0x9c: {  	s11 =	sadd.s32 $0x1000, s11;
	s12 =	sadd.s32 $0x2F80, s12;
	[sflag:s8] =	ssyncadd.s32 $0xFFFFE000  }
0x9d: {  	[tilespmem:s29], [sflag:$0x8] =	stream.indirect.gather [hbm4b:s1+s13], $0x80, s12, s13, $0xb8;
	[tilespmem:$0x1ED00] =	vst v63  }
.LBB2_5:
0x9e: {  	_ =	sfence.sel $0x180000  }
0x9f: {  	[bflag:$0x0] =	sbarrier.arrive $0xFFFF  }
0xa0: {  	_ =	strace $0x9000004A  }
0xa1: {  	s0 =	stileid.u32;
	[bflag:$0x2] =	sbarrier.arrive $0xFFFF  }
0xa2: {  	p0 =	sne.s32 s0, $0x0;
	s0 =	rddreg [dreg:$0x3]  }
0xa3: {  	s0 =	sadd.s32 @!p0 $0x100000, s0  }
0xa4: {  	[sflag:s0] =	ssyncadd.tile.s32 @!p0 $0x1;
	_ =	shalt  }
.Lfunc_end2:
_tile_overlayer_lowered:
.L_overlay_start_2:
0xa5: {  	(tag) =	ssettag $0x2  }
0xa6: {  	s0 =	rddreg [dreg:$0x0];
	s2 =	stileid.u32  }
0xa7: {  	s1 =	rddreg [dreg:$0x1];
	p0 =	sne.s32 s2, $0x0  }
0xa8: {  	s3 =	rddreg [dreg:$0x2];
	[bflag:$0x3] =	sbarrier.arrive $0xFFFF;
	s2 =	simm.s32 @!p0 $0x1C11  }
0xa9: {  	[timem:s3], [sflag:s2] =	dma.local @!p0 [hbm:s0], s1  }
0xaa: {  	s0 =	simm.s32 @!p0 $0x11  }
0xab: {  	_ =	swait.ge @!p0 [sflag:s0], s1  }
0xac: {  	s1 =	ssub.s32 @!p0 $0x0, s1;
	[sflag:s0] =	ssyncset.done @!p0 $0x0  }
0xad: {  	[sflag:s0] =	ssyncadd.s32 @!p0 s1  }
0xae: {  	[bflag:$0x3] =	sbarrier.arrive $0xFFFF  }
0xaf: {  	_ =	shalt  }

// kernel: kernel.14.cloned.1.call-start
scs
__scs_entry_jumppad:
0x0: {  	(pc) =	sbr.rel $0x88, $3  }
0x1: {  	(tag) =	ssettag $0x0;
	lr =	simm.s32 $0x1  }
0x2: {  	[smem:$0x3F8F] =	sst lr;
	_ =	strace $0xD0000000  }
0x3: {  	_ = 	snop  }
0x4: {  	_ = 	snop  }
0x5: {  	_ = 	snop  }
0x6: {  	_ = 	snop  }
0x7: {  	_ = 	snop  }
__scs_overlays_trampoline_lowered:
0x8: {  	[smem:$0x3F9E] =	sst s0  }
0x9: {  	[smem:$0x3F9F] =	sst s1  }
0xa: {  	[smem:$0x3FA0] =	sst s2  }
0xb: {  	[smem:$0x3FA1] =	sst s3  }
0xc: {  	[smem:$0x3FA2] =	sst s4  }
0xd: {  	[smem:$0x3FA3] =	sst s5  }
0xe: {  	[smem:$0x3FA4] =	sst s6  }
0xf: {  	[smem:$0x3FA5] =	sst s7  }
0x10: {  	[smem:$0x3FA6] =	sst s8  }
0x11: {  	[smem:$0x3FA7] =	sst s9;
	s0 =	simm.s32 @!p0 $0x0  }
0x12: {  	s1 =	sld [smem:$0x3F8D];
	s0 =	simm.s32 @p0 $0x1  }
0x13: {  	[smem:$0x3FA8] =	sst s0;
	s0 =	simm.s32 @!p1 $0x0  }
0x14: {  	s2 =	sld [smem:$0x3F8C];
	s0 =	simm.s32 @p1 $0x1  }
0x15: {  	[smem:$0x3FA9] =	sst s0;
	s0 =	simm.s32 @!p2 $0x0  }
0x16: {  	s3 =	sld [smem:$0x3FDB];
	s0 =	simm.s32 @p2 $0x1  }
0x17: {  	s4 =	simm.s32 $0x1BF5;
	[smem:$0x3FAB] =	sst s0  }
0x18: {  	s0 =	sld [smem:$0x3F8E];
	_ =	swait.ge [sflag:s4], $0x0  }
0x19: {  	s7 =	sld [smem:$0x3F8F]  }
0x1a: {  	s8 =	sadd.s32 $0xFFFFE003, lr  }
0x1b: {  	s9 =	sadd.s32 $0xFFFFFEF7, lr;
	s5 =	simm.s32 $0xFFFFFFFF;
	p2 =	slt.u32 s8, $0xFFFFF086  }
0x1c: {  	p1 =	slt.u32 s9, $0xF7A;
	s5 =	simm.s32 @!p2 $0x0  }
0x1d: {  	s5 =	simm.s32 @p1 $0x1;
	p0 =	seq.s32 s7, s2  }
0x1e: {  	s7 =	smul.u32 @!p0 $0xF7A, s2;
	p2 =	seq.s32 @!p0 s5, $0x0  }
0x1f: {  	s9 =	smul.u32 $0xF7A, s1;
	s8 =	simm.s32 @!p0 $0x1BF5;
	p2 =	por !p2, p0  }
0x20: {  	[sflag:s8] =	ssyncset.s32 @!p0 $0xFFFFF086;
	s6 =	sadd.s32 @!p0 s3, s7;
	s7 =	simm.s32 @!p0 $0x108  }
0x21: {  	s3 =	sadd.s32 s3, s9;
	s6 =	sadd.s32 @!p0 $0x88, s6;
	s7 =	simm.s32 @p2 $0x1082  }
0x22: {  	[simem:s7], [sflag:s8] =	dma.local @!p0 [hbm:s6], $0xF7A  }
0x23: {  	s9 =	sor.u32 $0xD0000000, s2;
	s6 =	simm.s32 $0x108;
	_ =	swait.ge @!p0 [sflag:s8], $0x0  }
0x24: {  	s3 =	sadd.s32 $0x88, s3;
	s6 =	simm.s32 @!p1 $0x1082;
	[sflag:s4] =	ssyncset.s32 $0xFFFFF086  }
0x25: {  	[simem:s6], [sflag:s4] =	dma.local [hbm:s3], $0xF7A  }
0x26: {  	[smem:$0x3F8F] =	sst s1;
	(tag) =	ssettag s2;
	_ =	strace s9  }
0x27: {  	s1 =	sld [smem:$0x3F9F]  }
0x28: {  	s2 =	sld [smem:$0x3FA0]  }
0x29: {  	s4 =	sld [smem:$0x3FA2]  }
0x2a: {  	p0 =	seq.s32 s5, $0x0;
	s5 =	sld [smem:$0x3FA3]  }
0x2b: {  	s6 =	sld [smem:$0x3FA4]  }
0x2c: {  	s7 =	sld [smem:$0x3FA5]  }
0x2d: {  	s3 =	simm.s32 $0x108;
	s8 =	sld [smem:$0x3FA6]  }
0x2e: {  	s3 =	simm.s32 @!p0 $0x1082;
	s9 =	sld [smem:$0x3FA7]  }
0x2f: {  	lr =	sadd.s32 s0, s3;
	s0 =	sld [smem:$0x3F9E]  }
0x30: {  	s3 =	sld [smem:$0x3FA1]  }
0x31: {  	[smem:$0x3FAA] =	sst s10  }
0x32: {  	s10 =	sld [smem:$0x3FA8];
	_ =	sdelay $0x3  }
0x33: {  	p0 =	seq.s32 s10, $0x1;
	s10 =	sld [smem:$0x3FAA];
	_ =	sdelay $0x3  }
0x34: {  	[smem:$0x3FAA] =	sst s10  }
0x35: {  	s10 =	sld [smem:$0x3FA9];
	_ =	sdelay $0x3  }
0x36: {  	p1 =	seq.s32 s10, $0x1;
	s10 =	sld [smem:$0x3FAA];
	_ =	sdelay $0x3  }
0x37: {  	[smem:$0x3FAA] =	sst s10  }
0x38: {  	s10 =	sld [smem:$0x3FAB]  }
0x39: {  	_ = 	snop;
	(pc) =	sbr.ind lr, $3  }
0x3a: {  	_ = 	snop  }
0x3b: {  	_ = 	snop  }
0x3c: {  	p2 =	seq.s32 s10, $0x1;
	s10 =	sld [smem:$0x3FAA]  }
0x3d: {  	_ =	shalt  }
0x3e: {  	_ =	shalt  }
0x3f: {  	_ =	shalt  }
0x40: {  	_ =	shalt  }
0x41: {  	_ =	shalt  }
0x42: {  	_ =	shalt  }
0x43: {  	_ =	shalt  }
0x44: {  	_ =	shalt  }
0x45: {  	_ =	shalt  }
0x46: {  	_ =	shalt  }
0x47: {  	_ =	shalt  }
0x48: {  	_ =	shalt  }
0x49: {  	_ =	shalt  }
0x4a: {  	_ =	shalt  }
0x4b: {  	_ =	shalt  }
0x4c: {  	_ =	shalt  }
0x4d: {  	_ =	shalt  }
0x4e: {  	_ =	shalt  }
0x4f: {  	_ =	shalt  }
0x50: {  	_ =	shalt  }
0x51: {  	_ =	shalt  }
0x52: {  	_ =	shalt  }
0x53: {  	_ =	shalt  }
0x54: {  	_ =	shalt  }
0x55: {  	_ =	shalt  }
0x56: {  	_ =	shalt  }
0x57: {  	_ =	shalt  }
0x58: {  	_ =	shalt  }
0x59: {  	_ =	shalt  }
0x5a: {  	_ =	shalt  }
0x5b: {  	_ =	shalt  }
0x5c: {  	_ =	shalt  }
0x5d: {  	_ =	shalt  }
0x5e: {  	_ =	shalt  }
0x5f: {  	_ =	shalt  }
0x60: {  	_ =	shalt  }
0x61: {  	_ =	shalt  }
0x62: {  	_ =	shalt  }
0x63: {  	_ =	shalt  }
0x64: {  	_ =	shalt  }
0x65: {  	_ =	shalt  }
0x66: {  	_ =	shalt  }
0x67: {  	_ =	shalt  }
0x68: {  	_ =	shalt  }
0x69: {  	_ =	shalt  }
0x6a: {  	_ =	shalt  }
0x6b: {  	_ =	shalt  }
0x6c: {  	_ =	shalt  }
0x6d: {  	_ =	shalt  }
0x6e: {  	_ =	shalt  }
0x6f: {  	_ =	shalt  }
0x70: {  	_ =	shalt  }
0x71: {  	_ =	shalt  }
0x72: {  	_ =	shalt  }
0x73: {  	_ =	shalt  }
0x74: {  	_ =	shalt  }
0x75: {  	_ =	shalt  }
0x76: {  	_ =	shalt  }
0x77: {  	_ =	shalt  }
0x78: {  	_ =	shalt  }
0x79: {  	_ =	shalt  }
0x7a: {  	_ =	shalt  }
0x7b: {  	_ =	shalt  }
0x7c: {  	_ =	shalt  }
0x7d: {  	_ =	shalt  }
0x7e: {  	_ =	shalt  }
0x7f: {  	_ =	shalt  }
0x80: {  	_ =	shalt  }
0x81: {  	_ =	shalt  }
0x82: {  	_ =	shalt  }
0x83: {  	_ =	shalt  }
0x84: {  	_ =	shalt  }
0x85: {  	_ =	shalt  }
0x86: {  	_ =	shalt  }
0x87: {  	_ =	shalt  }
.Lfunc_end0:
.L_simem_size_0:
called_computation.2_lowered:
.L_overlay_start_0:
0x88: {  	s2 =	sld [smem:$0x3FD9]  }
0x89: {  	s3 =	sld [smem:$0x3FFE];
	_ =	sdelay $0x1  }
0x8a: {  	s1 =	srdreg.scid  }
0x8b: {  	s0 =	sand.u32 $0x1, s1  }
0x8c: {  	s17 =	sshll.u32 s0, $0xA;
	s2 =	sadd.s32 s3, s2  }
0x8d: {  	s2 =	sadd.s32 s2, s17  }
0x8e: {  	[smem:$0x3FB6] =	sst s2  }
0x8f: {  	_ = 	snop  }
0x90: {  	s2 =	sld [smem:$0x3FD0];
	(tm) =	ssettm $0x1  }
0x91: {  	s18 =	sld [smem:$0x3FFB];
	_ =	sdelay $0x3  }
0x92: {  	_ =	strace s18  }
0x93: {  	s3 =	sld [smem:$0x3FFC];
	_ =	sdelay $0x3  }
0x94: {  	_ =	strace s3  }
0x95: {  	s3 =	sld [smem:$0x3FFD];
	_ =	sdelay $0x3  }
0x96: {  	_ =	strace s3  }
0x97: {  	_ =	strace $0x8FFFFFFF  }
0x98: {  	s19 =	sld [smem:$0x3FDB];
	_ =	sdelay $0x1  }
0x99: {  	s4 =	simm.s32 $_scs_section_size  }
0x9a: {  	s5 =	simm.s32 $_size__tile_overlayer_lowered;
	s6 =	simm.s32 $_tile_overlayer_lowered  }
0x9b: {  	s22 =	simm.s32 $0x1BFF;
	s21 =	sshll.u32 s6, $0x1;
	s3 =	sadd.s32 s4, s19  }
0x9c: {  	s7 =	simm.s32 $0x0;
	s20 =	sshll.u32 s5, $0x1;
	s5 =	sadd.s32 s21, s3  }
0x9d: {  	[timem:s7], [sflag:s22] =	dma.local [hbm:s5], s20  }
0x9e: {  	_ =	swait.ge [sflag:s22], s20  }
0x9f: {  	s4 =	ssub.s32 $0x0, s20;
	[sflag:s22] =	ssyncset.done $0x0  }
0xa0: {  	[sflag:s22] =	ssyncadd.s32 s4;
	_ =	sdelay $0x1  }
0xa1: {  	s23 =	simm.s32 $0x1B8B  }
0xa2: {  	_ =	swait.ge [sflag:s23], $0x1  }
0xa3: {  	[sflag:s23] =	ssyncset.done $0x0  }
0xa4: {  	s25 =	simm.s32 $0x1B8E;
	s24 =	sld [smem:$0x3FFE];
	[sflag:s23] =	ssyncadd.s32 $0xFFFFFFFF  }
0xa5: {  	s26 =	simm.s32 $execute0_lowered;
	[smem:$0x3FD2] =	sst s25  }
0xa6: {  	s5 =	sshll.u32 s26, $0x1;
	_ =	strace $0x8000004C;
	[dreg:$0x1] =	wrdreg $0xFFFFFFFF  }
0xa7: {  	s28 =	simm.s32 $_size_execute0_lowered;
	s3 =	sadd.s32 s3, s5;
	[dreg:$0x0] =	wrdreg $0x0  }
0xa8: {  	s5 =	sshll.u32 s28, $0x1;
	[dreg:$0x2] =	wrdreg s3  }
0xa9: {  	[dreg:$0x3] =	wrdreg s5  }
0xaa: {  	[dreg:$0x4] =	wrdreg $0xC0  }
0xab: {  	_ =	task [dreg:s7], $0x5FFFF  }
0xac: {  	[dreg:$0x1] =	wrdreg $0xFFFFFFFF  }
0xad: {  	[dreg:$0x0] =	wrdreg $0x60  }
0xae: {  	[dreg:$0x2] =	wrdreg s2  }
0xaf: {  	[dreg:$0x3] =	wrdreg s24  }
0xb0: {  	[dreg:$0x4] =	wrdreg $0x150000  }
0xb1: {  	[dreg:$0x5] =	wrdreg $0x9  }
0xb2: {  	_ =	task.clear_ibuf [dreg:s7], $0x6FFFF;
	_ =	strace $0x9000004C  }
0xb3: {  	s29 =	simm.s32 $0x9;
	_ =	strace $0x8000004E  }
0xb4: {  	_ =	swait.ge [sflag:s29], $0x1  }
0xb5: {  	[sflag:s29] =	ssyncadd.s32 $0xFFFFFFFF  }
0xb6: {  	_ =	strace $0x9000004E  }
0xb7: {  	_ =	sfence  }
0xb8: {  	s30 =	sld [smem:$0x0];
	_ =	sdelay $0x2  }
0xb9: {  	s31 =	sshll.u32 s1, $0xD;
	s1 =	sshrl.u32 s1, $0x2  }
0xba: {  	s3 =	sand.u32 $0x4000, s31;
	s1 =	sadd.s32 s1, s30  }
0xbb: {  	s0 =	sor.u32 s3, s0;
	s1 =	sshll.u32 s1, $0x11  }
0xbc: {  	s0 =	sor.u32 s1, s0  }
0xbd: {  	s0 =	sadd.s32 $0x8F2B, s0  }
0xbe: {  	[sflag:s0] =	ssyncadd.remote.s32 $0x1  }
0xbf: {  	_ =	sfence.sel $0xFFFF  }
0xc0: {  	[dreg:$0x0] =	wrdreg $0xFFFFFFFF;
	(pc) =	sbr.abs _section_cstart, $3  }
0xc1: {  	[dreg:$0x1] =	wrdreg $0xFFFFFFFF  }
0xc2: {  	_ =	task.clear_ibuf [dreg:s7], $0x2FFFF;
	_ =	strace $0x9FFFFFFF  }
0xc3: {  	(tm) =	ssettm $0x7FFFFFFF  }
tec
execute0_lowered:
.L_overlay_start_1:
0x0: {  	(tag) =	ssettag $0x1  }
0x1: {  	s0 =	srdreg.scid;
	s1 =	rddreg [dreg:$0x0]  }
0x2: {  	s6 =	stileid.u32;
	s4 =	rddreg [dreg:$0x1];
	s9 =	simm.s32 $0x0  }
0x3: {  	s13 =	simm.s32 $0x40;
	s14 =	simm.s32 $0x5000;
	s16 =	simm.s32 $0x7000  }
0x4: {  	s18 =	simm.s32 $0x9000;
	s20 =	simm.s32 $0xB000;
	s29 =	simm.s32 $0x13000  }
0x5: {  	s30 =	simm.s32 $0x1;
	s31 =	simm.s32 $0x2;
	s15 =	simm.s32 $0x5  }
0x6: {  	s17 =	simm.s32 $0x6;
	s19 =	simm.s32 $0x7;
	s21 =	simm.s32 $0x8  }
0x7: {  	s28 =	simm.s32 $0xB;
	s0 =	sand.u32 $0x1, s0;
	s2 =	sshrl.u32 s6, $0x2  }
0x8: {  	s6 =	sand.u32 $0x3, s6;
	[smem:$0x7FF] =	sst s9;
	s23 =	sadd.s32 $0xA200, s4  }
0x9: {  	s9 =	simm.s32 $0x0;
	s3 =	sshll.u32 s0, $0x2;
	s8 =	smul.u32 $0x2800, s6  }
0xa: {  	s0 =	ssub.s32 $0x2, s0;
	p0 =	sne.s32 s6, $0x0;
	s6 =	simm.s32 $0xE  }
0xb: {  	s5 =	sor.u32 s2, s3;
	s3 =	rddreg [dreg:$0x2];
	s2 =	smul.u32 $0x9D000, s2  }
0xc: {  	_ =	strace $0x8000004D;
	s22 =	sshrl.u32 s0, $0x1;
	s7 =	smul.u32 $0xA000, s5  }
0xd: {  	[dreg:$0x4] =	wrdreg s23;
	s23 =	simm.s32 $0x9;
	s5 =	smul.u32 $0x4E80, s5  }
0xe: {  	s0 =	ssub.s32 s0, s22;
	s22 =	simm.s32 $0xD000;
	s2 =	sshrl.u32 s2, $0x2  }
0xf: {  	s0 =	smax.u32 s0, $0x1;
	s7 =	sadd.s32 s8, s7;
	s2 =	sadd.s32 s2, s3  }
0x10: {  	[dreg:$0x9] =	wrdreg s0;
	s0 =	simm.s32 $0x4;
	s7 =	sshrl.u32 s7, $0x3  }
0x11: {  	s8 =	simm.s32 $0x10;
	[dreg:$0x7] =	wrdreg s2;
	s7 =	sadd.s32 s7, s4  }
.Ltmp0:
0x12: {  	s2 =	simm.s32 $0x3;
	s24 =	sadd.s32 $0x37400, s7;
	(pc) =	sbr.rel .LBB2_1-.Ltmp0, $4  }
0x13: {  	s4 =	sadd.s32 s5, s4;
	s25 =	sadd.s32 $0x41400, s7;
	[dreg:$0x5] =	wrdreg s24  }
0x14: {  	s5 =	simm.s32 $0xD;
	s26 =	sadd.s32 $0x4B400, s4;
	[dreg:$0x6] =	wrdreg s25  }
0x15: {  	s4 =	simm.s32 $0xC;
	s7 =	simm.s32 $0xF;
	[dreg:$0x8] =	wrdreg s26  }
0x16: {  	s24 =	simm.s32 $0xF000;
	s26 =	simm.s32 $0x11000;
	s25 =	simm.s32 $0xA  }
.LBB2_4:
0x17: {  	_ =	swait.ge [sflag:s25], $0x2000  }
0x18: {  	[sflag:s25] =	ssyncset.done $0x0  }
0x19: {  	[sflag:s25] =	ssyncadd.s32 $0xFFFFE000  }
0x1a: {  	_ =	swait.ge [sflag:s28], $0x2000  }
0x1b: {  	[sflag:s28] =	ssyncset.done $0x0  }
0x1c: {  	[sflag:s28] =	ssyncadd.s32 $0xFFFFE000  }
0x1d: {  	_ =	swait.ge [sflag:s4], $0x2000  }
0x1e: {  	[sflag:s4] =	ssyncset.done $0x0  }
0x1f: {  	[sflag:s4] =	ssyncadd.s32 $0xFFFFE000  }
0x20: {  	_ =	swait.ge [sflag:s5], $0x2000  }
0x21: {  	[sflag:s5] =	ssyncset.done $0x0  }
0x22: {  	[sflag:s5] =	ssyncadd.s32 $0xFFFFE000  }
0x23: {  	_ =	swait.ge [sflag:s6], $0x2000  }
0x24: {  	[sflag:s6] =	ssyncset.done $0x0  }
0x25: {  	[sflag:s6] =	ssyncadd.s32 $0xFFFFE000  }
0x26: {  	_ =	swait.ge [sflag:s7], $0x2000  }
0x27: {  	[sflag:s7] =	ssyncset.done $0x0  }
0x28: {  	[sflag:s7] =	ssyncadd.s32 $0xFFFFE000  }
0x29: {  	_ =	swait.ge [sflag:s8], $0x2000  }
0x2a: {  	[sflag:s8] =	ssyncset.done $0x0  }
0x2b: {  	[sflag:s8] =	ssyncadd.s32 $0xFFFFE000  }
0x2c: {  	[bflag:$0x0] =	sbarrier.arrive $0xFFFF  }
0x2d: {  	s10 =	rddreg [dreg:$0x8]  }
0x2e: {  	s11 =	rddreg [dreg:$0xa]  }
0x2f: {  	s12 =	rddreg [dreg:$0xb]  }
0x30: {  	[hbm:s10], [sflag:s11] =	dma.local @!p0 [spmem:s12], $0x4E20  }
0x31: {  	s10 =	simm.s32 @!p0 $0x11  }
0x32: {  	_ =	swait.ge @!p0 [sflag:s10], $0x4E20  }
0x33: {  	s9 =	sadd.s32 $0x1, s9;
	s12 =	rddreg [dreg:$0x9]  }
0x34: {  	p1 =	sne.s32 s9, s12  }
.Ltmp1:
0x35: {  	_ = 	snop;
	(pc) =	sbr.rel @!p1 .LBB2_5-.Ltmp1, $3  }
0x36: {  	_ =	sdelay $0x1  }
0x37: {  	[sflag:s10] =	ssyncset.done @!p0 $0x0  }
0x38: {  	[sflag:s10] =	ssyncadd.s32 @!p0 $0xFFFFB1E0  }
.LBB2_1:
0x39: {  	[dreg:$0xc] =	wrdreg s9  }
0x3a: {  	s10 =	simm.s32 $0x0;
	s11 =	rddreg [dreg:$0x5];
	s12 =	simm.s32 $0x11  }
0x3b: {  	[tilespmem:s10], [sflag:$0x11] =	stream.linear.gather [hbm4b:s11+s10], $0x2800, $0x38;
	[tilespmem:$0x1ED00] =	vst v63  }
0x3c: {  	_ =	swait.ge [sflag:s12], $0x2800  }
0x3d: {  	s9 =	simm.s32 $0x0;
	[sflag:s12] =	ssyncset.done $0x0  }
0x3e: {  	s10 =	simm.s32 $0x2800;
	s11 =	rddreg [dreg:$0x6];
	[sflag:s12] =	ssyncadd.s32 $0xFFFFD800  }
0x3f: {  	[tilespmem:s10], [sflag:$0x11] =	stream.linear.gather [hbm4b:s11+s9], $0x2800, $0x38;
	[tilespmem:$0x1ED00] =	vst v63  }
0x40: {  	_ =	swait.ge [sflag:s12], $0x2800  }
0x41: {  	[sflag:s12] =	ssyncset.done $0x0  }
0x42: {  	s11 =	simm.s32 $0x2800;
	[sflag:s12] =	ssyncadd.s32 $0xFFFFD800  }
0x43: {  	[tilespmem:s14], [sflag:$0x1] =	stream.indirect.gather [hbm4b:s1+s13], $0x80, s11, s13, $0xb8;
	[tilespmem:$0x1ED00] =	vst v63  }
0x44: {  	s12 =	simm.s32 $0x2880  }
0x45: {  	[tilespmem:s16], [sflag:$0x2] =	stream.indirect.gather [hbm4b:s1+s13], $0x80, s12, s13, $0xb8;
	[tilespmem:$0x1ED00] =	vst v63  }
0x46: {  	s10 =	simm.s32 $0x2900  }
0x47: {  	[tilespmem:s18], [sflag:$0x3] =	stream.indirect.gather [hbm4b:s1+s13], $0x80, s10, s13, $0xb8;
	[tilespmem:$0x1ED00] =	vst v63  }
0x48: {  	s11 =	simm.s32 $0x2980  }
0x49: {  	[tilespmem:s20], [sflag:$0x4] =	stream.indirect.gather [hbm4b:s1+s13], $0x80, s11, s13, $0xb8;
	[tilespmem:$0x1ED00] =	vst v63  }
0x4a: {  	s12 =	simm.s32 $0x2A00  }
0x4b: {  	[tilespmem:s22], [sflag:$0x5] =	stream.indirect.gather [hbm4b:s1+s13], $0x80, s12, s13, $0xb8;
	[tilespmem:$0x1ED00] =	vst v63  }
0x4c: {  	s10 =	simm.s32 $0x2A80  }
0x4d: {  	[tilespmem:s24], [sflag:$0x6] =	stream.indirect.gather [hbm4b:s1+s13], $0x80, s10, s13, $0xb8;
	[tilespmem:$0x1ED00] =	vst v63  }
0x4e: {  	s10 =	stileid.u32  }
0x4f: {  	s9 =	rddreg [dreg:$0xc];
	s11 =	simm.s32 $0x2B00;
	s10 =	sshll.u32 @!p0 s10, $0x6  }
0x50: {  	[tilespmem:s26], [sflag:$0x7] =	stream.indirect.gather [hbm4b:s1+s13], $0x80, s11, s13, $0xb8;
	[tilespmem:$0x1ED00] =	vst v63  }
0x51: {  	s11 =	sor.u32 @!p0 $0x1C11, s10;
	s10 =	rddreg [dreg:$0x7]  }
0x52: {  	s12 =	simm.s32 $0x2B80;
	[dreg:$0xa] =	wrdreg s11  }
0x53: {  	[tilespmem:s29], [sflag:$0x8] =	stream.indirect.gather [hbm4b:s1+s13], $0x80, s12, s13, $0xb8;
	[tilespmem:$0x1ED00] =	vst v63  }
0x54: {  	s12 =	sshrl.u32 @!p0 s10, $0x3;
	s10 =	rddreg [dreg:$0x4]  }
0x55: {  	[dreg:$0xb] =	wrdreg s12  }
0x56: {  	[spmem:s12], [sflag:s11] =	dma.local @!p0 [hbm:s10], $0x4E80  }
0x57: {  	s11 =	simm.s32 @!p0 $0x11  }
0x58: {  	_ =	swait.ge @!p0 [sflag:s11], $0x4E80  }
0x59: {  	[sflag:s11] =	ssyncset.done @!p0 $0x0  }
0x5a: {  	[sflag:s11] =	ssyncadd.s32 @!p0 $0xFFFFB180  }
0x5b: {  	s11 =	simm.s32 $0x0;
	[bflag:$0x0] =	sbarrier.arrive $0xFFFF  }
.LBB2_2:
0x5c: {  	_ =	swait.ge [sflag:s30], $0x2000  }
0x5d: {  	[sflag:s30] =	ssyncset.done $0x0  }
0x5e: {  	s12 =	sshra.s32 s11, $0x2;
	[sflag:s30] =	ssyncadd.s32 $0xFFFFE000  }
0x5f: {  	[spmem:s3] =	stream.indirect.scatter.add.f32 [tilespmem:s14], [sflag:$0x9], $0x80, s12, s13, $0xb8;
	[tilespmem:$0x1ED00] =	vst v63  }
0x60: {  	_ =	swait.ge [sflag:s31], $0x2000  }
0x61: {  	[sflag:s31] =	ssyncset.done $0x0  }
0x62: {  	s10 =	sadd.s32 $0x80, s12;
	[sflag:s31] =	ssyncadd.s32 $0xFFFFE000  }
0x63: {  	[spmem:s3] =	stream.indirect.scatter.add.f32 [tilespmem:s16], [sflag:$0xA], $0x80, s10, s13, $0xb8;
	[tilespmem:$0x1ED00] =	vst v63  }
0x64: {  	_ =	swait.ge [sflag:s2], $0x2000  }
0x65: {  	[sflag:s2] =	ssyncset.done $0x0  }
0x66: {  	s10 =	sadd.s32 $0x100, s12;
	[sflag:s2] =	ssyncadd.s32 $0xFFFFE000  }
0x67: {  	[spmem:s3] =	stream.indirect.scatter.add.f32 [tilespmem:s18], [sflag:$0xB], $0x80, s10, s13, $0xb8;
	[tilespmem:$0x1ED00] =	vst v63  }
0x68: {  	_ =	swait.ge [sflag:s0], $0x2000  }
0x69: {  	[sflag:s0] =	ssyncset.done $0x0  }
0x6a: {  	s10 =	sadd.s32 $0x180, s12;
	[sflag:s0] =	ssyncadd.s32 $0xFFFFE000  }
0x6b: {  	[spmem:s3] =	stream.indirect.scatter.add.f32 [tilespmem:s20], [sflag:$0xC], $0x80, s10, s13, $0xb8;
	[tilespmem:$0x1ED00] =	vst v63  }
0x6c: {  	_ =	swait.ge [sflag:s15], $0x2000  }
0x6d: {  	[sflag:s15] =	ssyncset.done $0x0  }
0x6e: {  	s10 =	sadd.s32 $0x200, s12;
	[sflag:s15] =	ssyncadd.s32 $0xFFFFE000  }
0x6f: {  	[spmem:s3] =	stream.indirect.scatter.add.f32 [tilespmem:s22], [sflag:$0xD], $0x80, s10, s13, $0xb8;
	[tilespmem:$0x1ED00] =	vst v63  }
0x70: {  	_ =	swait.ge [sflag:s17], $0x2000  }
0x71: {  	[sflag:s17] =	ssyncset.done $0x0  }
0x72: {  	s10 =	sadd.s32 $0x280, s12;
	[sflag:s17] =	ssyncadd.s32 $0xFFFFE000  }
0x73: {  	[spmem:s3] =	stream.indirect.scatter.add.f32 [tilespmem:s24], [sflag:$0xE], $0x80, s10, s13, $0xb8;
	[tilespmem:$0x1ED00] =	vst v63  }
0x74: {  	_ =	swait.ge [sflag:s19], $0x2000  }
0x75: {  	[sflag:s19] =	ssyncset.done $0x0  }
0x76: {  	s10 =	sadd.s32 $0x300, s12;
	[sflag:s19] =	ssyncadd.s32 $0xFFFFE000  }
0x77: {  	[spmem:s3] =	stream.indirect.scatter.add.f32 [tilespmem:s26], [sflag:$0xF], $0x80, s10, s13, $0xb8;
	[tilespmem:$0x1ED00] =	vst v63  }
0x78: {  	_ =	swait.ge [sflag:s21], $0x2000  }
0x79: {  	p1 =	seq.s32 s11, $0x9000;
	[sflag:s21] =	ssyncset.done $0x0  }
.Ltmp2:
0x7a: {  	s10 =	sadd.s32 $0x380, s12;
	[sflag:s21] =	ssyncadd.s32 $0xFFFFE000;
	(pc) =	sbr.rel @p1 .LBB2_4-.Ltmp2, $4  }
0x7b: {  	[spmem:s3] =	stream.indirect.scatter.add.f32 [tilespmem:s29], [sflag:$0x10], $0x80, s10, s13, $0xb8;
	[tilespmem:$0x1ED00] =	vst v63  }
0x7c: {  	_ =	swait.ge [sflag:s23], $0x2000  }
0x7d: {  	[sflag:s23] =	ssyncset.done $0x0  }
0x7e: {  	[sflag:s23] =	ssyncadd.s32 $0xFFFFE000  }
0x7f: {  	s10 =	sadd.s32 $0x2C00, s12  }
0x80: {  	[tilespmem:s14], [sflag:$0x1] =	stream.indirect.gather [hbm4b:s1+s13], $0x80, s10, s13, $0xb8;
	[tilespmem:$0x1ED00] =	vst v63  }
0x81: {  	_ =	swait.ge [sflag:s25], $0x2000  }
0x82: {  	[sflag:s25] =	ssyncset.done $0x0  }
0x83: {  	s10 =	sadd.s32 $0x2C80, s12;
	[sflag:s25] =	ssyncadd.s32 $0xFFFFE000  }
0x84: {  	[tilespmem:s16], [sflag:$0x2] =	stream.indirect.gather [hbm4b:s1+s13], $0x80, s10, s13, $0xb8;
	[tilespmem:$0x1ED00] =	vst v63  }
0x85: {  	_ =	swait.ge [sflag:s28], $0x2000  }
0x86: {  	[sflag:s28] =	ssyncset.done $0x0  }
0x87: {  	s10 =	sadd.s32 $0x2D00, s12;
	[sflag:s28] =	ssyncadd.s32 $0xFFFFE000  }
0x88: {  	[tilespmem:s18], [sflag:$0x3] =	stream.indirect.gather [hbm4b:s1+s13], $0x80, s10, s13, $0xb8;
	[tilespmem:$0x1ED00] =	vst v63  }
0x89: {  	_ =	swait.ge [sflag:s4], $0x2000  }
0x8a: {  	[sflag:s4] =	ssyncset.done $0x0  }
0x8b: {  	s10 =	sadd.s32 $0x2D80, s12;
	[sflag:s4] =	ssyncadd.s32 $0xFFFFE000  }
0x8c: {  	[tilespmem:s20], [sflag:$0x4] =	stream.indirect.gather [hbm4b:s1+s13], $0x80, s10, s13, $0xb8;
	[tilespmem:$0x1ED00] =	vst v63  }
0x8d: {  	_ =	swait.ge [sflag:s5], $0x2000  }
0x8e: {  	[sflag:s5] =	ssyncset.done $0x0  }
0x8f: {  	s10 =	sadd.s32 $0x2E00, s12;
	[sflag:s5] =	ssyncadd.s32 $0xFFFFE000  }
0x90: {  	[tilespmem:s22], [sflag:$0x5] =	stream.indirect.gather [hbm4b:s1+s13], $0x80, s10, s13, $0xb8;
	[tilespmem:$0x1ED00] =	vst v63  }
0x91: {  	_ =	swait.ge [sflag:s6], $0x2000  }
0x92: {  	[sflag:s6] =	ssyncset.done $0x0  }
0x93: {  	s10 =	sadd.s32 $0x2E80, s12;
	[sflag:s6] =	ssyncadd.s32 $0xFFFFE000  }
0x94: {  	[tilespmem:s24], [sflag:$0x6] =	stream.indirect.gather [hbm4b:s1+s13], $0x80, s10, s13, $0xb8;
	[tilespmem:$0x1ED00] =	vst v63  }
0x95: {  	_ =	swait.ge [sflag:s7], $0x2000  }
0x96: {  	[sflag:s7] =	ssyncset.done $0x0  }
0x97: {  	s10 =	sadd.s32 $0x2F00, s12;
	[sflag:s7] =	ssyncadd.s32 $0xFFFFE000  }
0x98: {  	[tilespmem:s26], [sflag:$0x7] =	stream.indirect.gather [hbm4b:s1+s13], $0x80, s10, s13, $0xb8;
	[tilespmem:$0x1ED00] =	vst v63  }
.Ltmp3:
0x99: {  	_ = 	snop;
	(pc) =	sbr.rel .LBB2_2-.Ltmp3, $4  }
0x9a: {  	_ =	swait.ge [sflag:s8], $0x2000  }
0x9b: {  	[sflag:s8] =	ssyncset.done $0x0  }
0x9c: {  	s11 =	sadd.s32 $0x1000, s11;
	s12 =	sadd.s32 $0x2F80, s12;
	[sflag:s8] =	ssyncadd.s32 $0xFFFFE000  }
0x9d: {  	[tilespmem:s29], [sflag:$0x8] =	stream.indirect.gather [hbm4b:s1+s13], $0x80, s12, s13, $0xb8;
	[tilespmem:$0x1ED00] =	vst v63  }
.LBB2_5:
0x9e: {  	_ =	sfence.sel $0x180000  }
0x9f: {  	[bflag:$0x0] =	sbarrier.arrive $0xFFFF  }
0xa0: {  	_ =	strace $0x9000004D  }
0xa1: {  	s0 =	stileid.u32;
	[bflag:$0x2] =	sbarrier.arrive $0xFFFF  }
0xa2: {  	p0 =	sne.s32 s0, $0x0;
	s0 =	rddreg [dreg:$0x3]  }
0xa3: {  	s0 =	sadd.s32 @!p0 $0x100000, s0  }
0xa4: {  	[sflag:s0] =	ssyncadd.tile.s32 @!p0 $0x1;
	_ =	shalt  }
.Lfunc_end2:
_tile_overlayer_lowered:
.L_overlay_start_2:
0xa5: {  	(tag) =	ssettag $0x2  }
0xa6: {  	s0 =	rddreg [dreg:$0x0];
	s2 =	stileid.u32  }
0xa7: {  	s1 =	rddreg [dreg:$0x1];
	p0 =	sne.s32 s2, $0x0  }
0xa8: {  	s3 =	rddreg [dreg:$0x2];
	[bflag:$0x3] =	sbarrier.arrive $0xFFFF;
	s2 =	simm.s32 @!p0 $0x1C11  }
0xa9: {  	[timem:s3], [sflag:s2] =	dma.local @!p0 [hbm:s0], s1  }
0xaa: {  	s0 =	simm.s32 @!p0 $0x11  }
0xab: {  	_ =	swait.ge @!p0 [sflag:s0], s1  }
0xac: {  	s1 =	ssub.s32 @!p0 $0x0, s1;
	[sflag:s0] =	ssyncset.done @!p0 $0x0  }
0xad: {  	[sflag:s0] =	ssyncadd.s32 @!p0 s1  }
0xae: {  	[bflag:$0x3] =	sbarrier.arrive $0xFFFF  }
0xaf: {  	_ =	shalt  }

// kernel: kernel.8.cloned.1.call-start
scs
__scs_entry_jumppad:
0x0: {  	(pc) =	sbr.rel $0x88, $3  }
0x1: {  	(tag) =	ssettag $0x0;
	lr =	simm.s32 $0x1  }
0x2: {  	[smem:$0x3F8F] =	sst lr;
	_ =	strace $0xD0000000  }
0x3: {  	_ = 	snop  }
0x4: {  	_ = 	snop  }
0x5: {  	_ = 	snop  }
0x6: {  	_ = 	snop  }
0x7: {  	_ = 	snop  }
__scs_overlays_trampoline_lowered:
0x8: {  	[smem:$0x3F9E] =	sst s0  }
0x9: {  	[smem:$0x3F9F] =	sst s1  }
0xa: {  	[smem:$0x3FA0] =	sst s2  }
0xb: {  	[smem:$0x3FA1] =	sst s3  }
0xc: {  	[smem:$0x3FA2] =	sst s4  }
0xd: {  	[smem:$0x3FA3] =	sst s5  }
0xe: {  	[smem:$0x3FA4] =	sst s6  }
0xf: {  	[smem:$0x3FA5] =	sst s7  }
0x10: {  	[smem:$0x3FA6] =	sst s8  }
0x11: {  	[smem:$0x3FA7] =	sst s9;
	s0 =	simm.s32 @!p0 $0x0  }
0x12: {  	s1 =	sld [smem:$0x3F8D];
	s0 =	simm.s32 @p0 $0x1  }
0x13: {  	[smem:$0x3FA8] =	sst s0;
	s0 =	simm.s32 @!p1 $0x0  }
0x14: {  	s2 =	sld [smem:$0x3F8C];
	s0 =	simm.s32 @p1 $0x1  }
0x15: {  	[smem:$0x3FA9] =	sst s0;
	s0 =	simm.s32 @!p2 $0x0  }
0x16: {  	s3 =	sld [smem:$0x3FDB];
	s0 =	simm.s32 @p2 $0x1  }
0x17: {  	s4 =	simm.s32 $0x1BF5;
	[smem:$0x3FAB] =	sst s0  }
0x18: {  	s0 =	sld [smem:$0x3F8E];
	_ =	swait.ge [sflag:s4], $0x0  }
0x19: {  	s7 =	sld [smem:$0x3F8F]  }
0x1a: {  	s8 =	sadd.s32 $0xFFFFE003, lr  }
0x1b: {  	s9 =	sadd.s32 $0xFFFFFEF7, lr;
	s5 =	simm.s32 $0xFFFFFFFF;
	p2 =	slt.u32 s8, $0xFFFFF086  }
0x1c: {  	p1 =	slt.u32 s9, $0xF7A;
	s5 =	simm.s32 @!p2 $0x0  }
0x1d: {  	s5 =	simm.s32 @p1 $0x1;
	p0 =	seq.s32 s7, s2  }
0x1e: {  	s7 =	smul.u32 @!p0 $0xF7A, s2;
	p2 =	seq.s32 @!p0 s5, $0x0  }
0x1f: {  	s9 =	smul.u32 $0xF7A, s1;
	s8 =	simm.s32 @!p0 $0x1BF5;
	p2 =	por !p2, p0  }
0x20: {  	[sflag:s8] =	ssyncset.s32 @!p0 $0xFFFFF086;
	s6 =	sadd.s32 @!p0 s3, s7;
	s7 =	simm.s32 @!p0 $0x108  }
0x21: {  	s3 =	sadd.s32 s3, s9;
	s6 =	sadd.s32 @!p0 $0x88, s6;
	s7 =	simm.s32 @p2 $0x1082  }
0x22: {  	[simem:s7], [sflag:s8] =	dma.local @!p0 [hbm:s6], $0xF7A  }
0x23: {  	s9 =	sor.u32 $0xD0000000, s2;
	s6 =	simm.s32 $0x108;
	_ =	swait.ge @!p0 [sflag:s8], $0x0  }
0x24: {  	s3 =	sadd.s32 $0x88, s3;
	s6 =	simm.s32 @!p1 $0x1082;
	[sflag:s4] =	ssyncset.s32 $0xFFFFF086  }
0x25: {  	[simem:s6], [sflag:s4] =	dma.local [hbm:s3], $0xF7A  }
0x26: {  	[smem:$0x3F8F] =	sst s1;
	(tag) =	ssettag s2;
	_ =	strace s9  }
0x27: {  	s1 =	sld [smem:$0x3F9F]  }
0x28: {  	s2 =	sld [smem:$0x3FA0]  }
0x29: {  	s4 =	sld [smem:$0x3FA2]  }
0x2a: {  	p0 =	seq.s32 s5, $0x0;
	s5 =	sld [smem:$0x3FA3]  }
0x2b: {  	s6 =	sld [smem:$0x3FA4]  }
0x2c: {  	s7 =	sld [smem:$0x3FA5]  }
0x2d: {  	s3 =	simm.s32 $0x108;
	s8 =	sld [smem:$0x3FA6]  }
0x2e: {  	s3 =	simm.s32 @!p0 $0x1082;
	s9 =	sld [smem:$0x3FA7]  }
0x2f: {  	lr =	sadd.s32 s0, s3;
	s0 =	sld [smem:$0x3F9E]  }
0x30: {  	s3 =	sld [smem:$0x3FA1]  }
0x31: {  	[smem:$0x3FAA] =	sst s10  }
0x32: {  	s10 =	sld [smem:$0x3FA8];
	_ =	sdelay $0x3  }
0x33: {  	p0 =	seq.s32 s10, $0x1;
	s10 =	sld [smem:$0x3FAA];
	_ =	sdelay $0x3  }
0x34: {  	[smem:$0x3FAA] =	sst s10  }
0x35: {  	s10 =	sld [smem:$0x3FA9];
	_ =	sdelay $0x3  }
0x36: {  	p1 =	seq.s32 s10, $0x1;
	s10 =	sld [smem:$0x3FAA];
	_ =	sdelay $0x3  }
0x37: {  	[smem:$0x3FAA] =	sst s10  }
0x38: {  	s10 =	sld [smem:$0x3FAB]  }
0x39: {  	_ = 	snop;
	(pc) =	sbr.ind lr, $3  }
0x3a: {  	_ = 	snop  }
0x3b: {  	_ = 	snop  }
0x3c: {  	p2 =	seq.s32 s10, $0x1;
	s10 =	sld [smem:$0x3FAA]  }
0x3d: {  	_ =	shalt  }
0x3e: {  	_ =	shalt  }
0x3f: {  	_ =	shalt  }
0x40: {  	_ =	shalt  }
0x41: {  	_ =	shalt  }
0x42: {  	_ =	shalt  }
0x43: {  	_ =	shalt  }
0x44: {  	_ =	shalt  }
0x45: {  	_ =	shalt  }
0x46: {  	_ =	shalt  }
0x47: {  	_ =	shalt  }
0x48: {  	_ =	shalt  }
0x49: {  	_ =	shalt  }
0x4a: {  	_ =	shalt  }
0x4b: {  	_ =	shalt  }
0x4c: {  	_ =	shalt  }
0x4d: {  	_ =	shalt  }
0x4e: {  	_ =	shalt  }
0x4f: {  	_ =	shalt  }
0x50: {  	_ =	shalt  }
0x51: {  	_ =	shalt  }
0x52: {  	_ =	shalt  }
0x53: {  	_ =	shalt  }
0x54: {  	_ =	shalt  }
0x55: {  	_ =	shalt  }
0x56: {  	_ =	shalt  }
0x57: {  	_ =	shalt  }
0x58: {  	_ =	shalt  }
0x59: {  	_ =	shalt  }
0x5a: {  	_ =	shalt  }
0x5b: {  	_ =	shalt  }
0x5c: {  	_ =	shalt  }
0x5d: {  	_ =	shalt  }
0x5e: {  	_ =	shalt  }
0x5f: {  	_ =	shalt  }
0x60: {  	_ =	shalt  }
0x61: {  	_ =	shalt  }
0x62: {  	_ =	shalt  }
0x63: {  	_ =	shalt  }
0x64: {  	_ =	shalt  }
0x65: {  	_ =	shalt  }
0x66: {  	_ =	shalt  }
0x67: {  	_ =	shalt  }
0x68: {  	_ =	shalt  }
0x69: {  	_ =	shalt  }
0x6a: {  	_ =	shalt  }
0x6b: {  	_ =	shalt  }
0x6c: {  	_ =	shalt  }
0x6d: {  	_ =	shalt  }
0x6e: {  	_ =	shalt  }
0x6f: {  	_ =	shalt  }
0x70: {  	_ =	shalt  }
0x71: {  	_ =	shalt  }
0x72: {  	_ =	shalt  }
0x73: {  	_ =	shalt  }
0x74: {  	_ =	shalt  }
0x75: {  	_ =	shalt  }
0x76: {  	_ =	shalt  }
0x77: {  	_ =	shalt  }
0x78: {  	_ =	shalt  }
0x79: {  	_ =	shalt  }
0x7a: {  	_ =	shalt  }
0x7b: {  	_ =	shalt  }
0x7c: {  	_ =	shalt  }
0x7d: {  	_ =	shalt  }
0x7e: {  	_ =	shalt  }
0x7f: {  	_ =	shalt  }
0x80: {  	_ =	shalt  }
0x81: {  	_ =	shalt  }
0x82: {  	_ =	shalt  }
0x83: {  	_ =	shalt  }
0x84: {  	_ =	shalt  }
0x85: {  	_ =	shalt  }
0x86: {  	_ =	shalt  }
0x87: {  	_ =	shalt  }
.Lfunc_end0:
.L_simem_size_0:
called_computation_lowered:
.L_overlay_start_0:
0x88: {  	s2 =	sld [smem:$0x3FD9]  }
0x89: {  	s3 =	sld [smem:$0x3FFE];
	_ =	sdelay $0x1  }
0x8a: {  	s1 =	srdreg.scid  }
0x8b: {  	s0 =	sand.u32 $0x1, s1  }
0x8c: {  	s17 =	sshll.u32 s0, $0xA;
	s2 =	sadd.s32 s3, s2  }
0x8d: {  	s2 =	sadd.s32 s2, s17  }
0x8e: {  	[smem:$0x3FB6] =	sst s2  }
0x8f: {  	_ = 	snop  }
0x90: {  	s2 =	sld [smem:$0x3FD0];
	(tm) =	ssettm $0x1  }
0x91: {  	s18 =	sld [smem:$0x3FFB];
	_ =	sdelay $0x3  }
0x92: {  	_ =	strace s18  }
0x93: {  	s3 =	sld [smem:$0x3FFC];
	_ =	sdelay $0x3  }
0x94: {  	_ =	strace s3  }
0x95: {  	s3 =	sld [smem:$0x3FFD];
	_ =	sdelay $0x3  }
0x96: {  	_ =	strace s3  }
0x97: {  	_ =	strace $0x8FFFFFFF  }
0x98: {  	s19 =	sld [smem:$0x3FDB];
	_ =	sdelay $0x1  }
0x99: {  	s4 =	simm.s32 $_scs_section_size  }
0x9a: {  	s5 =	simm.s32 $_size__tile_overlayer_lowered;
	s6 =	simm.s32 $_tile_overlayer_lowered  }
0x9b: {  	s22 =	simm.s32 $0x1BFF;
	s21 =	sshll.u32 s6, $0x1;
	s3 =	sadd.s32 s4, s19  }
0x9c: {  	s7 =	simm.s32 $0x0;
	s20 =	sshll.u32 s5, $0x1;
	s5 =	sadd.s32 s21, s3  }
0x9d: {  	[timem:s7], [sflag:s22] =	dma.local [hbm:s5], s20  }
0x9e: {  	_ =	swait.ge [sflag:s22], s20  }
0x9f: {  	s4 =	ssub.s32 $0x0, s20;
	[sflag:s22] =	ssyncset.done $0x0  }
0xa0: {  	[sflag:s22] =	ssyncadd.s32 s4;
	_ =	sdelay $0x1  }
0xa1: {  	s23 =	simm.s32 $0x1B8B  }
0xa2: {  	_ =	swait.ge [sflag:s23], $0x1  }
0xa3: {  	[sflag:s23] =	ssyncset.done $0x0  }
0xa4: {  	s25 =	simm.s32 $0x1B8E;
	s24 =	sld [smem:$0x3FFE];
	[sflag:s23] =	ssyncadd.s32 $0xFFFFFFFF  }
0xa5: {  	s26 =	simm.s32 $execute0_lowered;
	[smem:$0x3FD2] =	sst s25  }
0xa6: {  	s5 =	sshll.u32 s26, $0x1;
	_ =	strace $0x80000046;
	[dreg:$0x1] =	wrdreg $0xFFFFFFFF  }
0xa7: {  	s28 =	simm.s32 $_size_execute0_lowered;
	s3 =	sadd.s32 s3, s5;
	[dreg:$0x0] =	wrdreg $0x0  }
0xa8: {  	s5 =	sshll.u32 s28, $0x1;
	[dreg:$0x2] =	wrdreg s3  }
0xa9: {  	[dreg:$0x3] =	wrdreg s5  }
0xaa: {  	[dreg:$0x4] =	wrdreg $0xC0  }
0xab: {  	_ =	task [dreg:s7], $0x5FFFF  }
0xac: {  	[dreg:$0x1] =	wrdreg $0xFFFFFFFF  }
0xad: {  	[dreg:$0x0] =	wrdreg $0x60  }
0xae: {  	[dreg:$0x2] =	wrdreg s2  }
0xaf: {  	[dreg:$0x3] =	wrdreg s24  }
0xb0: {  	[dreg:$0x4] =	wrdreg $0x38000  }
0xb1: {  	[dreg:$0x5] =	wrdreg $0x3A000  }
0xb2: {  	[dreg:$0x6] =	wrdreg $0x9  }
0xb3: {  	_ =	task.clear_ibuf [dreg:s7], $0x7FFFF;
	_ =	strace $0x90000046  }
0xb4: {  	s29 =	simm.s32 $0x9;
	_ =	strace $0x80000048  }
0xb5: {  	_ =	swait.ge [sflag:s29], $0x1  }
0xb6: {  	[sflag:s29] =	ssyncadd.s32 $0xFFFFFFFF  }
0xb7: {  	_ =	strace $0x90000048  }
0xb8: {  	_ =	sfence  }
0xb9: {  	s30 =	sld [smem:$0x0];
	_ =	sdelay $0x2  }
0xba: {  	s31 =	sshll.u32 s1, $0xD;
	s1 =	sshrl.u32 s1, $0x2  }
0xbb: {  	s3 =	sand.u32 $0x4000, s31;
	s1 =	sadd.s32 s1, s30  }
0xbc: {  	s0 =	sor.u32 s3, s0;
	s1 =	sshll.u32 s1, $0x11  }
0xbd: {  	s0 =	sor.u32 s1, s0  }
0xbe: {  	s0 =	sadd.s32 $0x8F2B, s0  }
0xbf: {  	[sflag:s0] =	ssyncadd.remote.s32 $0x1  }
0xc0: {  	_ =	sfence.sel $0xFFFF  }
0xc1: {  	[dreg:$0x0] =	wrdreg $0xFFFFFFFF;
	(pc) =	sbr.abs _section_cstart, $3  }
0xc2: {  	[dreg:$0x1] =	wrdreg $0xFFFFFFFF  }
0xc3: {  	_ =	task.clear_ibuf [dreg:s7], $0x2FFFF;
	_ =	strace $0x9FFFFFFF  }
0xc4: {  	(tm) =	ssettm $0x7FFFFFFF  }
0xc5: {  	_ =	shalt  }
tec
execute0_lowered:
.L_overlay_start_1:
0x0: {  	(tag) =	ssettag $0x1  }
0x1: {  	s6 =	rddreg [dreg:$0x0]  }
0x2: {  	s1 =	srdreg.scid;
	s7 =	rddreg [dreg:$0x1]  }
0x3: {  	s0 =	stileid.u32;
	s2 =	rddreg [dreg:$0x2]  }
0x4: {  	s3 =	rddreg [dreg:$0x3];
	s4 =	simm.s32 $0x0;
	s15 =	simm.s32 $0x2800  }
0x5: {  	s16 =	simm.s32 $0x3000;
	s5 =	sand.u32 $0x1, s1;
	s8 =	sshrl.u32 s0, $0x2  }
0x6: {  	s11 =	sand.u32 $0x3, s0;
	[smem:$0x7FF] =	sst s4;
	s1 =	sshll.u32 s5, $0x2  }
0x7: {  	s12 =	sshll.u32 s11, $0x7;
	s30 =	ssub.s32 $0x2, s5;
	s5 =	sadd.s32 $0xA200, s7  }
0x8: {  	s31 =	sshll.u32 s8, $0xB;
	s20 =	sshll.u32 s8, $0x4;
	p0 =	sne.s32 s11, $0x0  }
0x9: {  	s11 =	simm.s32 $0x80;
	s9 =	sor.u32 s8, s1;
	s1 =	rddreg [dreg:$0x4]  }
0xa: {  	v0 =	vlaneseq.u32;
	_ =	strace $0x80000047;
	s14 =	sshrl.u32 s30, $0x1;
	s18 =	sadd.s32 s31, s2  }
0xb: {  	s19 =	sadd.s32 s31, s3;
	s17 =	sshll.u32 @!p0 s0, $0x6;
	v0 =	vor.u32 s20, v0;
	s20 =	simm.s32 $0x0  }
0xc: {  	s10 =	smul.u32 $0x5000, s9;
	s9 =	sshll.u32 s9, $0x8;
	s17 =	sor.u32 @!p0 $0x1C01, s17  }
0xd: {  	s18 =	sshrl.u32 @!p0 s18, $0x3;
	s19 =	sshrl.u32 @!p0 s19, $0x3;
	s9 =	sadd.s32 s9, s7  }
0xe: {  	s10 =	sor.u32 s12, s10;
	s12 =	ssub.s32 s30, s14;
	s8 =	sadd.s32 $0xF200, s9  }
0xf: {  	s9 =	sadd.s32 $0xFA00, s9;
	s14 =	simm.s32 $0x1400;
	s10 =	sshrl.u32 s10, $0x3  }
0x10: {  	s13 =	sadd.s32 s10, s7;
	s6 =	sadd.s32 s6, s10;
	s10 =	smax.u32 s12, $0x1  }
0x11: {  	v1 =	vimm.f32 $1.000000000e+00;
	vm0 =	vmmov $0xffff;
	s12 =	simm.s32 $0x200;
	s7 =	sadd.s32 $0x5200, s13;
	s13 =	simm.s32 $0x1  }
.LBB2_1:
0x12: {  	[tilespmem:s4], [sflag:$0x1] =	stream.strided.gather [hbm4b:s6+s11], $0x1400, s12, s11, $0x38;
	[tilespmem:$0x3C00] =	vst v63  }
0x13: {  	_ =	swait.ge [sflag:s13], $0x1400  }
0x14: {  	[sflag:s13] =	ssyncset.done $0x0  }
0x15: {  	[sflag:s13] =	ssyncadd.s32 $0xFFFFEC00  }
0x16: {  	[tilespmem:s14], [sflag:$0x1] =	stream.strided.gather [hbm4b:s7+s11], $0x1400, s12, s11, $0x38;
	[tilespmem:$0x3C00] =	vst v63  }
0x17: {  	_ =	swait.ge [sflag:s13], $0x1400  }
0x18: {  	[sflag:s13] =	ssyncset.done $0x0  }
0x19: {  	[sflag:s13] =	ssyncadd.s32 $0xFFFFEC00  }
0x1a: {  	[tilespmem:s15], [sflag:$0x1] =	stream.linear.gather [hbm4b:s5+s4], $0x800, $0x38;
	[tilespmem:$0x3C00] =	vst v63  }
0x1b: {  	_ =	swait.ge [sflag:s13], $0x800  }
0x1c: {  	[sflag:s13] =	ssyncset.done $0x0  }
0x1d: {  	[sflag:s13] =	ssyncadd.s32 $0xFFFFF800  }
0x1e: {  	[tilespmem:s16], [sflag:$0x1] =	stream.linear.gather [hbm4b:s5+s4], $0x800, $0x38;
	[tilespmem:$0x3C00] =	vst v63  }
0x1f: {  	_ =	swait.ge [sflag:s13], $0x800  }
0x20: {  	[sflag:s13] =	ssyncset.done $0x0  }
0x21: {  	s21 =	simm.s32 @!p0 $0x1;
	[sflag:s13] =	ssyncadd.s32 $0xFFFFF800  }
0x22: {  	[spmem:s18], [sflag:s17] =	dma.local @!p0 [hbm:s5], $0x100  }
0x23: {  	_ =	swait.ge @!p0 [sflag:s21], $0x100  }
0x24: {  	[sflag:s21] =	ssyncset.done @!p0 $0x0  }
0x25: {  	[sflag:s21] =	ssyncadd.s32 @!p0 $0xFFFFFF00  }
0x26: {  	[spmem:s19], [sflag:s17] =	dma.local @!p0 [hbm:s5], $0x100  }
0x27: {  	_ =	swait.ge @!p0 [sflag:s21], $0x100  }
0x28: {  	[sflag:s21] =	ssyncset.done @!p0 $0x0  }
0x29: {  	s22 =	simm.s32 $0x0;
	[sflag:s21] =	ssyncadd.s32 @!p0 $0xFFFFFF00;
	s21 =	simm.s32 $0x40  }
.LBB2_2:
0x2a: {  	p1 =	sne.s32 s21, $0x4FC0;
	v2 =	vld [tilespmem:s22+$0x0];
	_ =	sdelay $0x7  }
0x2b: {  	[tilespmem:v2+s15+$0x0] =	vst.idx.add.f32.msk $0xffff, v1  }
0x2c: {  	v2 =	vld [tilespmem:s22+$0x1400];
	_ =	sdelay $0x3  }
.Ltmp0:
0x2d: {  	(pc) =	sbr.rel @p1 .LBB2_2-.Ltmp0, $2  }
0x2e: {  	_ =	sdelay $0x2  }
0x2f: {  	s22 =	sshra.s32 s21, $0x2;
	s21 =	sadd.s32 $0x40, s21;
	[tilespmem:v2+s16+$0x0] =	vst.idx.add.f32.msk $0xffff, v1  }
0x30: {  	v2 =	vld [tilespmem:s22+$0x0];
	_ =	sdelay $0x7  }
0x31: {  	[tilespmem:v2+s15+$0x0] =	vst.idx.add.f32.msk $0xffff, v1  }
0x32: {  	v2 =	vld [tilespmem:s22+$0x1400];
	_ =	sdelay $0x7  }
0x33: {  	[tilespmem:v2+s16+$0x0] =	vst.idx.add.f32.msk $0xffff, v1  }
0x34: {  	[bflag:$0x0] =	sbarrier.arrive $0xFFFF  }
0x35: {  	[spmem:s2] =	stream.indirect_vreg.scatter.add.f32 [tilespmem:s15], [sflag:$0x1], $0x80, v0, vm0, $0xb8;
	[tilespmem:$0x3C00] =	vst v63  }
0x36: {  	_ =	swait.ge [sflag:s13], $0x800  }
0x37: {  	[sflag:s13] =	ssyncset.done $0x0  }
0x38: {  	[sflag:s13] =	ssyncadd.s32 $0xFFFFF800  }
0x39: {  	[spmem:s3] =	stream.indirect_vreg.scatter.add.f32 [tilespmem:s16], [sflag:$0x1], $0x80, v0, vm0, $0xb8;
	[tilespmem:$0x3C00] =	vst v63  }
0x3a: {  	_ =	swait.ge [sflag:s13], $0x800  }
0x3b: {  	[sflag:s13] =	ssyncset.done $0x0  }
0x3c: {  	[sflag:s13] =	ssyncadd.s32 $0xFFFFF800  }
0x3d: {  	s21 =	simm.s32 @!p0 $0x1;
	[bflag:$0x0] =	sbarrier.arrive $0xFFFF  }
0x3e: {  	[hbm:s8], [sflag:s17] =	dma.local @!p0 [spmem:s18], $0x100  }
0x3f: {  	s20 =	sadd.s32 $0x1, s20;
	_ =	swait.ge @!p0 [sflag:s21], $0x100  }
0x40: {  	p1 =	sne.s32 s20, s10;
	[sflag:s21] =	ssyncset.done @!p0 $0x0  }
.Ltmp1:
0x41: {  	[sflag:s21] =	ssyncadd.s32 @!p0 $0xFFFFFF00;
	(pc) =	sbr.rel @p1 .LBB2_1-.Ltmp1, $4  }
0x42: {  	[hbm:s9], [sflag:s17] =	dma.local @!p0 [spmem:s19], $0x100  }
0x43: {  	_ =	swait.ge @!p0 [sflag:s21], $0x100  }
0x44: {  	[sflag:s21] =	ssyncset.done @!p0 $0x0  }
0x45: {  	[sflag:s21] =	ssyncadd.s32 @!p0 $0xFFFFFF00  }
0x46: {  	_ =	sfence.sel $0x180000  }
0x47: {  	[bflag:$0x0] =	sbarrier.arrive $0xFFFF  }
0x48: {  	p0 =	sne.s32 s0, $0x0;
	_ =	strace $0x90000047  }
0x49: {  	s0 =	sadd.s32 @!p0 $0x100000, s1;
	[bflag:$0x2] =	sbarrier.arrive $0xFFFF  }
0x4a: {  	[sflag:s0] =	ssyncadd.tile.s32 @!p0 $0x1;
	_ =	shalt  }
.Lfunc_end2:
_tile_overlayer_lowered:
.L_overlay_start_2:
0x4b: {  	(tag) =	ssettag $0x2  }
0x4c: {  	s0 =	rddreg [dreg:$0x0];
	s2 =	stileid.u32  }
0x4d: {  	s1 =	rddreg [dreg:$0x1];
	p0 =	sne.s32 s2, $0x0  }
0x4e: {  	s3 =	rddreg [dreg:$0x2];
	[bflag:$0x3] =	sbarrier.arrive $0xFFFF;
	s2 =	simm.s32 @!p0 $0x1C01  }
0x4f: {  	[timem:s3], [sflag:s2] =	dma.local @!p0 [hbm:s0], s1  }
0x50: {  	s0 =	simm.s32 @!p0 $0x1  }
0x51: {  	_ =	swait.ge @!p0 [sflag:s0], s1  }
0x52: {  	s1 =	ssub.s32 @!p0 $0x0, s1;
	[sflag:s0] =	ssyncset.done @!p0 $0x0  }
0x53: {  	[sflag:s0] =	ssyncadd.s32 @!p0 s1  }
0x54: {  	[bflag:$0x3] =	sbarrier.arrive $0xFFFF  }
0x55: {  	_ =	shalt  }

</sc_bundles>
